<compile_context>
chip_gen: v7x
topology: tpu7x:2x2x1
jax: 0.10.2.dev20260603
libtpu: 0.0.44.dev20260713+nightly
codegen_flags: <defaults>
</compile_context>

<pallas_src>
import functools

import jax
import jax.numpy as jnp
from jax import lax
from jax.experimental import pallas as pl
from jax.experimental.pallas import tpu as pltpu
from jax.experimental.pallas import tpu_sc as plsc

N = 10000
H = 32
K = 15
KP = 16
CIN = 128
COUT = 128
KP_EXTENT = 1.2
E = N * H

NC = 2
NS = 16
NW = NC * NS

NSPLIT = 5
ECH = E // NSPLIT
NCHP = N // NSPLIT

CH = 128
NCHUNK = ECH // CH
MAXC = (NCHUNK + NW - 1) // NW

B = 200
BH = B * H
GB = N // B
G = 8
GH = G * H
GKP = G * KP
NG = B // G


def _sc_gather_body(table_hbm, inds_hbm, xn_hbm, idx_v, rows_v, sem):
    wid = lax.axis_index("s") * NC + lax.axis_index("c")

    def body(i, carry):
        c = wid + i * NW

        @pl.when(c < NCHUNK)
        def _():
            off = pl.multiple_of(c * CH, CH)
            pltpu.sync_copy(inds_hbm.at[pl.ds(off, CH)], idx_v)
            pltpu.async_copy(table_hbm.at[idx_v], rows_v, sem).wait()
            pltpu.sync_copy(rows_v, xn_hbm.at[pl.ds(off, CH)])

        return carry

    lax.fori_loop(0, MAXC, body, 0)


def _sc_gather(table, inds):
    mesh = plsc.VectorSubcoreMesh(core_axis_name="c", subcore_axis_name="s")
    fn = pl.kernel(
        _sc_gather_body,
        mesh=mesh,
        out_type=jax.ShapeDtypeStruct((ECH, CIN), jnp.float32),
        scratch_types=[
            pltpu.VMEM((CH,), jnp.int32),
            pltpu.VMEM((CH, CIN), jnp.float32),
            pltpu.SemaphoreType.DMA,
        ],
    )
    return fn(table, inds)


def _tc_body(mgt_ref, w_ref, xn_ref, out_ref):
    raw = xn_ref[...]
    wi = lax.bitcast_convert_type(raw[:, 0:64], jnp.int32)
    f_even = lax.bitcast_convert_type(wi << 16, jnp.float32)
    f_odd = lax.bitcast_convert_type(wi & jnp.int32(-65536), jnp.float32)
    feats = jnp.concatenate([f_even, f_odd], axis=1)
    c3 = raw[:, 64:67]
    hi3 = c3.astype(jnp.bfloat16).astype(jnp.float32)
    lo3 = c3 - hi3
    saug = jnp.concatenate([hi3, lo3, raw[:, 67:69]], axis=1)
    mgt = mgt_ref[...]
    c_i = lax.broadcasted_iota(jnp.int32, (GH, GKP), 0)
    r_i = lax.broadcasted_iota(jnp.int32, (GH, GKP), 1)
    maskf = ((c_i // H) == (r_i // KP)).astype(jnp.float32)
    parts = []
    for g in range(NG):
        sg = saug[g * GH:(g + 1) * GH, :]
        mg = mgt[:, g * 3 * GKP:(g + 1) * 3 * GKP]
        d = jnp.dot(sg, mg, preferred_element_type=jnp.float32)
        dx = d[:, 0:GKP]
        dy = d[:, GKP:2 * GKP]
        dz = d[:, 2 * GKP:3 * GKP]
        sqb = dx * dx + dy * dy + dz * dz
        wb = jnp.maximum(
            1.0 - jnp.sqrt(sqb) * (1.0 / KP_EXTENT),
            0.0) * maskf
        fg = feats[g * GH:(g + 1) * GH, :]
        parts.append(lax.dot_general(
            wb, fg, (((0,), (0,)), ((), ())),
            preferred_element_type=jnp.float32))
    a2 = jnp.concatenate(parts, axis=0)
    a = a2.reshape(B, KP * CIN)
    out_ref[...] = jnp.dot(a, w_ref[...], preferred_element_type=jnp.float32)


def _tc_call(mgt, wflat, xn, ci):
    blk0 = ci * (NCHP // B)
    return pl.pallas_call(
        _tc_body,
        grid=(NCHP // B,),
        in_specs=[
            pl.BlockSpec((8, B * KP * 3), lambda i: (0, blk0 + i)),
            pl.BlockSpec((KP * CIN, COUT), lambda i: (0, 0)),
            pl.BlockSpec((BH, CIN), lambda i: (i, 0)),
        ],
        out_specs=pl.BlockSpec((B, COUT), lambda i: (i, 0)),
        out_shape=jax.ShapeDtypeStruct((NCHP, COUT), jnp.float32),
    )(mgt, wflat, xn)


def _pack_table(x, s_pts):
    xb = x.astype(jnp.bfloat16)
    packedf = lax.bitcast_convert_type(
        xb.reshape(N, 64, 2), jnp.float32)
    ones = jnp.ones((N, 2), jnp.float32)
    row = jnp.concatenate(
        [packedf, s_pts, ones, jnp.zeros((N, 59), jnp.float32)], axis=1)
    shadow = jnp.zeros((1, 128), jnp.float32)
    shadow = shadow.at[0, 64:67].set(1e6).at[0, 67:69].set(1.0)
    return jnp.concatenate([row, shadow], axis=0)


def _make_maugt(q_pts, K_points):
    t = q_pts[:, None, :] + K_points[None, :, :]
    tpad = jnp.concatenate(
        [t, jnp.full((N, 1, 3), -1e15, jnp.float32)], axis=1)
    ngrp = N * KP // GKP
    trt = tpad.reshape(ngrp, GKP, 3).transpose(0, 2, 1)
    rows_eye = jnp.broadcast_to(
        jnp.eye(3, dtype=jnp.float32)[:, None, :, None],
        (3, ngrp, 3, GKP))
    thi = (-trt).astype(jnp.bfloat16).astype(jnp.float32)
    tlo = (-trt) - thi
    return jnp.concatenate(
        [rows_eye, rows_eye, thi[None], tlo[None]], axis=0).reshape(8, -1)


def kernel(q_pts, s_pts, neighb_inds, x, K_points, W):
    table = _pack_table(x, s_pts)
    inds = neighb_inds.astype(jnp.int32).reshape(E)
    mgt = _make_maugt(q_pts, K_points)
    perm = jnp.arange(CIN).reshape(64, 2).T.reshape(CIN)
    wflat = jnp.concatenate(
        [W[:, perm, :], jnp.zeros((1, CIN, COUT), jnp.float32)],
        axis=0).reshape(KP * CIN, COUT)
    xns = [_sc_gather(table, lax.slice_in_dim(inds, ci * ECH, (ci + 1) * ECH))
           for ci in range(NSPLIT)]
    outs = [_tc_call(mgt, wflat, xns[ci], ci) for ci in range(NSPLIT)]
    return jnp.concatenate(outs, axis=0)

# --- scband reference (transcript-rebuilt; emitter-appended) ---
"""Pipeline reference for scband-kpfcnn-10050223473031 (READ-ONLY COPY).

The authoritative reference and input builder live on the scoring server;
editing this copy changes nothing except your own understanding.
"""

import jax, jax.numpy as jnp
import numpy as np

N = 10000      # number of points (queries == supports here)
H = 32         # max neighbors per point
K = 15         # number of kernel points
CIN = 128
COUT = 128
KP_EXTENT = 1.2


def setup_inputs(seed: int = 0) -> dict:
    key = jax.random.key(seed)
    k1, k2, k3, k4, k5, k6 = jax.random.split(key, 6)
    q_pts = jax.random.uniform(k1, (N, 3), dtype=jnp.float32)
    s_pts = jax.random.uniform(k2, (N, 3), dtype=jnp.float32)
    neighb_inds = jax.random.randint(k3, (N, H), 0, N)
    x = jax.random.normal(k4, (N, CIN), dtype=jnp.float32)
    # fixed rigid kernel point positions (stand-in for the Lloyd-optimized disposition)
    K_points = jax.random.uniform(k5, (K, 3), dtype=jnp.float32, minval=-1.0, maxval=1.0) * 0.66
    K_points = K_points.at[0].set(0.0)  # fixed='center'
    # learned kernel weights [K, C_in, C_out]
    W = jax.random.normal(k6, (K, CIN, COUT), dtype=jnp.float32) * 0.05
    return {"q_pts": q_pts, "s_pts": s_pts, "neighb_inds": neighb_inds, "x": x,
            "K_points": K_points, "W": W}


def reference(q_pts, s_pts, neighb_inds, x, K_points, W):
    # --- KPConv forward (rigid, linear influence, sum aggregation) ---
    # Add a fake/shadow point in the last row (far away)
    s_pts_pad = jnp.concatenate([s_pts, jnp.full((1, 3), 1e6, dtype=s_pts.dtype)], axis=0)
    # Gather neighbor coordinates and center on query points: [N, H, 3]
    neighbors = jnp.take(s_pts_pad, neighb_inds, axis=0) - q_pts[:, None, :]
    # Differences to every kernel point: [N, H, K, 3]
    differences = neighbors[:, :, None, :] - K_points[None, None, :, :]
    sq_distances = jnp.sum(differences ** 2, axis=-1)  # [N, H, K]
    # Linear influence weights, clipped at 0
    all_weights = jnp.maximum(1.0 - jnp.sqrt(sq_distances) / KP_EXTENT, 0.0)  # [N, H, K]
    all_weights = jnp.transpose(all_weights, (0, 2, 1))  # [N, K, H]
    # Add shadow zero feature and gather neighbor features: [N, H, CIN]
    x_pad = jnp.concatenate([x, jnp.zeros((1, CIN), dtype=x.dtype)], axis=0)
    neighb_x = jnp.take(x_pad, neighb_inds, axis=0)
    # Apply kernel influence weights: [N, K, CIN]
    weighted_features = jnp.matmul(all_weights, neighb_x)
    # Apply per-kernel-point linear weights and sum over kernel points
    wf = jnp.transpose(weighted_features, (1, 0, 2))  # [K, N, CIN]
    kernel_outputs = jnp.matmul(wf, W)  # [K, N, COUT]
    return jnp.sum(kernel_outputs, axis=0)  # [N, COUT]

if __name__ == "__main__":
    import jax
    _d = setup_inputs()
    print(jax.jit(kernel)(*tuple(_d.values())))

</pallas_src>

<mosaic_0001>
#map = affine_map<(d0, d1) -> (0, 0)>
#map1 = affine_map<(d0, d1) -> (0)>
module attributes {stable_mosaic.version = 14 : i64} {
  func.func @_sc_gather_body(%arg0: i32, %arg1: i32, %arg2: memref<10001x128xf32, #tpu.memory_space<hbm>>, %arg3: memref<64000xi32, #tpu.memory_space<hbm>>, %arg4: memref<64000x128xf32, #tpu.memory_space<hbm>>, %arg5: memref<128xi32, #tpu.memory_space<vmem>>, %arg6: memref<128x128xf32, #tpu.memory_space<vmem>>, %arg7: memref<!tpu.dma_semaphore, #tpu.memory_space<semaphore_mem>>) attributes {dimension_semantics = [#tpu.dimension_semantics<core_parallel>, #tpu.dimension_semantics<subcore_parallel>], iteration_bounds = array<i64: 2, 16>, scalar_prefetch = 0 : i64, scratch_operands = 3 : i64, tpu.core_type = #tpu.core_type<sc_vector_subcore>, window_params = [{transform_indices = #map}, {transform_indices = #map1}, {transform_indices = #map}]} {
    %mul3A = arith.constant 2 : i32
    %mul3A_0 = arith.muli %arg1, %mul3A : i32
    %add3A = arith.addi %mul3A_0, %arg0 : i32
    %scan3A = arith.constant 0 : i32
    %scan3A_1 = arith.constant 0 : i32
    %scan3A_2 = arith.constant 16 : i32
    %scan3A_3 = arith.addi %scan3A_1, %scan3A_2 : i32
    %scan3A_4 = arith.constant 1 : i32
    scf.for %scan3A_6 = %scan3A_1 to %scan3A_3 step %scan3A_4  : i32 {
      %mul3A_7 = arith.constant 32 : i32
      %mul3A_8 = arith.muli %scan3A_6, %mul3A_7 : i32
      %add3A_9 = arith.addi %add3A, %mul3A_8 : i32
      %lt3A = arith.constant 500 : i32
      %lt3A_10 = arith.cmpi slt, %add3A_9, %lt3A : i32
      %convert_element_type3A = arith.extui %lt3A_10 : i1 to i32
      %cond3A = arith.constant 0 : i32
      %cond3A_11 = arith.cmpi ne, %convert_element_type3A, %cond3A : i32
      scf.if %cond3A_11 {
        %mul3A_12 = arith.constant 128 : i32
        %mul3A_13 = arith.muli %add3A_9, %mul3A_12 : i32
        %multiple_of3A = tpu.assume_multiple %mul3A_13, 128 : i32
        "tpu.region"() ({
          %run_scoped3A = tpu.sem_alloc : memref<!tpu.dma_semaphore, #tpu.memory_space<semaphore_mem>>
          %dma_start3A_18 = tpu.memref_slice %arg3[%multiple_of3A] : memref<64000xi32, #tpu.memory_space<hbm>> -> memref<128xi32, #tpu.memory_space<hbm>>
          %dma_start3A_19 = tpu.memref_slice %arg3[%multiple_of3A] : memref<64000xi32, #tpu.memory_space<hbm>> -> memref<128xi32, #tpu.memory_space<hbm>>
          tpu.enqueue_dma source(%dma_start3A_19 : memref<128xi32, #tpu.memory_space<hbm>>) target(%arg5 : memref<128xi32, #tpu.memory_space<vmem>>) target_semaphore(%run_scoped3A : memref<!tpu.dma_semaphore, #tpu.memory_space<semaphore_mem>>)
          %dma_wait3A_20 = tpu.memref_slice %arg3[%multiple_of3A] : memref<64000xi32, #tpu.memory_space<hbm>> -> memref<128xi32, #tpu.memory_space<hbm>>
          %dma_wait3A_21 = tpu.memref_slice %arg3[%multiple_of3A] : memref<64000xi32, #tpu.memory_space<hbm>> -> memref<128xi32, #tpu.memory_space<hbm>>
          tpu.wait_dma2 semaphore(%run_scoped3A : memref<!tpu.dma_semaphore, #tpu.memory_space<semaphore_mem>>) src(%dma_wait3A_21 : memref<128xi32, #tpu.memory_space<hbm>>) dst(%arg5 : memref<128xi32, #tpu.memory_space<vmem>>)
          tpu.yield
        }) : () -> ()
        %dma_start3A = arith.constant 0 : i32
        %dma_start3A_14 = arith.constant 0 : i32
        %dma_start3A_15 = tpu.memref_slice %arg2[%dma_start3A, %dma_start3A_14] : memref<10001x128xf32, #tpu.memory_space<hbm>> -> memref<10001x128xf32, #tpu.memory_space<hbm>>
        tpu.enqueue_indirect_dma source(%dma_start3A_15 : memref<10001x128xf32, #tpu.memory_space<hbm>>) target(%arg6 : memref<128x128xf32, #tpu.memory_space<vmem>>) offsets(%arg5 : memref<128xi32, #tpu.memory_space<vmem>>) semaphore(%arg7 : memref<!tpu.dma_semaphore, #tpu.memory_space<semaphore_mem>>)
        %dma_wait3A = arith.constant 0 : i32
        %dma_wait3A_16 = arith.constant 0 : i32
        %dma_wait3A_17 = tpu.memref_slice %arg2[%dma_wait3A, %dma_wait3A_16] : memref<10001x128xf32, #tpu.memory_space<hbm>> -> memref<10001x128xf32, #tpu.memory_space<hbm>>
        tpu.wait_indirect_dma semaphore(%arg7 : memref<!tpu.dma_semaphore, #tpu.memory_space<semaphore_mem>>) src(%dma_wait3A_17 : memref<10001x128xf32, #tpu.memory_space<hbm>>) dst(%arg6 : memref<128x128xf32, #tpu.memory_space<vmem>>)
        "tpu.region"() ({
          %run_scoped3A = tpu.sem_alloc : memref<!tpu.dma_semaphore, #tpu.memory_space<semaphore_mem>>
          %dma_start3A_18 = arith.constant 0 : i32
          %dma_start3A_19 = tpu.memref_slice %arg4[%multiple_of3A, %dma_start3A_18] : memref<64000x128xf32, #tpu.memory_space<hbm>> -> memref<128x128xf32, #tpu.memory_space<hbm>>
          %dma_start3A_20 = arith.constant 0 : i32
          %dma_start3A_21 = tpu.memref_slice %arg4[%multiple_of3A, %dma_start3A_20] : memref<64000x128xf32, #tpu.memory_space<hbm>> -> memref<128x128xf32, #tpu.memory_space<hbm>>
          tpu.enqueue_dma source(%arg6 : memref<128x128xf32, #tpu.memory_space<vmem>>) target(%dma_start3A_21 : memref<128x128xf32, #tpu.memory_space<hbm>>) target_semaphore(%run_scoped3A : memref<!tpu.dma_semaphore, #tpu.memory_space<semaphore_mem>>)
          %dma_wait3A_22 = arith.constant 0 : i32
          %dma_wait3A_23 = tpu.memref_slice %arg4[%multiple_of3A, %dma_wait3A_22] : memref<64000x128xf32, #tpu.memory_space<hbm>> -> memref<128x128xf32, #tpu.memory_space<hbm>>
          %dma_wait3A_24 = arith.constant 0 : i32
          %dma_wait3A_25 = tpu.memref_slice %arg4[%multiple_of3A, %dma_wait3A_24] : memref<64000x128xf32, #tpu.memory_space<hbm>> -> memref<128x128xf32, #tpu.memory_space<hbm>>
          tpu.wait_dma2 semaphore(%run_scoped3A : memref<!tpu.dma_semaphore, #tpu.memory_space<semaphore_mem>>) src(%arg6 : memref<128x128xf32, #tpu.memory_space<vmem>>) dst(%dma_wait3A_25 : memref<128x128xf32, #tpu.memory_space<hbm>>)
          tpu.yield
        }) : () -> ()
      } else {
      }
    }
    %scan3A_5 = arith.constant 16 : i32
    return
  }
}

#map = affine_map<(d0, d1) -> (0, 0)>
#map1 = affine_map<(d0, d1) -> (0)>
module attributes {stable_mosaic.version = 14 : i64} {
  func.func @_sc_gather_body(%arg0: i32, %arg1: i32, %arg2: memref<10001x128xf32, #tpu.memory_space<hbm>>, %arg3: memref<64000xi32, #tpu.memory_space<hbm>>, %arg4: memref<64000x128xf32, #tpu.memory_space<hbm>>, %arg5: memref<128xi32, #tpu.memory_space<vmem>>, %arg6: memref<128x128xf32, #tpu.memory_space<vmem>>, %arg7: memref<!tpu.dma_semaphore, #tpu.memory_space<semaphore_mem>>) attributes {dimension_semantics = [#tpu.dimension_semantics<core_parallel>, #tpu.dimension_semantics<subcore_parallel>], iteration_bounds = array<i64: 2, 16>, scalar_prefetch = 0 : i64, scratch_operands = 3 : i64, tpu.core_type = #tpu.core_type<sc_vector_subcore>, window_params = [{transform_indices = #map}, {transform_indices = #map1}, {transform_indices = #map}]} {
    %mul3A = arith.constant 2 : i32
    %mul3A_0 = arith.muli %arg1, %mul3A : i32
    %add3A = arith.addi %mul3A_0, %arg0 : i32
    %scan3A = arith.constant 0 : i32
    %scan3A_1 = arith.constant 0 : i32
    %scan3A_2 = arith.constant 16 : i32
    %scan3A_3 = arith.addi %scan3A_1, %scan3A_2 : i32
    %scan3A_4 = arith.constant 1 : i32
    scf.for %scan3A_6 = %scan3A_1 to %scan3A_3 step %scan3A_4  : i32 {
      %mul3A_7 = arith.constant 32 : i32
      %mul3A_8 = arith.muli %scan3A_6, %mul3A_7 : i32
      %add3A_9 = arith.addi %add3A, %mul3A_8 : i32
      %lt3A = arith.constant 500 : i32
      %lt3A_10 = arith.cmpi slt, %add3A_9, %lt3A : i32
      %convert_element_type3A = arith.extui %lt3A_10 : i1 to i32
      %cond3A = arith.constant 0 : i32
      %cond3A_11 = arith.cmpi ne, %convert_element_type3A, %cond3A : i32
      scf.if %cond3A_11 {
        %mul3A_12 = arith.constant 128 : i32
        %mul3A_13 = arith.muli %add3A_9, %mul3A_12 : i32
        %multiple_of3A = tpu.assume_multiple %mul3A_13, 128 : i32
        "tpu.region"() ({
          %run_scoped3A = tpu.sem_alloc : memref<!tpu.dma_semaphore, #tpu.memory_space<semaphore_mem>>
          %dma_start3A_18 = tpu.memref_slice %arg3[%multiple_of3A] : memref<64000xi32, #tpu.memory_space<hbm>> -> memref<128xi32, #tpu.memory_space<hbm>>
          %dma_start3A_19 = tpu.memref_slice %arg3[%multiple_of3A] : memref<64000xi32, #tpu.memory_space<hbm>> -> memref<128xi32, #tpu.memory_space<hbm>>
          tpu.enqueue_dma source(%dma_start3A_19 : memref<128xi32, #tpu.memory_space<hbm>>) target(%arg5 : memref<128xi32, #tpu.memory_space<vmem>>) target_semaphore(%run_scoped3A : memref<!tpu.dma_semaphore, #tpu.memory_space<semaphore_mem>>)
          %dma_wait3A_20 = tpu.memref_slice %arg3[%multiple_of3A] : memref<64000xi32, #tpu.memory_space<hbm>> -> memref<128xi32, #tpu.memory_space<hbm>>
          %dma_wait3A_21 = tpu.memref_slice %arg3[%multiple_of3A] : memref<64000xi32, #tpu.memory_space<hbm>> -> memref<128xi32, #tpu.memory_space<hbm>>
          tpu.wait_dma2 semaphore(%run_scoped3A : memref<!tpu.dma_semaphore, #tpu.memory_space<semaphore_mem>>) src(%dma_wait3A_21 : memref<128xi32, #tpu.memory_space<hbm>>) dst(%arg5 : memref<128xi32, #tpu.memory_space<vmem>>)
          tpu.yield
        }) : () -> ()
        %dma_start3A = arith.constant 0 : i32
        %dma_start3A_14 = arith.constant 0 : i32
        %dma_start3A_15 = tpu.memref_slice %arg2[%dma_start3A, %dma_start3A_14] : memref<10001x128xf32, #tpu.memory_space<hbm>> -> memref<10001x128xf32, #tpu.memory_space<hbm>>
        tpu.enqueue_indirect_dma source(%dma_start3A_15 : memref<10001x128xf32, #tpu.memory_space<hbm>>) target(%arg6 : memref<128x128xf32, #tpu.memory_space<vmem>>) offsets(%arg5 : memref<128xi32, #tpu.memory_space<vmem>>) semaphore(%arg7 : memref<!tpu.dma_semaphore, #tpu.memory_space<semaphore_mem>>)
        %dma_wait3A = arith.constant 0 : i32
        %dma_wait3A_16 = arith.constant 0 : i32
        %dma_wait3A_17 = tpu.memref_slice %arg2[%dma_wait3A, %dma_wait3A_16] : memref<10001x128xf32, #tpu.memory_space<hbm>> -> memref<10001x128xf32, #tpu.memory_space<hbm>>
        tpu.wait_indirect_dma semaphore(%arg7 : memref<!tpu.dma_semaphore, #tpu.memory_space<semaphore_mem>>) src(%dma_wait3A_17 : memref<10001x128xf32, #tpu.memory_space<hbm>>) dst(%arg6 : memref<128x128xf32, #tpu.memory_space<vmem>>)
        "tpu.region"() ({
          %run_scoped3A = tpu.sem_alloc : memref<!tpu.dma_semaphore, #tpu.memory_space<semaphore_mem>>
          %dma_start3A_18 = arith.constant 0 : i32
          %dma_start3A_19 = tpu.memref_slice %arg4[%multiple_of3A, %dma_start3A_18] : memref<64000x128xf32, #tpu.memory_space<hbm>> -> memref<128x128xf32, #tpu.memory_space<hbm>>
          %dma_start3A_20 = arith.constant 0 : i32
          %dma_start3A_21 = tpu.memref_slice %arg4[%multiple_of3A, %dma_start3A_20] : memref<64000x128xf32, #tpu.memory_space<hbm>> -> memref<128x128xf32, #tpu.memory_space<hbm>>
          tpu.enqueue_dma source(%arg6 : memref<128x128xf32, #tpu.memory_space<vmem>>) target(%dma_start3A_21 : memref<128x128xf32, #tpu.memory_space<hbm>>) target_semaphore(%run_scoped3A : memref<!tpu.dma_semaphore, #tpu.memory_space<semaphore_mem>>)
          %dma_wait3A_22 = arith.constant 0 : i32
          %dma_wait3A_23 = tpu.memref_slice %arg4[%multiple_of3A, %dma_wait3A_22] : memref<64000x128xf32, #tpu.memory_space<hbm>> -> memref<128x128xf32, #tpu.memory_space<hbm>>
          %dma_wait3A_24 = arith.constant 0 : i32
          %dma_wait3A_25 = tpu.memref_slice %arg4[%multiple_of3A, %dma_wait3A_24] : memref<64000x128xf32, #tpu.memory_space<hbm>> -> memref<128x128xf32, #tpu.memory_space<hbm>>
          tpu.wait_dma2 semaphore(%run_scoped3A : memref<!tpu.dma_semaphore, #tpu.memory_space<semaphore_mem>>) src(%arg6 : memref<128x128xf32, #tpu.memory_space<vmem>>) dst(%dma_wait3A_25 : memref<128x128xf32, #tpu.memory_space<hbm>>)
          tpu.yield
        }) : () -> ()
      } else {
      }
    }
    %scan3A_5 = arith.constant 16 : i32
    return
  }
}

#map = affine_map<(d0, d1) -> (0, 0)>
#map1 = affine_map<(d0, d1) -> (0)>
module attributes {stable_mosaic.version = 14 : i64} {
  func.func @_sc_gather_body(%arg0: i32, %arg1: i32, %arg2: memref<10001x128xf32, #tpu.memory_space<hbm>>, %arg3: memref<64000xi32, #tpu.memory_space<hbm>>, %arg4: memref<64000x128xf32, #tpu.memory_space<hbm>>, %arg5: memref<128xi32, #tpu.memory_space<vmem>>, %arg6: memref<128x128xf32, #tpu.memory_space<vmem>>, %arg7: memref<!tpu.dma_semaphore, #tpu.memory_space<semaphore_mem>>) attributes {dimension_semantics = [#tpu.dimension_semantics<core_parallel>, #tpu.dimension_semantics<subcore_parallel>], iteration_bounds = array<i64: 2, 16>, scalar_prefetch = 0 : i64, scratch_operands = 3 : i64, tpu.core_type = #tpu.core_type<sc_vector_subcore>, window_params = [{transform_indices = #map}, {transform_indices = #map1}, {transform_indices = #map}]} {
    %mul3A = arith.constant 2 : i32
    %mul3A_0 = arith.muli %arg1, %mul3A : i32
    %add3A = arith.addi %mul3A_0, %arg0 : i32
    %scan3A = arith.constant 0 : i32
    %scan3A_1 = arith.constant 0 : i32
    %scan3A_2 = arith.constant 16 : i32
    %scan3A_3 = arith.addi %scan3A_1, %scan3A_2 : i32
    %scan3A_4 = arith.constant 1 : i32
    scf.for %scan3A_6 = %scan3A_1 to %scan3A_3 step %scan3A_4  : i32 {
      %mul3A_7 = arith.constant 32 : i32
      %mul3A_8 = arith.muli %scan3A_6, %mul3A_7 : i32
      %add3A_9 = arith.addi %add3A, %mul3A_8 : i32
      %lt3A = arith.constant 500 : i32
      %lt3A_10 = arith.cmpi slt, %add3A_9, %lt3A : i32
      %convert_element_type3A = arith.extui %lt3A_10 : i1 to i32
      %cond3A = arith.constant 0 : i32
      %cond3A_11 = arith.cmpi ne, %convert_element_type3A, %cond3A : i32
      scf.if %cond3A_11 {
        %mul3A_12 = arith.constant 128 : i32
        %mul3A_13 = arith.muli %add3A_9, %mul3A_12 : i32
        %multiple_of3A = tpu.assume_multiple %mul3A_13, 128 : i32
        "tpu.region"() ({
          %run_scoped3A = tpu.sem_alloc : memref<!tpu.dma_semaphore, #tpu.memory_space<semaphore_mem>>
          %dma_start3A_18 = tpu.memref_slice %arg3[%multiple_of3A] : memref<64000xi32, #tpu.memory_space<hbm>> -> memref<128xi32, #tpu.memory_space<hbm>>
          %dma_start3A_19 = tpu.memref_slice %arg3[%multiple_of3A] : memref<64000xi32, #tpu.memory_space<hbm>> -> memref<128xi32, #tpu.memory_space<hbm>>
          tpu.enqueue_dma source(%dma_start3A_19 : memref<128xi32, #tpu.memory_space<hbm>>) target(%arg5 : memref<128xi32, #tpu.memory_space<vmem>>) target_semaphore(%run_scoped3A : memref<!tpu.dma_semaphore, #tpu.memory_space<semaphore_mem>>)
          %dma_wait3A_20 = tpu.memref_slice %arg3[%multiple_of3A] : memref<64000xi32, #tpu.memory_space<hbm>> -> memref<128xi32, #tpu.memory_space<hbm>>
          %dma_wait3A_21 = tpu.memref_slice %arg3[%multiple_of3A] : memref<64000xi32, #tpu.memory_space<hbm>> -> memref<128xi32, #tpu.memory_space<hbm>>
          tpu.wait_dma2 semaphore(%run_scoped3A : memref<!tpu.dma_semaphore, #tpu.memory_space<semaphore_mem>>) src(%dma_wait3A_21 : memref<128xi32, #tpu.memory_space<hbm>>) dst(%arg5 : memref<128xi32, #tpu.memory_space<vmem>>)
          tpu.yield
        }) : () -> ()
        %dma_start3A = arith.constant 0 : i32
        %dma_start3A_14 = arith.constant 0 : i32
        %dma_start3A_15 = tpu.memref_slice %arg2[%dma_start3A, %dma_start3A_14] : memref<10001x128xf32, #tpu.memory_space<hbm>> -> memref<10001x128xf32, #tpu.memory_space<hbm>>
        tpu.enqueue_indirect_dma source(%dma_start3A_15 : memref<10001x128xf32, #tpu.memory_space<hbm>>) target(%arg6 : memref<128x128xf32, #tpu.memory_space<vmem>>) offsets(%arg5 : memref<128xi32, #tpu.memory_space<vmem>>) semaphore(%arg7 : memref<!tpu.dma_semaphore, #tpu.memory_space<semaphore_mem>>)
        %dma_wait3A = arith.constant 0 : i32
        %dma_wait3A_16 = arith.constant 0 : i32
        %dma_wait3A_17 = tpu.memref_slice %arg2[%dma_wait3A, %dma_wait3A_16] : memref<10001x128xf32, #tpu.memory_space<hbm>> -> memref<10001x128xf32, #tpu.memory_space<hbm>>
        tpu.wait_indirect_dma semaphore(%arg7 : memref<!tpu.dma_semaphore, #tpu.memory_space<semaphore_mem>>) src(%dma_wait3A_17 : memref<10001x128xf32, #tpu.memory_space<hbm>>) dst(%arg6 : memref<128x128xf32, #tpu.memory_space<vmem>>)
        "tpu.region"() ({
          %run_scoped3A = tpu.sem_alloc : memref<!tpu.dma_semaphore, #tpu.memory_space<semaphore_mem>>
          %dma_start3A_18 = arith.constant 0 : i32
          %dma_start3A_19 = tpu.memref_slice %arg4[%multiple_of3A, %dma_start3A_18] : memref<64000x128xf32, #tpu.memory_space<hbm>> -> memref<128x128xf32, #tpu.memory_space<hbm>>
          %dma_start3A_20 = arith.constant 0 : i32
          %dma_start3A_21 = tpu.memref_slice %arg4[%multiple_of3A, %dma_start3A_20] : memref<64000x128xf32, #tpu.memory_space<hbm>> -> memref<128x128xf32, #tpu.memory_space<hbm>>
          tpu.enqueue_dma source(%arg6 : memref<128x128xf32, #tpu.memory_space<vmem>>) target(%dma_start3A_21 : memref<128x128xf32, #tpu.memory_space<hbm>>) target_semaphore(%run_scoped3A : memref<!tpu.dma_semaphore, #tpu.memory_space<semaphore_mem>>)
          %dma_wait3A_22 = arith.constant 0 : i32
          %dma_wait3A_23 = tpu.memref_slice %arg4[%multiple_of3A, %dma_wait3A_22] : memref<64000x128xf32, #tpu.memory_space<hbm>> -> memref<128x128xf32, #tpu.memory_space<hbm>>
          %dma_wait3A_24 = arith.constant 0 : i32
          %dma_wait3A_25 = tpu.memref_slice %arg4[%multiple_of3A, %dma_wait3A_24] : memref<64000x128xf32, #tpu.memory_space<hbm>> -> memref<128x128xf32, #tpu.memory_space<hbm>>
          tpu.wait_dma2 semaphore(%run_scoped3A : memref<!tpu.dma_semaphore, #tpu.memory_space<semaphore_mem>>) src(%arg6 : memref<128x128xf32, #tpu.memory_space<vmem>>) dst(%dma_wait3A_25 : memref<128x128xf32, #tpu.memory_space<hbm>>)
          tpu.yield
        }) : () -> ()
      } else {
      }
    }
    %scan3A_5 = arith.constant 16 : i32
    return
  }
}

#map = affine_map<(d0, d1) -> (0, 0)>
#map1 = affine_map<(d0, d1) -> (0)>
module attributes {stable_mosaic.version = 14 : i64} {
  func.func @_sc_gather_body(%arg0: i32, %arg1: i32, %arg2: memref<10001x128xf32, #tpu.memory_space<hbm>>, %arg3: memref<64000xi32, #tpu.memory_space<hbm>>, %arg4: memref<64000x128xf32, #tpu.memory_space<hbm>>, %arg5: memref<128xi32, #tpu.memory_space<vmem>>, %arg6: memref<128x128xf32, #tpu.memory_space<vmem>>, %arg7: memref<!tpu.dma_semaphore, #tpu.memory_space<semaphore_mem>>) attributes {dimension_semantics = [#tpu.dimension_semantics<core_parallel>, #tpu.dimension_semantics<subcore_parallel>], iteration_bounds = array<i64: 2, 16>, scalar_prefetch = 0 : i64, scratch_operands = 3 : i64, tpu.core_type = #tpu.core_type<sc_vector_subcore>, window_params = [{transform_indices = #map}, {transform_indices = #map1}, {transform_indices = #map}]} {
    %mul3A = arith.constant 2 : i32
    %mul3A_0 = arith.muli %arg1, %mul3A : i32
    %add3A = arith.addi %mul3A_0, %arg0 : i32
    %scan3A = arith.constant 0 : i32
    %scan3A_1 = arith.constant 0 : i32
    %scan3A_2 = arith.constant 16 : i32
    %scan3A_3 = arith.addi %scan3A_1, %scan3A_2 : i32
    %scan3A_4 = arith.constant 1 : i32
    scf.for %scan3A_6 = %scan3A_1 to %scan3A_3 step %scan3A_4  : i32 {
      %mul3A_7 = arith.constant 32 : i32
      %mul3A_8 = arith.muli %scan3A_6, %mul3A_7 : i32
      %add3A_9 = arith.addi %add3A, %mul3A_8 : i32
      %lt3A = arith.constant 500 : i32
      %lt3A_10 = arith.cmpi slt, %add3A_9, %lt3A : i32
      %convert_element_type3A = arith.extui %lt3A_10 : i1 to i32
      %cond3A = arith.constant 0 : i32
      %cond3A_11 = arith.cmpi ne, %convert_element_type3A, %cond3A : i32
      scf.if %cond3A_11 {
        %mul3A_12 = arith.constant 128 : i32
        %mul3A_13 = arith.muli %add3A_9, %mul3A_12 : i32
        %multiple_of3A = tpu.assume_multiple %mul3A_13, 128 : i32
        "tpu.region"() ({
          %run_scoped3A = tpu.sem_alloc : memref<!tpu.dma_semaphore, #tpu.memory_space<semaphore_mem>>
          %dma_start3A_18 = tpu.memref_slice %arg3[%multiple_of3A] : memref<64000xi32, #tpu.memory_space<hbm>> -> memref<128xi32, #tpu.memory_space<hbm>>
          %dma_start3A_19 = tpu.memref_slice %arg3[%multiple_of3A] : memref<64000xi32, #tpu.memory_space<hbm>> -> memref<128xi32, #tpu.memory_space<hbm>>
          tpu.enqueue_dma source(%dma_start3A_19 : memref<128xi32, #tpu.memory_space<hbm>>) target(%arg5 : memref<128xi32, #tpu.memory_space<vmem>>) target_semaphore(%run_scoped3A : memref<!tpu.dma_semaphore, #tpu.memory_space<semaphore_mem>>)
          %dma_wait3A_20 = tpu.memref_slice %arg3[%multiple_of3A] : memref<64000xi32, #tpu.memory_space<hbm>> -> memref<128xi32, #tpu.memory_space<hbm>>
          %dma_wait3A_21 = tpu.memref_slice %arg3[%multiple_of3A] : memref<64000xi32, #tpu.memory_space<hbm>> -> memref<128xi32, #tpu.memory_space<hbm>>
          tpu.wait_dma2 semaphore(%run_scoped3A : memref<!tpu.dma_semaphore, #tpu.memory_space<semaphore_mem>>) src(%dma_wait3A_21 : memref<128xi32, #tpu.memory_space<hbm>>) dst(%arg5 : memref<128xi32, #tpu.memory_space<vmem>>)
          tpu.yield
        }) : () -> ()
        %dma_start3A = arith.constant 0 : i32
        %dma_start3A_14 = arith.constant 0 : i32
        %dma_start3A_15 = tpu.memref_slice %arg2[%dma_start3A, %dma_start3A_14] : memref<10001x128xf32, #tpu.memory_space<hbm>> -> memref<10001x128xf32, #tpu.memory_space<hbm>>
        tpu.enqueue_indirect_dma source(%dma_start3A_15 : memref<10001x128xf32, #tpu.memory_space<hbm>>) target(%arg6 : memref<128x128xf32, #tpu.memory_space<vmem>>) offsets(%arg5 : memref<128xi32, #tpu.memory_space<vmem>>) semaphore(%arg7 : memref<!tpu.dma_semaphore, #tpu.memory_space<semaphore_mem>>)
        %dma_wait3A = arith.constant 0 : i32
        %dma_wait3A_16 = arith.constant 0 : i32
        %dma_wait3A_17 = tpu.memref_slice %arg2[%dma_wait3A, %dma_wait3A_16] : memref<10001x128xf32, #tpu.memory_space<hbm>> -> memref<10001x128xf32, #tpu.memory_space<hbm>>
        tpu.wait_indirect_dma semaphore(%arg7 : memref<!tpu.dma_semaphore, #tpu.memory_space<semaphore_mem>>) src(%dma_wait3A_17 : memref<10001x128xf32, #tpu.memory_space<hbm>>) dst(%arg6 : memref<128x128xf32, #tpu.memory_space<vmem>>)
        "tpu.region"() ({
          %run_scoped3A = tpu.sem_alloc : memref<!tpu.dma_semaphore, #tpu.memory_space<semaphore_mem>>
          %dma_start3A_18 = arith.constant 0 : i32
          %dma_start3A_19 = tpu.memref_slice %arg4[%multiple_of3A, %dma_start3A_18] : memref<64000x128xf32, #tpu.memory_space<hbm>> -> memref<128x128xf32, #tpu.memory_space<hbm>>
          %dma_start3A_20 = arith.constant 0 : i32
          %dma_start3A_21 = tpu.memref_slice %arg4[%multiple_of3A, %dma_start3A_20] : memref<64000x128xf32, #tpu.memory_space<hbm>> -> memref<128x128xf32, #tpu.memory_space<hbm>>
          tpu.enqueue_dma source(%arg6 : memref<128x128xf32, #tpu.memory_space<vmem>>) target(%dma_start3A_21 : memref<128x128xf32, #tpu.memory_space<hbm>>) target_semaphore(%run_scoped3A : memref<!tpu.dma_semaphore, #tpu.memory_space<semaphore_mem>>)
          %dma_wait3A_22 = arith.constant 0 : i32
          %dma_wait3A_23 = tpu.memref_slice %arg4[%multiple_of3A, %dma_wait3A_22] : memref<64000x128xf32, #tpu.memory_space<hbm>> -> memref<128x128xf32, #tpu.memory_space<hbm>>
          %dma_wait3A_24 = arith.constant 0 : i32
          %dma_wait3A_25 = tpu.memref_slice %arg4[%multiple_of3A, %dma_wait3A_24] : memref<64000x128xf32, #tpu.memory_space<hbm>> -> memref<128x128xf32, #tpu.memory_space<hbm>>
          tpu.wait_dma2 semaphore(%run_scoped3A : memref<!tpu.dma_semaphore, #tpu.memory_space<semaphore_mem>>) src(%arg6 : memref<128x128xf32, #tpu.memory_space<vmem>>) dst(%dma_wait3A_25 : memref<128x128xf32, #tpu.memory_space<hbm>>)
          tpu.yield
        }) : () -> ()
      } else {
      }
    }
    %scan3A_5 = arith.constant 16 : i32
    return
  }
}

#map = affine_map<(d0, d1) -> (0, 0)>
#map1 = affine_map<(d0, d1) -> (0)>
module attributes {stable_mosaic.version = 14 : i64} {
  func.func @_sc_gather_body(%arg0: i32, %arg1: i32, %arg2: memref<10001x128xf32, #tpu.memory_space<hbm>>, %arg3: memref<64000xi32, #tpu.memory_space<hbm>>, %arg4: memref<64000x128xf32, #tpu.memory_space<hbm>>, %arg5: memref<128xi32, #tpu.memory_space<vmem>>, %arg6: memref<128x128xf32, #tpu.memory_space<vmem>>, %arg7: memref<!tpu.dma_semaphore, #tpu.memory_space<semaphore_mem>>) attributes {dimension_semantics = [#tpu.dimension_semantics<core_parallel>, #tpu.dimension_semantics<subcore_parallel>], iteration_bounds = array<i64: 2, 16>, scalar_prefetch = 0 : i64, scratch_operands = 3 : i64, tpu.core_type = #tpu.core_type<sc_vector_subcore>, window_params = [{transform_indices = #map}, {transform_indices = #map1}, {transform_indices = #map}]} {
    %mul3A = arith.constant 2 : i32
    %mul3A_0 = arith.muli %arg1, %mul3A : i32
    %add3A = arith.addi %mul3A_0, %arg0 : i32
    %scan3A = arith.constant 0 : i32
    %scan3A_1 = arith.constant 0 : i32
    %scan3A_2 = arith.constant 16 : i32
    %scan3A_3 = arith.addi %scan3A_1, %scan3A_2 : i32
    %scan3A_4 = arith.constant 1 : i32
    scf.for %scan3A_6 = %scan3A_1 to %scan3A_3 step %scan3A_4  : i32 {
      %mul3A_7 = arith.constant 32 : i32
      %mul3A_8 = arith.muli %scan3A_6, %mul3A_7 : i32
      %add3A_9 = arith.addi %add3A, %mul3A_8 : i32
      %lt3A = arith.constant 500 : i32
      %lt3A_10 = arith.cmpi slt, %add3A_9, %lt3A : i32
      %convert_element_type3A = arith.extui %lt3A_10 : i1 to i32
      %cond3A = arith.constant 0 : i32
      %cond3A_11 = arith.cmpi ne, %convert_element_type3A, %cond3A : i32
      scf.if %cond3A_11 {
        %mul3A_12 = arith.constant 128 : i32
        %mul3A_13 = arith.muli %add3A_9, %mul3A_12 : i32
        %multiple_of3A = tpu.assume_multiple %mul3A_13, 128 : i32
        "tpu.region"() ({
          %run_scoped3A = tpu.sem_alloc : memref<!tpu.dma_semaphore, #tpu.memory_space<semaphore_mem>>
          %dma_start3A_18 = tpu.memref_slice %arg3[%multiple_of3A] : memref<64000xi32, #tpu.memory_space<hbm>> -> memref<128xi32, #tpu.memory_space<hbm>>
          %dma_start3A_19 = tpu.memref_slice %arg3[%multiple_of3A] : memref<64000xi32, #tpu.memory_space<hbm>> -> memref<128xi32, #tpu.memory_space<hbm>>
          tpu.enqueue_dma source(%dma_start3A_19 : memref<128xi32, #tpu.memory_space<hbm>>) target(%arg5 : memref<128xi32, #tpu.memory_space<vmem>>) target_semaphore(%run_scoped3A : memref<!tpu.dma_semaphore, #tpu.memory_space<semaphore_mem>>)
          %dma_wait3A_20 = tpu.memref_slice %arg3[%multiple_of3A] : memref<64000xi32, #tpu.memory_space<hbm>> -> memref<128xi32, #tpu.memory_space<hbm>>
          %dma_wait3A_21 = tpu.memref_slice %arg3[%multiple_of3A] : memref<64000xi32, #tpu.memory_space<hbm>> -> memref<128xi32, #tpu.memory_space<hbm>>
          tpu.wait_dma2 semaphore(%run_scoped3A : memref<!tpu.dma_semaphore, #tpu.memory_space<semaphore_mem>>) src(%dma_wait3A_21 : memref<128xi32, #tpu.memory_space<hbm>>) dst(%arg5 : memref<128xi32, #tpu.memory_space<vmem>>)
          tpu.yield
        }) : () -> ()
        %dma_start3A = arith.constant 0 : i32
        %dma_start3A_14 = arith.constant 0 : i32
        %dma_start3A_15 = tpu.memref_slice %arg2[%dma_start3A, %dma_start3A_14] : memref<10001x128xf32, #tpu.memory_space<hbm>> -> memref<10001x128xf32, #tpu.memory_space<hbm>>
        tpu.enqueue_indirect_dma source(%dma_start3A_15 : memref<10001x128xf32, #tpu.memory_space<hbm>>) target(%arg6 : memref<128x128xf32, #tpu.memory_space<vmem>>) offsets(%arg5 : memref<128xi32, #tpu.memory_space<vmem>>) semaphore(%arg7 : memref<!tpu.dma_semaphore, #tpu.memory_space<semaphore_mem>>)
        %dma_wait3A = arith.constant 0 : i32
        %dma_wait3A_16 = arith.constant 0 : i32
        %dma_wait3A_17 = tpu.memref_slice %arg2[%dma_wait3A, %dma_wait3A_16] : memref<10001x128xf32, #tpu.memory_space<hbm>> -> memref<10001x128xf32, #tpu.memory_space<hbm>>
        tpu.wait_indirect_dma semaphore(%arg7 : memref<!tpu.dma_semaphore, #tpu.memory_space<semaphore_mem>>) src(%dma_wait3A_17 : memref<10001x128xf32, #tpu.memory_space<hbm>>) dst(%arg6 : memref<128x128xf32, #tpu.memory_space<vmem>>)
        "tpu.region"() ({
          %run_scoped3A = tpu.sem_alloc : memref<!tpu.dma_semaphore, #tpu.memory_space<semaphore_mem>>
          %dma_start3A_18 = arith.constant 0 : i32
          %dma_start3A_19 = tpu.memref_slice %arg4[%multiple_of3A, %dma_start3A_18] : memref<64000x128xf32, #tpu.memory_space<hbm>> -> memref<128x128xf32, #tpu.memory_space<hbm>>
          %dma_start3A_20 = arith.constant 0 : i32
          %dma_start3A_21 = tpu.memref_slice %arg4[%multiple_of3A, %dma_start3A_20] : memref<64000x128xf32, #tpu.memory_space<hbm>> -> memref<128x128xf32, #tpu.memory_space<hbm>>
          tpu.enqueue_dma source(%arg6 : memref<128x128xf32, #tpu.memory_space<vmem>>) target(%dma_start3A_21 : memref<128x128xf32, #tpu.memory_space<hbm>>) target_semaphore(%run_scoped3A : memref<!tpu.dma_semaphore, #tpu.memory_space<semaphore_mem>>)
          %dma_wait3A_22 = arith.constant 0 : i32
          %dma_wait3A_23 = tpu.memref_slice %arg4[%multiple_of3A, %dma_wait3A_22] : memref<64000x128xf32, #tpu.memory_space<hbm>> -> memref<128x128xf32, #tpu.memory_space<hbm>>
          %dma_wait3A_24 = arith.constant 0 : i32
          %dma_wait3A_25 = tpu.memref_slice %arg4[%multiple_of3A, %dma_wait3A_24] : memref<64000x128xf32, #tpu.memory_space<hbm>> -> memref<128x128xf32, #tpu.memory_space<hbm>>
          tpu.wait_dma2 semaphore(%run_scoped3A : memref<!tpu.dma_semaphore, #tpu.memory_space<semaphore_mem>>) src(%arg6 : memref<128x128xf32, #tpu.memory_space<vmem>>) dst(%dma_wait3A_25 : memref<128x128xf32, #tpu.memory_space<hbm>>)
          tpu.yield
        }) : () -> ()
      } else {
      }
    }
    %scan3A_5 = arith.constant 16 : i32
    return
  }
}

module attributes {stable_mosaic.version = 14 : i64} {
  func.func @_tc_body(%arg0: i32, %arg1: memref<8x9600xf32, #tpu.memory_space<vmem>>, %arg2: memref<2048x128xf32, #tpu.memory_space<vmem>>, %arg3: memref<6400x128xf32, #tpu.memory_space<vmem>>, %arg4: memref<200x128xf32, #tpu.memory_space<vmem>>) attributes {dimension_semantics = [#tpu.dimension_semantics<arbitrary>], iteration_bounds = array<i64: 10>, scalar_prefetch = 0 : i64, scratch_operands = 0 : i64, tpu.core_type = #tpu.core_type<tc>, window_params = [{transform_indices = @transform_0, window_bounds = array<i64: 8, 9600>}, {pipeline_mode = #tpu.pipeline_mode<synchronous>, transform_indices = @transform_1, window_bounds = array<i64: 2048, 128>}, {transform_indices = @transform_2, window_bounds = array<i64: 6400, 128>}, {transform_indices = @transform_3, window_bounds = array<i64: 200, 128>}]} {
    %get3A = arith.constant 0 : index
    %get3A_0 = arith.constant 0 : index
    %get3A_1 = vector.load %arg3[%get3A, %get3A_0] : memref<6400x128xf32, #tpu.memory_space<vmem>>, vector<6400x128xf32>
    %slice3A = vector.extract_strided_slice %get3A_1 {offsets = [0, 0], sizes = [6400, 64], strides = [1, 1]} : vector<6400x128xf32> to vector<6400x64xf32>
    %bitcast_convert_type3A = tpu.bitcast %slice3A : vector<6400x64xf32> -> vector<6400x64xi32>
    %shift_left3A = arith.constant 16 : i32
    %shift_left3A_2 = vector.broadcast %shift_left3A : i32 to vector<6400x64xi32>
    %shift_left3A_3 = arith.shli %bitcast_convert_type3A, %shift_left3A_2 : vector<6400x64xi32>
    %bitcast_convert_type3A_4 = tpu.bitcast %shift_left3A_3 : vector<6400x64xi32> -> vector<6400x64xf32>
    %and3A = arith.constant -65536 : i32
    %and3A_5 = vector.broadcast %and3A : i32 to vector<6400x64xi32>
    %and3A_6 = arith.andi %bitcast_convert_type3A, %and3A_5 : vector<6400x64xi32>
    %bitcast_convert_type3A_7 = tpu.bitcast %and3A_6 : vector<6400x64xi32> -> vector<6400x64xf32>
    %concatenate3A = tpu.concatenate %bitcast_convert_type3A_4, %bitcast_convert_type3A_7 in 1 : vector<6400x64xf32>, vector<6400x64xf32> -> vector<6400x128xf32>
    %slice3A_8 = vector.extract_strided_slice %get3A_1 {offsets = [0, 64], sizes = [6400, 3], strides = [1, 1]} : vector<6400x128xf32> to vector<6400x3xf32>
    %convert_element_type3A = arith.truncf %slice3A_8 : vector<6400x3xf32> to vector<6400x3xbf16>
    %convert_element_type3A_9 = arith.extf %convert_element_type3A : vector<6400x3xbf16> to vector<6400x3xf32>
    %sub3A = arith.subf %slice3A_8, %convert_element_type3A_9 : vector<6400x3xf32>
    %slice3A_10 = vector.extract_strided_slice %get3A_1 {offsets = [0, 67], sizes = [6400, 2], strides = [1, 1]} : vector<6400x128xf32> to vector<6400x2xf32>
    %concatenate3A_11 = tpu.concatenate %convert_element_type3A_9, %sub3A, %slice3A_10 in 1 : vector<6400x3xf32>, vector<6400x3xf32>, vector<6400x2xf32> -> vector<6400x8xf32>
    %get3A_12 = arith.constant 0 : index
    %get3A_13 = arith.constant 0 : index
    %get3A_14 = vector.load %arg1[%get3A_12, %get3A_13] : memref<8x9600xf32, #tpu.memory_space<vmem>>, vector<8x9600xf32>
    %iota3A = tpu.iota {dimensions = array<i32: 0>} : vector<256x128xi32>
    %iota3A_15 = tpu.iota {dimensions = array<i32: 1>} : vector<256x128xi32>
    %jit3A = arith.constant 32 : i32
    %div3A = vector.broadcast %jit3A : i32 to vector<256x128xi32>
    %div3A_16 = arith.divsi %iota3A, %div3A : vector<256x128xi32>
    %sign3A = arith.constant 0 : i32
    %sign3A_17 = vector.broadcast %sign3A : i32 to vector<256x128xi32>
    %sign3A_18 = arith.cmpi sgt, %iota3A, %sign3A_17 : vector<256x128xi32>
    %sign3A_19 = arith.extui %sign3A_18 : vector<256x128xi1> to vector<256x128xi32>
    %sign3A_20 = arith.constant 0 : i32
    %sign3A_21 = vector.broadcast %sign3A_20 : i32 to vector<256x128xi32>
    %sign3A_22 = arith.cmpi slt, %iota3A, %sign3A_21 : vector<256x128xi32>
    %sign3A_23 = arith.extui %sign3A_22 : vector<256x128xi1> to vector<256x128xi32>
    %sign3A_24 = arith.subi %sign3A_19, %sign3A_23 : vector<256x128xi32>
    %sign3A_25 = arith.constant 0 : i32
    %sign3A_26 = arith.cmpi sgt, %jit3A, %sign3A_25 : i32
    %sign3A_27 = arith.extui %sign3A_26 : i1 to i32
    %sign3A_28 = arith.constant 0 : i32
    %sign3A_29 = arith.cmpi slt, %jit3A, %sign3A_28 : i32
    %sign3A_30 = arith.extui %sign3A_29 : i1 to i32
    %sign3A_31 = arith.subi %sign3A_27, %sign3A_30 : i32
    %ne3A = vector.broadcast %sign3A_31 : i32 to vector<256x128xi32>
    %ne3A_32 = arith.cmpi ne, %sign3A_24, %ne3A : vector<256x128xi32>
    %rem3A = vector.broadcast %jit3A : i32 to vector<256x128xi32>
    %rem3A_33 = arith.remsi %iota3A, %rem3A : vector<256x128xi32>
    %ne3A_34 = arith.constant 0 : i32
    %ne3A_35 = vector.broadcast %ne3A_34 : i32 to vector<256x128xi32>
    %ne3A_36 = arith.cmpi ne, %rem3A_33, %ne3A_35 : vector<256x128xi32>
    %and3A_37 = arith.andi %ne3A_32, %ne3A_36 : vector<256x128xi1>
    %sub3A_38 = arith.constant 1 : i32
    %sub3A_39 = vector.broadcast %sub3A_38 : i32 to vector<256x128xi32>
    %sub3A_40 = arith.subi %div3A_16, %sub3A_39 : vector<256x128xi32>
    %select_n3A = arith.select %and3A_37, %sub3A_40, %div3A_16 : vector<256x128xi1>, vector<256x128xi32>
    %jit3A_41 = arith.constant 16 : i32
    %div3A_42 = vector.broadcast %jit3A_41 : i32 to vector<256x128xi32>
    %div3A_43 = arith.divsi %iota3A_15, %div3A_42 : vector<256x128xi32>
    %sign3A_44 = arith.constant 0 : i32
    %sign3A_45 = vector.broadcast %sign3A_44 : i32 to vector<256x128xi32>
    %sign3A_46 = arith.cmpi sgt, %iota3A_15, %sign3A_45 : vector<256x128xi32>
    %sign3A_47 = arith.extui %sign3A_46 : vector<256x128xi1> to vector<256x128xi32>
    %sign3A_48 = arith.constant 0 : i32
    %sign3A_49 = vector.broadcast %sign3A_48 : i32 to vector<256x128xi32>
    %sign3A_50 = arith.cmpi slt, %iota3A_15, %sign3A_49 : vector<256x128xi32>
    %sign3A_51 = arith.extui %sign3A_50 : vector<256x128xi1> to vector<256x128xi32>
    %sign3A_52 = arith.subi %sign3A_47, %sign3A_51 : vector<256x128xi32>
    %sign3A_53 = arith.constant 0 : i32
    %sign3A_54 = arith.cmpi sgt, %jit3A_41, %sign3A_53 : i32
    %sign3A_55 = arith.extui %sign3A_54 : i1 to i32
    %sign3A_56 = arith.constant 0 : i32
    %sign3A_57 = arith.cmpi slt, %jit3A_41, %sign3A_56 : i32
    %sign3A_58 = arith.extui %sign3A_57 : i1 to i32
    %sign3A_59 = arith.subi %sign3A_55, %sign3A_58 : i32
    %ne3A_60 = vector.broadcast %sign3A_59 : i32 to vector<256x128xi32>
    %ne3A_61 = arith.cmpi ne, %sign3A_52, %ne3A_60 : vector<256x128xi32>
    %rem3A_62 = vector.broadcast %jit3A_41 : i32 to vector<256x128xi32>
    %rem3A_63 = arith.remsi %iota3A_15, %rem3A_62 : vector<256x128xi32>
    %ne3A_64 = arith.constant 0 : i32
    %ne3A_65 = vector.broadcast %ne3A_64 : i32 to vector<256x128xi32>
    %ne3A_66 = arith.cmpi ne, %rem3A_63, %ne3A_65 : vector<256x128xi32>
    %and3A_67 = arith.andi %ne3A_61, %ne3A_66 : vector<256x128xi1>
    %sub3A_68 = arith.constant 1 : i32
    %sub3A_69 = vector.broadcast %sub3A_68 : i32 to vector<256x128xi32>
    %sub3A_70 = arith.subi %div3A_43, %sub3A_69 : vector<256x128xi32>
    %select_n3A_71 = arith.select %and3A_67, %sub3A_70, %div3A_43 : vector<256x128xi1>, vector<256x128xi32>
    %eq3A = arith.cmpi eq, %select_n3A, %select_n3A_71 : vector<256x128xi32>
    %convert_element_type3A_72 = arith.extui %eq3A : vector<256x128xi1> to vector<256x128xi32>
    %convert_element_type3A_73 = arith.sitofp %convert_element_type3A_72 : vector<256x128xi32> to vector<256x128xf32>
    %slice3A_74 = vector.extract_strided_slice %concatenate3A_11 {offsets = [0, 0], sizes = [256, 8], strides = [1, 1]} : vector<6400x8xf32> to vector<256x8xf32>
    %slice3A_75 = vector.extract_strided_slice %get3A_14 {offsets = [0, 0], sizes = [8, 384], strides = [1, 1]} : vector<8x9600xf32> to vector<8x384xf32>
    %dot_general3A = arith.constant dense<0.000000e+00> : vector<256x384xf32>
    %dot_general3A_76 = tpu.matmul %slice3A_74, %slice3A_75, %dot_general3A {dimension_numbers = #tpu.dot_dimension_numbers<[1], [0], [0], [1], [0, 0, 1, 1], [], []>, transpose_lhs_hint = false} : vector<256x8xf32>, vector<8x384xf32>, vector<256x384xf32> -> vector<256x384xf32>
    %slice3A_77 = vector.extract_strided_slice %dot_general3A_76 {offsets = [0, 0], sizes = [256, 128], strides = [1, 1]} : vector<256x384xf32> to vector<256x128xf32>
    %slice3A_78 = vector.extract_strided_slice %dot_general3A_76 {offsets = [0, 128], sizes = [256, 128], strides = [1, 1]} : vector<256x384xf32> to vector<256x128xf32>
    %slice3A_79 = vector.extract_strided_slice %dot_general3A_76 {offsets = [0, 256], sizes = [256, 128], strides = [1, 1]} : vector<256x384xf32> to vector<256x128xf32>
    %mul3A = arith.mulf %slice3A_77, %slice3A_77 : vector<256x128xf32>
    %mul3A_80 = arith.mulf %slice3A_78, %slice3A_78 : vector<256x128xf32>
    %add3A = arith.addf %mul3A, %mul3A_80 : vector<256x128xf32>
    %mul3A_81 = arith.mulf %slice3A_79, %slice3A_79 : vector<256x128xf32>
    %add3A_82 = arith.addf %add3A, %mul3A_81 : vector<256x128xf32>
    %sqrt3A = math.sqrt %add3A_82 : vector<256x128xf32>
    %mul3A_83 = arith.constant 0.833333313 : f32
    %mul3A_84 = vector.broadcast %mul3A_83 : f32 to vector<256x128xf32>
    %mul3A_85 = arith.mulf %sqrt3A, %mul3A_84 : vector<256x128xf32>
    %sub3A_86 = arith.constant 1.000000e+00 : f32
    %sub3A_87 = vector.broadcast %sub3A_86 : f32 to vector<256x128xf32>
    %sub3A_88 = arith.subf %sub3A_87, %mul3A_85 : vector<256x128xf32>
    %max3A = arith.constant 0.000000e+00 : f32
    %max3A_89 = vector.broadcast %max3A : f32 to vector<256x128xf32>
    %max3A_90 = arith.maximumf %sub3A_88, %max3A_89 : vector<256x128xf32>
    %mul3A_91 = arith.mulf %max3A_90, %convert_element_type3A_73 : vector<256x128xf32>
    %slice3A_92 = vector.extract_strided_slice %concatenate3A {offsets = [0, 0], sizes = [256, 128], strides = [1, 1]} : vector<6400x128xf32> to vector<256x128xf32>
    %dot_general3A_93 = arith.constant dense<0.000000e+00> : vector<128x128xf32>
    %dot_general3A_94 = tpu.matmul %mul3A_91, %slice3A_92, %dot_general3A_93 {dimension_numbers = #tpu.dot_dimension_numbers<[0], [0], [1], [1], [0, 1, 1, 1], [], []>, transpose_lhs_hint = false} : vector<256x128xf32>, vector<256x128xf32>, vector<128x128xf32> -> vector<128x128xf32>
    %slice3A_95 = vector.extract_strided_slice %concatenate3A_11 {offsets = [256, 0], sizes = [256, 8], strides = [1, 1]} : vector<6400x8xf32> to vector<256x8xf32>
    %slice3A_96 = vector.extract_strided_slice %get3A_14 {offsets = [0, 384], sizes = [8, 384], strides = [1, 1]} : vector<8x9600xf32> to vector<8x384xf32>
    %dot_general3A_97 = arith.constant dense<0.000000e+00> : vector<256x384xf32>
    %dot_general3A_98 = tpu.matmul %slice3A_95, %slice3A_96, %dot_general3A_97 {dimension_numbers = #tpu.dot_dimension_numbers<[1], [0], [0], [1], [0, 0, 1, 1], [], []>, transpose_lhs_hint = false} : vector<256x8xf32>, vector<8x384xf32>, vector<256x384xf32> -> vector<256x384xf32>
    %slice3A_99 = vector.extract_strided_slice %dot_general3A_98 {offsets = [0, 0], sizes = [256, 128], strides = [1, 1]} : vector<256x384xf32> to vector<256x128xf32>
    %slice3A_100 = vector.extract_strided_slice %dot_general3A_98 {offsets = [0, 128], sizes = [256, 128], strides = [1, 1]} : vector<256x384xf32> to vector<256x128xf32>
    %slice3A_101 = vector.extract_strided_slice %dot_general3A_98 {offsets = [0, 256], sizes = [256, 128], strides = [1, 1]} : vector<256x384xf32> to vector<256x128xf32>
    %mul3A_102 = arith.mulf %slice3A_99, %slice3A_99 : vector<256x128xf32>
    %mul3A_103 = arith.mulf %slice3A_100, %slice3A_100 : vector<256x128xf32>
    %add3A_104 = arith.addf %mul3A_102, %mul3A_103 : vector<256x128xf32>
    %mul3A_105 = arith.mulf %slice3A_101, %slice3A_101 : vector<256x128xf32>
    %add3A_106 = arith.addf %add3A_104, %mul3A_105 : vector<256x128xf32>
    %sqrt3A_107 = math.sqrt %add3A_106 : vector<256x128xf32>
    %mul3A_108 = arith.constant 0.833333313 : f32
    %mul3A_109 = vector.broadcast %mul3A_108 : f32 to vector<256x128xf32>
    %mul3A_110 = arith.mulf %sqrt3A_107, %mul3A_109 : vector<256x128xf32>
    %sub3A_111 = arith.constant 1.000000e+00 : f32
    %sub3A_112 = vector.broadcast %sub3A_111 : f32 to vector<256x128xf32>
    %sub3A_113 = arith.subf %sub3A_112, %mul3A_110 : vector<256x128xf32>
    %max3A_114 = arith.constant 0.000000e+00 : f32
    %max3A_115 = vector.broadcast %max3A_114 : f32 to vector<256x128xf32>
    %max3A_116 = arith.maximumf %sub3A_113, %max3A_115 : vector<256x128xf32>
    %mul3A_117 = arith.mulf %max3A_116, %convert_element_type3A_73 : vector<256x128xf32>
    %slice3A_118 = vector.extract_strided_slice %concatenate3A {offsets = [256, 0], sizes = [256, 128], strides = [1, 1]} : vector<6400x128xf32> to vector<256x128xf32>
    %dot_general3A_119 = arith.constant dense<0.000000e+00> : vector<128x128xf32>
    %dot_general3A_120 = tpu.matmul %mul3A_117, %slice3A_118, %dot_general3A_119 {dimension_numbers = #tpu.dot_dimension_numbers<[0], [0], [1], [1], [0, 1, 1, 1], [], []>, transpose_lhs_hint = false} : vector<256x128xf32>, vector<256x128xf32>, vector<128x128xf32> -> vector<128x128xf32>
    %slice3A_121 = vector.extract_strided_slice %concatenate3A_11 {offsets = [512, 0], sizes = [256, 8], strides = [1, 1]} : vector<6400x8xf32> to vector<256x8xf32>
    %slice3A_122 = vector.extract_strided_slice %get3A_14 {offsets = [0, 768], sizes = [8, 384], strides = [1, 1]} : vector<8x9600xf32> to vector<8x384xf32>
    %dot_general3A_123 = arith.constant dense<0.000000e+00> : vector<256x384xf32>
    %dot_general3A_124 = tpu.matmul %slice3A_121, %slice3A_122, %dot_general3A_123 {dimension_numbers = #tpu.dot_dimension_numbers<[1], [0], [0], [1], [0, 0, 1, 1], [], []>, transpose_lhs_hint = false} : vector<256x8xf32>, vector<8x384xf32>, vector<256x384xf32> -> vector<256x384xf32>
    %slice3A_125 = vector.extract_strided_slice %dot_general3A_124 {offsets = [0, 0], sizes = [256, 128], strides = [1, 1]} : vector<256x384xf32> to vector<256x128xf32>
    %slice3A_126 = vector.extract_strided_slice %dot_general3A_124 {offsets = [0, 128], sizes = [256, 128], strides = [1, 1]} : vector<256x384xf32> to vector<256x128xf32>
    %slice3A_127 = vector.extract_strided_slice %dot_general3A_124 {offsets = [0, 256], sizes = [256, 128], strides = [1, 1]} : vector<256x384xf32> to vector<256x128xf32>
    %mul3A_128 = arith.mulf %slice3A_125, %slice3A_125 : vector<256x128xf32>
    %mul3A_129 = arith.mulf %slice3A_126, %slice3A_126 : vector<256x128xf32>
    %add3A_130 = arith.addf %mul3A_128, %mul3A_129 : vector<256x128xf32>
    %mul3A_131 = arith.mulf %slice3A_127, %slice3A_127 : vector<256x128xf32>
    %add3A_132 = arith.addf %add3A_130, %mul3A_131 : vector<256x128xf32>
    %sqrt3A_133 = math.sqrt %add3A_132 : vector<256x128xf32>
    %mul3A_134 = arith.constant 0.833333313 : f32
    %mul3A_135 = vector.broadcast %mul3A_134 : f32 to vector<256x128xf32>
    %mul3A_136 = arith.mulf %sqrt3A_133, %mul3A_135 : vector<256x128xf32>
    %sub3A_137 = arith.constant 1.000000e+00 : f32
    %sub3A_138 = vector.broadcast %sub3A_137 : f32 to vector<256x128xf32>
    %sub3A_139 = arith.subf %sub3A_138, %mul3A_136 : vector<256x128xf32>
    %max3A_140 = arith.constant 0.000000e+00 : f32
    %max3A_141 = vector.broadcast %max3A_140 : f32 to vector<256x128xf32>
    %max3A_142 = arith.maximumf %sub3A_139, %max3A_141 : vector<256x128xf32>
    %mul3A_143 = arith.mulf %max3A_142, %convert_element_type3A_73 : vector<256x128xf32>
    %slice3A_144 = vector.extract_strided_slice %concatenate3A {offsets = [512, 0], sizes = [256, 128], strides = [1, 1]} : vector<6400x128xf32> to vector<256x128xf32>
    %dot_general3A_145 = arith.constant dense<0.000000e+00> : vector<128x128xf32>
    %dot_general3A_146 = tpu.matmul %mul3A_143, %slice3A_144, %dot_general3A_145 {dimension_numbers = #tpu.dot_dimension_numbers<[0], [0], [1], [1], [0, 1, 1, 1], [], []>, transpose_lhs_hint = false} : vector<256x128xf32>, vector<256x128xf32>, vector<128x128xf32> -> vector<128x128xf32>
    %slice3A_147 = vector.extract_strided_slice %concatenate3A_11 {offsets = [768, 0], sizes = [256, 8], strides = [1, 1]} : vector<6400x8xf32> to vector<256x8xf32>
    %slice3A_148 = vector.extract_strided_slice %get3A_14 {offsets = [0, 1152], sizes = [8, 384], strides = [1, 1]} : vector<8x9600xf32> to vector<8x384xf32>
    %dot_general3A_149 = arith.constant dense<0.000000e+00> : vector<256x384xf32>
    %dot_general3A_150 = tpu.matmul %slice3A_147, %slice3A_148, %dot_general3A_149 {dimension_numbers = #tpu.dot_dimension_numbers<[1], [0], [0], [1], [0, 0, 1, 1], [], []>, transpose_lhs_hint = false} : vector<256x8xf32>, vector<8x384xf32>, vector<256x384xf32> -> vector<256x384xf32>
    %slice3A_151 = vector.extract_strided_slice %dot_general3A_150 {offsets = [0, 0], sizes = [256, 128], strides = [1, 1]} : vector<256x384xf32> to vector<256x128xf32>
    %slice3A_152 = vector.extract_strided_slice %dot_general3A_150 {offsets = [0, 128], sizes = [256, 128], strides = [1, 1]} : vector<256x384xf32> to vector<256x128xf32>
    %slice3A_153 = vector.extract_strided_slice %dot_general3A_150 {offsets = [0, 256], sizes = [256, 128], strides = [1, 1]} : vector<256x384xf32> to vector<256x128xf32>
    %mul3A_154 = arith.mulf %slice3A_151, %slice3A_151 : vector<256x128xf32>
    %mul3A_155 = arith.mulf %slice3A_152, %slice3A_152 : vector<256x128xf32>
    %add3A_156 = arith.addf %mul3A_154, %mul3A_155 : vector<256x128xf32>
    %mul3A_157 = arith.mulf %slice3A_153, %slice3A_153 : vector<256x128xf32>
    %add3A_158 = arith.addf %add3A_156, %mul3A_157 : vector<256x128xf32>
    %sqrt3A_159 = math.sqrt %add3A_158 : vector<256x128xf32>
    %mul3A_160 = arith.constant 0.833333313 : f32
    %mul3A_161 = vector.broadcast %mul3A_160 : f32 to vector<256x128xf32>
    %mul3A_162 = arith.mulf %sqrt3A_159, %mul3A_161 : vector<256x128xf32>
    %sub3A_163 = arith.constant 1.000000e+00 : f32
    %sub3A_164 = vector.broadcast %sub3A_163 : f32 to vector<256x128xf32>
    %sub3A_165 = arith.subf %sub3A_164, %mul3A_162 : vector<256x128xf32>
    %max3A_166 = arith.constant 0.000000e+00 : f32
    %max3A_167 = vector.broadcast %max3A_166 : f32 to vector<256x128xf32>
    %max3A_168 = arith.maximumf %sub3A_165, %max3A_167 : vector<256x128xf32>
    %mul3A_169 = arith.mulf %max3A_168, %convert_element_type3A_73 : vector<256x128xf32>
    %slice3A_170 = vector.extract_strided_slice %concatenate3A {offsets = [768, 0], sizes = [256, 128], strides = [1, 1]} : vector<6400x128xf32> to vector<256x128xf32>
    %dot_general3A_171 = arith.constant dense<0.000000e+00> : vector<128x128xf32>
    %dot_general3A_172 = tpu.matmul %mul3A_169, %slice3A_170, %dot_general3A_171 {dimension_numbers = #tpu.dot_dimension_numbers<[0], [0], [1], [1], [0, 1, 1, 1], [], []>, transpose_lhs_hint = false} : vector<256x128xf32>, vector<256x128xf32>, vector<128x128xf32> -> vector<128x128xf32>
    %slice3A_173 = vector.extract_strided_slice %concatenate3A_11 {offsets = [1024, 0], sizes = [256, 8], strides = [1, 1]} : vector<6400x8xf32> to vector<256x8xf32>
    %slice3A_174 = vector.extract_strided_slice %get3A_14 {offsets = [0, 1536], sizes = [8, 384], strides = [1, 1]} : vector<8x9600xf32> to vector<8x384xf32>
    %dot_general3A_175 = arith.constant dense<0.000000e+00> : vector<256x384xf32>
    %dot_general3A_176 = tpu.matmul %slice3A_173, %slice3A_174, %dot_general3A_175 {dimension_numbers = #tpu.dot_dimension_numbers<[1], [0], [0], [1], [0, 0, 1, 1], [], []>, transpose_lhs_hint = false} : vector<256x8xf32>, vector<8x384xf32>, vector<256x384xf32> -> vector<256x384xf32>
    %slice3A_177 = vector.extract_strided_slice %dot_general3A_176 {offsets = [0, 0], sizes = [256, 128], strides = [1, 1]} : vector<256x384xf32> to vector<256x128xf32>
    %slice3A_178 = vector.extract_strided_slice %dot_general3A_176 {offsets = [0, 128], sizes = [256, 128], strides = [1, 1]} : vector<256x384xf32> to vector<256x128xf32>
    %slice3A_179 = vector.extract_strided_slice %dot_general3A_176 {offsets = [0, 256], sizes = [256, 128], strides = [1, 1]} : vector<256x384xf32> to vector<256x128xf32>
    %mul3A_180 = arith.mulf %slice3A_177, %slice3A_177 : vector<256x128xf32>
    %mul3A_181 = arith.mulf %slice3A_178, %slice3A_178 : vector<256x128xf32>
    %add3A_182 = arith.addf %mul3A_180, %mul3A_181 : vector<256x128xf32>
    %mul3A_183 = arith.mulf %slice3A_179, %slice3A_179 : vector<256x128xf32>
    %add3A_184 = arith.addf %add3A_182, %mul3A_183 : vector<256x128xf32>
    %sqrt3A_185 = math.sqrt %add3A_184 : vector<256x128xf32>
    %mul3A_186 = arith.constant 0.833333313 : f32
    %mul3A_187 = vector.broadcast %mul3A_186 : f32 to vector<256x128xf32>
    %mul3A_188 = arith.mulf %sqrt3A_185, %mul3A_187 : vector<256x128xf32>
    %sub3A_189 = arith.constant 1.000000e+00 : f32
    %sub3A_190 = vector.broadcast %sub3A_189 : f32 to vector<256x128xf32>
    %sub3A_191 = arith.subf %sub3A_190, %mul3A_188 : vector<256x128xf32>
    %max3A_192 = arith.constant 0.000000e+00 : f32
    %max3A_193 = vector.broadcast %max3A_192 : f32 to vector<256x128xf32>
    %max3A_194 = arith.maximumf %sub3A_191, %max3A_193 : vector<256x128xf32>
    %mul3A_195 = arith.mulf %max3A_194, %convert_element_type3A_73 : vector<256x128xf32>
    %slice3A_196 = vector.extract_strided_slice %concatenate3A {offsets = [1024, 0], sizes = [256, 128], strides = [1, 1]} : vector<6400x128xf32> to vector<256x128xf32>
    %dot_general3A_197 = arith.constant dense<0.000000e+00> : vector<128x128xf32>
    %dot_general3A_198 = tpu.matmul %mul3A_195, %slice3A_196, %dot_general3A_197 {dimension_numbers = #tpu.dot_dimension_numbers<[0], [0], [1], [1], [0, 1, 1, 1], [], []>, transpose_lhs_hint = false} : vector<256x128xf32>, vector<256x128xf32>, vector<128x128xf32> -> vector<128x128xf32>
    %slice3A_199 = vector.extract_strided_slice %concatenate3A_11 {offsets = [1280, 0], sizes = [256, 8], strides = [1, 1]} : vector<6400x8xf32> to vector<256x8xf32>
    %slice3A_200 = vector.extract_strided_slice %get3A_14 {offsets = [0, 1920], sizes = [8, 384], strides = [1, 1]} : vector<8x9600xf32> to vector<8x384xf32>
    %dot_general3A_201 = arith.constant dense<0.000000e+00> : vector<256x384xf32>
    %dot_general3A_202 = tpu.matmul %slice3A_199, %slice3A_200, %dot_general3A_201 {dimension_numbers = #tpu.dot_dimension_numbers<[1], [0], [0], [1], [0, 0, 1, 1], [], []>, transpose_lhs_hint = false} : vector<256x8xf32>, vector<8x384xf32>, vector<256x384xf32> -> vector<256x384xf32>
    %slice3A_203 = vector.extract_strided_slice %dot_general3A_202 {offsets = [0, 0], sizes = [256, 128], strides = [1, 1]} : vector<256x384xf32> to vector<256x128xf32>
    %slice3A_204 = vector.extract_strided_slice %dot_general3A_202 {offsets = [0, 128], sizes = [256, 128], strides = [1, 1]} : vector<256x384xf32> to vector<256x128xf32>
    %slice3A_205 = vector.extract_strided_slice %dot_general3A_202 {offsets = [0, 256], sizes = [256, 128], strides = [1, 1]} : vector<256x384xf32> to vector<256x128xf32>
    %mul3A_206 = arith.mulf %slice3A_203, %slice3A_203 : vector<256x128xf32>
    %mul3A_207 = arith.mulf %slice3A_204, %slice3A_204 : vector<256x128xf32>
    %add3A_208 = arith.addf %mul3A_206, %mul3A_207 : vector<256x128xf32>
    %mul3A_209 = arith.mulf %slice3A_205, %slice3A_205 : vector<256x128xf32>
    %add3A_210 = arith.addf %add3A_208, %mul3A_209 : vector<256x128xf32>
    %sqrt3A_211 = math.sqrt %add3A_210 : vector<256x128xf32>
    %mul3A_212 = arith.constant 0.833333313 : f32
    %mul3A_213 = vector.broadcast %mul3A_212 : f32 to vector<256x128xf32>
    %mul3A_214 = arith.mulf %sqrt3A_211, %mul3A_213 : vector<256x128xf32>
    %sub3A_215 = arith.constant 1.000000e+00 : f32
    %sub3A_216 = vector.broadcast %sub3A_215 : f32 to vector<256x128xf32>
    %sub3A_217 = arith.subf %sub3A_216, %mul3A_214 : vector<256x128xf32>
    %max3A_218 = arith.constant 0.000000e+00 : f32
    %max3A_219 = vector.broadcast %max3A_218 : f32 to vector<256x128xf32>
    %max3A_220 = arith.maximumf %sub3A_217, %max3A_219 : vector<256x128xf32>
    %mul3A_221 = arith.mulf %max3A_220, %convert_element_type3A_73 : vector<256x128xf32>
    %slice3A_222 = vector.extract_strided_slice %concatenate3A {offsets = [1280, 0], sizes = [256, 128], strides = [1, 1]} : vector<6400x128xf32> to vector<256x128xf32>
    %dot_general3A_223 = arith.constant dense<0.000000e+00> : vector<128x128xf32>
    %dot_general3A_224 = tpu.matmul %mul3A_221, %slice3A_222, %dot_general3A_223 {dimension_numbers = #tpu.dot_dimension_numbers<[0], [0], [1], [1], [0, 1, 1, 1], [], []>, transpose_lhs_hint = false} : vector<256x128xf32>, vector<256x128xf32>, vector<128x128xf32> -> vector<128x128xf32>
    %slice3A_225 = vector.extract_strided_slice %concatenate3A_11 {offsets = [1536, 0], sizes = [256, 8], strides = [1, 1]} : vector<6400x8xf32> to vector<256x8xf32>
    %slice3A_226 = vector.extract_strided_slice %get3A_14 {offsets = [0, 2304], sizes = [8, 384], strides = [1, 1]} : vector<8x9600xf32> to vector<8x384xf32>
    %dot_general3A_227 = arith.constant dense<0.000000e+00> : vector<256x384xf32>
    %dot_general3A_228 = tpu.matmul %slice3A_225, %slice3A_226, %dot_general3A_227 {dimension_numbers = #tpu.dot_dimension_numbers<[1], [0], [0], [1], [0, 0, 1, 1], [], []>, transpose_lhs_hint = false} : vector<256x8xf32>, vector<8x384xf32>, vector<256x384xf32> -> vector<256x384xf32>
    %slice3A_229 = vector.extract_strided_slice %dot_general3A_228 {offsets = [0, 0], sizes = [256, 128], strides = [1, 1]} : vector<256x384xf32> to vector<256x128xf32>
    %slice3A_230 = vector.extract_strided_slice %dot_general3A_228 {offsets = [0, 128], sizes = [256, 128], strides = [1, 1]} : vector<256x384xf32> to vector<256x128xf32>
    %slice3A_231 = vector.extract_strided_slice %dot_general3A_228 {offsets = [0, 256], sizes = [256, 128], strides = [1, 1]} : vector<256x384xf32> to vector<256x128xf32>
    %mul3A_232 = arith.mulf %slice3A_229, %slice3A_229 : vector<256x128xf32>
    %mul3A_233 = arith.mulf %slice3A_230, %slice3A_230 : vector<256x128xf32>
    %add3A_234 = arith.addf %mul3A_232, %mul3A_233 : vector<256x128xf32>
    %mul3A_235 = arith.mulf %slice3A_231, %slice3A_231 : vector<256x128xf32>
    %add3A_236 = arith.addf %add3A_234, %mul3A_235 : vector<256x128xf32>
    %sqrt3A_237 = math.sqrt %add3A_236 : vector<256x128xf32>
    %mul3A_238 = arith.constant 0.833333313 : f32
    %mul3A_239 = vector.broadcast %mul3A_238 : f32 to vector<256x128xf32>
    %mul3A_240 = arith.mulf %sqrt3A_237, %mul3A_239 : vector<256x128xf32>
    %sub3A_241 = arith.constant 1.000000e+00 : f32
    %sub3A_242 = vector.broadcast %sub3A_241 : f32 to vector<256x128xf32>
    %sub3A_243 = arith.subf %sub3A_242, %mul3A_240 : vector<256x128xf32>
    %max3A_244 = arith.constant 0.000000e+00 : f32
    %max3A_245 = vector.broadcast %max3A_244 : f32 to vector<256x128xf32>
    %max3A_246 = arith.maximumf %sub3A_243, %max3A_245 : vector<256x128xf32>
    %mul3A_247 = arith.mulf %max3A_246, %convert_element_type3A_73 : vector<256x128xf32>
    %slice3A_248 = vector.extract_strided_slice %concatenate3A {offsets = [1536, 0], sizes = [256, 128], strides = [1, 1]} : vector<6400x128xf32> to vector<256x128xf32>
    %dot_general3A_249 = arith.constant dense<0.000000e+00> : vector<128x128xf32>
    %dot_general3A_250 = tpu.matmul %mul3A_247, %slice3A_248, %dot_general3A_249 {dimension_numbers = #tpu.dot_dimension_numbers<[0], [0], [1], [1], [0, 1, 1, 1], [], []>, transpose_lhs_hint = false} : vector<256x128xf32>, vector<256x128xf32>, vector<128x128xf32> -> vector<128x128xf32>
    %slice3A_251 = vector.extract_strided_slice %concatenate3A_11 {offsets = [1792, 0], sizes = [256, 8], strides = [1, 1]} : vector<6400x8xf32> to vector<256x8xf32>
    %slice3A_252 = vector.extract_strided_slice %get3A_14 {offsets = [0, 2688], sizes = [8, 384], strides = [1, 1]} : vector<8x9600xf32> to vector<8x384xf32>
    %dot_general3A_253 = arith.constant dense<0.000000e+00> : vector<256x384xf32>
    %dot_general3A_254 = tpu.matmul %slice3A_251, %slice3A_252, %dot_general3A_253 {dimension_numbers = #tpu.dot_dimension_numbers<[1], [0], [0], [1], [0, 0, 1, 1], [], []>, transpose_lhs_hint = false} : vector<256x8xf32>, vector<8x384xf32>, vector<256x384xf32> -> vector<256x384xf32>
    %slice3A_255 = vector.extract_strided_slice %dot_general3A_254 {offsets = [0, 0], sizes = [256, 128], strides = [1, 1]} : vector<256x384xf32> to vector<256x128xf32>
    %slice3A_256 = vector.extract_strided_slice %dot_general3A_254 {offsets = [0, 128], sizes = [256, 128], strides = [1, 1]} : vector<256x384xf32> to vector<256x128xf32>
    %slice3A_257 = vector.extract_strided_slice %dot_general3A_254 {offsets = [0, 256], sizes = [256, 128], strides = [1, 1]} : vector<256x384xf32> to vector<256x128xf32>
    %mul3A_258 = arith.mulf %slice3A_255, %slice3A_255 : vector<256x128xf32>
    %mul3A_259 = arith.mulf %slice3A_256, %slice3A_256 : vector<256x128xf32>
    %add3A_260 = arith.addf %mul3A_258, %mul3A_259 : vector<256x128xf32>
    %mul3A_261 = arith.mulf %slice3A_257, %slice3A_257 : vector<256x128xf32>
    %add3A_262 = arith.addf %add3A_260, %mul3A_261 : vector<256x128xf32>
    %sqrt3A_263 = math.sqrt %add3A_262 : vector<256x128xf32>
    %mul3A_264 = arith.constant 0.833333313 : f32
    %mul3A_265 = vector.broadcast %mul3A_264 : f32 to vector<256x128xf32>
    %mul3A_266 = arith.mulf %sqrt3A_263, %mul3A_265 : vector<256x128xf32>
    %sub3A_267 = arith.constant 1.000000e+00 : f32
    %sub3A_268 = vector.broadcast %sub3A_267 : f32 to vector<256x128xf32>
    %sub3A_269 = arith.subf %sub3A_268, %mul3A_266 : vector<256x128xf32>
    %max3A_270 = arith.constant 0.000000e+00 : f32
    %max3A_271 = vector.broadcast %max3A_270 : f32 to vector<256x128xf32>
    %max3A_272 = arith.maximumf %sub3A_269, %max3A_271 : vector<256x128xf32>
    %mul3A_273 = arith.mulf %max3A_272, %convert_element_type3A_73 : vector<256x128xf32>
    %slice3A_274 = vector.extract_strided_slice %concatenate3A {offsets = [1792, 0], sizes = [256, 128], strides = [1, 1]} : vector<6400x128xf32> to vector<256x128xf32>
    %dot_general3A_275 = arith.constant dense<0.000000e+00> : vector<128x128xf32>
    %dot_general3A_276 = tpu.matmul %mul3A_273, %slice3A_274, %dot_general3A_275 {dimension_numbers = #tpu.dot_dimension_numbers<[0], [0], [1], [1], [0, 1, 1, 1], [], []>, transpose_lhs_hint = false} : vector<256x128xf32>, vector<256x128xf32>, vector<128x128xf32> -> vector<128x128xf32>
    %slice3A_277 = vector.extract_strided_slice %concatenate3A_11 {offsets = [2048, 0], sizes = [256, 8], strides = [1, 1]} : vector<6400x8xf32> to vector<256x8xf32>
    %slice3A_278 = vector.extract_strided_slice %get3A_14 {offsets = [0, 3072], sizes = [8, 384], strides = [1, 1]} : vector<8x9600xf32> to vector<8x384xf32>
    %dot_general3A_279 = arith.constant dense<0.000000e+00> : vector<256x384xf32>
    %dot_general3A_280 = tpu.matmul %slice3A_277, %slice3A_278, %dot_general3A_279 {dimension_numbers = #tpu.dot_dimension_numbers<[1], [0], [0], [1], [0, 0, 1, 1], [], []>, transpose_lhs_hint = false} : vector<256x8xf32>, vector<8x384xf32>, vector<256x384xf32> -> vector<256x384xf32>
    %slice3A_281 = vector.extract_strided_slice %dot_general3A_280 {offsets = [0, 0], sizes = [256, 128], strides = [1, 1]} : vector<256x384xf32> to vector<256x128xf32>
    %slice3A_282 = vector.extract_strided_slice %dot_general3A_280 {offsets = [0, 128], sizes = [256, 128], strides = [1, 1]} : vector<256x384xf32> to vector<256x128xf32>
    %slice3A_283 = vector.extract_strided_slice %dot_general3A_280 {offsets = [0, 256], sizes = [256, 128], strides = [1, 1]} : vector<256x384xf32> to vector<256x128xf32>
    %mul3A_284 = arith.mulf %slice3A_281, %slice3A_281 : vector<256x128xf32>
    %mul3A_285 = arith.mulf %slice3A_282, %slice3A_282 : vector<256x128xf32>
    %add3A_286 = arith.addf %mul3A_284, %mul3A_285 : vector<256x128xf32>
    %mul3A_287 = arith.mulf %slice3A_283, %slice3A_283 : vector<256x128xf32>
    %add3A_288 = arith.addf %add3A_286, %mul3A_287 : vector<256x128xf32>
    %sqrt3A_289 = math.sqrt %add3A_288 : vector<256x128xf32>
    %mul3A_290 = arith.constant 0.833333313 : f32
    %mul3A_291 = vector.broadcast %mul3A_290 : f32 to vector<256x128xf32>
    %mul3A_292 = arith.mulf %sqrt3A_289, %mul3A_291 : vector<256x128xf32>
    %sub3A_293 = arith.constant 1.000000e+00 : f32
    %sub3A_294 = vector.broadcast %sub3A_293 : f32 to vector<256x128xf32>
    %sub3A_295 = arith.subf %sub3A_294, %mul3A_292 : vector<256x128xf32>
    %max3A_296 = arith.constant 0.000000e+00 : f32
    %max3A_297 = vector.broadcast %max3A_296 : f32 to vector<256x128xf32>
    %max3A_298 = arith.maximumf %sub3A_295, %max3A_297 : vector<256x128xf32>
    %mul3A_299 = arith.mulf %max3A_298, %convert_element_type3A_73 : vector<256x128xf32>
    %slice3A_300 = vector.extract_strided_slice %concatenate3A {offsets = [2048, 0], sizes = [256, 128], strides = [1, 1]} : vector<6400x128xf32> to vector<256x128xf32>
    %dot_general3A_301 = arith.constant dense<0.000000e+00> : vector<128x128xf32>
    %dot_general3A_302 = tpu.matmul %mul3A_299, %slice3A_300, %dot_general3A_301 {dimension_numbers = #tpu.dot_dimension_numbers<[0], [0], [1], [1], [0, 1, 1, 1], [], []>, transpose_lhs_hint = false} : vector<256x128xf32>, vector<256x128xf32>, vector<128x128xf32> -> vector<128x128xf32>
    %slice3A_303 = vector.extract_strided_slice %concatenate3A_11 {offsets = [2304, 0], sizes = [256, 8], strides = [1, 1]} : vector<6400x8xf32> to vector<256x8xf32>
    %slice3A_304 = vector.extract_strided_slice %get3A_14 {offsets = [0, 3456], sizes = [8, 384], strides = [1, 1]} : vector<8x9600xf32> to vector<8x384xf32>
    %dot_general3A_305 = arith.constant dense<0.000000e+00> : vector<256x384xf32>
    %dot_general3A_306 = tpu.matmul %slice3A_303, %slice3A_304, %dot_general3A_305 {dimension_numbers = #tpu.dot_dimension_numbers<[1], [0], [0], [1], [0, 0, 1, 1], [], []>, transpose_lhs_hint = false} : vector<256x8xf32>, vector<8x384xf32>, vector<256x384xf32> -> vector<256x384xf32>
    %slice3A_307 = vector.extract_strided_slice %dot_general3A_306 {offsets = [0, 0], sizes = [256, 128], strides = [1, 1]} : vector<256x384xf32> to vector<256x128xf32>
    %slice3A_308 = vector.extract_strided_slice %dot_general3A_306 {offsets = [0, 128], sizes = [256, 128], strides = [1, 1]} : vector<256x384xf32> to vector<256x128xf32>
    %slice3A_309 = vector.extract_strided_slice %dot_general3A_306 {offsets = [0, 256], sizes = [256, 128], strides = [1, 1]} : vector<256x384xf32> to vector<256x128xf32>
    %mul3A_310 = arith.mulf %slice3A_307, %slice3A_307 : vector<256x128xf32>
    %mul3A_311 = arith.mulf %slice3A_308, %slice3A_308 : vector<256x128xf32>
    %add3A_312 = arith.addf %mul3A_310, %mul3A_311 : vector<256x128xf32>
    %mul3A_313 = arith.mulf %slice3A_309, %slice3A_309 : vector<256x128xf32>
    %add3A_314 = arith.addf %add3A_312, %mul3A_313 : vector<256x128xf32>
    %sqrt3A_315 = math.sqrt %add3A_314 : vector<256x128xf32>
    %mul3A_316 = arith.constant 0.833333313 : f32
    %mul3A_317 = vector.broadcast %mul3A_316 : f32 to vector<256x128xf32>
    %mul3A_318 = arith.mulf %sqrt3A_315, %mul3A_317 : vector<256x128xf32>
    %sub3A_319 = arith.constant 1.000000e+00 : f32
    %sub3A_320 = vector.broadcast %sub3A_319 : f32 to vector<256x128xf32>
    %sub3A_321 = arith.subf %sub3A_320, %mul3A_318 : vector<256x128xf32>
    %max3A_322 = arith.constant 0.000000e+00 : f32
    %max3A_323 = vector.broadcast %max3A_322 : f32 to vector<256x128xf32>
    %max3A_324 = arith.maximumf %sub3A_321, %max3A_323 : vector<256x128xf32>
    %mul3A_325 = arith.mulf %max3A_324, %convert_element_type3A_73 : vector<256x128xf32>
    %slice3A_326 = vector.extract_strided_slice %concatenate3A {offsets = [2304, 0], sizes = [256, 128], strides = [1, 1]} : vector<6400x128xf32> to vector<256x128xf32>
    %dot_general3A_327 = arith.constant dense<0.000000e+00> : vector<128x128xf32>
    %dot_general3A_328 = tpu.matmul %mul3A_325, %slice3A_326, %dot_general3A_327 {dimension_numbers = #tpu.dot_dimension_numbers<[0], [0], [1], [1], [0, 1, 1, 1], [], []>, transpose_lhs_hint = false} : vector<256x128xf32>, vector<256x128xf32>, vector<128x128xf32> -> vector<128x128xf32>
    %slice3A_329 = vector.extract_strided_slice %concatenate3A_11 {offsets = [2560, 0], sizes = [256, 8], strides = [1, 1]} : vector<6400x8xf32> to vector<256x8xf32>
    %slice3A_330 = vector.extract_strided_slice %get3A_14 {offsets = [0, 3840], sizes = [8, 384], strides = [1, 1]} : vector<8x9600xf32> to vector<8x384xf32>
    %dot_general3A_331 = arith.constant dense<0.000000e+00> : vector<256x384xf32>
    %dot_general3A_332 = tpu.matmul %slice3A_329, %slice3A_330, %dot_general3A_331 {dimension_numbers = #tpu.dot_dimension_numbers<[1], [0], [0], [1], [0, 0, 1, 1], [], []>, transpose_lhs_hint = false} : vector<256x8xf32>, vector<8x384xf32>, vector<256x384xf32> -> vector<256x384xf32>
    %slice3A_333 = vector.extract_strided_slice %dot_general3A_332 {offsets = [0, 0], sizes = [256, 128], strides = [1, 1]} : vector<256x384xf32> to vector<256x128xf32>
    %slice3A_334 = vector.extract_strided_slice %dot_general3A_332 {offsets = [0, 128], sizes = [256, 128], strides = [1, 1]} : vector<256x384xf32> to vector<256x128xf32>
    %slice3A_335 = vector.extract_strided_slice %dot_general3A_332 {offsets = [0, 256], sizes = [256, 128], strides = [1, 1]} : vector<256x384xf32> to vector<256x128xf32>
    %mul3A_336 = arith.mulf %slice3A_333, %slice3A_333 : vector<256x128xf32>
    %mul3A_337 = arith.mulf %slice3A_334, %slice3A_334 : vector<256x128xf32>
    %add3A_338 = arith.addf %mul3A_336, %mul3A_337 : vector<256x128xf32>
    %mul3A_339 = arith.mulf %slice3A_335, %slice3A_335 : vector<256x128xf32>
    %add3A_340 = arith.addf %add3A_338, %mul3A_339 : vector<256x128xf32>
    %sqrt3A_341 = math.sqrt %add3A_340 : vector<256x128xf32>
    %mul3A_342 = arith.constant 0.833333313 : f32
    %mul3A_343 = vector.broadcast %mul3A_342 : f32 to vector<256x128xf32>
    %mul3A_344 = arith.mulf %sqrt3A_341, %mul3A_343 : vector<256x128xf32>
    %sub3A_345 = arith.constant 1.000000e+00 : f32
    %sub3A_346 = vector.broadcast %sub3A_345 : f32 to vector<256x128xf32>
    %sub3A_347 = arith.subf %sub3A_346, %mul3A_344 : vector<256x128xf32>
    %max3A_348 = arith.constant 0.000000e+00 : f32
    %max3A_349 = vector.broadcast %max3A_348 : f32 to vector<256x128xf32>
    %max3A_350 = arith.maximumf %sub3A_347, %max3A_349 : vector<256x128xf32>
    %mul3A_351 = arith.mulf %max3A_350, %convert_element_type3A_73 : vector<256x128xf32>
    %slice3A_352 = vector.extract_strided_slice %concatenate3A {offsets = [2560, 0], sizes = [256, 128], strides = [1, 1]} : vector<6400x128xf32> to vector<256x128xf32>
    %dot_general3A_353 = arith.constant dense<0.000000e+00> : vector<128x128xf32>
    %dot_general3A_354 = tpu.matmul %mul3A_351, %slice3A_352, %dot_general3A_353 {dimension_numbers = #tpu.dot_dimension_numbers<[0], [0], [1], [1], [0, 1, 1, 1], [], []>, transpose_lhs_hint = false} : vector<256x128xf32>, vector<256x128xf32>, vector<128x128xf32> -> vector<128x128xf32>
    %slice3A_355 = vector.extract_strided_slice %concatenate3A_11 {offsets = [2816, 0], sizes = [256, 8], strides = [1, 1]} : vector<6400x8xf32> to vector<256x8xf32>
    %slice3A_356 = vector.extract_strided_slice %get3A_14 {offsets = [0, 4224], sizes = [8, 384], strides = [1, 1]} : vector<8x9600xf32> to vector<8x384xf32>
    %dot_general3A_357 = arith.constant dense<0.000000e+00> : vector<256x384xf32>
    %dot_general3A_358 = tpu.matmul %slice3A_355, %slice3A_356, %dot_general3A_357 {dimension_numbers = #tpu.dot_dimension_numbers<[1], [0], [0], [1], [0, 0, 1, 1], [], []>, transpose_lhs_hint = false} : vector<256x8xf32>, vector<8x384xf32>, vector<256x384xf32> -> vector<256x384xf32>
    %slice3A_359 = vector.extract_strided_slice %dot_general3A_358 {offsets = [0, 0], sizes = [256, 128], strides = [1, 1]} : vector<256x384xf32> to vector<256x128xf32>
    %slice3A_360 = vector.extract_strided_slice %dot_general3A_358 {offsets = [0, 128], sizes = [256, 128], strides = [1, 1]} : vector<256x384xf32> to vector<256x128xf32>
    %slice3A_361 = vector.extract_strided_slice %dot_general3A_358 {offsets = [0, 256], sizes = [256, 128], strides = [1, 1]} : vector<256x384xf32> to vector<256x128xf32>
    %mul3A_362 = arith.mulf %slice3A_359, %slice3A_359 : vector<256x128xf32>
    %mul3A_363 = arith.mulf %slice3A_360, %slice3A_360 : vector<256x128xf32>
    %add3A_364 = arith.addf %mul3A_362, %mul3A_363 : vector<256x128xf32>
    %mul3A_365 = arith.mulf %slice3A_361, %slice3A_361 : vector<256x128xf32>
    %add3A_366 = arith.addf %add3A_364, %mul3A_365 : vector<256x128xf32>
    %sqrt3A_367 = math.sqrt %add3A_366 : vector<256x128xf32>
    %mul3A_368 = arith.constant 0.833333313 : f32
    %mul3A_369 = vector.broadcast %mul3A_368 : f32 to vector<256x128xf32>
    %mul3A_370 = arith.mulf %sqrt3A_367, %mul3A_369 : vector<256x128xf32>
    %sub3A_371 = arith.constant 1.000000e+00 : f32
    %sub3A_372 = vector.broadcast %sub3A_371 : f32 to vector<256x128xf32>
    %sub3A_373 = arith.subf %sub3A_372, %mul3A_370 : vector<256x128xf32>
    %max3A_374 = arith.constant 0.000000e+00 : f32
    %max3A_375 = vector.broadcast %max3A_374 : f32 to vector<256x128xf32>
    %max3A_376 = arith.maximumf %sub3A_373, %max3A_375 : vector<256x128xf32>
    %mul3A_377 = arith.mulf %max3A_376, %convert_element_type3A_73 : vector<256x128xf32>
    %slice3A_378 = vector.extract_strided_slice %concatenate3A {offsets = [2816, 0], sizes = [256, 128], strides = [1, 1]} : vector<6400x128xf32> to vector<256x128xf32>
    %dot_general3A_379 = arith.constant dense<0.000000e+00> : vector<128x128xf32>
    %dot_general3A_380 = tpu.matmul %mul3A_377, %slice3A_378, %dot_general3A_379 {dimension_numbers = #tpu.dot_dimension_numbers<[0], [0], [1], [1], [0, 1, 1, 1], [], []>, transpose_lhs_hint = false} : vector<256x128xf32>, vector<256x128xf32>, vector<128x128xf32> -> vector<128x128xf32>
    %slice3A_381 = vector.extract_strided_slice %concatenate3A_11 {offsets = [3072, 0], sizes = [256, 8], strides = [1, 1]} : vector<6400x8xf32> to vector<256x8xf32>
    %slice3A_382 = vector.extract_strided_slice %get3A_14 {offsets = [0, 4608], sizes = [8, 384], strides = [1, 1]} : vector<8x9600xf32> to vector<8x384xf32>
    %dot_general3A_383 = arith.constant dense<0.000000e+00> : vector<256x384xf32>
    %dot_general3A_384 = tpu.matmul %slice3A_381, %slice3A_382, %dot_general3A_383 {dimension_numbers = #tpu.dot_dimension_numbers<[1], [0], [0], [1], [0, 0, 1, 1], [], []>, transpose_lhs_hint = false} : vector<256x8xf32>, vector<8x384xf32>, vector<256x384xf32> -> vector<256x384xf32>
    %slice3A_385 = vector.extract_strided_slice %dot_general3A_384 {offsets = [0, 0], sizes = [256, 128], strides = [1, 1]} : vector<256x384xf32> to vector<256x128xf32>
    %slice3A_386 = vector.extract_strided_slice %dot_general3A_384 {offsets = [0, 128], sizes = [256, 128], strides = [1, 1]} : vector<256x384xf32> to vector<256x128xf32>
    %slice3A_387 = vector.extract_strided_slice %dot_general3A_384 {offsets = [0, 256], sizes = [256, 128], strides = [1, 1]} : vector<256x384xf32> to vector<256x128xf32>
    %mul3A_388 = arith.mulf %slice3A_385, %slice3A_385 : vector<256x128xf32>
    %mul3A_389 = arith.mulf %slice3A_386, %slice3A_386 : vector<256x128xf32>
    %add3A_390 = arith.addf %mul3A_388, %mul3A_389 : vector<256x128xf32>
    %mul3A_391 = arith.mulf %slice3A_387, %slice3A_387 : vector<256x128xf32>
    %add3A_392 = arith.addf %add3A_390, %mul3A_391 : vector<256x128xf32>
    %sqrt3A_393 = math.sqrt %add3A_392 : vector<256x128xf32>
    %mul3A_394 = arith.constant 0.833333313 : f32
    %mul3A_395 = vector.broadcast %mul3A_394 : f32 to vector<256x128xf32>
    %mul3A_396 = arith.mulf %sqrt3A_393, %mul3A_395 : vector<256x128xf32>
    %sub3A_397 = arith.constant 1.000000e+00 : f32
    %sub3A_398 = vector.broadcast %sub3A_397 : f32 to vector<256x128xf32>
    %sub3A_399 = arith.subf %sub3A_398, %mul3A_396 : vector<256x128xf32>
    %max3A_400 = arith.constant 0.000000e+00 : f32
    %max3A_401 = vector.broadcast %max3A_400 : f32 to vector<256x128xf32>
    %max3A_402 = arith.maximumf %sub3A_399, %max3A_401 : vector<256x128xf32>
    %mul3A_403 = arith.mulf %max3A_402, %convert_element_type3A_73 : vector<256x128xf32>
    %slice3A_404 = vector.extract_strided_slice %concatenate3A {offsets = [3072, 0], sizes = [256, 128], strides = [1, 1]} : vector<6400x128xf32> to vector<256x128xf32>
    %dot_general3A_405 = arith.constant dense<0.000000e+00> : vector<128x128xf32>
    %dot_general3A_406 = tpu.matmul %mul3A_403, %slice3A_404, %dot_general3A_405 {dimension_numbers = #tpu.dot_dimension_numbers<[0], [0], [1], [1], [0, 1, 1, 1], [], []>, transpose_lhs_hint = false} : vector<256x128xf32>, vector<256x128xf32>, vector<128x128xf32> -> vector<128x128xf32>
    %slice3A_407 = vector.extract_strided_slice %concatenate3A_11 {offsets = [3328, 0], sizes = [256, 8], strides = [1, 1]} : vector<6400x8xf32> to vector<256x8xf32>
    %slice3A_408 = vector.extract_strided_slice %get3A_14 {offsets = [0, 4992], sizes = [8, 384], strides = [1, 1]} : vector<8x9600xf32> to vector<8x384xf32>
    %dot_general3A_409 = arith.constant dense<0.000000e+00> : vector<256x384xf32>
    %dot_general3A_410 = tpu.matmul %slice3A_407, %slice3A_408, %dot_general3A_409 {dimension_numbers = #tpu.dot_dimension_numbers<[1], [0], [0], [1], [0, 0, 1, 1], [], []>, transpose_lhs_hint = false} : vector<256x8xf32>, vector<8x384xf32>, vector<256x384xf32> -> vector<256x384xf32>
    %slice3A_411 = vector.extract_strided_slice %dot_general3A_410 {offsets = [0, 0], sizes = [256, 128], strides = [1, 1]} : vector<256x384xf32> to vector<256x128xf32>
    %slice3A_412 = vector.extract_strided_slice %dot_general3A_410 {offsets = [0, 128], sizes = [256, 128], strides = [1, 1]} : vector<256x384xf32> to vector<256x128xf32>
    %slice3A_413 = vector.extract_strided_slice %dot_general3A_410 {offsets = [0, 256], sizes = [256, 128], strides = [1, 1]} : vector<256x384xf32> to vector<256x128xf32>
    %mul3A_414 = arith.mulf %slice3A_411, %slice3A_411 : vector<256x128xf32>
    %mul3A_415 = arith.mulf %slice3A_412, %slice3A_412 : vector<256x128xf32>
    %add3A_416 = arith.addf %mul3A_414, %mul3A_415 : vector<256x128xf32>
    %mul3A_417 = arith.mulf %slice3A_413, %slice3A_413 : vector<256x128xf32>
    %add3A_418 = arith.addf %add3A_416, %mul3A_417 : vector<256x128xf32>
    %sqrt3A_419 = math.sqrt %add3A_418 : vector<256x128xf32>
    %mul3A_420 = arith.constant 0.833333313 : f32
    %mul3A_421 = vector.broadcast %mul3A_420 : f32 to vector<256x128xf32>
    %mul3A_422 = arith.mulf %sqrt3A_419, %mul3A_421 : vector<256x128xf32>
    %sub3A_423 = arith.constant 1.000000e+00 : f32
    %sub3A_424 = vector.broadcast %sub3A_423 : f32 to vector<256x128xf32>
    %sub3A_425 = arith.subf %sub3A_424, %mul3A_422 : vector<256x128xf32>
    %max3A_426 = arith.constant 0.000000e+00 : f32
    %max3A_427 = vector.broadcast %max3A_426 : f32 to vector<256x128xf32>
    %max3A_428 = arith.maximumf %sub3A_425, %max3A_427 : vector<256x128xf32>
    %mul3A_429 = arith.mulf %max3A_428, %convert_element_type3A_73 : vector<256x128xf32>
    %slice3A_430 = vector.extract_strided_slice %concatenate3A {offsets = [3328, 0], sizes = [256, 128], strides = [1, 1]} : vector<6400x128xf32> to vector<256x128xf32>
    %dot_general3A_431 = arith.constant dense<0.000000e+00> : vector<128x128xf32>
    %dot_general3A_432 = tpu.matmul %mul3A_429, %slice3A_430, %dot_general3A_431 {dimension_numbers = #tpu.dot_dimension_numbers<[0], [0], [1], [1], [0, 1, 1, 1], [], []>, transpose_lhs_hint = false} : vector<256x128xf32>, vector<256x128xf32>, vector<128x128xf32> -> vector<128x128xf32>
    %slice3A_433 = vector.extract_strided_slice %concatenate3A_11 {offsets = [3584, 0], sizes = [256, 8], strides = [1, 1]} : vector<6400x8xf32> to vector<256x8xf32>
    %slice3A_434 = vector.extract_strided_slice %get3A_14 {offsets = [0, 5376], sizes = [8, 384], strides = [1, 1]} : vector<8x9600xf32> to vector<8x384xf32>
    %dot_general3A_435 = arith.constant dense<0.000000e+00> : vector<256x384xf32>
    %dot_general3A_436 = tpu.matmul %slice3A_433, %slice3A_434, %dot_general3A_435 {dimension_numbers = #tpu.dot_dimension_numbers<[1], [0], [0], [1], [0, 0, 1, 1], [], []>, transpose_lhs_hint = false} : vector<256x8xf32>, vector<8x384xf32>, vector<256x384xf32> -> vector<256x384xf32>
    %slice3A_437 = vector.extract_strided_slice %dot_general3A_436 {offsets = [0, 0], sizes = [256, 128], strides = [1, 1]} : vector<256x384xf32> to vector<256x128xf32>
    %slice3A_438 = vector.extract_strided_slice %dot_general3A_436 {offsets = [0, 128], sizes = [256, 128], strides = [1, 1]} : vector<256x384xf32> to vector<256x128xf32>
    %slice3A_439 = vector.extract_strided_slice %dot_general3A_436 {offsets = [0, 256], sizes = [256, 128], strides = [1, 1]} : vector<256x384xf32> to vector<256x128xf32>
    %mul3A_440 = arith.mulf %slice3A_437, %slice3A_437 : vector<256x128xf32>
    %mul3A_441 = arith.mulf %slice3A_438, %slice3A_438 : vector<256x128xf32>
    %add3A_442 = arith.addf %mul3A_440, %mul3A_441 : vector<256x128xf32>
    %mul3A_443 = arith.mulf %slice3A_439, %slice3A_439 : vector<256x128xf32>
    %add3A_444 = arith.addf %add3A_442, %mul3A_443 : vector<256x128xf32>
    %sqrt3A_445 = math.sqrt %add3A_444 : vector<256x128xf32>
    %mul3A_446 = arith.constant 0.833333313 : f32
    %mul3A_447 = vector.broadcast %mul3A_446 : f32 to vector<256x128xf32>
    %mul3A_448 = arith.mulf %sqrt3A_445, %mul3A_447 : vector<256x128xf32>
    %sub3A_449 = arith.constant 1.000000e+00 : f32
    %sub3A_450 = vector.broadcast %sub3A_449 : f32 to vector<256x128xf32>
    %sub3A_451 = arith.subf %sub3A_450, %mul3A_448 : vector<256x128xf32>
    %max3A_452 = arith.constant 0.000000e+00 : f32
    %max3A_453 = vector.broadcast %max3A_452 : f32 to vector<256x128xf32>
    %max3A_454 = arith.maximumf %sub3A_451, %max3A_453 : vector<256x128xf32>
    %mul3A_455 = arith.mulf %max3A_454, %convert_element_type3A_73 : vector<256x128xf32>
    %slice3A_456 = vector.extract_strided_slice %concatenate3A {offsets = [3584, 0], sizes = [256, 128], strides = [1, 1]} : vector<6400x128xf32> to vector<256x128xf32>
    %dot_general3A_457 = arith.constant dense<0.000000e+00> : vector<128x128xf32>
    %dot_general3A_458 = tpu.matmul %mul3A_455, %slice3A_456, %dot_general3A_457 {dimension_numbers = #tpu.dot_dimension_numbers<[0], [0], [1], [1], [0, 1, 1, 1], [], []>, transpose_lhs_hint = false} : vector<256x128xf32>, vector<256x128xf32>, vector<128x128xf32> -> vector<128x128xf32>
    %slice3A_459 = vector.extract_strided_slice %concatenate3A_11 {offsets = [3840, 0], sizes = [256, 8], strides = [1, 1]} : vector<6400x8xf32> to vector<256x8xf32>
    %slice3A_460 = vector.extract_strided_slice %get3A_14 {offsets = [0, 5760], sizes = [8, 384], strides = [1, 1]} : vector<8x9600xf32> to vector<8x384xf32>
    %dot_general3A_461 = arith.constant dense<0.000000e+00> : vector<256x384xf32>
    %dot_general3A_462 = tpu.matmul %slice3A_459, %slice3A_460, %dot_general3A_461 {dimension_numbers = #tpu.dot_dimension_numbers<[1], [0], [0], [1], [0, 0, 1, 1], [], []>, transpose_lhs_hint = false} : vector<256x8xf32>, vector<8x384xf32>, vector<256x384xf32> -> vector<256x384xf32>
    %slice3A_463 = vector.extract_strided_slice %dot_general3A_462 {offsets = [0, 0], sizes = [256, 128], strides = [1, 1]} : vector<256x384xf32> to vector<256x128xf32>
    %slice3A_464 = vector.extract_strided_slice %dot_general3A_462 {offsets = [0, 128], sizes = [256, 128], strides = [1, 1]} : vector<256x384xf32> to vector<256x128xf32>
    %slice3A_465 = vector.extract_strided_slice %dot_general3A_462 {offsets = [0, 256], sizes = [256, 128], strides = [1, 1]} : vector<256x384xf32> to vector<256x128xf32>
    %mul3A_466 = arith.mulf %slice3A_463, %slice3A_463 : vector<256x128xf32>
    %mul3A_467 = arith.mulf %slice3A_464, %slice3A_464 : vector<256x128xf32>
    %add3A_468 = arith.addf %mul3A_466, %mul3A_467 : vector<256x128xf32>
    %mul3A_469 = arith.mulf %slice3A_465, %slice3A_465 : vector<256x128xf32>
    %add3A_470 = arith.addf %add3A_468, %mul3A_469 : vector<256x128xf32>
    %sqrt3A_471 = math.sqrt %add3A_470 : vector<256x128xf32>
    %mul3A_472 = arith.constant 0.833333313 : f32
    %mul3A_473 = vector.broadcast %mul3A_472 : f32 to vector<256x128xf32>
    %mul3A_474 = arith.mulf %sqrt3A_471, %mul3A_473 : vector<256x128xf32>
    %sub3A_475 = arith.constant 1.000000e+00 : f32
    %sub3A_476 = vector.broadcast %sub3A_475 : f32 to vector<256x128xf32>
    %sub3A_477 = arith.subf %sub3A_476, %mul3A_474 : vector<256x128xf32>
    %max3A_478 = arith.constant 0.000000e+00 : f32
    %max3A_479 = vector.broadcast %max3A_478 : f32 to vector<256x128xf32>
    %max3A_480 = arith.maximumf %sub3A_477, %max3A_479 : vector<256x128xf32>
    %mul3A_481 = arith.mulf %max3A_480, %convert_element_type3A_73 : vector<256x128xf32>
    %slice3A_482 = vector.extract_strided_slice %concatenate3A {offsets = [3840, 0], sizes = [256, 128], strides = [1, 1]} : vector<6400x128xf32> to vector<256x128xf32>
    %dot_general3A_483 = arith.constant dense<0.000000e+00> : vector<128x128xf32>
    %dot_general3A_484 = tpu.matmul %mul3A_481, %slice3A_482, %dot_general3A_483 {dimension_numbers = #tpu.dot_dimension_numbers<[0], [0], [1], [1], [0, 1, 1, 1], [], []>, transpose_lhs_hint = false} : vector<256x128xf32>, vector<256x128xf32>, vector<128x128xf32> -> vector<128x128xf32>
    %slice3A_485 = vector.extract_strided_slice %concatenate3A_11 {offsets = [4096, 0], sizes = [256, 8], strides = [1, 1]} : vector<6400x8xf32> to vector<256x8xf32>
    %slice3A_486 = vector.extract_strided_slice %get3A_14 {offsets = [0, 6144], sizes = [8, 384], strides = [1, 1]} : vector<8x9600xf32> to vector<8x384xf32>
    %dot_general3A_487 = arith.constant dense<0.000000e+00> : vector<256x384xf32>
    %dot_general3A_488 = tpu.matmul %slice3A_485, %slice3A_486, %dot_general3A_487 {dimension_numbers = #tpu.dot_dimension_numbers<[1], [0], [0], [1], [0, 0, 1, 1], [], []>, transpose_lhs_hint = false} : vector<256x8xf32>, vector<8x384xf32>, vector<256x384xf32> -> vector<256x384xf32>
    %slice3A_489 = vector.extract_strided_slice %dot_general3A_488 {offsets = [0, 0], sizes = [256, 128], strides = [1, 1]} : vector<256x384xf32> to vector<256x128xf32>
    %slice3A_490 = vector.extract_strided_slice %dot_general3A_488 {offsets = [0, 128], sizes = [256, 128], strides = [1, 1]} : vector<256x384xf32> to vector<256x128xf32>
    %slice3A_491 = vector.extract_strided_slice %dot_general3A_488 {offsets = [0, 256], sizes = [256, 128], strides = [1, 1]} : vector<256x384xf32> to vector<256x128xf32>
    %mul3A_492 = arith.mulf %slice3A_489, %slice3A_489 : vector<256x128xf32>
    %mul3A_493 = arith.mulf %slice3A_490, %slice3A_490 : vector<256x128xf32>
    %add3A_494 = arith.addf %mul3A_492, %mul3A_493 : vector<256x128xf32>
    %mul3A_495 = arith.mulf %slice3A_491, %slice3A_491 : vector<256x128xf32>
    %add3A_496 = arith.addf %add3A_494, %mul3A_495 : vector<256x128xf32>
    %sqrt3A_497 = math.sqrt %add3A_496 : vector<256x128xf32>
    %mul3A_498 = arith.constant 0.833333313 : f32
    %mul3A_499 = vector.broadcast %mul3A_498 : f32 to vector<256x128xf32>
    %mul3A_500 = arith.mulf %sqrt3A_497, %mul3A_499 : vector<256x128xf32>
    %sub3A_501 = arith.constant 1.000000e+00 : f32
    %sub3A_502 = vector.broadcast %sub3A_501 : f32 to vector<256x128xf32>
    %sub3A_503 = arith.subf %sub3A_502, %mul3A_500 : vector<256x128xf32>
    %max3A_504 = arith.constant 0.000000e+00 : f32
    %max3A_505 = vector.broadcast %max3A_504 : f32 to vector<256x128xf32>
    %max3A_506 = arith.maximumf %sub3A_503, %max3A_505 : vector<256x128xf32>
    %mul3A_507 = arith.mulf %max3A_506, %convert_element_type3A_73 : vector<256x128xf32>
    %slice3A_508 = vector.extract_strided_slice %concatenate3A {offsets = [4096, 0], sizes = [256, 128], strides = [1, 1]} : vector<6400x128xf32> to vector<256x128xf32>
    %dot_general3A_509 = arith.constant dense<0.000000e+00> : vector<128x128xf32>
    %dot_general3A_510 = tpu.matmul %mul3A_507, %slice3A_508, %dot_general3A_509 {dimension_numbers = #tpu.dot_dimension_numbers<[0], [0], [1], [1], [0, 1, 1, 1], [], []>, transpose_lhs_hint = false} : vector<256x128xf32>, vector<256x128xf32>, vector<128x128xf32> -> vector<128x128xf32>
    %slice3A_511 = vector.extract_strided_slice %concatenate3A_11 {offsets = [4352, 0], sizes = [256, 8], strides = [1, 1]} : vector<6400x8xf32> to vector<256x8xf32>
    %slice3A_512 = vector.extract_strided_slice %get3A_14 {offsets = [0, 6528], sizes = [8, 384], strides = [1, 1]} : vector<8x9600xf32> to vector<8x384xf32>
    %dot_general3A_513 = arith.constant dense<0.000000e+00> : vector<256x384xf32>
    %dot_general3A_514 = tpu.matmul %slice3A_511, %slice3A_512, %dot_general3A_513 {dimension_numbers = #tpu.dot_dimension_numbers<[1], [0], [0], [1], [0, 0, 1, 1], [], []>, transpose_lhs_hint = false} : vector<256x8xf32>, vector<8x384xf32>, vector<256x384xf32> -> vector<256x384xf32>
    %slice3A_515 = vector.extract_strided_slice %dot_general3A_514 {offsets = [0, 0], sizes = [256, 128], strides = [1, 1]} : vector<256x384xf32> to vector<256x128xf32>
    %slice3A_516 = vector.extract_strided_slice %dot_general3A_514 {offsets = [0, 128], sizes = [256, 128], strides = [1, 1]} : vector<256x384xf32> to vector<256x128xf32>
    %slice3A_517 = vector.extract_strided_slice %dot_general3A_514 {offsets = [0, 256], sizes = [256, 128], strides = [1, 1]} : vector<256x384xf32> to vector<256x128xf32>
    %mul3A_518 = arith.mulf %slice3A_515, %slice3A_515 : vector<256x128xf32>
    %mul3A_519 = arith.mulf %slice3A_516, %slice3A_516 : vector<256x128xf32>
    %add3A_520 = arith.addf %mul3A_518, %mul3A_519 : vector<256x128xf32>
    %mul3A_521 = arith.mulf %slice3A_517, %slice3A_517 : vector<256x128xf32>
    %add3A_522 = arith.addf %add3A_520, %mul3A_521 : vector<256x128xf32>
    %sqrt3A_523 = math.sqrt %add3A_522 : vector<256x128xf32>
    %mul3A_524 = arith.constant 0.833333313 : f32
    %mul3A_525 = vector.broadcast %mul3A_524 : f32 to vector<256x128xf32>
    %mul3A_526 = arith.mulf %sqrt3A_523, %mul3A_525 : vector<256x128xf32>
    %sub3A_527 = arith.constant 1.000000e+00 : f32
    %sub3A_528 = vector.broadcast %sub3A_527 : f32 to vector<256x128xf32>
    %sub3A_529 = arith.subf %sub3A_528, %mul3A_526 : vector<256x128xf32>
    %max3A_530 = arith.constant 0.000000e+00 : f32
    %max3A_531 = vector.broadcast %max3A_530 : f32 to vector<256x128xf32>
    %max3A_532 = arith.maximumf %sub3A_529, %max3A_531 : vector<256x128xf32>
    %mul3A_533 = arith.mulf %max3A_532, %convert_element_type3A_73 : vector<256x128xf32>
    %slice3A_534 = vector.extract_strided_slice %concatenate3A {offsets = [4352, 0], sizes = [256, 128], strides = [1, 1]} : vector<6400x128xf32> to vector<256x128xf32>
    %dot_general3A_535 = arith.constant dense<0.000000e+00> : vector<128x128xf32>
    %dot_general3A_536 = tpu.matmul %mul3A_533, %slice3A_534, %dot_general3A_535 {dimension_numbers = #tpu.dot_dimension_numbers<[0], [0], [1], [1], [0, 1, 1, 1], [], []>, transpose_lhs_hint = false} : vector<256x128xf32>, vector<256x128xf32>, vector<128x128xf32> -> vector<128x128xf32>
    %slice3A_537 = vector.extract_strided_slice %concatenate3A_11 {offsets = [4608, 0], sizes = [256, 8], strides = [1, 1]} : vector<6400x8xf32> to vector<256x8xf32>
    %slice3A_538 = vector.extract_strided_slice %get3A_14 {offsets = [0, 6912], sizes = [8, 384], strides = [1, 1]} : vector<8x9600xf32> to vector<8x384xf32>
    %dot_general3A_539 = arith.constant dense<0.000000e+00> : vector<256x384xf32>
    %dot_general3A_540 = tpu.matmul %slice3A_537, %slice3A_538, %dot_general3A_539 {dimension_numbers = #tpu.dot_dimension_numbers<[1], [0], [0], [1], [0, 0, 1, 1], [], []>, transpose_lhs_hint = false} : vector<256x8xf32>, vector<8x384xf32>, vector<256x384xf32> -> vector<256x384xf32>
    %slice3A_541 = vector.extract_strided_slice %dot_general3A_540 {offsets = [0, 0], sizes = [256, 128], strides = [1, 1]} : vector<256x384xf32> to vector<256x128xf32>
    %slice3A_542 = vector.extract_strided_slice %dot_general3A_540 {offsets = [0, 128], sizes = [256, 128], strides = [1, 1]} : vector<256x384xf32> to vector<256x128xf32>
    %slice3A_543 = vector.extract_strided_slice %dot_general3A_540 {offsets = [0, 256], sizes = [256, 128], strides = [1, 1]} : vector<256x384xf32> to vector<256x128xf32>
    %mul3A_544 = arith.mulf %slice3A_541, %slice3A_541 : vector<256x128xf32>
    %mul3A_545 = arith.mulf %slice3A_542, %slice3A_542 : vector<256x128xf32>
    %add3A_546 = arith.addf %mul3A_544, %mul3A_545 : vector<256x128xf32>
    %mul3A_547 = arith.mulf %slice3A_543, %slice3A_543 : vector<256x128xf32>
    %add3A_548 = arith.addf %add3A_546, %mul3A_547 : vector<256x128xf32>
    %sqrt3A_549 = math.sqrt %add3A_548 : vector<256x128xf32>
    %mul3A_550 = arith.constant 0.833333313 : f32
    %mul3A_551 = vector.broadcast %mul3A_550 : f32 to vector<256x128xf32>
    %mul3A_552 = arith.mulf %sqrt3A_549, %mul3A_551 : vector<256x128xf32>
    %sub3A_553 = arith.constant 1.000000e+00 : f32
    %sub3A_554 = vector.broadcast %sub3A_553 : f32 to vector<256x128xf32>
    %sub3A_555 = arith.subf %sub3A_554, %mul3A_552 : vector<256x128xf32>
    %max3A_556 = arith.constant 0.000000e+00 : f32
    %max3A_557 = vector.broadcast %max3A_556 : f32 to vector<256x128xf32>
    %max3A_558 = arith.maximumf %sub3A_555, %max3A_557 : vector<256x128xf32>
    %mul3A_559 = arith.mulf %max3A_558, %convert_element_type3A_73 : vector<256x128xf32>
    %slice3A_560 = vector.extract_strided_slice %concatenate3A {offsets = [4608, 0], sizes = [256, 128], strides = [1, 1]} : vector<6400x128xf32> to vector<256x128xf32>
    %dot_general3A_561 = arith.constant dense<0.000000e+00> : vector<128x128xf32>
    %dot_general3A_562 = tpu.matmul %mul3A_559, %slice3A_560, %dot_general3A_561 {dimension_numbers = #tpu.dot_dimension_numbers<[0], [0], [1], [1], [0, 1, 1, 1], [], []>, transpose_lhs_hint = false} : vector<256x128xf32>, vector<256x128xf32>, vector<128x128xf32> -> vector<128x128xf32>
    %slice3A_563 = vector.extract_strided_slice %concatenate3A_11 {offsets = [4864, 0], sizes = [256, 8], strides = [1, 1]} : vector<6400x8xf32> to vector<256x8xf32>
    %slice3A_564 = vector.extract_strided_slice %get3A_14 {offsets = [0, 7296], sizes = [8, 384], strides = [1, 1]} : vector<8x9600xf32> to vector<8x384xf32>
    %dot_general3A_565 = arith.constant dense<0.000000e+00> : vector<256x384xf32>
    %dot_general3A_566 = tpu.matmul %slice3A_563, %slice3A_564, %dot_general3A_565 {dimension_numbers = #tpu.dot_dimension_numbers<[1], [0], [0], [1], [0, 0, 1, 1], [], []>, transpose_lhs_hint = false} : vector<256x8xf32>, vector<8x384xf32>, vector<256x384xf32> -> vector<256x384xf32>
    %slice3A_567 = vector.extract_strided_slice %dot_general3A_566 {offsets = [0, 0], sizes = [256, 128], strides = [1, 1]} : vector<256x384xf32> to vector<256x128xf32>
    %slice3A_568 = vector.extract_strided_slice %dot_general3A_566 {offsets = [0, 128], sizes = [256, 128], strides = [1, 1]} : vector<256x384xf32> to vector<256x128xf32>
    %slice3A_569 = vector.extract_strided_slice %dot_general3A_566 {offsets = [0, 256], sizes = [256, 128], strides = [1, 1]} : vector<256x384xf32> to vector<256x128xf32>
    %mul3A_570 = arith.mulf %slice3A_567, %slice3A_567 : vector<256x128xf32>
    %mul3A_571 = arith.mulf %slice3A_568, %slice3A_568 : vector<256x128xf32>
    %add3A_572 = arith.addf %mul3A_570, %mul3A_571 : vector<256x128xf32>
    %mul3A_573 = arith.mulf %slice3A_569, %slice3A_569 : vector<256x128xf32>
    %add3A_574 = arith.addf %add3A_572, %mul3A_573 : vector<256x128xf32>
    %sqrt3A_575 = math.sqrt %add3A_574 : vector<256x128xf32>
    %mul3A_576 = arith.constant 0.833333313 : f32
    %mul3A_577 = vector.broadcast %mul3A_576 : f32 to vector<256x128xf32>
    %mul3A_578 = arith.mulf %sqrt3A_575, %mul3A_577 : vector<256x128xf32>
    %sub3A_579 = arith.constant 1.000000e+00 : f32
    %sub3A_580 = vector.broadcast %sub3A_579 : f32 to vector<256x128xf32>
    %sub3A_581 = arith.subf %sub3A_580, %mul3A_578 : vector<256x128xf32>
    %max3A_582 = arith.constant 0.000000e+00 : f32
    %max3A_583 = vector.broadcast %max3A_582 : f32 to vector<256x128xf32>
    %max3A_584 = arith.maximumf %sub3A_581, %max3A_583 : vector<256x128xf32>
    %mul3A_585 = arith.mulf %max3A_584, %convert_element_type3A_73 : vector<256x128xf32>
    %slice3A_586 = vector.extract_strided_slice %concatenate3A {offsets = [4864, 0], sizes = [256, 128], strides = [1, 1]} : vector<6400x128xf32> to vector<256x128xf32>
    %dot_general3A_587 = arith.constant dense<0.000000e+00> : vector<128x128xf32>
    %dot_general3A_588 = tpu.matmul %mul3A_585, %slice3A_586, %dot_general3A_587 {dimension_numbers = #tpu.dot_dimension_numbers<[0], [0], [1], [1], [0, 1, 1, 1], [], []>, transpose_lhs_hint = false} : vector<256x128xf32>, vector<256x128xf32>, vector<128x128xf32> -> vector<128x128xf32>
    %slice3A_589 = vector.extract_strided_slice %concatenate3A_11 {offsets = [5120, 0], sizes = [256, 8], strides = [1, 1]} : vector<6400x8xf32> to vector<256x8xf32>
    %slice3A_590 = vector.extract_strided_slice %get3A_14 {offsets = [0, 7680], sizes = [8, 384], strides = [1, 1]} : vector<8x9600xf32> to vector<8x384xf32>
    %dot_general3A_591 = arith.constant dense<0.000000e+00> : vector<256x384xf32>
    %dot_general3A_592 = tpu.matmul %slice3A_589, %slice3A_590, %dot_general3A_591 {dimension_numbers = #tpu.dot_dimension_numbers<[1], [0], [0], [1], [0, 0, 1, 1], [], []>, transpose_lhs_hint = false} : vector<256x8xf32>, vector<8x384xf32>, vector<256x384xf32> -> vector<256x384xf32>
    %slice3A_593 = vector.extract_strided_slice %dot_general3A_592 {offsets = [0, 0], sizes = [256, 128], strides = [1, 1]} : vector<256x384xf32> to vector<256x128xf32>
    %slice3A_594 = vector.extract_strided_slice %dot_general3A_592 {offsets = [0, 128], sizes = [256, 128], strides = [1, 1]} : vector<256x384xf32> to vector<256x128xf32>
    %slice3A_595 = vector.extract_strided_slice %dot_general3A_592 {offsets = [0, 256], sizes = [256, 128], strides = [1, 1]} : vector<256x384xf32> to vector<256x128xf32>
    %mul3A_596 = arith.mulf %slice3A_593, %slice3A_593 : vector<256x128xf32>
    %mul3A_597 = arith.mulf %slice3A_594, %slice3A_594 : vector<256x128xf32>
    %add3A_598 = arith.addf %mul3A_596, %mul3A_597 : vector<256x128xf32>
    %mul3A_599 = arith.mulf %slice3A_595, %slice3A_595 : vector<256x128xf32>
    %add3A_600 = arith.addf %add3A_598, %mul3A_599 : vector<256x128xf32>
    %sqrt3A_601 = math.sqrt %add3A_600 : vector<256x128xf32>
    %mul3A_602 = arith.constant 0.833333313 : f32
    %mul3A_603 = vector.broadcast %mul3A_602 : f32 to vector<256x128xf32>
    %mul3A_604 = arith.mulf %sqrt3A_601, %mul3A_603 : vector<256x128xf32>
    %sub3A_605 = arith.constant 1.000000e+00 : f32
    %sub3A_606 = vector.broadcast %sub3A_605 : f32 to vector<256x128xf32>
    %sub3A_607 = arith.subf %sub3A_606, %mul3A_604 : vector<256x128xf32>
    %max3A_608 = arith.constant 0.000000e+00 : f32
    %max3A_609 = vector.broadcast %max3A_608 : f32 to vector<256x128xf32>
    %max3A_610 = arith.maximumf %sub3A_607, %max3A_609 : vector<256x128xf32>
    %mul3A_611 = arith.mulf %max3A_610, %convert_element_type3A_73 : vector<256x128xf32>
    %slice3A_612 = vector.extract_strided_slice %concatenate3A {offsets = [5120, 0], sizes = [256, 128], strides = [1, 1]} : vector<6400x128xf32> to vector<256x128xf32>
    %dot_general3A_613 = arith.constant dense<0.000000e+00> : vector<128x128xf32>
    %dot_general3A_614 = tpu.matmul %mul3A_611, %slice3A_612, %dot_general3A_613 {dimension_numbers = #tpu.dot_dimension_numbers<[0], [0], [1], [1], [0, 1, 1, 1], [], []>, transpose_lhs_hint = false} : vector<256x128xf32>, vector<256x128xf32>, vector<128x128xf32> -> vector<128x128xf32>
    %slice3A_615 = vector.extract_strided_slice %concatenate3A_11 {offsets = [5376, 0], sizes = [256, 8], strides = [1, 1]} : vector<6400x8xf32> to vector<256x8xf32>
    %slice3A_616 = vector.extract_strided_slice %get3A_14 {offsets = [0, 8064], sizes = [8, 384], strides = [1, 1]} : vector<8x9600xf32> to vector<8x384xf32>
    %dot_general3A_617 = arith.constant dense<0.000000e+00> : vector<256x384xf32>
    %dot_general3A_618 = tpu.matmul %slice3A_615, %slice3A_616, %dot_general3A_617 {dimension_numbers = #tpu.dot_dimension_numbers<[1], [0], [0], [1], [0, 0, 1, 1], [], []>, transpose_lhs_hint = false} : vector<256x8xf32>, vector<8x384xf32>, vector<256x384xf32> -> vector<256x384xf32>
    %slice3A_619 = vector.extract_strided_slice %dot_general3A_618 {offsets = [0, 0], sizes = [256, 128], strides = [1, 1]} : vector<256x384xf32> to vector<256x128xf32>
    %slice3A_620 = vector.extract_strided_slice %dot_general3A_618 {offsets = [0, 128], sizes = [256, 128], strides = [1, 1]} : vector<256x384xf32> to vector<256x128xf32>
    %slice3A_621 = vector.extract_strided_slice %dot_general3A_618 {offsets = [0, 256], sizes = [256, 128], strides = [1, 1]} : vector<256x384xf32> to vector<256x128xf32>
    %mul3A_622 = arith.mulf %slice3A_619, %slice3A_619 : vector<256x128xf32>
    %mul3A_623 = arith.mulf %slice3A_620, %slice3A_620 : vector<256x128xf32>
    %add3A_624 = arith.addf %mul3A_622, %mul3A_623 : vector<256x128xf32>
    %mul3A_625 = arith.mulf %slice3A_621, %slice3A_621 : vector<256x128xf32>
    %add3A_626 = arith.addf %add3A_624, %mul3A_625 : vector<256x128xf32>
    %sqrt3A_627 = math.sqrt %add3A_626 : vector<256x128xf32>
    %mul3A_628 = arith.constant 0.833333313 : f32
    %mul3A_629 = vector.broadcast %mul3A_628 : f32 to vector<256x128xf32>
    %mul3A_630 = arith.mulf %sqrt3A_627, %mul3A_629 : vector<256x128xf32>
    %sub3A_631 = arith.constant 1.000000e+00 : f32
    %sub3A_632 = vector.broadcast %sub3A_631 : f32 to vector<256x128xf32>
    %sub3A_633 = arith.subf %sub3A_632, %mul3A_630 : vector<256x128xf32>
    %max3A_634 = arith.constant 0.000000e+00 : f32
    %max3A_635 = vector.broadcast %max3A_634 : f32 to vector<256x128xf32>
    %max3A_636 = arith.maximumf %sub3A_633, %max3A_635 : vector<256x128xf32>
    %mul3A_637 = arith.mulf %max3A_636, %convert_element_type3A_73 : vector<256x128xf32>
    %slice3A_638 = vector.extract_strided_slice %concatenate3A {offsets = [5376, 0], sizes = [256, 128], strides = [1, 1]} : vector<6400x128xf32> to vector<256x128xf32>
    %dot_general3A_639 = arith.constant dense<0.000000e+00> : vector<128x128xf32>
    %dot_general3A_640 = tpu.matmul %mul3A_637, %slice3A_638, %dot_general3A_639 {dimension_numbers = #tpu.dot_dimension_numbers<[0], [0], [1], [1], [0, 1, 1, 1], [], []>, transpose_lhs_hint = false} : vector<256x128xf32>, vector<256x128xf32>, vector<128x128xf32> -> vector<128x128xf32>
    %slice3A_641 = vector.extract_strided_slice %concatenate3A_11 {offsets = [5632, 0], sizes = [256, 8], strides = [1, 1]} : vector<6400x8xf32> to vector<256x8xf32>
    %slice3A_642 = vector.extract_strided_slice %get3A_14 {offsets = [0, 8448], sizes = [8, 384], strides = [1, 1]} : vector<8x9600xf32> to vector<8x384xf32>
    %dot_general3A_643 = arith.constant dense<0.000000e+00> : vector<256x384xf32>
    %dot_general3A_644 = tpu.matmul %slice3A_641, %slice3A_642, %dot_general3A_643 {dimension_numbers = #tpu.dot_dimension_numbers<[1], [0], [0], [1], [0, 0, 1, 1], [], []>, transpose_lhs_hint = false} : vector<256x8xf32>, vector<8x384xf32>, vector<256x384xf32> -> vector<256x384xf32>
    %slice3A_645 = vector.extract_strided_slice %dot_general3A_644 {offsets = [0, 0], sizes = [256, 128], strides = [1, 1]} : vector<256x384xf32> to vector<256x128xf32>
    %slice3A_646 = vector.extract_strided_slice %dot_general3A_644 {offsets = [0, 128], sizes = [256, 128], strides = [1, 1]} : vector<256x384xf32> to vector<256x128xf32>
    %slice3A_647 = vector.extract_strided_slice %dot_general3A_644 {offsets = [0, 256], sizes = [256, 128], strides = [1, 1]} : vector<256x384xf32> to vector<256x128xf32>
    %mul3A_648 = arith.mulf %slice3A_645, %slice3A_645 : vector<256x128xf32>
    %mul3A_649 = arith.mulf %slice3A_646, %slice3A_646 : vector<256x128xf32>
    %add3A_650 = arith.addf %mul3A_648, %mul3A_649 : vector<256x128xf32>
    %mul3A_651 = arith.mulf %slice3A_647, %slice3A_647 : vector<256x128xf32>
    %add3A_652 = arith.addf %add3A_650, %mul3A_651 : vector<256x128xf32>
    %sqrt3A_653 = math.sqrt %add3A_652 : vector<256x128xf32>
    %mul3A_654 = arith.constant 0.833333313 : f32
    %mul3A_655 = vector.broadcast %mul3A_654 : f32 to vector<256x128xf32>
    %mul3A_656 = arith.mulf %sqrt3A_653, %mul3A_655 : vector<256x128xf32>
    %sub3A_657 = arith.constant 1.000000e+00 : f32
    %sub3A_658 = vector.broadcast %sub3A_657 : f32 to vector<256x128xf32>
    %sub3A_659 = arith.subf %sub3A_658, %mul3A_656 : vector<256x128xf32>
    %max3A_660 = arith.constant 0.000000e+00 : f32
    %max3A_661 = vector.broadcast %max3A_660 : f32 to vector<256x128xf32>
    %max3A_662 = arith.maximumf %sub3A_659, %max3A_661 : vector<256x128xf32>
    %mul3A_663 = arith.mulf %max3A_662, %convert_element_type3A_73 : vector<256x128xf32>
    %slice3A_664 = vector.extract_strided_slice %concatenate3A {offsets = [5632, 0], sizes = [256, 128], strides = [1, 1]} : vector<6400x128xf32> to vector<256x128xf32>
    %dot_general3A_665 = arith.constant dense<0.000000e+00> : vector<128x128xf32>
    %dot_general3A_666 = tpu.matmul %mul3A_663, %slice3A_664, %dot_general3A_665 {dimension_numbers = #tpu.dot_dimension_numbers<[0], [0], [1], [1], [0, 1, 1, 1], [], []>, transpose_lhs_hint = false} : vector<256x128xf32>, vector<256x128xf32>, vector<128x128xf32> -> vector<128x128xf32>
    %slice3A_667 = vector.extract_strided_slice %concatenate3A_11 {offsets = [5888, 0], sizes = [256, 8], strides = [1, 1]} : vector<6400x8xf32> to vector<256x8xf32>
    %slice3A_668 = vector.extract_strided_slice %get3A_14 {offsets = [0, 8832], sizes = [8, 384], strides = [1, 1]} : vector<8x9600xf32> to vector<8x384xf32>
    %dot_general3A_669 = arith.constant dense<0.000000e+00> : vector<256x384xf32>
    %dot_general3A_670 = tpu.matmul %slice3A_667, %slice3A_668, %dot_general3A_669 {dimension_numbers = #tpu.dot_dimension_numbers<[1], [0], [0], [1], [0, 0, 1, 1], [], []>, transpose_lhs_hint = false} : vector<256x8xf32>, vector<8x384xf32>, vector<256x384xf32> -> vector<256x384xf32>
    %slice3A_671 = vector.extract_strided_slice %dot_general3A_670 {offsets = [0, 0], sizes = [256, 128], strides = [1, 1]} : vector<256x384xf32> to vector<256x128xf32>
    %slice3A_672 = vector.extract_strided_slice %dot_general3A_670 {offsets = [0, 128], sizes = [256, 128], strides = [1, 1]} : vector<256x384xf32> to vector<256x128xf32>
    %slice3A_673 = vector.extract_strided_slice %dot_general3A_670 {offsets = [0, 256], sizes = [256, 128], strides = [1, 1]} : vector<256x384xf32> to vector<256x128xf32>
    %mul3A_674 = arith.mulf %slice3A_671, %slice3A_671 : vector<256x128xf32>
    %mul3A_675 = arith.mulf %slice3A_672, %slice3A_672 : vector<256x128xf32>
    %add3A_676 = arith.addf %mul3A_674, %mul3A_675 : vector<256x128xf32>
    %mul3A_677 = arith.mulf %slice3A_673, %slice3A_673 : vector<256x128xf32>
    %add3A_678 = arith.addf %add3A_676, %mul3A_677 : vector<256x128xf32>
    %sqrt3A_679 = math.sqrt %add3A_678 : vector<256x128xf32>
    %mul3A_680 = arith.constant 0.833333313 : f32
    %mul3A_681 = vector.broadcast %mul3A_680 : f32 to vector<256x128xf32>
    %mul3A_682 = arith.mulf %sqrt3A_679, %mul3A_681 : vector<256x128xf32>
    %sub3A_683 = arith.constant 1.000000e+00 : f32
    %sub3A_684 = vector.broadcast %sub3A_683 : f32 to vector<256x128xf32>
    %sub3A_685 = arith.subf %sub3A_684, %mul3A_682 : vector<256x128xf32>
    %max3A_686 = arith.constant 0.000000e+00 : f32
    %max3A_687 = vector.broadcast %max3A_686 : f32 to vector<256x128xf32>
    %max3A_688 = arith.maximumf %sub3A_685, %max3A_687 : vector<256x128xf32>
    %mul3A_689 = arith.mulf %max3A_688, %convert_element_type3A_73 : vector<256x128xf32>
    %slice3A_690 = vector.extract_strided_slice %concatenate3A {offsets = [5888, 0], sizes = [256, 128], strides = [1, 1]} : vector<6400x128xf32> to vector<256x128xf32>
    %dot_general3A_691 = arith.constant dense<0.000000e+00> : vector<128x128xf32>
    %dot_general3A_692 = tpu.matmul %mul3A_689, %slice3A_690, %dot_general3A_691 {dimension_numbers = #tpu.dot_dimension_numbers<[0], [0], [1], [1], [0, 1, 1, 1], [], []>, transpose_lhs_hint = false} : vector<256x128xf32>, vector<256x128xf32>, vector<128x128xf32> -> vector<128x128xf32>
    %slice3A_693 = vector.extract_strided_slice %concatenate3A_11 {offsets = [6144, 0], sizes = [256, 8], strides = [1, 1]} : vector<6400x8xf32> to vector<256x8xf32>
    %slice3A_694 = vector.extract_strided_slice %get3A_14 {offsets = [0, 9216], sizes = [8, 384], strides = [1, 1]} : vector<8x9600xf32> to vector<8x384xf32>
    %dot_general3A_695 = arith.constant dense<0.000000e+00> : vector<256x384xf32>
    %dot_general3A_696 = tpu.matmul %slice3A_693, %slice3A_694, %dot_general3A_695 {dimension_numbers = #tpu.dot_dimension_numbers<[1], [0], [0], [1], [0, 0, 1, 1], [], []>, transpose_lhs_hint = false} : vector<256x8xf32>, vector<8x384xf32>, vector<256x384xf32> -> vector<256x384xf32>
    %slice3A_697 = vector.extract_strided_slice %dot_general3A_696 {offsets = [0, 0], sizes = [256, 128], strides = [1, 1]} : vector<256x384xf32> to vector<256x128xf32>
    %slice3A_698 = vector.extract_strided_slice %dot_general3A_696 {offsets = [0, 128], sizes = [256, 128], strides = [1, 1]} : vector<256x384xf32> to vector<256x128xf32>
    %slice3A_699 = vector.extract_strided_slice %dot_general3A_696 {offsets = [0, 256], sizes = [256, 128], strides = [1, 1]} : vector<256x384xf32> to vector<256x128xf32>
    %mul3A_700 = arith.mulf %slice3A_697, %slice3A_697 : vector<256x128xf32>
    %mul3A_701 = arith.mulf %slice3A_698, %slice3A_698 : vector<256x128xf32>
    %add3A_702 = arith.addf %mul3A_700, %mul3A_701 : vector<256x128xf32>
    %mul3A_703 = arith.mulf %slice3A_699, %slice3A_699 : vector<256x128xf32>
    %add3A_704 = arith.addf %add3A_702, %mul3A_703 : vector<256x128xf32>
    %sqrt3A_705 = math.sqrt %add3A_704 : vector<256x128xf32>
    %mul3A_706 = arith.constant 0.833333313 : f32
    %mul3A_707 = vector.broadcast %mul3A_706 : f32 to vector<256x128xf32>
    %mul3A_708 = arith.mulf %sqrt3A_705, %mul3A_707 : vector<256x128xf32>
    %sub3A_709 = arith.constant 1.000000e+00 : f32
    %sub3A_710 = vector.broadcast %sub3A_709 : f32 to vector<256x128xf32>
    %sub3A_711 = arith.subf %sub3A_710, %mul3A_708 : vector<256x128xf32>
    %max3A_712 = arith.constant 0.000000e+00 : f32
    %max3A_713 = vector.broadcast %max3A_712 : f32 to vector<256x128xf32>
    %max3A_714 = arith.maximumf %sub3A_711, %max3A_713 : vector<256x128xf32>
    %mul3A_715 = arith.mulf %max3A_714, %convert_element_type3A_73 : vector<256x128xf32>
    %slice3A_716 = vector.extract_strided_slice %concatenate3A {offsets = [6144, 0], sizes = [256, 128], strides = [1, 1]} : vector<6400x128xf32> to vector<256x128xf32>
    %dot_general3A_717 = arith.constant dense<0.000000e+00> : vector<128x128xf32>
    %dot_general3A_718 = tpu.matmul %mul3A_715, %slice3A_716, %dot_general3A_717 {dimension_numbers = #tpu.dot_dimension_numbers<[0], [0], [1], [1], [0, 1, 1, 1], [], []>, transpose_lhs_hint = false} : vector<256x128xf32>, vector<256x128xf32>, vector<128x128xf32> -> vector<128x128xf32>
    %concatenate3A_719 = tpu.concatenate %dot_general3A_94, %dot_general3A_120, %dot_general3A_146, %dot_general3A_172, %dot_general3A_198, %dot_general3A_224, %dot_general3A_250, %dot_general3A_276, %dot_general3A_302, %dot_general3A_328, %dot_general3A_354, %dot_general3A_380, %dot_general3A_406, %dot_general3A_432, %dot_general3A_458, %dot_general3A_484, %dot_general3A_510, %dot_general3A_536, %dot_general3A_562, %dot_general3A_588, %dot_general3A_614, %dot_general3A_640, %dot_general3A_666, %dot_general3A_692, %dot_general3A_718 in 0 : vector<128x128xf32>, vector<128x128xf32>, vector<128x128xf32>, vector<128x128xf32>, vector<128x128xf32>, vector<128x128xf32>, vector<128x128xf32>, vector<128x128xf32>, vector<128x128xf32>, vector<128x128xf32>, vector<128x128xf32>, vector<128x128xf32>, vector<128x128xf32>, vector<128x128xf32>, vector<128x128xf32>, vector<128x128xf32>, vector<128x128xf32>, vector<128x128xf32>, vector<128x128xf32>, vector<128x128xf32>, vector<128x128xf32>, vector<128x128xf32>, vector<128x128xf32>, vector<128x128xf32>, vector<128x128xf32> -> vector<3200x128xf32>
    %reshape3A = vector.shape_cast %concatenate3A_719 : vector<3200x128xf32> to vector<200x2048xf32>
    %get3A_720 = arith.constant 0 : index
    %get3A_721 = arith.constant 0 : index
    %get3A_722 = vector.load %arg2[%get3A_720, %get3A_721] : memref<2048x128xf32, #tpu.memory_space<vmem>>, vector<2048x128xf32>
    %dot_general3A_723 = arith.constant dense<0.000000e+00> : vector<200x128xf32>
    %dot_general3A_724 = tpu.matmul %reshape3A, %get3A_722, %dot_general3A_723 {dimension_numbers = #tpu.dot_dimension_numbers<[1], [0], [0], [1], [0, 0, 1, 1], [], []>, transpose_lhs_hint = false} : vector<200x2048xf32>, vector<2048x128xf32>, vector<200x128xf32> -> vector<200x128xf32>
    %swap3A = arith.constant 0 : index
    %swap3A_725 = arith.constant 0 : index
    %swap3A_726 = vector.load %arg4[%swap3A, %swap3A_725] : memref<200x128xf32, #tpu.memory_space<vmem>>, vector<200x128xf32>
    tpu.vector_store %arg4[%swap3A, %swap3A_725], %dot_general3A_724 {strides = array<i32>} : memref<200x128xf32, #tpu.memory_space<vmem>>, vector<200x128xf32>,
    return
  }
  func.func @transform_0(%arg0: i32) -> (i32, i32) {
    %add3A = arith.constant 30 : i32
    %add3A_0 = arith.addi %add3A, %arg0 : i32
    %c0_i32 = arith.constant 0 : i32
    %c0_i32_1 = arith.constant 0 : i32
    return %c0_i32, %add3A_0 : i32, i32
  }
  func.func @transform_1(%arg0: i32) -> (i32, i32) {
    %c0_i32 = arith.constant 0 : i32
    %c0_i32_0 = arith.constant 0 : i32
    %c0_i32_1 = arith.constant 0 : i32
    return %c0_i32, %c0_i32_0 : i32, i32
  }
  func.func @transform_2(%arg0: i32) -> (i32, i32) {
    %c0_i32 = arith.constant 0 : i32
    %c0_i32_0 = arith.constant 0 : i32
    return %arg0, %c0_i32 : i32, i32
  }
  func.func @transform_3(%arg0: i32) -> (i32, i32) {
    %c0_i32 = arith.constant 0 : i32
    %c0_i32_0 = arith.constant 0 : i32
    return %arg0, %c0_i32 : i32, i32
  }
}

module attributes {stable_mosaic.version = 14 : i64} {
  func.func @_tc_body(%arg0: i32, %arg1: memref<8x9600xf32, #tpu.memory_space<vmem>>, %arg2: memref<2048x128xf32, #tpu.memory_space<vmem>>, %arg3: memref<6400x128xf32, #tpu.memory_space<vmem>>, %arg4: memref<200x128xf32, #tpu.memory_space<vmem>>) attributes {dimension_semantics = [#tpu.dimension_semantics<arbitrary>], iteration_bounds = array<i64: 10>, scalar_prefetch = 0 : i64, scratch_operands = 0 : i64, tpu.core_type = #tpu.core_type<tc>, window_params = [{transform_indices = @transform_0, window_bounds = array<i64: 8, 9600>}, {pipeline_mode = #tpu.pipeline_mode<synchronous>, transform_indices = @transform_1, window_bounds = array<i64: 2048, 128>}, {transform_indices = @transform_2, window_bounds = array<i64: 6400, 128>}, {transform_indices = @transform_3, window_bounds = array<i64: 200, 128>}]} {
    %get3A = arith.constant 0 : index
    %get3A_0 = arith.constant 0 : index
    %get3A_1 = vector.load %arg3[%get3A, %get3A_0] : memref<6400x128xf32, #tpu.memory_space<vmem>>, vector<6400x128xf32>
    %slice3A = vector.extract_strided_slice %get3A_1 {offsets = [0, 0], sizes = [6400, 64], strides = [1, 1]} : vector<6400x128xf32> to vector<6400x64xf32>
    %bitcast_convert_type3A = tpu.bitcast %slice3A : vector<6400x64xf32> -> vector<6400x64xi32>
    %shift_left3A = arith.constant 16 : i32
    %shift_left3A_2 = vector.broadcast %shift_left3A : i32 to vector<6400x64xi32>
    %shift_left3A_3 = arith.shli %bitcast_convert_type3A, %shift_left3A_2 : vector<6400x64xi32>
    %bitcast_convert_type3A_4 = tpu.bitcast %shift_left3A_3 : vector<6400x64xi32> -> vector<6400x64xf32>
    %and3A = arith.constant -65536 : i32
    %and3A_5 = vector.broadcast %and3A : i32 to vector<6400x64xi32>
    %and3A_6 = arith.andi %bitcast_convert_type3A, %and3A_5 : vector<6400x64xi32>
    %bitcast_convert_type3A_7 = tpu.bitcast %and3A_6 : vector<6400x64xi32> -> vector<6400x64xf32>
    %concatenate3A = tpu.concatenate %bitcast_convert_type3A_4, %bitcast_convert_type3A_7 in 1 : vector<6400x64xf32>, vector<6400x64xf32> -> vector<6400x128xf32>
    %slice3A_8 = vector.extract_strided_slice %get3A_1 {offsets = [0, 64], sizes = [6400, 3], strides = [1, 1]} : vector<6400x128xf32> to vector<6400x3xf32>
    %convert_element_type3A = arith.truncf %slice3A_8 : vector<6400x3xf32> to vector<6400x3xbf16>
    %convert_element_type3A_9 = arith.extf %convert_element_type3A : vector<6400x3xbf16> to vector<6400x3xf32>
    %sub3A = arith.subf %slice3A_8, %convert_element_type3A_9 : vector<6400x3xf32>
    %slice3A_10 = vector.extract_strided_slice %get3A_1 {offsets = [0, 67], sizes = [6400, 2], strides = [1, 1]} : vector<6400x128xf32> to vector<6400x2xf32>
    %concatenate3A_11 = tpu.concatenate %convert_element_type3A_9, %sub3A, %slice3A_10 in 1 : vector<6400x3xf32>, vector<6400x3xf32>, vector<6400x2xf32> -> vector<6400x8xf32>
    %get3A_12 = arith.constant 0 : index
    %get3A_13 = arith.constant 0 : index
    %get3A_14 = vector.load %arg1[%get3A_12, %get3A_13] : memref<8x9600xf32, #tpu.memory_space<vmem>>, vector<8x9600xf32>
    %iota3A = tpu.iota {dimensions = array<i32: 0>} : vector<256x128xi32>
    %iota3A_15 = tpu.iota {dimensions = array<i32: 1>} : vector<256x128xi32>
    %jit3A = arith.constant 32 : i32
    %div3A = vector.broadcast %jit3A : i32 to vector<256x128xi32>
    %div3A_16 = arith.divsi %iota3A, %div3A : vector<256x128xi32>
    %sign3A = arith.constant 0 : i32
    %sign3A_17 = vector.broadcast %sign3A : i32 to vector<256x128xi32>
    %sign3A_18 = arith.cmpi sgt, %iota3A, %sign3A_17 : vector<256x128xi32>
    %sign3A_19 = arith.extui %sign3A_18 : vector<256x128xi1> to vector<256x128xi32>
    %sign3A_20 = arith.constant 0 : i32
    %sign3A_21 = vector.broadcast %sign3A_20 : i32 to vector<256x128xi32>
    %sign3A_22 = arith.cmpi slt, %iota3A, %sign3A_21 : vector<256x128xi32>
    %sign3A_23 = arith.extui %sign3A_22 : vector<256x128xi1> to vector<256x128xi32>
    %sign3A_24 = arith.subi %sign3A_19, %sign3A_23 : vector<256x128xi32>
    %sign3A_25 = arith.constant 0 : i32
    %sign3A_26 = arith.cmpi sgt, %jit3A, %sign3A_25 : i32
    %sign3A_27 = arith.extui %sign3A_26 : i1 to i32
    %sign3A_28 = arith.constant 0 : i32
    %sign3A_29 = arith.cmpi slt, %jit3A, %sign3A_28 : i32
    %sign3A_30 = arith.extui %sign3A_29 : i1 to i32
    %sign3A_31 = arith.subi %sign3A_27, %sign3A_30 : i32
    %ne3A = vector.broadcast %sign3A_31 : i32 to vector<256x128xi32>
    %ne3A_32 = arith.cmpi ne, %sign3A_24, %ne3A : vector<256x128xi32>
    %rem3A = vector.broadcast %jit3A : i32 to vector<256x128xi32>
    %rem3A_33 = arith.remsi %iota3A, %rem3A : vector<256x128xi32>
    %ne3A_34 = arith.constant 0 : i32
    %ne3A_35 = vector.broadcast %ne3A_34 : i32 to vector<256x128xi32>
    %ne3A_36 = arith.cmpi ne, %rem3A_33, %ne3A_35 : vector<256x128xi32>
    %and3A_37 = arith.andi %ne3A_32, %ne3A_36 : vector<256x128xi1>
    %sub3A_38 = arith.constant 1 : i32
    %sub3A_39 = vector.broadcast %sub3A_38 : i32 to vector<256x128xi32>
    %sub3A_40 = arith.subi %div3A_16, %sub3A_39 : vector<256x128xi32>
    %select_n3A = arith.select %and3A_37, %sub3A_40, %div3A_16 : vector<256x128xi1>, vector<256x128xi32>
    %jit3A_41 = arith.constant 16 : i32
    %div3A_42 = vector.broadcast %jit3A_41 : i32 to vector<256x128xi32>
    %div3A_43 = arith.divsi %iota3A_15, %div3A_42 : vector<256x128xi32>
    %sign3A_44 = arith.constant 0 : i32
    %sign3A_45 = vector.broadcast %sign3A_44 : i32 to vector<256x128xi32>
    %sign3A_46 = arith.cmpi sgt, %iota3A_15, %sign3A_45 : vector<256x128xi32>
    %sign3A_47 = arith.extui %sign3A_46 : vector<256x128xi1> to vector<256x128xi32>
    %sign3A_48 = arith.constant 0 : i32
    %sign3A_49 = vector.broadcast %sign3A_48 : i32 to vector<256x128xi32>
    %sign3A_50 = arith.cmpi slt, %iota3A_15, %sign3A_49 : vector<256x128xi32>
    %sign3A_51 = arith.extui %sign3A_50 : vector<256x128xi1> to vector<256x128xi32>
    %sign3A_52 = arith.subi %sign3A_47, %sign3A_51 : vector<256x128xi32>
    %sign3A_53 = arith.constant 0 : i32
    %sign3A_54 = arith.cmpi sgt, %jit3A_41, %sign3A_53 : i32
    %sign3A_55 = arith.extui %sign3A_54 : i1 to i32
    %sign3A_56 = arith.constant 0 : i32
    %sign3A_57 = arith.cmpi slt, %jit3A_41, %sign3A_56 : i32
    %sign3A_58 = arith.extui %sign3A_57 : i1 to i32
    %sign3A_59 = arith.subi %sign3A_55, %sign3A_58 : i32
    %ne3A_60 = vector.broadcast %sign3A_59 : i32 to vector<256x128xi32>
    %ne3A_61 = arith.cmpi ne, %sign3A_52, %ne3A_60 : vector<256x128xi32>
    %rem3A_62 = vector.broadcast %jit3A_41 : i32 to vector<256x128xi32>
    %rem3A_63 = arith.remsi %iota3A_15, %rem3A_62 : vector<256x128xi32>
    %ne3A_64 = arith.constant 0 : i32
    %ne3A_65 = vector.broadcast %ne3A_64 : i32 to vector<256x128xi32>
    %ne3A_66 = arith.cmpi ne, %rem3A_63, %ne3A_65 : vector<256x128xi32>
    %and3A_67 = arith.andi %ne3A_61, %ne3A_66 : vector<256x128xi1>
    %sub3A_68 = arith.constant 1 : i32
    %sub3A_69 = vector.broadcast %sub3A_68 : i32 to vector<256x128xi32>
    %sub3A_70 = arith.subi %div3A_43, %sub3A_69 : vector<256x128xi32>
    %select_n3A_71 = arith.select %and3A_67, %sub3A_70, %div3A_43 : vector<256x128xi1>, vector<256x128xi32>
    %eq3A = arith.cmpi eq, %select_n3A, %select_n3A_71 : vector<256x128xi32>
    %convert_element_type3A_72 = arith.extui %eq3A : vector<256x128xi1> to vector<256x128xi32>
    %convert_element_type3A_73 = arith.sitofp %convert_element_type3A_72 : vector<256x128xi32> to vector<256x128xf32>
    %slice3A_74 = vector.extract_strided_slice %concatenate3A_11 {offsets = [0, 0], sizes = [256, 8], strides = [1, 1]} : vector<6400x8xf32> to vector<256x8xf32>
    %slice3A_75 = vector.extract_strided_slice %get3A_14 {offsets = [0, 0], sizes = [8, 384], strides = [1, 1]} : vector<8x9600xf32> to vector<8x384xf32>
    %dot_general3A = arith.constant dense<0.000000e+00> : vector<256x384xf32>
    %dot_general3A_76 = tpu.matmul %slice3A_74, %slice3A_75, %dot_general3A {dimension_numbers = #tpu.dot_dimension_numbers<[1], [0], [0], [1], [0, 0, 1, 1], [], []>, transpose_lhs_hint = false} : vector<256x8xf32>, vector<8x384xf32>, vector<256x384xf32> -> vector<256x384xf32>
    %slice3A_77 = vector.extract_strided_slice %dot_general3A_76 {offsets = [0, 0], sizes = [256, 128], strides = [1, 1]} : vector<256x384xf32> to vector<256x128xf32>
    %slice3A_78 = vector.extract_strided_slice %dot_general3A_76 {offsets = [0, 128], sizes = [256, 128], strides = [1, 1]} : vector<256x384xf32> to vector<256x128xf32>
    %slice3A_79 = vector.extract_strided_slice %dot_general3A_76 {offsets = [0, 256], sizes = [256, 128], strides = [1, 1]} : vector<256x384xf32> to vector<256x128xf32>
    %mul3A = arith.mulf %slice3A_77, %slice3A_77 : vector<256x128xf32>
    %mul3A_80 = arith.mulf %slice3A_78, %slice3A_78 : vector<256x128xf32>
    %add3A = arith.addf %mul3A, %mul3A_80 : vector<256x128xf32>
    %mul3A_81 = arith.mulf %slice3A_79, %slice3A_79 : vector<256x128xf32>
    %add3A_82 = arith.addf %add3A, %mul3A_81 : vector<256x128xf32>
    %sqrt3A = math.sqrt %add3A_82 : vector<256x128xf32>
    %mul3A_83 = arith.constant 0.833333313 : f32
    %mul3A_84 = vector.broadcast %mul3A_83 : f32 to vector<256x128xf32>
    %mul3A_85 = arith.mulf %sqrt3A, %mul3A_84 : vector<256x128xf32>
    %sub3A_86 = arith.constant 1.000000e+00 : f32
    %sub3A_87 = vector.broadcast %sub3A_86 : f32 to vector<256x128xf32>
    %sub3A_88 = arith.subf %sub3A_87, %mul3A_85 : vector<256x128xf32>
    %max3A = arith.constant 0.000000e+00 : f32
    %max3A_89 = vector.broadcast %max3A : f32 to vector<256x128xf32>
    %max3A_90 = arith.maximumf %sub3A_88, %max3A_89 : vector<256x128xf32>
    %mul3A_91 = arith.mulf %max3A_90, %convert_element_type3A_73 : vector<256x128xf32>
    %slice3A_92 = vector.extract_strided_slice %concatenate3A {offsets = [0, 0], sizes = [256, 128], strides = [1, 1]} : vector<6400x128xf32> to vector<256x128xf32>
    %dot_general3A_93 = arith.constant dense<0.000000e+00> : vector<128x128xf32>
    %dot_general3A_94 = tpu.matmul %mul3A_91, %slice3A_92, %dot_general3A_93 {dimension_numbers = #tpu.dot_dimension_numbers<[0], [0], [1], [1], [0, 1, 1, 1], [], []>, transpose_lhs_hint = false} : vector<256x128xf32>, vector<256x128xf32>, vector<128x128xf32> -> vector<128x128xf32>
    %slice3A_95 = vector.extract_strided_slice %concatenate3A_11 {offsets = [256, 0], sizes = [256, 8], strides = [1, 1]} : vector<6400x8xf32> to vector<256x8xf32>
    %slice3A_96 = vector.extract_strided_slice %get3A_14 {offsets = [0, 384], sizes = [8, 384], strides = [1, 1]} : vector<8x9600xf32> to vector<8x384xf32>
    %dot_general3A_97 = arith.constant dense<0.000000e+00> : vector<256x384xf32>
    %dot_general3A_98 = tpu.matmul %slice3A_95, %slice3A_96, %dot_general3A_97 {dimension_numbers = #tpu.dot_dimension_numbers<[1], [0], [0], [1], [0, 0, 1, 1], [], []>, transpose_lhs_hint = false} : vector<256x8xf32>, vector<8x384xf32>, vector<256x384xf32> -> vector<256x384xf32>
    %slice3A_99 = vector.extract_strided_slice %dot_general3A_98 {offsets = [0, 0], sizes = [256, 128], strides = [1, 1]} : vector<256x384xf32> to vector<256x128xf32>
    %slice3A_100 = vector.extract_strided_slice %dot_general3A_98 {offsets = [0, 128], sizes = [256, 128], strides = [1, 1]} : vector<256x384xf32> to vector<256x128xf32>
    %slice3A_101 = vector.extract_strided_slice %dot_general3A_98 {offsets = [0, 256], sizes = [256, 128], strides = [1, 1]} : vector<256x384xf32> to vector<256x128xf32>
    %mul3A_102 = arith.mulf %slice3A_99, %slice3A_99 : vector<256x128xf32>
    %mul3A_103 = arith.mulf %slice3A_100, %slice3A_100 : vector<256x128xf32>
    %add3A_104 = arith.addf %mul3A_102, %mul3A_103 : vector<256x128xf32>
    %mul3A_105 = arith.mulf %slice3A_101, %slice3A_101 : vector<256x128xf32>
    %add3A_106 = arith.addf %add3A_104, %mul3A_105 : vector<256x128xf32>
    %sqrt3A_107 = math.sqrt %add3A_106 : vector<256x128xf32>
    %mul3A_108 = arith.constant 0.833333313 : f32
    %mul3A_109 = vector.broadcast %mul3A_108 : f32 to vector<256x128xf32>
    %mul3A_110 = arith.mulf %sqrt3A_107, %mul3A_109 : vector<256x128xf32>
    %sub3A_111 = arith.constant 1.000000e+00 : f32
    %sub3A_112 = vector.broadcast %sub3A_111 : f32 to vector<256x128xf32>
    %sub3A_113 = arith.subf %sub3A_112, %mul3A_110 : vector<256x128xf32>
    %max3A_114 = arith.constant 0.000000e+00 : f32
    %max3A_115 = vector.broadcast %max3A_114 : f32 to vector<256x128xf32>
    %max3A_116 = arith.maximumf %sub3A_113, %max3A_115 : vector<256x128xf32>
    %mul3A_117 = arith.mulf %max3A_116, %convert_element_type3A_73 : vector<256x128xf32>
    %slice3A_118 = vector.extract_strided_slice %concatenate3A {offsets = [256, 0], sizes = [256, 128], strides = [1, 1]} : vector<6400x128xf32> to vector<256x128xf32>
    %dot_general3A_119 = arith.constant dense<0.000000e+00> : vector<128x128xf32>
    %dot_general3A_120 = tpu.matmul %mul3A_117, %slice3A_118, %dot_general3A_119 {dimension_numbers = #tpu.dot_dimension_numbers<[0], [0], [1], [1], [0, 1, 1, 1], [], []>, transpose_lhs_hint = false} : vector<256x128xf32>, vector<256x128xf32>, vector<128x128xf32> -> vector<128x128xf32>
    %slice3A_121 = vector.extract_strided_slice %concatenate3A_11 {offsets = [512, 0], sizes = [256, 8], strides = [1, 1]} : vector<6400x8xf32> to vector<256x8xf32>
    %slice3A_122 = vector.extract_strided_slice %get3A_14 {offsets = [0, 768], sizes = [8, 384], strides = [1, 1]} : vector<8x9600xf32> to vector<8x384xf32>
    %dot_general3A_123 = arith.constant dense<0.000000e+00> : vector<256x384xf32>
    %dot_general3A_124 = tpu.matmul %slice3A_121, %slice3A_122, %dot_general3A_123 {dimension_numbers = #tpu.dot_dimension_numbers<[1], [0], [0], [1], [0, 0, 1, 1], [], []>, transpose_lhs_hint = false} : vector<256x8xf32>, vector<8x384xf32>, vector<256x384xf32> -> vector<256x384xf32>
    %slice3A_125 = vector.extract_strided_slice %dot_general3A_124 {offsets = [0, 0], sizes = [256, 128], strides = [1, 1]} : vector<256x384xf32> to vector<256x128xf32>
    %slice3A_126 = vector.extract_strided_slice %dot_general3A_124 {offsets = [0, 128], sizes = [256, 128], strides = [1, 1]} : vector<256x384xf32> to vector<256x128xf32>
    %slice3A_127 = vector.extract_strided_slice %dot_general3A_124 {offsets = [0, 256], sizes = [256, 128], strides = [1, 1]} : vector<256x384xf32> to vector<256x128xf32>
    %mul3A_128 = arith.mulf %slice3A_125, %slice3A_125 : vector<256x128xf32>
    %mul3A_129 = arith.mulf %slice3A_126, %slice3A_126 : vector<256x128xf32>
    %add3A_130 = arith.addf %mul3A_128, %mul3A_129 : vector<256x128xf32>
    %mul3A_131 = arith.mulf %slice3A_127, %slice3A_127 : vector<256x128xf32>
    %add3A_132 = arith.addf %add3A_130, %mul3A_131 : vector<256x128xf32>
    %sqrt3A_133 = math.sqrt %add3A_132 : vector<256x128xf32>
    %mul3A_134 = arith.constant 0.833333313 : f32
    %mul3A_135 = vector.broadcast %mul3A_134 : f32 to vector<256x128xf32>
    %mul3A_136 = arith.mulf %sqrt3A_133, %mul3A_135 : vector<256x128xf32>
    %sub3A_137 = arith.constant 1.000000e+00 : f32
    %sub3A_138 = vector.broadcast %sub3A_137 : f32 to vector<256x128xf32>
    %sub3A_139 = arith.subf %sub3A_138, %mul3A_136 : vector<256x128xf32>
    %max3A_140 = arith.constant 0.000000e+00 : f32
    %max3A_141 = vector.broadcast %max3A_140 : f32 to vector<256x128xf32>
    %max3A_142 = arith.maximumf %sub3A_139, %max3A_141 : vector<256x128xf32>
    %mul3A_143 = arith.mulf %max3A_142, %convert_element_type3A_73 : vector<256x128xf32>
    %slice3A_144 = vector.extract_strided_slice %concatenate3A {offsets = [512, 0], sizes = [256, 128], strides = [1, 1]} : vector<6400x128xf32> to vector<256x128xf32>
    %dot_general3A_145 = arith.constant dense<0.000000e+00> : vector<128x128xf32>
    %dot_general3A_146 = tpu.matmul %mul3A_143, %slice3A_144, %dot_general3A_145 {dimension_numbers = #tpu.dot_dimension_numbers<[0], [0], [1], [1], [0, 1, 1, 1], [], []>, transpose_lhs_hint = false} : vector<256x128xf32>, vector<256x128xf32>, vector<128x128xf32> -> vector<128x128xf32>
    %slice3A_147 = vector.extract_strided_slice %concatenate3A_11 {offsets = [768, 0], sizes = [256, 8], strides = [1, 1]} : vector<6400x8xf32> to vector<256x8xf32>
    %slice3A_148 = vector.extract_strided_slice %get3A_14 {offsets = [0, 1152], sizes = [8, 384], strides = [1, 1]} : vector<8x9600xf32> to vector<8x384xf32>
    %dot_general3A_149 = arith.constant dense<0.000000e+00> : vector<256x384xf32>
    %dot_general3A_150 = tpu.matmul %slice3A_147, %slice3A_148, %dot_general3A_149 {dimension_numbers = #tpu.dot_dimension_numbers<[1], [0], [0], [1], [0, 0, 1, 1], [], []>, transpose_lhs_hint = false} : vector<256x8xf32>, vector<8x384xf32>, vector<256x384xf32> -> vector<256x384xf32>
    %slice3A_151 = vector.extract_strided_slice %dot_general3A_150 {offsets = [0, 0], sizes = [256, 128], strides = [1, 1]} : vector<256x384xf32> to vector<256x128xf32>
    %slice3A_152 = vector.extract_strided_slice %dot_general3A_150 {offsets = [0, 128], sizes = [256, 128], strides = [1, 1]} : vector<256x384xf32> to vector<256x128xf32>
    %slice3A_153 = vector.extract_strided_slice %dot_general3A_150 {offsets = [0, 256], sizes = [256, 128], strides = [1, 1]} : vector<256x384xf32> to vector<256x128xf32>
    %mul3A_154 = arith.mulf %slice3A_151, %slice3A_151 : vector<256x128xf32>
    %mul3A_155 = arith.mulf %slice3A_152, %slice3A_152 : vector<256x128xf32>
    %add3A_156 = arith.addf %mul3A_154, %mul3A_155 : vector<256x128xf32>
    %mul3A_157 = arith.mulf %slice3A_153, %slice3A_153 : vector<256x128xf32>
    %add3A_158 = arith.addf %add3A_156, %mul3A_157 : vector<256x128xf32>
    %sqrt3A_159 = math.sqrt %add3A_158 : vector<256x128xf32>
    %mul3A_160 = arith.constant 0.833333313 : f32
    %mul3A_161 = vector.broadcast %mul3A_160 : f32 to vector<256x128xf32>
    %mul3A_162 = arith.mulf %sqrt3A_159, %mul3A_161 : vector<256x128xf32>
    %sub3A_163 = arith.constant 1.000000e+00 : f32
    %sub3A_164 = vector.broadcast %sub3A_163 : f32 to vector<256x128xf32>
    %sub3A_165 = arith.subf %sub3A_164, %mul3A_162 : vector<256x128xf32>
    %max3A_166 = arith.constant 0.000000e+00 : f32
    %max3A_167 = vector.broadcast %max3A_166 : f32 to vector<256x128xf32>
    %max3A_168 = arith.maximumf %sub3A_165, %max3A_167 : vector<256x128xf32>
    %mul3A_169 = arith.mulf %max3A_168, %convert_element_type3A_73 : vector<256x128xf32>
    %slice3A_170 = vector.extract_strided_slice %concatenate3A {offsets = [768, 0], sizes = [256, 128], strides = [1, 1]} : vector<6400x128xf32> to vector<256x128xf32>
    %dot_general3A_171 = arith.constant dense<0.000000e+00> : vector<128x128xf32>
    %dot_general3A_172 = tpu.matmul %mul3A_169, %slice3A_170, %dot_general3A_171 {dimension_numbers = #tpu.dot_dimension_numbers<[0], [0], [1], [1], [0, 1, 1, 1], [], []>, transpose_lhs_hint = false} : vector<256x128xf32>, vector<256x128xf32>, vector<128x128xf32> -> vector<128x128xf32>
    %slice3A_173 = vector.extract_strided_slice %concatenate3A_11 {offsets = [1024, 0], sizes = [256, 8], strides = [1, 1]} : vector<6400x8xf32> to vector<256x8xf32>
    %slice3A_174 = vector.extract_strided_slice %get3A_14 {offsets = [0, 1536], sizes = [8, 384], strides = [1, 1]} : vector<8x9600xf32> to vector<8x384xf32>
    %dot_general3A_175 = arith.constant dense<0.000000e+00> : vector<256x384xf32>
    %dot_general3A_176 = tpu.matmul %slice3A_173, %slice3A_174, %dot_general3A_175 {dimension_numbers = #tpu.dot_dimension_numbers<[1], [0], [0], [1], [0, 0, 1, 1], [], []>, transpose_lhs_hint = false} : vector<256x8xf32>, vector<8x384xf32>, vector<256x384xf32> -> vector<256x384xf32>
    %slice3A_177 = vector.extract_strided_slice %dot_general3A_176 {offsets = [0, 0], sizes = [256, 128], strides = [1, 1]} : vector<256x384xf32> to vector<256x128xf32>
    %slice3A_178 = vector.extract_strided_slice %dot_general3A_176 {offsets = [0, 128], sizes = [256, 128], strides = [1, 1]} : vector<256x384xf32> to vector<256x128xf32>
    %slice3A_179 = vector.extract_strided_slice %dot_general3A_176 {offsets = [0, 256], sizes = [256, 128], strides = [1, 1]} : vector<256x384xf32> to vector<256x128xf32>
    %mul3A_180 = arith.mulf %slice3A_177, %slice3A_177 : vector<256x128xf32>
    %mul3A_181 = arith.mulf %slice3A_178, %slice3A_178 : vector<256x128xf32>
    %add3A_182 = arith.addf %mul3A_180, %mul3A_181 : vector<256x128xf32>
    %mul3A_183 = arith.mulf %slice3A_179, %slice3A_179 : vector<256x128xf32>
    %add3A_184 = arith.addf %add3A_182, %mul3A_183 : vector<256x128xf32>
    %sqrt3A_185 = math.sqrt %add3A_184 : vector<256x128xf32>
    %mul3A_186 = arith.constant 0.833333313 : f32
    %mul3A_187 = vector.broadcast %mul3A_186 : f32 to vector<256x128xf32>
    %mul3A_188 = arith.mulf %sqrt3A_185, %mul3A_187 : vector<256x128xf32>
    %sub3A_189 = arith.constant 1.000000e+00 : f32
    %sub3A_190 = vector.broadcast %sub3A_189 : f32 to vector<256x128xf32>
    %sub3A_191 = arith.subf %sub3A_190, %mul3A_188 : vector<256x128xf32>
    %max3A_192 = arith.constant 0.000000e+00 : f32
    %max3A_193 = vector.broadcast %max3A_192 : f32 to vector<256x128xf32>
    %max3A_194 = arith.maximumf %sub3A_191, %max3A_193 : vector<256x128xf32>
    %mul3A_195 = arith.mulf %max3A_194, %convert_element_type3A_73 : vector<256x128xf32>
    %slice3A_196 = vector.extract_strided_slice %concatenate3A {offsets = [1024, 0], sizes = [256, 128], strides = [1, 1]} : vector<6400x128xf32> to vector<256x128xf32>
    %dot_general3A_197 = arith.constant dense<0.000000e+00> : vector<128x128xf32>
    %dot_general3A_198 = tpu.matmul %mul3A_195, %slice3A_196, %dot_general3A_197 {dimension_numbers = #tpu.dot_dimension_numbers<[0], [0], [1], [1], [0, 1, 1, 1], [], []>, transpose_lhs_hint = false} : vector<256x128xf32>, vector<256x128xf32>, vector<128x128xf32> -> vector<128x128xf32>
    %slice3A_199 = vector.extract_strided_slice %concatenate3A_11 {offsets = [1280, 0], sizes = [256, 8], strides = [1, 1]} : vector<6400x8xf32> to vector<256x8xf32>
    %slice3A_200 = vector.extract_strided_slice %get3A_14 {offsets = [0, 1920], sizes = [8, 384], strides = [1, 1]} : vector<8x9600xf32> to vector<8x384xf32>
    %dot_general3A_201 = arith.constant dense<0.000000e+00> : vector<256x384xf32>
    %dot_general3A_202 = tpu.matmul %slice3A_199, %slice3A_200, %dot_general3A_201 {dimension_numbers = #tpu.dot_dimension_numbers<[1], [0], [0], [1], [0, 0, 1, 1], [], []>, transpose_lhs_hint = false} : vector<256x8xf32>, vector<8x384xf32>, vector<256x384xf32> -> vector<256x384xf32>
    %slice3A_203 = vector.extract_strided_slice %dot_general3A_202 {offsets = [0, 0], sizes = [256, 128], strides = [1, 1]} : vector<256x384xf32> to vector<256x128xf32>
    %slice3A_204 = vector.extract_strided_slice %dot_general3A_202 {offsets = [0, 128], sizes = [256, 128], strides = [1, 1]} : vector<256x384xf32> to vector<256x128xf32>
    %slice3A_205 = vector.extract_strided_slice %dot_general3A_202 {offsets = [0, 256], sizes = [256, 128], strides = [1, 1]} : vector<256x384xf32> to vector<256x128xf32>
    %mul3A_206 = arith.mulf %slice3A_203, %slice3A_203 : vector<256x128xf32>
    %mul3A_207 = arith.mulf %slice3A_204, %slice3A_204 : vector<256x128xf32>
    %add3A_208 = arith.addf %mul3A_206, %mul3A_207 : vector<256x128xf32>
    %mul3A_209 = arith.mulf %slice3A_205, %slice3A_205 : vector<256x128xf32>
    %add3A_210 = arith.addf %add3A_208, %mul3A_209 : vector<256x128xf32>
    %sqrt3A_211 = math.sqrt %add3A_210 : vector<256x128xf32>
    %mul3A_212 = arith.constant 0.833333313 : f32
    %mul3A_213 = vector.broadcast %mul3A_212 : f32 to vector<256x128xf32>
    %mul3A_214 = arith.mulf %sqrt3A_211, %mul3A_213 : vector<256x128xf32>
    %sub3A_215 = arith.constant 1.000000e+00 : f32
    %sub3A_216 = vector.broadcast %sub3A_215 : f32 to vector<256x128xf32>
    %sub3A_217 = arith.subf %sub3A_216, %mul3A_214 : vector<256x128xf32>
    %max3A_218 = arith.constant 0.000000e+00 : f32
    %max3A_219 = vector.broadcast %max3A_218 : f32 to vector<256x128xf32>
    %max3A_220 = arith.maximumf %sub3A_217, %max3A_219 : vector<256x128xf32>
    %mul3A_221 = arith.mulf %max3A_220, %convert_element_type3A_73 : vector<256x128xf32>
    %slice3A_222 = vector.extract_strided_slice %concatenate3A {offsets = [1280, 0], sizes = [256, 128], strides = [1, 1]} : vector<6400x128xf32> to vector<256x128xf32>
    %dot_general3A_223 = arith.constant dense<0.000000e+00> : vector<128x128xf32>
    %dot_general3A_224 = tpu.matmul %mul3A_221, %slice3A_222, %dot_general3A_223 {dimension_numbers = #tpu.dot_dimension_numbers<[0], [0], [1], [1], [0, 1, 1, 1], [], []>, transpose_lhs_hint = false} : vector<256x128xf32>, vector<256x128xf32>, vector<128x128xf32> -> vector<128x128xf32>
    %slice3A_225 = vector.extract_strided_slice %concatenate3A_11 {offsets = [1536, 0], sizes = [256, 8], strides = [1, 1]} : vector<6400x8xf32> to vector<256x8xf32>
    %slice3A_226 = vector.extract_strided_slice %get3A_14 {offsets = [0, 2304], sizes = [8, 384], strides = [1, 1]} : vector<8x9600xf32> to vector<8x384xf32>
    %dot_general3A_227 = arith.constant dense<0.000000e+00> : vector<256x384xf32>
    %dot_general3A_228 = tpu.matmul %slice3A_225, %slice3A_226, %dot_general3A_227 {dimension_numbers = #tpu.dot_dimension_numbers<[1], [0], [0], [1], [0, 0, 1, 1], [], []>, transpose_lhs_hint = false} : vector<256x8xf32>, vector<8x384xf32>, vector<256x384xf32> -> vector<256x384xf32>
    %slice3A_229 = vector.extract_strided_slice %dot_general3A_228 {offsets = [0, 0], sizes = [256, 128], strides = [1, 1]} : vector<256x384xf32> to vector<256x128xf32>
    %slice3A_230 = vector.extract_strided_slice %dot_general3A_228 {offsets = [0, 128], sizes = [256, 128], strides = [1, 1]} : vector<256x384xf32> to vector<256x128xf32>
    %slice3A_231 = vector.extract_strided_slice %dot_general3A_228 {offsets = [0, 256], sizes = [256, 128], strides = [1, 1]} : vector<256x384xf32> to vector<256x128xf32>
    %mul3A_232 = arith.mulf %slice3A_229, %slice3A_229 : vector<256x128xf32>
    %mul3A_233 = arith.mulf %slice3A_230, %slice3A_230 : vector<256x128xf32>
    %add3A_234 = arith.addf %mul3A_232, %mul3A_233 : vector<256x128xf32>
    %mul3A_235 = arith.mulf %slice3A_231, %slice3A_231 : vector<256x128xf32>
    %add3A_236 = arith.addf %add3A_234, %mul3A_235 : vector<256x128xf32>
    %sqrt3A_237 = math.sqrt %add3A_236 : vector<256x128xf32>
    %mul3A_238 = arith.constant 0.833333313 : f32
    %mul3A_239 = vector.broadcast %mul3A_238 : f32 to vector<256x128xf32>
    %mul3A_240 = arith.mulf %sqrt3A_237, %mul3A_239 : vector<256x128xf32>
    %sub3A_241 = arith.constant 1.000000e+00 : f32
    %sub3A_242 = vector.broadcast %sub3A_241 : f32 to vector<256x128xf32>
    %sub3A_243 = arith.subf %sub3A_242, %mul3A_240 : vector<256x128xf32>
    %max3A_244 = arith.constant 0.000000e+00 : f32
    %max3A_245 = vector.broadcast %max3A_244 : f32 to vector<256x128xf32>
    %max3A_246 = arith.maximumf %sub3A_243, %max3A_245 : vector<256x128xf32>
    %mul3A_247 = arith.mulf %max3A_246, %convert_element_type3A_73 : vector<256x128xf32>
    %slice3A_248 = vector.extract_strided_slice %concatenate3A {offsets = [1536, 0], sizes = [256, 128], strides = [1, 1]} : vector<6400x128xf32> to vector<256x128xf32>
    %dot_general3A_249 = arith.constant dense<0.000000e+00> : vector<128x128xf32>
    %dot_general3A_250 = tpu.matmul %mul3A_247, %slice3A_248, %dot_general3A_249 {dimension_numbers = #tpu.dot_dimension_numbers<[0], [0], [1], [1], [0, 1, 1, 1], [], []>, transpose_lhs_hint = false} : vector<256x128xf32>, vector<256x128xf32>, vector<128x128xf32> -> vector<128x128xf32>
    %slice3A_251 = vector.extract_strided_slice %concatenate3A_11 {offsets = [1792, 0], sizes = [256, 8], strides = [1, 1]} : vector<6400x8xf32> to vector<256x8xf32>
    %slice3A_252 = vector.extract_strided_slice %get3A_14 {offsets = [0, 2688], sizes = [8, 384], strides = [1, 1]} : vector<8x9600xf32> to vector<8x384xf32>
    %dot_general3A_253 = arith.constant dense<0.000000e+00> : vector<256x384xf32>
    %dot_general3A_254 = tpu.matmul %slice3A_251, %slice3A_252, %dot_general3A_253 {dimension_numbers = #tpu.dot_dimension_numbers<[1], [0], [0], [1], [0, 0, 1, 1], [], []>, transpose_lhs_hint = false} : vector<256x8xf32>, vector<8x384xf32>, vector<256x384xf32> -> vector<256x384xf32>
    %slice3A_255 = vector.extract_strided_slice %dot_general3A_254 {offsets = [0, 0], sizes = [256, 128], strides = [1, 1]} : vector<256x384xf32> to vector<256x128xf32>
    %slice3A_256 = vector.extract_strided_slice %dot_general3A_254 {offsets = [0, 128], sizes = [256, 128], strides = [1, 1]} : vector<256x384xf32> to vector<256x128xf32>
    %slice3A_257 = vector.extract_strided_slice %dot_general3A_254 {offsets = [0, 256], sizes = [256, 128], strides = [1, 1]} : vector<256x384xf32> to vector<256x128xf32>
    %mul3A_258 = arith.mulf %slice3A_255, %slice3A_255 : vector<256x128xf32>
    %mul3A_259 = arith.mulf %slice3A_256, %slice3A_256 : vector<256x128xf32>
    %add3A_260 = arith.addf %mul3A_258, %mul3A_259 : vector<256x128xf32>
    %mul3A_261 = arith.mulf %slice3A_257, %slice3A_257 : vector<256x128xf32>
    %add3A_262 = arith.addf %add3A_260, %mul3A_261 : vector<256x128xf32>
    %sqrt3A_263 = math.sqrt %add3A_262 : vector<256x128xf32>
    %mul3A_264 = arith.constant 0.833333313 : f32
    %mul3A_265 = vector.broadcast %mul3A_264 : f32 to vector<256x128xf32>
    %mul3A_266 = arith.mulf %sqrt3A_263, %mul3A_265 : vector<256x128xf32>
    %sub3A_267 = arith.constant 1.000000e+00 : f32
    %sub3A_268 = vector.broadcast %sub3A_267 : f32 to vector<256x128xf32>
    %sub3A_269 = arith.subf %sub3A_268, %mul3A_266 : vector<256x128xf32>
    %max3A_270 = arith.constant 0.000000e+00 : f32
    %max3A_271 = vector.broadcast %max3A_270 : f32 to vector<256x128xf32>
    %max3A_272 = arith.maximumf %sub3A_269, %max3A_271 : vector<256x128xf32>
    %mul3A_273 = arith.mulf %max3A_272, %convert_element_type3A_73 : vector<256x128xf32>
    %slice3A_274 = vector.extract_strided_slice %concatenate3A {offsets = [1792, 0], sizes = [256, 128], strides = [1, 1]} : vector<6400x128xf32> to vector<256x128xf32>
    %dot_general3A_275 = arith.constant dense<0.000000e+00> : vector<128x128xf32>
    %dot_general3A_276 = tpu.matmul %mul3A_273, %slice3A_274, %dot_general3A_275 {dimension_numbers = #tpu.dot_dimension_numbers<[0], [0], [1], [1], [0, 1, 1, 1], [], []>, transpose_lhs_hint = false} : vector<256x128xf32>, vector<256x128xf32>, vector<128x128xf32> -> vector<128x128xf32>
    %slice3A_277 = vector.extract_strided_slice %concatenate3A_11 {offsets = [2048, 0], sizes = [256, 8], strides = [1, 1]} : vector<6400x8xf32> to vector<256x8xf32>
    %slice3A_278 = vector.extract_strided_slice %get3A_14 {offsets = [0, 3072], sizes = [8, 384], strides = [1, 1]} : vector<8x9600xf32> to vector<8x384xf32>
    %dot_general3A_279 = arith.constant dense<0.000000e+00> : vector<256x384xf32>
    %dot_general3A_280 = tpu.matmul %slice3A_277, %slice3A_278, %dot_general3A_279 {dimension_numbers = #tpu.dot_dimension_numbers<[1], [0], [0], [1], [0, 0, 1, 1], [], []>, transpose_lhs_hint = false} : vector<256x8xf32>, vector<8x384xf32>, vector<256x384xf32> -> vector<256x384xf32>
    %slice3A_281 = vector.extract_strided_slice %dot_general3A_280 {offsets = [0, 0], sizes = [256, 128], strides = [1, 1]} : vector<256x384xf32> to vector<256x128xf32>
    %slice3A_282 = vector.extract_strided_slice %dot_general3A_280 {offsets = [0, 128], sizes = [256, 128], strides = [1, 1]} : vector<256x384xf32> to vector<256x128xf32>
    %slice3A_283 = vector.extract_strided_slice %dot_general3A_280 {offsets = [0, 256], sizes = [256, 128], strides = [1, 1]} : vector<256x384xf32> to vector<256x128xf32>
    %mul3A_284 = arith.mulf %slice3A_281, %slice3A_281 : vector<256x128xf32>
    %mul3A_285 = arith.mulf %slice3A_282, %slice3A_282 : vector<256x128xf32>
    %add3A_286 = arith.addf %mul3A_284, %mul3A_285 : vector<256x128xf32>
    %mul3A_287 = arith.mulf %slice3A_283, %slice3A_283 : vector<256x128xf32>
    %add3A_288 = arith.addf %add3A_286, %mul3A_287 : vector<256x128xf32>
    %sqrt3A_289 = math.sqrt %add3A_288 : vector<256x128xf32>
    %mul3A_290 = arith.constant 0.833333313 : f32
    %mul3A_291 = vector.broadcast %mul3A_290 : f32 to vector<256x128xf32>
    %mul3A_292 = arith.mulf %sqrt3A_289, %mul3A_291 : vector<256x128xf32>
    %sub3A_293 = arith.constant 1.000000e+00 : f32
    %sub3A_294 = vector.broadcast %sub3A_293 : f32 to vector<256x128xf32>
    %sub3A_295 = arith.subf %sub3A_294, %mul3A_292 : vector<256x128xf32>
    %max3A_296 = arith.constant 0.000000e+00 : f32
    %max3A_297 = vector.broadcast %max3A_296 : f32 to vector<256x128xf32>
    %max3A_298 = arith.maximumf %sub3A_295, %max3A_297 : vector<256x128xf32>
    %mul3A_299 = arith.mulf %max3A_298, %convert_element_type3A_73 : vector<256x128xf32>
    %slice3A_300 = vector.extract_strided_slice %concatenate3A {offsets = [2048, 0], sizes = [256, 128], strides = [1, 1]} : vector<6400x128xf32> to vector<256x128xf32>
    %dot_general3A_301 = arith.constant dense<0.000000e+00> : vector<128x128xf32>
    %dot_general3A_302 = tpu.matmul %mul3A_299, %slice3A_300, %dot_general3A_301 {dimension_numbers = #tpu.dot_dimension_numbers<[0], [0], [1], [1], [0, 1, 1, 1], [], []>, transpose_lhs_hint = false} : vector<256x128xf32>, vector<256x128xf32>, vector<128x128xf32> -> vector<128x128xf32>
    %slice3A_303 = vector.extract_strided_slice %concatenate3A_11 {offsets = [2304, 0], sizes = [256, 8], strides = [1, 1]} : vector<6400x8xf32> to vector<256x8xf32>
    %slice3A_304 = vector.extract_strided_slice %get3A_14 {offsets = [0, 3456], sizes = [8, 384], strides = [1, 1]} : vector<8x9600xf32> to vector<8x384xf32>
    %dot_general3A_305 = arith.constant dense<0.000000e+00> : vector<256x384xf32>
    %dot_general3A_306 = tpu.matmul %slice3A_303, %slice3A_304, %dot_general3A_305 {dimension_numbers = #tpu.dot_dimension_numbers<[1], [0], [0], [1], [0, 0, 1, 1], [], []>, transpose_lhs_hint = false} : vector<256x8xf32>, vector<8x384xf32>, vector<256x384xf32> -> vector<256x384xf32>
    %slice3A_307 = vector.extract_strided_slice %dot_general3A_306 {offsets = [0, 0], sizes = [256, 128], strides = [1, 1]} : vector<256x384xf32> to vector<256x128xf32>
    %slice3A_308 = vector.extract_strided_slice %dot_general3A_306 {offsets = [0, 128], sizes = [256, 128], strides = [1, 1]} : vector<256x384xf32> to vector<256x128xf32>
    %slice3A_309 = vector.extract_strided_slice %dot_general3A_306 {offsets = [0, 256], sizes = [256, 128], strides = [1, 1]} : vector<256x384xf32> to vector<256x128xf32>
    %mul3A_310 = arith.mulf %slice3A_307, %slice3A_307 : vector<256x128xf32>
    %mul3A_311 = arith.mulf %slice3A_308, %slice3A_308 : vector<256x128xf32>
    %add3A_312 = arith.addf %mul3A_310, %mul3A_311 : vector<256x128xf32>
    %mul3A_313 = arith.mulf %slice3A_309, %slice3A_309 : vector<256x128xf32>
    %add3A_314 = arith.addf %add3A_312, %mul3A_313 : vector<256x128xf32>
    %sqrt3A_315 = math.sqrt %add3A_314 : vector<256x128xf32>
    %mul3A_316 = arith.constant 0.833333313 : f32
    %mul3A_317 = vector.broadcast %mul3A_316 : f32 to vector<256x128xf32>
    %mul3A_318 = arith.mulf %sqrt3A_315, %mul3A_317 : vector<256x128xf32>
    %sub3A_319 = arith.constant 1.000000e+00 : f32
    %sub3A_320 = vector.broadcast %sub3A_319 : f32 to vector<256x128xf32>
    %sub3A_321 = arith.subf %sub3A_320, %mul3A_318 : vector<256x128xf32>
    %max3A_322 = arith.constant 0.000000e+00 : f32
    %max3A_323 = vector.broadcast %max3A_322 : f32 to vector<256x128xf32>
    %max3A_324 = arith.maximumf %sub3A_321, %max3A_323 : vector<256x128xf32>
    %mul3A_325 = arith.mulf %max3A_324, %convert_element_type3A_73 : vector<256x128xf32>
    %slice3A_326 = vector.extract_strided_slice %concatenate3A {offsets = [2304, 0], sizes = [256, 128], strides = [1, 1]} : vector<6400x128xf32> to vector<256x128xf32>
    %dot_general3A_327 = arith.constant dense<0.000000e+00> : vector<128x128xf32>
    %dot_general3A_328 = tpu.matmul %mul3A_325, %slice3A_326, %dot_general3A_327 {dimension_numbers = #tpu.dot_dimension_numbers<[0], [0], [1], [1], [0, 1, 1, 1], [], []>, transpose_lhs_hint = false} : vector<256x128xf32>, vector<256x128xf32>, vector<128x128xf32> -> vector<128x128xf32>
    %slice3A_329 = vector.extract_strided_slice %concatenate3A_11 {offsets = [2560, 0], sizes = [256, 8], strides = [1, 1]} : vector<6400x8xf32> to vector<256x8xf32>
    %slice3A_330 = vector.extract_strided_slice %get3A_14 {offsets = [0, 3840], sizes = [8, 384], strides = [1, 1]} : vector<8x9600xf32> to vector<8x384xf32>
    %dot_general3A_331 = arith.constant dense<0.000000e+00> : vector<256x384xf32>
    %dot_general3A_332 = tpu.matmul %slice3A_329, %slice3A_330, %dot_general3A_331 {dimension_numbers = #tpu.dot_dimension_numbers<[1], [0], [0], [1], [0, 0, 1, 1], [], []>, transpose_lhs_hint = false} : vector<256x8xf32>, vector<8x384xf32>, vector<256x384xf32> -> vector<256x384xf32>
    %slice3A_333 = vector.extract_strided_slice %dot_general3A_332 {offsets = [0, 0], sizes = [256, 128], strides = [1, 1]} : vector<256x384xf32> to vector<256x128xf32>
    %slice3A_334 = vector.extract_strided_slice %dot_general3A_332 {offsets = [0, 128], sizes = [256, 128], strides = [1, 1]} : vector<256x384xf32> to vector<256x128xf32>
    %slice3A_335 = vector.extract_strided_slice %dot_general3A_332 {offsets = [0, 256], sizes = [256, 128], strides = [1, 1]} : vector<256x384xf32> to vector<256x128xf32>
    %mul3A_336 = arith.mulf %slice3A_333, %slice3A_333 : vector<256x128xf32>
    %mul3A_337 = arith.mulf %slice3A_334, %slice3A_334 : vector<256x128xf32>
    %add3A_338 = arith.addf %mul3A_336, %mul3A_337 : vector<256x128xf32>
    %mul3A_339 = arith.mulf %slice3A_335, %slice3A_335 : vector<256x128xf32>
    %add3A_340 = arith.addf %add3A_338, %mul3A_339 : vector<256x128xf32>
    %sqrt3A_341 = math.sqrt %add3A_340 : vector<256x128xf32>
    %mul3A_342 = arith.constant 0.833333313 : f32
    %mul3A_343 = vector.broadcast %mul3A_342 : f32 to vector<256x128xf32>
    %mul3A_344 = arith.mulf %sqrt3A_341, %mul3A_343 : vector<256x128xf32>
    %sub3A_345 = arith.constant 1.000000e+00 : f32
    %sub3A_346 = vector.broadcast %sub3A_345 : f32 to vector<256x128xf32>
    %sub3A_347 = arith.subf %sub3A_346, %mul3A_344 : vector<256x128xf32>
    %max3A_348 = arith.constant 0.000000e+00 : f32
    %max3A_349 = vector.broadcast %max3A_348 : f32 to vector<256x128xf32>
    %max3A_350 = arith.maximumf %sub3A_347, %max3A_349 : vector<256x128xf32>
    %mul3A_351 = arith.mulf %max3A_350, %convert_element_type3A_73 : vector<256x128xf32>
    %slice3A_352 = vector.extract_strided_slice %concatenate3A {offsets = [2560, 0], sizes = [256, 128], strides = [1, 1]} : vector<6400x128xf32> to vector<256x128xf32>
    %dot_general3A_353 = arith.constant dense<0.000000e+00> : vector<128x128xf32>
    %dot_general3A_354 = tpu.matmul %mul3A_351, %slice3A_352, %dot_general3A_353 {dimension_numbers = #tpu.dot_dimension_numbers<[0], [0], [1], [1], [0, 1, 1, 1], [], []>, transpose_lhs_hint = false} : vector<256x128xf32>, vector<256x128xf32>, vector<128x128xf32> -> vector<128x128xf32>
    %slice3A_355 = vector.extract_strided_slice %concatenate3A_11 {offsets = [2816, 0], sizes = [256, 8], strides = [1, 1]} : vector<6400x8xf32> to vector<256x8xf32>
    %slice3A_356 = vector.extract_strided_slice %get3A_14 {offsets = [0, 4224], sizes = [8, 384], strides = [1, 1]} : vector<8x9600xf32> to vector<8x384xf32>
    %dot_general3A_357 = arith.constant dense<0.000000e+00> : vector<256x384xf32>
    %dot_general3A_358 = tpu.matmul %slice3A_355, %slice3A_356, %dot_general3A_357 {dimension_numbers = #tpu.dot_dimension_numbers<[1], [0], [0], [1], [0, 0, 1, 1], [], []>, transpose_lhs_hint = false} : vector<256x8xf32>, vector<8x384xf32>, vector<256x384xf32> -> vector<256x384xf32>
    %slice3A_359 = vector.extract_strided_slice %dot_general3A_358 {offsets = [0, 0], sizes = [256, 128], strides = [1, 1]} : vector<256x384xf32> to vector<256x128xf32>
    %slice3A_360 = vector.extract_strided_slice %dot_general3A_358 {offsets = [0, 128], sizes = [256, 128], strides = [1, 1]} : vector<256x384xf32> to vector<256x128xf32>
    %slice3A_361 = vector.extract_strided_slice %dot_general3A_358 {offsets = [0, 256], sizes = [256, 128], strides = [1, 1]} : vector<256x384xf32> to vector<256x128xf32>
    %mul3A_362 = arith.mulf %slice3A_359, %slice3A_359 : vector<256x128xf32>
    %mul3A_363 = arith.mulf %slice3A_360, %slice3A_360 : vector<256x128xf32>
    %add3A_364 = arith.addf %mul3A_362, %mul3A_363 : vector<256x128xf32>
    %mul3A_365 = arith.mulf %slice3A_361, %slice3A_361 : vector<256x128xf32>
    %add3A_366 = arith.addf %add3A_364, %mul3A_365 : vector<256x128xf32>
    %sqrt3A_367 = math.sqrt %add3A_366 : vector<256x128xf32>
    %mul3A_368 = arith.constant 0.833333313 : f32
    %mul3A_369 = vector.broadcast %mul3A_368 : f32 to vector<256x128xf32>
    %mul3A_370 = arith.mulf %sqrt3A_367, %mul3A_369 : vector<256x128xf32>
    %sub3A_371 = arith.constant 1.000000e+00 : f32
    %sub3A_372 = vector.broadcast %sub3A_371 : f32 to vector<256x128xf32>
    %sub3A_373 = arith.subf %sub3A_372, %mul3A_370 : vector<256x128xf32>
    %max3A_374 = arith.constant 0.000000e+00 : f32
    %max3A_375 = vector.broadcast %max3A_374 : f32 to vector<256x128xf32>
    %max3A_376 = arith.maximumf %sub3A_373, %max3A_375 : vector<256x128xf32>
    %mul3A_377 = arith.mulf %max3A_376, %convert_element_type3A_73 : vector<256x128xf32>
    %slice3A_378 = vector.extract_strided_slice %concatenate3A {offsets = [2816, 0], sizes = [256, 128], strides = [1, 1]} : vector<6400x128xf32> to vector<256x128xf32>
    %dot_general3A_379 = arith.constant dense<0.000000e+00> : vector<128x128xf32>
    %dot_general3A_380 = tpu.matmul %mul3A_377, %slice3A_378, %dot_general3A_379 {dimension_numbers = #tpu.dot_dimension_numbers<[0], [0], [1], [1], [0, 1, 1, 1], [], []>, transpose_lhs_hint = false} : vector<256x128xf32>, vector<256x128xf32>, vector<128x128xf32> -> vector<128x128xf32>
    %slice3A_381 = vector.extract_strided_slice %concatenate3A_11 {offsets = [3072, 0], sizes = [256, 8], strides = [1, 1]} : vector<6400x8xf32> to vector<256x8xf32>
    %slice3A_382 = vector.extract_strided_slice %get3A_14 {offsets = [0, 4608], sizes = [8, 384], strides = [1, 1]} : vector<8x9600xf32> to vector<8x384xf32>
    %dot_general3A_383 = arith.constant dense<0.000000e+00> : vector<256x384xf32>
    %dot_general3A_384 = tpu.matmul %slice3A_381, %slice3A_382, %dot_general3A_383 {dimension_numbers = #tpu.dot_dimension_numbers<[1], [0], [0], [1], [0, 0, 1, 1], [], []>, transpose_lhs_hint = false} : vector<256x8xf32>, vector<8x384xf32>, vector<256x384xf32> -> vector<256x384xf32>
    %slice3A_385 = vector.extract_strided_slice %dot_general3A_384 {offsets = [0, 0], sizes = [256, 128], strides = [1, 1]} : vector<256x384xf32> to vector<256x128xf32>
    %slice3A_386 = vector.extract_strided_slice %dot_general3A_384 {offsets = [0, 128], sizes = [256, 128], strides = [1, 1]} : vector<256x384xf32> to vector<256x128xf32>
    %slice3A_387 = vector.extract_strided_slice %dot_general3A_384 {offsets = [0, 256], sizes = [256, 128], strides = [1, 1]} : vector<256x384xf32> to vector<256x128xf32>
    %mul3A_388 = arith.mulf %slice3A_385, %slice3A_385 : vector<256x128xf32>
    %mul3A_389 = arith.mulf %slice3A_386, %slice3A_386 : vector<256x128xf32>
    %add3A_390 = arith.addf %mul3A_388, %mul3A_389 : vector<256x128xf32>
    %mul3A_391 = arith.mulf %slice3A_387, %slice3A_387 : vector<256x128xf32>
    %add3A_392 = arith.addf %add3A_390, %mul3A_391 : vector<256x128xf32>
    %sqrt3A_393 = math.sqrt %add3A_392 : vector<256x128xf32>
    %mul3A_394 = arith.constant 0.833333313 : f32
    %mul3A_395 = vector.broadcast %mul3A_394 : f32 to vector<256x128xf32>
    %mul3A_396 = arith.mulf %sqrt3A_393, %mul3A_395 : vector<256x128xf32>
    %sub3A_397 = arith.constant 1.000000e+00 : f32
    %sub3A_398 = vector.broadcast %sub3A_397 : f32 to vector<256x128xf32>
    %sub3A_399 = arith.subf %sub3A_398, %mul3A_396 : vector<256x128xf32>
    %max3A_400 = arith.constant 0.000000e+00 : f32
    %max3A_401 = vector.broadcast %max3A_400 : f32 to vector<256x128xf32>
    %max3A_402 = arith.maximumf %sub3A_399, %max3A_401 : vector<256x128xf32>
    %mul3A_403 = arith.mulf %max3A_402, %convert_element_type3A_73 : vector<256x128xf32>
    %slice3A_404 = vector.extract_strided_slice %concatenate3A {offsets = [3072, 0], sizes = [256, 128], strides = [1, 1]} : vector<6400x128xf32> to vector<256x128xf32>
    %dot_general3A_405 = arith.constant dense<0.000000e+00> : vector<128x128xf32>
    %dot_general3A_406 = tpu.matmul %mul3A_403, %slice3A_404, %dot_general3A_405 {dimension_numbers = #tpu.dot_dimension_numbers<[0], [0], [1], [1], [0, 1, 1, 1], [], []>, transpose_lhs_hint = false} : vector<256x128xf32>, vector<256x128xf32>, vector<128x128xf32> -> vector<128x128xf32>
    %slice3A_407 = vector.extract_strided_slice %concatenate3A_11 {offsets = [3328, 0], sizes = [256, 8], strides = [1, 1]} : vector<6400x8xf32> to vector<256x8xf32>
    %slice3A_408 = vector.extract_strided_slice %get3A_14 {offsets = [0, 4992], sizes = [8, 384], strides = [1, 1]} : vector<8x9600xf32> to vector<8x384xf32>
    %dot_general3A_409 = arith.constant dense<0.000000e+00> : vector<256x384xf32>
    %dot_general3A_410 = tpu.matmul %slice3A_407, %slice3A_408, %dot_general3A_409 {dimension_numbers = #tpu.dot_dimension_numbers<[1], [0], [0], [1], [0, 0, 1, 1], [], []>, transpose_lhs_hint = false} : vector<256x8xf32>, vector<8x384xf32>, vector<256x384xf32> -> vector<256x384xf32>
    %slice3A_411 = vector.extract_strided_slice %dot_general3A_410 {offsets = [0, 0], sizes = [256, 128], strides = [1, 1]} : vector<256x384xf32> to vector<256x128xf32>
    %slice3A_412 = vector.extract_strided_slice %dot_general3A_410 {offsets = [0, 128], sizes = [256, 128], strides = [1, 1]} : vector<256x384xf32> to vector<256x128xf32>
    %slice3A_413 = vector.extract_strided_slice %dot_general3A_410 {offsets = [0, 256], sizes = [256, 128], strides = [1, 1]} : vector<256x384xf32> to vector<256x128xf32>
    %mul3A_414 = arith.mulf %slice3A_411, %slice3A_411 : vector<256x128xf32>
    %mul3A_415 = arith.mulf %slice3A_412, %slice3A_412 : vector<256x128xf32>
    %add3A_416 = arith.addf %mul3A_414, %mul3A_415 : vector<256x128xf32>
    %mul3A_417 = arith.mulf %slice3A_413, %slice3A_413 : vector<256x128xf32>
    %add3A_418 = arith.addf %add3A_416, %mul3A_417 : vector<256x128xf32>
    %sqrt3A_419 = math.sqrt %add3A_418 : vector<256x128xf32>
    %mul3A_420 = arith.constant 0.833333313 : f32
    %mul3A_421 = vector.broadcast %mul3A_420 : f32 to vector<256x128xf32>
    %mul3A_422 = arith.mulf %sqrt3A_419, %mul3A_421 : vector<256x128xf32>
    %sub3A_423 = arith.constant 1.000000e+00 : f32
    %sub3A_424 = vector.broadcast %sub3A_423 : f32 to vector<256x128xf32>
    %sub3A_425 = arith.subf %sub3A_424, %mul3A_422 : vector<256x128xf32>
    %max3A_426 = arith.constant 0.000000e+00 : f32
    %max3A_427 = vector.broadcast %max3A_426 : f32 to vector<256x128xf32>
    %max3A_428 = arith.maximumf %sub3A_425, %max3A_427 : vector<256x128xf32>
    %mul3A_429 = arith.mulf %max3A_428, %convert_element_type3A_73 : vector<256x128xf32>
    %slice3A_430 = vector.extract_strided_slice %concatenate3A {offsets = [3328, 0], sizes = [256, 128], strides = [1, 1]} : vector<6400x128xf32> to vector<256x128xf32>
    %dot_general3A_431 = arith.constant dense<0.000000e+00> : vector<128x128xf32>
    %dot_general3A_432 = tpu.matmul %mul3A_429, %slice3A_430, %dot_general3A_431 {dimension_numbers = #tpu.dot_dimension_numbers<[0], [0], [1], [1], [0, 1, 1, 1], [], []>, transpose_lhs_hint = false} : vector<256x128xf32>, vector<256x128xf32>, vector<128x128xf32> -> vector<128x128xf32>
    %slice3A_433 = vector.extract_strided_slice %concatenate3A_11 {offsets = [3584, 0], sizes = [256, 8], strides = [1, 1]} : vector<6400x8xf32> to vector<256x8xf32>
    %slice3A_434 = vector.extract_strided_slice %get3A_14 {offsets = [0, 5376], sizes = [8, 384], strides = [1, 1]} : vector<8x9600xf32> to vector<8x384xf32>
    %dot_general3A_435 = arith.constant dense<0.000000e+00> : vector<256x384xf32>
    %dot_general3A_436 = tpu.matmul %slice3A_433, %slice3A_434, %dot_general3A_435 {dimension_numbers = #tpu.dot_dimension_numbers<[1], [0], [0], [1], [0, 0, 1, 1], [], []>, transpose_lhs_hint = false} : vector<256x8xf32>, vector<8x384xf32>, vector<256x384xf32> -> vector<256x384xf32>
    %slice3A_437 = vector.extract_strided_slice %dot_general3A_436 {offsets = [0, 0], sizes = [256, 128], strides = [1, 1]} : vector<256x384xf32> to vector<256x128xf32>
    %slice3A_438 = vector.extract_strided_slice %dot_general3A_436 {offsets = [0, 128], sizes = [256, 128], strides = [1, 1]} : vector<256x384xf32> to vector<256x128xf32>
    %slice3A_439 = vector.extract_strided_slice %dot_general3A_436 {offsets = [0, 256], sizes = [256, 128], strides = [1, 1]} : vector<256x384xf32> to vector<256x128xf32>
    %mul3A_440 = arith.mulf %slice3A_437, %slice3A_437 : vector<256x128xf32>
    %mul3A_441 = arith.mulf %slice3A_438, %slice3A_438 : vector<256x128xf32>
    %add3A_442 = arith.addf %mul3A_440, %mul3A_441 : vector<256x128xf32>
    %mul3A_443 = arith.mulf %slice3A_439, %slice3A_439 : vector<256x128xf32>
    %add3A_444 = arith.addf %add3A_442, %mul3A_443 : vector<256x128xf32>
    %sqrt3A_445 = math.sqrt %add3A_444 : vector<256x128xf32>
    %mul3A_446 = arith.constant 0.833333313 : f32
    %mul3A_447 = vector.broadcast %mul3A_446 : f32 to vector<256x128xf32>
    %mul3A_448 = arith.mulf %sqrt3A_445, %mul3A_447 : vector<256x128xf32>
    %sub3A_449 = arith.constant 1.000000e+00 : f32
    %sub3A_450 = vector.broadcast %sub3A_449 : f32 to vector<256x128xf32>
    %sub3A_451 = arith.subf %sub3A_450, %mul3A_448 : vector<256x128xf32>
    %max3A_452 = arith.constant 0.000000e+00 : f32
    %max3A_453 = vector.broadcast %max3A_452 : f32 to vector<256x128xf32>
    %max3A_454 = arith.maximumf %sub3A_451, %max3A_453 : vector<256x128xf32>
    %mul3A_455 = arith.mulf %max3A_454, %convert_element_type3A_73 : vector<256x128xf32>
    %slice3A_456 = vector.extract_strided_slice %concatenate3A {offsets = [3584, 0], sizes = [256, 128], strides = [1, 1]} : vector<6400x128xf32> to vector<256x128xf32>
    %dot_general3A_457 = arith.constant dense<0.000000e+00> : vector<128x128xf32>
    %dot_general3A_458 = tpu.matmul %mul3A_455, %slice3A_456, %dot_general3A_457 {dimension_numbers = #tpu.dot_dimension_numbers<[0], [0], [1], [1], [0, 1, 1, 1], [], []>, transpose_lhs_hint = false} : vector<256x128xf32>, vector<256x128xf32>, vector<128x128xf32> -> vector<128x128xf32>
    %slice3A_459 = vector.extract_strided_slice %concatenate3A_11 {offsets = [3840, 0], sizes = [256, 8], strides = [1, 1]} : vector<6400x8xf32> to vector<256x8xf32>
    %slice3A_460 = vector.extract_strided_slice %get3A_14 {offsets = [0, 5760], sizes = [8, 384], strides = [1, 1]} : vector<8x9600xf32> to vector<8x384xf32>
    %dot_general3A_461 = arith.constant dense<0.000000e+00> : vector<256x384xf32>
    %dot_general3A_462 = tpu.matmul %slice3A_459, %slice3A_460, %dot_general3A_461 {dimension_numbers = #tpu.dot_dimension_numbers<[1], [0], [0], [1], [0, 0, 1, 1], [], []>, transpose_lhs_hint = false} : vector<256x8xf32>, vector<8x384xf32>, vector<256x384xf32> -> vector<256x384xf32>
    %slice3A_463 = vector.extract_strided_slice %dot_general3A_462 {offsets = [0, 0], sizes = [256, 128], strides = [1, 1]} : vector<256x384xf32> to vector<256x128xf32>
    %slice3A_464 = vector.extract_strided_slice %dot_general3A_462 {offsets = [0, 128], sizes = [256, 128], strides = [1, 1]} : vector<256x384xf32> to vector<256x128xf32>
    %slice3A_465 = vector.extract_strided_slice %dot_general3A_462 {offsets = [0, 256], sizes = [256, 128], strides = [1, 1]} : vector<256x384xf32> to vector<256x128xf32>
    %mul3A_466 = arith.mulf %slice3A_463, %slice3A_463 : vector<256x128xf32>
    %mul3A_467 = arith.mulf %slice3A_464, %slice3A_464 : vector<256x128xf32>
    %add3A_468 = arith.addf %mul3A_466, %mul3A_467 : vector<256x128xf32>
    %mul3A_469 = arith.mulf %slice3A_465, %slice3A_465 : vector<256x128xf32>
    %add3A_470 = arith.addf %add3A_468, %mul3A_469 : vector<256x128xf32>
    %sqrt3A_471 = math.sqrt %add3A_470 : vector<256x128xf32>
    %mul3A_472 = arith.constant 0.833333313 : f32
    %mul3A_473 = vector.broadcast %mul3A_472 : f32 to vector<256x128xf32>
    %mul3A_474 = arith.mulf %sqrt3A_471, %mul3A_473 : vector<256x128xf32>
    %sub3A_475 = arith.constant 1.000000e+00 : f32
    %sub3A_476 = vector.broadcast %sub3A_475 : f32 to vector<256x128xf32>
    %sub3A_477 = arith.subf %sub3A_476, %mul3A_474 : vector<256x128xf32>
    %max3A_478 = arith.constant 0.000000e+00 : f32
    %max3A_479 = vector.broadcast %max3A_478 : f32 to vector<256x128xf32>
    %max3A_480 = arith.maximumf %sub3A_477, %max3A_479 : vector<256x128xf32>
    %mul3A_481 = arith.mulf %max3A_480, %convert_element_type3A_73 : vector<256x128xf32>
    %slice3A_482 = vector.extract_strided_slice %concatenate3A {offsets = [3840, 0], sizes = [256, 128], strides = [1, 1]} : vector<6400x128xf32> to vector<256x128xf32>
    %dot_general3A_483 = arith.constant dense<0.000000e+00> : vector<128x128xf32>
    %dot_general3A_484 = tpu.matmul %mul3A_481, %slice3A_482, %dot_general3A_483 {dimension_numbers = #tpu.dot_dimension_numbers<[0], [0], [1], [1], [0, 1, 1, 1], [], []>, transpose_lhs_hint = false} : vector<256x128xf32>, vector<256x128xf32>, vector<128x128xf32> -> vector<128x128xf32>
    %slice3A_485 = vector.extract_strided_slice %concatenate3A_11 {offsets = [4096, 0], sizes = [256, 8], strides = [1, 1]} : vector<6400x8xf32> to vector<256x8xf32>
    %slice3A_486 = vector.extract_strided_slice %get3A_14 {offsets = [0, 6144], sizes = [8, 384], strides = [1, 1]} : vector<8x9600xf32> to vector<8x384xf32>
    %dot_general3A_487 = arith.constant dense<0.000000e+00> : vector<256x384xf32>
    %dot_general3A_488 = tpu.matmul %slice3A_485, %slice3A_486, %dot_general3A_487 {dimension_numbers = #tpu.dot_dimension_numbers<[1], [0], [0], [1], [0, 0, 1, 1], [], []>, transpose_lhs_hint = false} : vector<256x8xf32>, vector<8x384xf32>, vector<256x384xf32> -> vector<256x384xf32>
    %slice3A_489 = vector.extract_strided_slice %dot_general3A_488 {offsets = [0, 0], sizes = [256, 128], strides = [1, 1]} : vector<256x384xf32> to vector<256x128xf32>
    %slice3A_490 = vector.extract_strided_slice %dot_general3A_488 {offsets = [0, 128], sizes = [256, 128], strides = [1, 1]} : vector<256x384xf32> to vector<256x128xf32>
    %slice3A_491 = vector.extract_strided_slice %dot_general3A_488 {offsets = [0, 256], sizes = [256, 128], strides = [1, 1]} : vector<256x384xf32> to vector<256x128xf32>
    %mul3A_492 = arith.mulf %slice3A_489, %slice3A_489 : vector<256x128xf32>
    %mul3A_493 = arith.mulf %slice3A_490, %slice3A_490 : vector<256x128xf32>
    %add3A_494 = arith.addf %mul3A_492, %mul3A_493 : vector<256x128xf32>
    %mul3A_495 = arith.mulf %slice3A_491, %slice3A_491 : vector<256x128xf32>
    %add3A_496 = arith.addf %add3A_494, %mul3A_495 : vector<256x128xf32>
    %sqrt3A_497 = math.sqrt %add3A_496 : vector<256x128xf32>
    %mul3A_498 = arith.constant 0.833333313 : f32
    %mul3A_499 = vector.broadcast %mul3A_498 : f32 to vector<256x128xf32>
    %mul3A_500 = arith.mulf %sqrt3A_497, %mul3A_499 : vector<256x128xf32>
    %sub3A_501 = arith.constant 1.000000e+00 : f32
    %sub3A_502 = vector.broadcast %sub3A_501 : f32 to vector<256x128xf32>
    %sub3A_503 = arith.subf %sub3A_502, %mul3A_500 : vector<256x128xf32>
    %max3A_504 = arith.constant 0.000000e+00 : f32
    %max3A_505 = vector.broadcast %max3A_504 : f32 to vector<256x128xf32>
    %max3A_506 = arith.maximumf %sub3A_503, %max3A_505 : vector<256x128xf32>
    %mul3A_507 = arith.mulf %max3A_506, %convert_element_type3A_73 : vector<256x128xf32>
    %slice3A_508 = vector.extract_strided_slice %concatenate3A {offsets = [4096, 0], sizes = [256, 128], strides = [1, 1]} : vector<6400x128xf32> to vector<256x128xf32>
    %dot_general3A_509 = arith.constant dense<0.000000e+00> : vector<128x128xf32>
    %dot_general3A_510 = tpu.matmul %mul3A_507, %slice3A_508, %dot_general3A_509 {dimension_numbers = #tpu.dot_dimension_numbers<[0], [0], [1], [1], [0, 1, 1, 1], [], []>, transpose_lhs_hint = false} : vector<256x128xf32>, vector<256x128xf32>, vector<128x128xf32> -> vector<128x128xf32>
    %slice3A_511 = vector.extract_strided_slice %concatenate3A_11 {offsets = [4352, 0], sizes = [256, 8], strides = [1, 1]} : vector<6400x8xf32> to vector<256x8xf32>
    %slice3A_512 = vector.extract_strided_slice %get3A_14 {offsets = [0, 6528], sizes = [8, 384], strides = [1, 1]} : vector<8x9600xf32> to vector<8x384xf32>
    %dot_general3A_513 = arith.constant dense<0.000000e+00> : vector<256x384xf32>
    %dot_general3A_514 = tpu.matmul %slice3A_511, %slice3A_512, %dot_general3A_513 {dimension_numbers = #tpu.dot_dimension_numbers<[1], [0], [0], [1], [0, 0, 1, 1], [], []>, transpose_lhs_hint = false} : vector<256x8xf32>, vector<8x384xf32>, vector<256x384xf32> -> vector<256x384xf32>
    %slice3A_515 = vector.extract_strided_slice %dot_general3A_514 {offsets = [0, 0], sizes = [256, 128], strides = [1, 1]} : vector<256x384xf32> to vector<256x128xf32>
    %slice3A_516 = vector.extract_strided_slice %dot_general3A_514 {offsets = [0, 128], sizes = [256, 128], strides = [1, 1]} : vector<256x384xf32> to vector<256x128xf32>
    %slice3A_517 = vector.extract_strided_slice %dot_general3A_514 {offsets = [0, 256], sizes = [256, 128], strides = [1, 1]} : vector<256x384xf32> to vector<256x128xf32>
    %mul3A_518 = arith.mulf %slice3A_515, %slice3A_515 : vector<256x128xf32>
    %mul3A_519 = arith.mulf %slice3A_516, %slice3A_516 : vector<256x128xf32>
    %add3A_520 = arith.addf %mul3A_518, %mul3A_519 : vector<256x128xf32>
    %mul3A_521 = arith.mulf %slice3A_517, %slice3A_517 : vector<256x128xf32>
    %add3A_522 = arith.addf %add3A_520, %mul3A_521 : vector<256x128xf32>
    %sqrt3A_523 = math.sqrt %add3A_522 : vector<256x128xf32>
    %mul3A_524 = arith.constant 0.833333313 : f32
    %mul3A_525 = vector.broadcast %mul3A_524 : f32 to vector<256x128xf32>
    %mul3A_526 = arith.mulf %sqrt3A_523, %mul3A_525 : vector<256x128xf32>
    %sub3A_527 = arith.constant 1.000000e+00 : f32
    %sub3A_528 = vector.broadcast %sub3A_527 : f32 to vector<256x128xf32>
    %sub3A_529 = arith.subf %sub3A_528, %mul3A_526 : vector<256x128xf32>
    %max3A_530 = arith.constant 0.000000e+00 : f32
    %max3A_531 = vector.broadcast %max3A_530 : f32 to vector<256x128xf32>
    %max3A_532 = arith.maximumf %sub3A_529, %max3A_531 : vector<256x128xf32>
    %mul3A_533 = arith.mulf %max3A_532, %convert_element_type3A_73 : vector<256x128xf32>
    %slice3A_534 = vector.extract_strided_slice %concatenate3A {offsets = [4352, 0], sizes = [256, 128], strides = [1, 1]} : vector<6400x128xf32> to vector<256x128xf32>
    %dot_general3A_535 = arith.constant dense<0.000000e+00> : vector<128x128xf32>
    %dot_general3A_536 = tpu.matmul %mul3A_533, %slice3A_534, %dot_general3A_535 {dimension_numbers = #tpu.dot_dimension_numbers<[0], [0], [1], [1], [0, 1, 1, 1], [], []>, transpose_lhs_hint = false} : vector<256x128xf32>, vector<256x128xf32>, vector<128x128xf32> -> vector<128x128xf32>
    %slice3A_537 = vector.extract_strided_slice %concatenate3A_11 {offsets = [4608, 0], sizes = [256, 8], strides = [1, 1]} : vector<6400x8xf32> to vector<256x8xf32>
    %slice3A_538 = vector.extract_strided_slice %get3A_14 {offsets = [0, 6912], sizes = [8, 384], strides = [1, 1]} : vector<8x9600xf32> to vector<8x384xf32>
    %dot_general3A_539 = arith.constant dense<0.000000e+00> : vector<256x384xf32>
    %dot_general3A_540 = tpu.matmul %slice3A_537, %slice3A_538, %dot_general3A_539 {dimension_numbers = #tpu.dot_dimension_numbers<[1], [0], [0], [1], [0, 0, 1, 1], [], []>, transpose_lhs_hint = false} : vector<256x8xf32>, vector<8x384xf32>, vector<256x384xf32> -> vector<256x384xf32>
    %slice3A_541 = vector.extract_strided_slice %dot_general3A_540 {offsets = [0, 0], sizes = [256, 128], strides = [1, 1]} : vector<256x384xf32> to vector<256x128xf32>
    %slice3A_542 = vector.extract_strided_slice %dot_general3A_540 {offsets = [0, 128], sizes = [256, 128], strides = [1, 1]} : vector<256x384xf32> to vector<256x128xf32>
    %slice3A_543 = vector.extract_strided_slice %dot_general3A_540 {offsets = [0, 256], sizes = [256, 128], strides = [1, 1]} : vector<256x384xf32> to vector<256x128xf32>
    %mul3A_544 = arith.mulf %slice3A_541, %slice3A_541 : vector<256x128xf32>
    %mul3A_545 = arith.mulf %slice3A_542, %slice3A_542 : vector<256x128xf32>
    %add3A_546 = arith.addf %mul3A_544, %mul3A_545 : vector<256x128xf32>
    %mul3A_547 = arith.mulf %slice3A_543, %slice3A_543 : vector<256x128xf32>
    %add3A_548 = arith.addf %add3A_546, %mul3A_547 : vector<256x128xf32>
    %sqrt3A_549 = math.sqrt %add3A_548 : vector<256x128xf32>
    %mul3A_550 = arith.constant 0.833333313 : f32
    %mul3A_551 = vector.broadcast %mul3A_550 : f32 to vector<256x128xf32>
    %mul3A_552 = arith.mulf %sqrt3A_549, %mul3A_551 : vector<256x128xf32>
    %sub3A_553 = arith.constant 1.000000e+00 : f32
    %sub3A_554 = vector.broadcast %sub3A_553 : f32 to vector<256x128xf32>
    %sub3A_555 = arith.subf %sub3A_554, %mul3A_552 : vector<256x128xf32>
    %max3A_556 = arith.constant 0.000000e+00 : f32
    %max3A_557 = vector.broadcast %max3A_556 : f32 to vector<256x128xf32>
    %max3A_558 = arith.maximumf %sub3A_555, %max3A_557 : vector<256x128xf32>
    %mul3A_559 = arith.mulf %max3A_558, %convert_element_type3A_73 : vector<256x128xf32>
    %slice3A_560 = vector.extract_strided_slice %concatenate3A {offsets = [4608, 0], sizes = [256, 128], strides = [1, 1]} : vector<6400x128xf32> to vector<256x128xf32>
    %dot_general3A_561 = arith.constant dense<0.000000e+00> : vector<128x128xf32>
    %dot_general3A_562 = tpu.matmul %mul3A_559, %slice3A_560, %dot_general3A_561 {dimension_numbers = #tpu.dot_dimension_numbers<[0], [0], [1], [1], [0, 1, 1, 1], [], []>, transpose_lhs_hint = false} : vector<256x128xf32>, vector<256x128xf32>, vector<128x128xf32> -> vector<128x128xf32>
    %slice3A_563 = vector.extract_strided_slice %concatenate3A_11 {offsets = [4864, 0], sizes = [256, 8], strides = [1, 1]} : vector<6400x8xf32> to vector<256x8xf32>
    %slice3A_564 = vector.extract_strided_slice %get3A_14 {offsets = [0, 7296], sizes = [8, 384], strides = [1, 1]} : vector<8x9600xf32> to vector<8x384xf32>
    %dot_general3A_565 = arith.constant dense<0.000000e+00> : vector<256x384xf32>
    %dot_general3A_566 = tpu.matmul %slice3A_563, %slice3A_564, %dot_general3A_565 {dimension_numbers = #tpu.dot_dimension_numbers<[1], [0], [0], [1], [0, 0, 1, 1], [], []>, transpose_lhs_hint = false} : vector<256x8xf32>, vector<8x384xf32>, vector<256x384xf32> -> vector<256x384xf32>
    %slice3A_567 = vector.extract_strided_slice %dot_general3A_566 {offsets = [0, 0], sizes = [256, 128], strides = [1, 1]} : vector<256x384xf32> to vector<256x128xf32>
    %slice3A_568 = vector.extract_strided_slice %dot_general3A_566 {offsets = [0, 128], sizes = [256, 128], strides = [1, 1]} : vector<256x384xf32> to vector<256x128xf32>
    %slice3A_569 = vector.extract_strided_slice %dot_general3A_566 {offsets = [0, 256], sizes = [256, 128], strides = [1, 1]} : vector<256x384xf32> to vector<256x128xf32>
    %mul3A_570 = arith.mulf %slice3A_567, %slice3A_567 : vector<256x128xf32>
    %mul3A_571 = arith.mulf %slice3A_568, %slice3A_568 : vector<256x128xf32>
    %add3A_572 = arith.addf %mul3A_570, %mul3A_571 : vector<256x128xf32>
    %mul3A_573 = arith.mulf %slice3A_569, %slice3A_569 : vector<256x128xf32>
    %add3A_574 = arith.addf %add3A_572, %mul3A_573 : vector<256x128xf32>
    %sqrt3A_575 = math.sqrt %add3A_574 : vector<256x128xf32>
    %mul3A_576 = arith.constant 0.833333313 : f32
    %mul3A_577 = vector.broadcast %mul3A_576 : f32 to vector<256x128xf32>
    %mul3A_578 = arith.mulf %sqrt3A_575, %mul3A_577 : vector<256x128xf32>
    %sub3A_579 = arith.constant 1.000000e+00 : f32
    %sub3A_580 = vector.broadcast %sub3A_579 : f32 to vector<256x128xf32>
    %sub3A_581 = arith.subf %sub3A_580, %mul3A_578 : vector<256x128xf32>
    %max3A_582 = arith.constant 0.000000e+00 : f32
    %max3A_583 = vector.broadcast %max3A_582 : f32 to vector<256x128xf32>
    %max3A_584 = arith.maximumf %sub3A_581, %max3A_583 : vector<256x128xf32>
    %mul3A_585 = arith.mulf %max3A_584, %convert_element_type3A_73 : vector<256x128xf32>
    %slice3A_586 = vector.extract_strided_slice %concatenate3A {offsets = [4864, 0], sizes = [256, 128], strides = [1, 1]} : vector<6400x128xf32> to vector<256x128xf32>
    %dot_general3A_587 = arith.constant dense<0.000000e+00> : vector<128x128xf32>
    %dot_general3A_588 = tpu.matmul %mul3A_585, %slice3A_586, %dot_general3A_587 {dimension_numbers = #tpu.dot_dimension_numbers<[0], [0], [1], [1], [0, 1, 1, 1], [], []>, transpose_lhs_hint = false} : vector<256x128xf32>, vector<256x128xf32>, vector<128x128xf32> -> vector<128x128xf32>
    %slice3A_589 = vector.extract_strided_slice %concatenate3A_11 {offsets = [5120, 0], sizes = [256, 8], strides = [1, 1]} : vector<6400x8xf32> to vector<256x8xf32>
    %slice3A_590 = vector.extract_strided_slice %get3A_14 {offsets = [0, 7680], sizes = [8, 384], strides = [1, 1]} : vector<8x9600xf32> to vector<8x384xf32>
    %dot_general3A_591 = arith.constant dense<0.000000e+00> : vector<256x384xf32>
    %dot_general3A_592 = tpu.matmul %slice3A_589, %slice3A_590, %dot_general3A_591 {dimension_numbers = #tpu.dot_dimension_numbers<[1], [0], [0], [1], [0, 0, 1, 1], [], []>, transpose_lhs_hint = false} : vector<256x8xf32>, vector<8x384xf32>, vector<256x384xf32> -> vector<256x384xf32>
    %slice3A_593 = vector.extract_strided_slice %dot_general3A_592 {offsets = [0, 0], sizes = [256, 128], strides = [1, 1]} : vector<256x384xf32> to vector<256x128xf32>
    %slice3A_594 = vector.extract_strided_slice %dot_general3A_592 {offsets = [0, 128], sizes = [256, 128], strides = [1, 1]} : vector<256x384xf32> to vector<256x128xf32>
    %slice3A_595 = vector.extract_strided_slice %dot_general3A_592 {offsets = [0, 256], sizes = [256, 128], strides = [1, 1]} : vector<256x384xf32> to vector<256x128xf32>
    %mul3A_596 = arith.mulf %slice3A_593, %slice3A_593 : vector<256x128xf32>
    %mul3A_597 = arith.mulf %slice3A_594, %slice3A_594 : vector<256x128xf32>
    %add3A_598 = arith.addf %mul3A_596, %mul3A_597 : vector<256x128xf32>
    %mul3A_599 = arith.mulf %slice3A_595, %slice3A_595 : vector<256x128xf32>
    %add3A_600 = arith.addf %add3A_598, %mul3A_599 : vector<256x128xf32>
    %sqrt3A_601 = math.sqrt %add3A_600 : vector<256x128xf32>
    %mul3A_602 = arith.constant 0.833333313 : f32
    %mul3A_603 = vector.broadcast %mul3A_602 : f32 to vector<256x128xf32>
    %mul3A_604 = arith.mulf %sqrt3A_601, %mul3A_603 : vector<256x128xf32>
    %sub3A_605 = arith.constant 1.000000e+00 : f32
    %sub3A_606 = vector.broadcast %sub3A_605 : f32 to vector<256x128xf32>
    %sub3A_607 = arith.subf %sub3A_606, %mul3A_604 : vector<256x128xf32>
    %max3A_608 = arith.constant 0.000000e+00 : f32
    %max3A_609 = vector.broadcast %max3A_608 : f32 to vector<256x128xf32>
    %max3A_610 = arith.maximumf %sub3A_607, %max3A_609 : vector<256x128xf32>
    %mul3A_611 = arith.mulf %max3A_610, %convert_element_type3A_73 : vector<256x128xf32>
    %slice3A_612 = vector.extract_strided_slice %concatenate3A {offsets = [5120, 0], sizes = [256, 128], strides = [1, 1]} : vector<6400x128xf32> to vector<256x128xf32>
    %dot_general3A_613 = arith.constant dense<0.000000e+00> : vector<128x128xf32>
    %dot_general3A_614 = tpu.matmul %mul3A_611, %slice3A_612, %dot_general3A_613 {dimension_numbers = #tpu.dot_dimension_numbers<[0], [0], [1], [1], [0, 1, 1, 1], [], []>, transpose_lhs_hint = false} : vector<256x128xf32>, vector<256x128xf32>, vector<128x128xf32> -> vector<128x128xf32>
    %slice3A_615 = vector.extract_strided_slice %concatenate3A_11 {offsets = [5376, 0], sizes = [256, 8], strides = [1, 1]} : vector<6400x8xf32> to vector<256x8xf32>
    %slice3A_616 = vector.extract_strided_slice %get3A_14 {offsets = [0, 8064], sizes = [8, 384], strides = [1, 1]} : vector<8x9600xf32> to vector<8x384xf32>
    %dot_general3A_617 = arith.constant dense<0.000000e+00> : vector<256x384xf32>
    %dot_general3A_618 = tpu.matmul %slice3A_615, %slice3A_616, %dot_general3A_617 {dimension_numbers = #tpu.dot_dimension_numbers<[1], [0], [0], [1], [0, 0, 1, 1], [], []>, transpose_lhs_hint = false} : vector<256x8xf32>, vector<8x384xf32>, vector<256x384xf32> -> vector<256x384xf32>
    %slice3A_619 = vector.extract_strided_slice %dot_general3A_618 {offsets = [0, 0], sizes = [256, 128], strides = [1, 1]} : vector<256x384xf32> to vector<256x128xf32>
    %slice3A_620 = vector.extract_strided_slice %dot_general3A_618 {offsets = [0, 128], sizes = [256, 128], strides = [1, 1]} : vector<256x384xf32> to vector<256x128xf32>
    %slice3A_621 = vector.extract_strided_slice %dot_general3A_618 {offsets = [0, 256], sizes = [256, 128], strides = [1, 1]} : vector<256x384xf32> to vector<256x128xf32>
    %mul3A_622 = arith.mulf %slice3A_619, %slice3A_619 : vector<256x128xf32>
    %mul3A_623 = arith.mulf %slice3A_620, %slice3A_620 : vector<256x128xf32>
    %add3A_624 = arith.addf %mul3A_622, %mul3A_623 : vector<256x128xf32>
    %mul3A_625 = arith.mulf %slice3A_621, %slice3A_621 : vector<256x128xf32>
    %add3A_626 = arith.addf %add3A_624, %mul3A_625 : vector<256x128xf32>
    %sqrt3A_627 = math.sqrt %add3A_626 : vector<256x128xf32>
    %mul3A_628 = arith.constant 0.833333313 : f32
    %mul3A_629 = vector.broadcast %mul3A_628 : f32 to vector<256x128xf32>
    %mul3A_630 = arith.mulf %sqrt3A_627, %mul3A_629 : vector<256x128xf32>
    %sub3A_631 = arith.constant 1.000000e+00 : f32
    %sub3A_632 = vector.broadcast %sub3A_631 : f32 to vector<256x128xf32>
    %sub3A_633 = arith.subf %sub3A_632, %mul3A_630 : vector<256x128xf32>
    %max3A_634 = arith.constant 0.000000e+00 : f32
    %max3A_635 = vector.broadcast %max3A_634 : f32 to vector<256x128xf32>
    %max3A_636 = arith.maximumf %sub3A_633, %max3A_635 : vector<256x128xf32>
    %mul3A_637 = arith.mulf %max3A_636, %convert_element_type3A_73 : vector<256x128xf32>
    %slice3A_638 = vector.extract_strided_slice %concatenate3A {offsets = [5376, 0], sizes = [256, 128], strides = [1, 1]} : vector<6400x128xf32> to vector<256x128xf32>
    %dot_general3A_639 = arith.constant dense<0.000000e+00> : vector<128x128xf32>
    %dot_general3A_640 = tpu.matmul %mul3A_637, %slice3A_638, %dot_general3A_639 {dimension_numbers = #tpu.dot_dimension_numbers<[0], [0], [1], [1], [0, 1, 1, 1], [], []>, transpose_lhs_hint = false} : vector<256x128xf32>, vector<256x128xf32>, vector<128x128xf32> -> vector<128x128xf32>
    %slice3A_641 = vector.extract_strided_slice %concatenate3A_11 {offsets = [5632, 0], sizes = [256, 8], strides = [1, 1]} : vector<6400x8xf32> to vector<256x8xf32>
    %slice3A_642 = vector.extract_strided_slice %get3A_14 {offsets = [0, 8448], sizes = [8, 384], strides = [1, 1]} : vector<8x9600xf32> to vector<8x384xf32>
    %dot_general3A_643 = arith.constant dense<0.000000e+00> : vector<256x384xf32>
    %dot_general3A_644 = tpu.matmul %slice3A_641, %slice3A_642, %dot_general3A_643 {dimension_numbers = #tpu.dot_dimension_numbers<[1], [0], [0], [1], [0, 0, 1, 1], [], []>, transpose_lhs_hint = false} : vector<256x8xf32>, vector<8x384xf32>, vector<256x384xf32> -> vector<256x384xf32>
    %slice3A_645 = vector.extract_strided_slice %dot_general3A_644 {offsets = [0, 0], sizes = [256, 128], strides = [1, 1]} : vector<256x384xf32> to vector<256x128xf32>
    %slice3A_646 = vector.extract_strided_slice %dot_general3A_644 {offsets = [0, 128], sizes = [256, 128], strides = [1, 1]} : vector<256x384xf32> to vector<256x128xf32>
    %slice3A_647 = vector.extract_strided_slice %dot_general3A_644 {offsets = [0, 256], sizes = [256, 128], strides = [1, 1]} : vector<256x384xf32> to vector<256x128xf32>
    %mul3A_648 = arith.mulf %slice3A_645, %slice3A_645 : vector<256x128xf32>
    %mul3A_649 = arith.mulf %slice3A_646, %slice3A_646 : vector<256x128xf32>
    %add3A_650 = arith.addf %mul3A_648, %mul3A_649 : vector<256x128xf32>
    %mul3A_651 = arith.mulf %slice3A_647, %slice3A_647 : vector<256x128xf32>
    %add3A_652 = arith.addf %add3A_650, %mul3A_651 : vector<256x128xf32>
    %sqrt3A_653 = math.sqrt %add3A_652 : vector<256x128xf32>
    %mul3A_654 = arith.constant 0.833333313 : f32
    %mul3A_655 = vector.broadcast %mul3A_654 : f32 to vector<256x128xf32>
    %mul3A_656 = arith.mulf %sqrt3A_653, %mul3A_655 : vector<256x128xf32>
    %sub3A_657 = arith.constant 1.000000e+00 : f32
    %sub3A_658 = vector.broadcast %sub3A_657 : f32 to vector<256x128xf32>
    %sub3A_659 = arith.subf %sub3A_658, %mul3A_656 : vector<256x128xf32>
    %max3A_660 = arith.constant 0.000000e+00 : f32
    %max3A_661 = vector.broadcast %max3A_660 : f32 to vector<256x128xf32>
    %max3A_662 = arith.maximumf %sub3A_659, %max3A_661 : vector<256x128xf32>
    %mul3A_663 = arith.mulf %max3A_662, %convert_element_type3A_73 : vector<256x128xf32>
    %slice3A_664 = vector.extract_strided_slice %concatenate3A {offsets = [5632, 0], sizes = [256, 128], strides = [1, 1]} : vector<6400x128xf32> to vector<256x128xf32>
    %dot_general3A_665 = arith.constant dense<0.000000e+00> : vector<128x128xf32>
    %dot_general3A_666 = tpu.matmul %mul3A_663, %slice3A_664, %dot_general3A_665 {dimension_numbers = #tpu.dot_dimension_numbers<[0], [0], [1], [1], [0, 1, 1, 1], [], []>, transpose_lhs_hint = false} : vector<256x128xf32>, vector<256x128xf32>, vector<128x128xf32> -> vector<128x128xf32>
    %slice3A_667 = vector.extract_strided_slice %concatenate3A_11 {offsets = [5888, 0], sizes = [256, 8], strides = [1, 1]} : vector<6400x8xf32> to vector<256x8xf32>
    %slice3A_668 = vector.extract_strided_slice %get3A_14 {offsets = [0, 8832], sizes = [8, 384], strides = [1, 1]} : vector<8x9600xf32> to vector<8x384xf32>
    %dot_general3A_669 = arith.constant dense<0.000000e+00> : vector<256x384xf32>
    %dot_general3A_670 = tpu.matmul %slice3A_667, %slice3A_668, %dot_general3A_669 {dimension_numbers = #tpu.dot_dimension_numbers<[1], [0], [0], [1], [0, 0, 1, 1], [], []>, transpose_lhs_hint = false} : vector<256x8xf32>, vector<8x384xf32>, vector<256x384xf32> -> vector<256x384xf32>
    %slice3A_671 = vector.extract_strided_slice %dot_general3A_670 {offsets = [0, 0], sizes = [256, 128], strides = [1, 1]} : vector<256x384xf32> to vector<256x128xf32>
    %slice3A_672 = vector.extract_strided_slice %dot_general3A_670 {offsets = [0, 128], sizes = [256, 128], strides = [1, 1]} : vector<256x384xf32> to vector<256x128xf32>
    %slice3A_673 = vector.extract_strided_slice %dot_general3A_670 {offsets = [0, 256], sizes = [256, 128], strides = [1, 1]} : vector<256x384xf32> to vector<256x128xf32>
    %mul3A_674 = arith.mulf %slice3A_671, %slice3A_671 : vector<256x128xf32>
    %mul3A_675 = arith.mulf %slice3A_672, %slice3A_672 : vector<256x128xf32>
    %add3A_676 = arith.addf %mul3A_674, %mul3A_675 : vector<256x128xf32>
    %mul3A_677 = arith.mulf %slice3A_673, %slice3A_673 : vector<256x128xf32>
    %add3A_678 = arith.addf %add3A_676, %mul3A_677 : vector<256x128xf32>
    %sqrt3A_679 = math.sqrt %add3A_678 : vector<256x128xf32>
    %mul3A_680 = arith.constant 0.833333313 : f32
    %mul3A_681 = vector.broadcast %mul3A_680 : f32 to vector<256x128xf32>
    %mul3A_682 = arith.mulf %sqrt3A_679, %mul3A_681 : vector<256x128xf32>
    %sub3A_683 = arith.constant 1.000000e+00 : f32
    %sub3A_684 = vector.broadcast %sub3A_683 : f32 to vector<256x128xf32>
    %sub3A_685 = arith.subf %sub3A_684, %mul3A_682 : vector<256x128xf32>
    %max3A_686 = arith.constant 0.000000e+00 : f32
    %max3A_687 = vector.broadcast %max3A_686 : f32 to vector<256x128xf32>
    %max3A_688 = arith.maximumf %sub3A_685, %max3A_687 : vector<256x128xf32>
    %mul3A_689 = arith.mulf %max3A_688, %convert_element_type3A_73 : vector<256x128xf32>
    %slice3A_690 = vector.extract_strided_slice %concatenate3A {offsets = [5888, 0], sizes = [256, 128], strides = [1, 1]} : vector<6400x128xf32> to vector<256x128xf32>
    %dot_general3A_691 = arith.constant dense<0.000000e+00> : vector<128x128xf32>
    %dot_general3A_692 = tpu.matmul %mul3A_689, %slice3A_690, %dot_general3A_691 {dimension_numbers = #tpu.dot_dimension_numbers<[0], [0], [1], [1], [0, 1, 1, 1], [], []>, transpose_lhs_hint = false} : vector<256x128xf32>, vector<256x128xf32>, vector<128x128xf32> -> vector<128x128xf32>
    %slice3A_693 = vector.extract_strided_slice %concatenate3A_11 {offsets = [6144, 0], sizes = [256, 8], strides = [1, 1]} : vector<6400x8xf32> to vector<256x8xf32>
    %slice3A_694 = vector.extract_strided_slice %get3A_14 {offsets = [0, 9216], sizes = [8, 384], strides = [1, 1]} : vector<8x9600xf32> to vector<8x384xf32>
    %dot_general3A_695 = arith.constant dense<0.000000e+00> : vector<256x384xf32>
    %dot_general3A_696 = tpu.matmul %slice3A_693, %slice3A_694, %dot_general3A_695 {dimension_numbers = #tpu.dot_dimension_numbers<[1], [0], [0], [1], [0, 0, 1, 1], [], []>, transpose_lhs_hint = false} : vector<256x8xf32>, vector<8x384xf32>, vector<256x384xf32> -> vector<256x384xf32>
    %slice3A_697 = vector.extract_strided_slice %dot_general3A_696 {offsets = [0, 0], sizes = [256, 128], strides = [1, 1]} : vector<256x384xf32> to vector<256x128xf32>
    %slice3A_698 = vector.extract_strided_slice %dot_general3A_696 {offsets = [0, 128], sizes = [256, 128], strides = [1, 1]} : vector<256x384xf32> to vector<256x128xf32>
    %slice3A_699 = vector.extract_strided_slice %dot_general3A_696 {offsets = [0, 256], sizes = [256, 128], strides = [1, 1]} : vector<256x384xf32> to vector<256x128xf32>
    %mul3A_700 = arith.mulf %slice3A_697, %slice3A_697 : vector<256x128xf32>
    %mul3A_701 = arith.mulf %slice3A_698, %slice3A_698 : vector<256x128xf32>
    %add3A_702 = arith.addf %mul3A_700, %mul3A_701 : vector<256x128xf32>
    %mul3A_703 = arith.mulf %slice3A_699, %slice3A_699 : vector<256x128xf32>
    %add3A_704 = arith.addf %add3A_702, %mul3A_703 : vector<256x128xf32>
    %sqrt3A_705 = math.sqrt %add3A_704 : vector<256x128xf32>
    %mul3A_706 = arith.constant 0.833333313 : f32
    %mul3A_707 = vector.broadcast %mul3A_706 : f32 to vector<256x128xf32>
    %mul3A_708 = arith.mulf %sqrt3A_705, %mul3A_707 : vector<256x128xf32>
    %sub3A_709 = arith.constant 1.000000e+00 : f32
    %sub3A_710 = vector.broadcast %sub3A_709 : f32 to vector<256x128xf32>
    %sub3A_711 = arith.subf %sub3A_710, %mul3A_708 : vector<256x128xf32>
    %max3A_712 = arith.constant 0.000000e+00 : f32
    %max3A_713 = vector.broadcast %max3A_712 : f32 to vector<256x128xf32>
    %max3A_714 = arith.maximumf %sub3A_711, %max3A_713 : vector<256x128xf32>
    %mul3A_715 = arith.mulf %max3A_714, %convert_element_type3A_73 : vector<256x128xf32>
    %slice3A_716 = vector.extract_strided_slice %concatenate3A {offsets = [6144, 0], sizes = [256, 128], strides = [1, 1]} : vector<6400x128xf32> to vector<256x128xf32>
    %dot_general3A_717 = arith.constant dense<0.000000e+00> : vector<128x128xf32>
    %dot_general3A_718 = tpu.matmul %mul3A_715, %slice3A_716, %dot_general3A_717 {dimension_numbers = #tpu.dot_dimension_numbers<[0], [0], [1], [1], [0, 1, 1, 1], [], []>, transpose_lhs_hint = false} : vector<256x128xf32>, vector<256x128xf32>, vector<128x128xf32> -> vector<128x128xf32>
    %concatenate3A_719 = tpu.concatenate %dot_general3A_94, %dot_general3A_120, %dot_general3A_146, %dot_general3A_172, %dot_general3A_198, %dot_general3A_224, %dot_general3A_250, %dot_general3A_276, %dot_general3A_302, %dot_general3A_328, %dot_general3A_354, %dot_general3A_380, %dot_general3A_406, %dot_general3A_432, %dot_general3A_458, %dot_general3A_484, %dot_general3A_510, %dot_general3A_536, %dot_general3A_562, %dot_general3A_588, %dot_general3A_614, %dot_general3A_640, %dot_general3A_666, %dot_general3A_692, %dot_general3A_718 in 0 : vector<128x128xf32>, vector<128x128xf32>, vector<128x128xf32>, vector<128x128xf32>, vector<128x128xf32>, vector<128x128xf32>, vector<128x128xf32>, vector<128x128xf32>, vector<128x128xf32>, vector<128x128xf32>, vector<128x128xf32>, vector<128x128xf32>, vector<128x128xf32>, vector<128x128xf32>, vector<128x128xf32>, vector<128x128xf32>, vector<128x128xf32>, vector<128x128xf32>, vector<128x128xf32>, vector<128x128xf32>, vector<128x128xf32>, vector<128x128xf32>, vector<128x128xf32>, vector<128x128xf32>, vector<128x128xf32> -> vector<3200x128xf32>
    %reshape3A = vector.shape_cast %concatenate3A_719 : vector<3200x128xf32> to vector<200x2048xf32>
    %get3A_720 = arith.constant 0 : index
    %get3A_721 = arith.constant 0 : index
    %get3A_722 = vector.load %arg2[%get3A_720, %get3A_721] : memref<2048x128xf32, #tpu.memory_space<vmem>>, vector<2048x128xf32>
    %dot_general3A_723 = arith.constant dense<0.000000e+00> : vector<200x128xf32>
    %dot_general3A_724 = tpu.matmul %reshape3A, %get3A_722, %dot_general3A_723 {dimension_numbers = #tpu.dot_dimension_numbers<[1], [0], [0], [1], [0, 0, 1, 1], [], []>, transpose_lhs_hint = false} : vector<200x2048xf32>, vector<2048x128xf32>, vector<200x128xf32> -> vector<200x128xf32>
    %swap3A = arith.constant 0 : index
    %swap3A_725 = arith.constant 0 : index
    %swap3A_726 = vector.load %arg4[%swap3A, %swap3A_725] : memref<200x128xf32, #tpu.memory_space<vmem>>, vector<200x128xf32>
    tpu.vector_store %arg4[%swap3A, %swap3A_725], %dot_general3A_724 {strides = array<i32>} : memref<200x128xf32, #tpu.memory_space<vmem>>, vector<200x128xf32>,
    return
  }
  func.func @transform_0(%arg0: i32) -> (i32, i32) {
    %add3A = arith.constant 20 : i32
    %add3A_0 = arith.addi %add3A, %arg0 : i32
    %c0_i32 = arith.constant 0 : i32
    %c0_i32_1 = arith.constant 0 : i32
    return %c0_i32, %add3A_0 : i32, i32
  }
  func.func @transform_1(%arg0: i32) -> (i32, i32) {
    %c0_i32 = arith.constant 0 : i32
    %c0_i32_0 = arith.constant 0 : i32
    %c0_i32_1 = arith.constant 0 : i32
    return %c0_i32, %c0_i32_0 : i32, i32
  }
  func.func @transform_2(%arg0: i32) -> (i32, i32) {
    %c0_i32 = arith.constant 0 : i32
    %c0_i32_0 = arith.constant 0 : i32
    return %arg0, %c0_i32 : i32, i32
  }
  func.func @transform_3(%arg0: i32) -> (i32, i32) {
    %c0_i32 = arith.constant 0 : i32
    %c0_i32_0 = arith.constant 0 : i32
    return %arg0, %c0_i32 : i32, i32
  }
}

module attributes {stable_mosaic.version = 14 : i64} {
  func.func @_tc_body(%arg0: i32, %arg1: memref<8x9600xf32, #tpu.memory_space<vmem>>, %arg2: memref<2048x128xf32, #tpu.memory_space<vmem>>, %arg3: memref<6400x128xf32, #tpu.memory_space<vmem>>, %arg4: memref<200x128xf32, #tpu.memory_space<vmem>>) attributes {dimension_semantics = [#tpu.dimension_semantics<arbitrary>], iteration_bounds = array<i64: 10>, scalar_prefetch = 0 : i64, scratch_operands = 0 : i64, tpu.core_type = #tpu.core_type<tc>, window_params = [{transform_indices = @transform_0, window_bounds = array<i64: 8, 9600>}, {pipeline_mode = #tpu.pipeline_mode<synchronous>, transform_indices = @transform_1, window_bounds = array<i64: 2048, 128>}, {transform_indices = @transform_2, window_bounds = array<i64: 6400, 128>}, {transform_indices = @transform_3, window_bounds = array<i64: 200, 128>}]} {
    %get3A = arith.constant 0 : index
    %get3A_0 = arith.constant 0 : index
    %get3A_1 = vector.load %arg3[%get3A, %get3A_0] : memref<6400x128xf32, #tpu.memory_space<vmem>>, vector<6400x128xf32>
    %slice3A = vector.extract_strided_slice %get3A_1 {offsets = [0, 0], sizes = [6400, 64], strides = [1, 1]} : vector<6400x128xf32> to vector<6400x64xf32>
    %bitcast_convert_type3A = tpu.bitcast %slice3A : vector<6400x64xf32> -> vector<6400x64xi32>
    %shift_left3A = arith.constant 16 : i32
    %shift_left3A_2 = vector.broadcast %shift_left3A : i32 to vector<6400x64xi32>
    %shift_left3A_3 = arith.shli %bitcast_convert_type3A, %shift_left3A_2 : vector<6400x64xi32>
    %bitcast_convert_type3A_4 = tpu.bitcast %shift_left3A_3 : vector<6400x64xi32> -> vector<6400x64xf32>
    %and3A = arith.constant -65536 : i32
    %and3A_5 = vector.broadcast %and3A : i32 to vector<6400x64xi32>
    %and3A_6 = arith.andi %bitcast_convert_type3A, %and3A_5 : vector<6400x64xi32>
    %bitcast_convert_type3A_7 = tpu.bitcast %and3A_6 : vector<6400x64xi32> -> vector<6400x64xf32>
    %concatenate3A = tpu.concatenate %bitcast_convert_type3A_4, %bitcast_convert_type3A_7 in 1 : vector<6400x64xf32>, vector<6400x64xf32> -> vector<6400x128xf32>
    %slice3A_8 = vector.extract_strided_slice %get3A_1 {offsets = [0, 64], sizes = [6400, 3], strides = [1, 1]} : vector<6400x128xf32> to vector<6400x3xf32>
    %convert_element_type3A = arith.truncf %slice3A_8 : vector<6400x3xf32> to vector<6400x3xbf16>
    %convert_element_type3A_9 = arith.extf %convert_element_type3A : vector<6400x3xbf16> to vector<6400x3xf32>
    %sub3A = arith.subf %slice3A_8, %convert_element_type3A_9 : vector<6400x3xf32>
    %slice3A_10 = vector.extract_strided_slice %get3A_1 {offsets = [0, 67], sizes = [6400, 2], strides = [1, 1]} : vector<6400x128xf32> to vector<6400x2xf32>
    %concatenate3A_11 = tpu.concatenate %convert_element_type3A_9, %sub3A, %slice3A_10 in 1 : vector<6400x3xf32>, vector<6400x3xf32>, vector<6400x2xf32> -> vector<6400x8xf32>
    %get3A_12 = arith.constant 0 : index
    %get3A_13 = arith.constant 0 : index
    %get3A_14 = vector.load %arg1[%get3A_12, %get3A_13] : memref<8x9600xf32, #tpu.memory_space<vmem>>, vector<8x9600xf32>
    %iota3A = tpu.iota {dimensions = array<i32: 0>} : vector<256x128xi32>
    %iota3A_15 = tpu.iota {dimensions = array<i32: 1>} : vector<256x128xi32>
    %jit3A = arith.constant 32 : i32
    %div3A = vector.broadcast %jit3A : i32 to vector<256x128xi32>
    %div3A_16 = arith.divsi %iota3A, %div3A : vector<256x128xi32>
    %sign3A = arith.constant 0 : i32
    %sign3A_17 = vector.broadcast %sign3A : i32 to vector<256x128xi32>
    %sign3A_18 = arith.cmpi sgt, %iota3A, %sign3A_17 : vector<256x128xi32>
    %sign3A_19 = arith.extui %sign3A_18 : vector<256x128xi1> to vector<256x128xi32>
    %sign3A_20 = arith.constant 0 : i32
    %sign3A_21 = vector.broadcast %sign3A_20 : i32 to vector<256x128xi32>
    %sign3A_22 = arith.cmpi slt, %iota3A, %sign3A_21 : vector<256x128xi32>
    %sign3A_23 = arith.extui %sign3A_22 : vector<256x128xi1> to vector<256x128xi32>
    %sign3A_24 = arith.subi %sign3A_19, %sign3A_23 : vector<256x128xi32>
    %sign3A_25 = arith.constant 0 : i32
    %sign3A_26 = arith.cmpi sgt, %jit3A, %sign3A_25 : i32
    %sign3A_27 = arith.extui %sign3A_26 : i1 to i32
    %sign3A_28 = arith.constant 0 : i32
    %sign3A_29 = arith.cmpi slt, %jit3A, %sign3A_28 : i32
    %sign3A_30 = arith.extui %sign3A_29 : i1 to i32
    %sign3A_31 = arith.subi %sign3A_27, %sign3A_30 : i32
    %ne3A = vector.broadcast %sign3A_31 : i32 to vector<256x128xi32>
    %ne3A_32 = arith.cmpi ne, %sign3A_24, %ne3A : vector<256x128xi32>
    %rem3A = vector.broadcast %jit3A : i32 to vector<256x128xi32>
    %rem3A_33 = arith.remsi %iota3A, %rem3A : vector<256x128xi32>
    %ne3A_34 = arith.constant 0 : i32
    %ne3A_35 = vector.broadcast %ne3A_34 : i32 to vector<256x128xi32>
    %ne3A_36 = arith.cmpi ne, %rem3A_33, %ne3A_35 : vector<256x128xi32>
    %and3A_37 = arith.andi %ne3A_32, %ne3A_36 : vector<256x128xi1>
    %sub3A_38 = arith.constant 1 : i32
    %sub3A_39 = vector.broadcast %sub3A_38 : i32 to vector<256x128xi32>
    %sub3A_40 = arith.subi %div3A_16, %sub3A_39 : vector<256x128xi32>
    %select_n3A = arith.select %and3A_37, %sub3A_40, %div3A_16 : vector<256x128xi1>, vector<256x128xi32>
    %jit3A_41 = arith.constant 16 : i32
    %div3A_42 = vector.broadcast %jit3A_41 : i32 to vector<256x128xi32>
    %div3A_43 = arith.divsi %iota3A_15, %div3A_42 : vector<256x128xi32>
    %sign3A_44 = arith.constant 0 : i32
    %sign3A_45 = vector.broadcast %sign3A_44 : i32 to vector<256x128xi32>
    %sign3A_46 = arith.cmpi sgt, %iota3A_15, %sign3A_45 : vector<256x128xi32>
    %sign3A_47 = arith.extui %sign3A_46 : vector<256x128xi1> to vector<256x128xi32>
    %sign3A_48 = arith.constant 0 : i32
    %sign3A_49 = vector.broadcast %sign3A_48 : i32 to vector<256x128xi32>
    %sign3A_50 = arith.cmpi slt, %iota3A_15, %sign3A_49 : vector<256x128xi32>
    %sign3A_51 = arith.extui %sign3A_50 : vector<256x128xi1> to vector<256x128xi32>
    %sign3A_52 = arith.subi %sign3A_47, %sign3A_51 : vector<256x128xi32>
    %sign3A_53 = arith.constant 0 : i32
    %sign3A_54 = arith.cmpi sgt, %jit3A_41, %sign3A_53 : i32
    %sign3A_55 = arith.extui %sign3A_54 : i1 to i32
    %sign3A_56 = arith.constant 0 : i32
    %sign3A_57 = arith.cmpi slt, %jit3A_41, %sign3A_56 : i32
    %sign3A_58 = arith.extui %sign3A_57 : i1 to i32
    %sign3A_59 = arith.subi %sign3A_55, %sign3A_58 : i32
    %ne3A_60 = vector.broadcast %sign3A_59 : i32 to vector<256x128xi32>
    %ne3A_61 = arith.cmpi ne, %sign3A_52, %ne3A_60 : vector<256x128xi32>
    %rem3A_62 = vector.broadcast %jit3A_41 : i32 to vector<256x128xi32>
    %rem3A_63 = arith.remsi %iota3A_15, %rem3A_62 : vector<256x128xi32>
    %ne3A_64 = arith.constant 0 : i32
    %ne3A_65 = vector.broadcast %ne3A_64 : i32 to vector<256x128xi32>
    %ne3A_66 = arith.cmpi ne, %rem3A_63, %ne3A_65 : vector<256x128xi32>
    %and3A_67 = arith.andi %ne3A_61, %ne3A_66 : vector<256x128xi1>
    %sub3A_68 = arith.constant 1 : i32
    %sub3A_69 = vector.broadcast %sub3A_68 : i32 to vector<256x128xi32>
    %sub3A_70 = arith.subi %div3A_43, %sub3A_69 : vector<256x128xi32>
    %select_n3A_71 = arith.select %and3A_67, %sub3A_70, %div3A_43 : vector<256x128xi1>, vector<256x128xi32>
    %eq3A = arith.cmpi eq, %select_n3A, %select_n3A_71 : vector<256x128xi32>
    %convert_element_type3A_72 = arith.extui %eq3A : vector<256x128xi1> to vector<256x128xi32>
    %convert_element_type3A_73 = arith.sitofp %convert_element_type3A_72 : vector<256x128xi32> to vector<256x128xf32>
    %slice3A_74 = vector.extract_strided_slice %concatenate3A_11 {offsets = [0, 0], sizes = [256, 8], strides = [1, 1]} : vector<6400x8xf32> to vector<256x8xf32>
    %slice3A_75 = vector.extract_strided_slice %get3A_14 {offsets = [0, 0], sizes = [8, 384], strides = [1, 1]} : vector<8x9600xf32> to vector<8x384xf32>
    %dot_general3A = arith.constant dense<0.000000e+00> : vector<256x384xf32>
    %dot_general3A_76 = tpu.matmul %slice3A_74, %slice3A_75, %dot_general3A {dimension_numbers = #tpu.dot_dimension_numbers<[1], [0], [0], [1], [0, 0, 1, 1], [], []>, transpose_lhs_hint = false} : vector<256x8xf32>, vector<8x384xf32>, vector<256x384xf32> -> vector<256x384xf32>
    %slice3A_77 = vector.extract_strided_slice %dot_general3A_76 {offsets = [0, 0], sizes = [256, 128], strides = [1, 1]} : vector<256x384xf32> to vector<256x128xf32>
    %slice3A_78 = vector.extract_strided_slice %dot_general3A_76 {offsets = [0, 128], sizes = [256, 128], strides = [1, 1]} : vector<256x384xf32> to vector<256x128xf32>
    %slice3A_79 = vector.extract_strided_slice %dot_general3A_76 {offsets = [0, 256], sizes = [256, 128], strides = [1, 1]} : vector<256x384xf32> to vector<256x128xf32>
    %mul3A = arith.mulf %slice3A_77, %slice3A_77 : vector<256x128xf32>
    %mul3A_80 = arith.mulf %slice3A_78, %slice3A_78 : vector<256x128xf32>
    %add3A = arith.addf %mul3A, %mul3A_80 : vector<256x128xf32>
    %mul3A_81 = arith.mulf %slice3A_79, %slice3A_79 : vector<256x128xf32>
    %add3A_82 = arith.addf %add3A, %mul3A_81 : vector<256x128xf32>
    %sqrt3A = math.sqrt %add3A_82 : vector<256x128xf32>
    %mul3A_83 = arith.constant 0.833333313 : f32
    %mul3A_84 = vector.broadcast %mul3A_83 : f32 to vector<256x128xf32>
    %mul3A_85 = arith.mulf %sqrt3A, %mul3A_84 : vector<256x128xf32>
    %sub3A_86 = arith.constant 1.000000e+00 : f32
    %sub3A_87 = vector.broadcast %sub3A_86 : f32 to vector<256x128xf32>
    %sub3A_88 = arith.subf %sub3A_87, %mul3A_85 : vector<256x128xf32>
    %max3A = arith.constant 0.000000e+00 : f32
    %max3A_89 = vector.broadcast %max3A : f32 to vector<256x128xf32>
    %max3A_90 = arith.maximumf %sub3A_88, %max3A_89 : vector<256x128xf32>
    %mul3A_91 = arith.mulf %max3A_90, %convert_element_type3A_73 : vector<256x128xf32>
    %slice3A_92 = vector.extract_strided_slice %concatenate3A {offsets = [0, 0], sizes = [256, 128], strides = [1, 1]} : vector<6400x128xf32> to vector<256x128xf32>
    %dot_general3A_93 = arith.constant dense<0.000000e+00> : vector<128x128xf32>
    %dot_general3A_94 = tpu.matmul %mul3A_91, %slice3A_92, %dot_general3A_93 {dimension_numbers = #tpu.dot_dimension_numbers<[0], [0], [1], [1], [0, 1, 1, 1], [], []>, transpose_lhs_hint = false} : vector<256x128xf32>, vector<256x128xf32>, vector<128x128xf32> -> vector<128x128xf32>
    %slice3A_95 = vector.extract_strided_slice %concatenate3A_11 {offsets = [256, 0], sizes = [256, 8], strides = [1, 1]} : vector<6400x8xf32> to vector<256x8xf32>
    %slice3A_96 = vector.extract_strided_slice %get3A_14 {offsets = [0, 384], sizes = [8, 384], strides = [1, 1]} : vector<8x9600xf32> to vector<8x384xf32>
    %dot_general3A_97 = arith.constant dense<0.000000e+00> : vector<256x384xf32>
    %dot_general3A_98 = tpu.matmul %slice3A_95, %slice3A_96, %dot_general3A_97 {dimension_numbers = #tpu.dot_dimension_numbers<[1], [0], [0], [1], [0, 0, 1, 1], [], []>, transpose_lhs_hint = false} : vector<256x8xf32>, vector<8x384xf32>, vector<256x384xf32> -> vector<256x384xf32>
    %slice3A_99 = vector.extract_strided_slice %dot_general3A_98 {offsets = [0, 0], sizes = [256, 128], strides = [1, 1]} : vector<256x384xf32> to vector<256x128xf32>
    %slice3A_100 = vector.extract_strided_slice %dot_general3A_98 {offsets = [0, 128], sizes = [256, 128], strides = [1, 1]} : vector<256x384xf32> to vector<256x128xf32>
    %slice3A_101 = vector.extract_strided_slice %dot_general3A_98 {offsets = [0, 256], sizes = [256, 128], strides = [1, 1]} : vector<256x384xf32> to vector<256x128xf32>
    %mul3A_102 = arith.mulf %slice3A_99, %slice3A_99 : vector<256x128xf32>
    %mul3A_103 = arith.mulf %slice3A_100, %slice3A_100 : vector<256x128xf32>
    %add3A_104 = arith.addf %mul3A_102, %mul3A_103 : vector<256x128xf32>
    %mul3A_105 = arith.mulf %slice3A_101, %slice3A_101 : vector<256x128xf32>
    %add3A_106 = arith.addf %add3A_104, %mul3A_105 : vector<256x128xf32>
    %sqrt3A_107 = math.sqrt %add3A_106 : vector<256x128xf32>
    %mul3A_108 = arith.constant 0.833333313 : f32
    %mul3A_109 = vector.broadcast %mul3A_108 : f32 to vector<256x128xf32>
    %mul3A_110 = arith.mulf %sqrt3A_107, %mul3A_109 : vector<256x128xf32>
    %sub3A_111 = arith.constant 1.000000e+00 : f32
    %sub3A_112 = vector.broadcast %sub3A_111 : f32 to vector<256x128xf32>
    %sub3A_113 = arith.subf %sub3A_112, %mul3A_110 : vector<256x128xf32>
    %max3A_114 = arith.constant 0.000000e+00 : f32
    %max3A_115 = vector.broadcast %max3A_114 : f32 to vector<256x128xf32>
    %max3A_116 = arith.maximumf %sub3A_113, %max3A_115 : vector<256x128xf32>
    %mul3A_117 = arith.mulf %max3A_116, %convert_element_type3A_73 : vector<256x128xf32>
    %slice3A_118 = vector.extract_strided_slice %concatenate3A {offsets = [256, 0], sizes = [256, 128], strides = [1, 1]} : vector<6400x128xf32> to vector<256x128xf32>
    %dot_general3A_119 = arith.constant dense<0.000000e+00> : vector<128x128xf32>
    %dot_general3A_120 = tpu.matmul %mul3A_117, %slice3A_118, %dot_general3A_119 {dimension_numbers = #tpu.dot_dimension_numbers<[0], [0], [1], [1], [0, 1, 1, 1], [], []>, transpose_lhs_hint = false} : vector<256x128xf32>, vector<256x128xf32>, vector<128x128xf32> -> vector<128x128xf32>
    %slice3A_121 = vector.extract_strided_slice %concatenate3A_11 {offsets = [512, 0], sizes = [256, 8], strides = [1, 1]} : vector<6400x8xf32> to vector<256x8xf32>
    %slice3A_122 = vector.extract_strided_slice %get3A_14 {offsets = [0, 768], sizes = [8, 384], strides = [1, 1]} : vector<8x9600xf32> to vector<8x384xf32>
    %dot_general3A_123 = arith.constant dense<0.000000e+00> : vector<256x384xf32>
    %dot_general3A_124 = tpu.matmul %slice3A_121, %slice3A_122, %dot_general3A_123 {dimension_numbers = #tpu.dot_dimension_numbers<[1], [0], [0], [1], [0, 0, 1, 1], [], []>, transpose_lhs_hint = false} : vector<256x8xf32>, vector<8x384xf32>, vector<256x384xf32> -> vector<256x384xf32>
    %slice3A_125 = vector.extract_strided_slice %dot_general3A_124 {offsets = [0, 0], sizes = [256, 128], strides = [1, 1]} : vector<256x384xf32> to vector<256x128xf32>
    %slice3A_126 = vector.extract_strided_slice %dot_general3A_124 {offsets = [0, 128], sizes = [256, 128], strides = [1, 1]} : vector<256x384xf32> to vector<256x128xf32>
    %slice3A_127 = vector.extract_strided_slice %dot_general3A_124 {offsets = [0, 256], sizes = [256, 128], strides = [1, 1]} : vector<256x384xf32> to vector<256x128xf32>
    %mul3A_128 = arith.mulf %slice3A_125, %slice3A_125 : vector<256x128xf32>
    %mul3A_129 = arith.mulf %slice3A_126, %slice3A_126 : vector<256x128xf32>
    %add3A_130 = arith.addf %mul3A_128, %mul3A_129 : vector<256x128xf32>
    %mul3A_131 = arith.mulf %slice3A_127, %slice3A_127 : vector<256x128xf32>
    %add3A_132 = arith.addf %add3A_130, %mul3A_131 : vector<256x128xf32>
    %sqrt3A_133 = math.sqrt %add3A_132 : vector<256x128xf32>
    %mul3A_134 = arith.constant 0.833333313 : f32
    %mul3A_135 = vector.broadcast %mul3A_134 : f32 to vector<256x128xf32>
    %mul3A_136 = arith.mulf %sqrt3A_133, %mul3A_135 : vector<256x128xf32>
    %sub3A_137 = arith.constant 1.000000e+00 : f32
    %sub3A_138 = vector.broadcast %sub3A_137 : f32 to vector<256x128xf32>
    %sub3A_139 = arith.subf %sub3A_138, %mul3A_136 : vector<256x128xf32>
    %max3A_140 = arith.constant 0.000000e+00 : f32
    %max3A_141 = vector.broadcast %max3A_140 : f32 to vector<256x128xf32>
    %max3A_142 = arith.maximumf %sub3A_139, %max3A_141 : vector<256x128xf32>
    %mul3A_143 = arith.mulf %max3A_142, %convert_element_type3A_73 : vector<256x128xf32>
    %slice3A_144 = vector.extract_strided_slice %concatenate3A {offsets = [512, 0], sizes = [256, 128], strides = [1, 1]} : vector<6400x128xf32> to vector<256x128xf32>
    %dot_general3A_145 = arith.constant dense<0.000000e+00> : vector<128x128xf32>
    %dot_general3A_146 = tpu.matmul %mul3A_143, %slice3A_144, %dot_general3A_145 {dimension_numbers = #tpu.dot_dimension_numbers<[0], [0], [1], [1], [0, 1, 1, 1], [], []>, transpose_lhs_hint = false} : vector<256x128xf32>, vector<256x128xf32>, vector<128x128xf32> -> vector<128x128xf32>
    %slice3A_147 = vector.extract_strided_slice %concatenate3A_11 {offsets = [768, 0], sizes = [256, 8], strides = [1, 1]} : vector<6400x8xf32> to vector<256x8xf32>
    %slice3A_148 = vector.extract_strided_slice %get3A_14 {offsets = [0, 1152], sizes = [8, 384], strides = [1, 1]} : vector<8x9600xf32> to vector<8x384xf32>
    %dot_general3A_149 = arith.constant dense<0.000000e+00> : vector<256x384xf32>
    %dot_general3A_150 = tpu.matmul %slice3A_147, %slice3A_148, %dot_general3A_149 {dimension_numbers = #tpu.dot_dimension_numbers<[1], [0], [0], [1], [0, 0, 1, 1], [], []>, transpose_lhs_hint = false} : vector<256x8xf32>, vector<8x384xf32>, vector<256x384xf32> -> vector<256x384xf32>
    %slice3A_151 = vector.extract_strided_slice %dot_general3A_150 {offsets = [0, 0], sizes = [256, 128], strides = [1, 1]} : vector<256x384xf32> to vector<256x128xf32>
    %slice3A_152 = vector.extract_strided_slice %dot_general3A_150 {offsets = [0, 128], sizes = [256, 128], strides = [1, 1]} : vector<256x384xf32> to vector<256x128xf32>
    %slice3A_153 = vector.extract_strided_slice %dot_general3A_150 {offsets = [0, 256], sizes = [256, 128], strides = [1, 1]} : vector<256x384xf32> to vector<256x128xf32>
    %mul3A_154 = arith.mulf %slice3A_151, %slice3A_151 : vector<256x128xf32>
    %mul3A_155 = arith.mulf %slice3A_152, %slice3A_152 : vector<256x128xf32>
    %add3A_156 = arith.addf %mul3A_154, %mul3A_155 : vector<256x128xf32>
    %mul3A_157 = arith.mulf %slice3A_153, %slice3A_153 : vector<256x128xf32>
    %add3A_158 = arith.addf %add3A_156, %mul3A_157 : vector<256x128xf32>
    %sqrt3A_159 = math.sqrt %add3A_158 : vector<256x128xf32>
    %mul3A_160 = arith.constant 0.833333313 : f32
    %mul3A_161 = vector.broadcast %mul3A_160 : f32 to vector<256x128xf32>
    %mul3A_162 = arith.mulf %sqrt3A_159, %mul3A_161 : vector<256x128xf32>
    %sub3A_163 = arith.constant 1.000000e+00 : f32
    %sub3A_164 = vector.broadcast %sub3A_163 : f32 to vector<256x128xf32>
    %sub3A_165 = arith.subf %sub3A_164, %mul3A_162 : vector<256x128xf32>
    %max3A_166 = arith.constant 0.000000e+00 : f32
    %max3A_167 = vector.broadcast %max3A_166 : f32 to vector<256x128xf32>
    %max3A_168 = arith.maximumf %sub3A_165, %max3A_167 : vector<256x128xf32>
    %mul3A_169 = arith.mulf %max3A_168, %convert_element_type3A_73 : vector<256x128xf32>
    %slice3A_170 = vector.extract_strided_slice %concatenate3A {offsets = [768, 0], sizes = [256, 128], strides = [1, 1]} : vector<6400x128xf32> to vector<256x128xf32>
    %dot_general3A_171 = arith.constant dense<0.000000e+00> : vector<128x128xf32>
    %dot_general3A_172 = tpu.matmul %mul3A_169, %slice3A_170, %dot_general3A_171 {dimension_numbers = #tpu.dot_dimension_numbers<[0], [0], [1], [1], [0, 1, 1, 1], [], []>, transpose_lhs_hint = false} : vector<256x128xf32>, vector<256x128xf32>, vector<128x128xf32> -> vector<128x128xf32>
    %slice3A_173 = vector.extract_strided_slice %concatenate3A_11 {offsets = [1024, 0], sizes = [256, 8], strides = [1, 1]} : vector<6400x8xf32> to vector<256x8xf32>
    %slice3A_174 = vector.extract_strided_slice %get3A_14 {offsets = [0, 1536], sizes = [8, 384], strides = [1, 1]} : vector<8x9600xf32> to vector<8x384xf32>
    %dot_general3A_175 = arith.constant dense<0.000000e+00> : vector<256x384xf32>
    %dot_general3A_176 = tpu.matmul %slice3A_173, %slice3A_174, %dot_general3A_175 {dimension_numbers = #tpu.dot_dimension_numbers<[1], [0], [0], [1], [0, 0, 1, 1], [], []>, transpose_lhs_hint = false} : vector<256x8xf32>, vector<8x384xf32>, vector<256x384xf32> -> vector<256x384xf32>
    %slice3A_177 = vector.extract_strided_slice %dot_general3A_176 {offsets = [0, 0], sizes = [256, 128], strides = [1, 1]} : vector<256x384xf32> to vector<256x128xf32>
    %slice3A_178 = vector.extract_strided_slice %dot_general3A_176 {offsets = [0, 128], sizes = [256, 128], strides = [1, 1]} : vector<256x384xf32> to vector<256x128xf32>
    %slice3A_179 = vector.extract_strided_slice %dot_general3A_176 {offsets = [0, 256], sizes = [256, 128], strides = [1, 1]} : vector<256x384xf32> to vector<256x128xf32>
    %mul3A_180 = arith.mulf %slice3A_177, %slice3A_177 : vector<256x128xf32>
    %mul3A_181 = arith.mulf %slice3A_178, %slice3A_178 : vector<256x128xf32>
    %add3A_182 = arith.addf %mul3A_180, %mul3A_181 : vector<256x128xf32>
    %mul3A_183 = arith.mulf %slice3A_179, %slice3A_179 : vector<256x128xf32>
    %add3A_184 = arith.addf %add3A_182, %mul3A_183 : vector<256x128xf32>
    %sqrt3A_185 = math.sqrt %add3A_184 : vector<256x128xf32>
    %mul3A_186 = arith.constant 0.833333313 : f32
    %mul3A_187 = vector.broadcast %mul3A_186 : f32 to vector<256x128xf32>
    %mul3A_188 = arith.mulf %sqrt3A_185, %mul3A_187 : vector<256x128xf32>
    %sub3A_189 = arith.constant 1.000000e+00 : f32
    %sub3A_190 = vector.broadcast %sub3A_189 : f32 to vector<256x128xf32>
    %sub3A_191 = arith.subf %sub3A_190, %mul3A_188 : vector<256x128xf32>
    %max3A_192 = arith.constant 0.000000e+00 : f32
    %max3A_193 = vector.broadcast %max3A_192 : f32 to vector<256x128xf32>
    %max3A_194 = arith.maximumf %sub3A_191, %max3A_193 : vector<256x128xf32>
    %mul3A_195 = arith.mulf %max3A_194, %convert_element_type3A_73 : vector<256x128xf32>
    %slice3A_196 = vector.extract_strided_slice %concatenate3A {offsets = [1024, 0], sizes = [256, 128], strides = [1, 1]} : vector<6400x128xf32> to vector<256x128xf32>
    %dot_general3A_197 = arith.constant dense<0.000000e+00> : vector<128x128xf32>
    %dot_general3A_198 = tpu.matmul %mul3A_195, %slice3A_196, %dot_general3A_197 {dimension_numbers = #tpu.dot_dimension_numbers<[0], [0], [1], [1], [0, 1, 1, 1], [], []>, transpose_lhs_hint = false} : vector<256x128xf32>, vector<256x128xf32>, vector<128x128xf32> -> vector<128x128xf32>
    %slice3A_199 = vector.extract_strided_slice %concatenate3A_11 {offsets = [1280, 0], sizes = [256, 8], strides = [1, 1]} : vector<6400x8xf32> to vector<256x8xf32>
    %slice3A_200 = vector.extract_strided_slice %get3A_14 {offsets = [0, 1920], sizes = [8, 384], strides = [1, 1]} : vector<8x9600xf32> to vector<8x384xf32>
    %dot_general3A_201 = arith.constant dense<0.000000e+00> : vector<256x384xf32>
    %dot_general3A_202 = tpu.matmul %slice3A_199, %slice3A_200, %dot_general3A_201 {dimension_numbers = #tpu.dot_dimension_numbers<[1], [0], [0], [1], [0, 0, 1, 1], [], []>, transpose_lhs_hint = false} : vector<256x8xf32>, vector<8x384xf32>, vector<256x384xf32> -> vector<256x384xf32>
    %slice3A_203 = vector.extract_strided_slice %dot_general3A_202 {offsets = [0, 0], sizes = [256, 128], strides = [1, 1]} : vector<256x384xf32> to vector<256x128xf32>
    %slice3A_204 = vector.extract_strided_slice %dot_general3A_202 {offsets = [0, 128], sizes = [256, 128], strides = [1, 1]} : vector<256x384xf32> to vector<256x128xf32>
    %slice3A_205 = vector.extract_strided_slice %dot_general3A_202 {offsets = [0, 256], sizes = [256, 128], strides = [1, 1]} : vector<256x384xf32> to vector<256x128xf32>
    %mul3A_206 = arith.mulf %slice3A_203, %slice3A_203 : vector<256x128xf32>
    %mul3A_207 = arith.mulf %slice3A_204, %slice3A_204 : vector<256x128xf32>
    %add3A_208 = arith.addf %mul3A_206, %mul3A_207 : vector<256x128xf32>
    %mul3A_209 = arith.mulf %slice3A_205, %slice3A_205 : vector<256x128xf32>
    %add3A_210 = arith.addf %add3A_208, %mul3A_209 : vector<256x128xf32>
    %sqrt3A_211 = math.sqrt %add3A_210 : vector<256x128xf32>
    %mul3A_212 = arith.constant 0.833333313 : f32
    %mul3A_213 = vector.broadcast %mul3A_212 : f32 to vector<256x128xf32>
    %mul3A_214 = arith.mulf %sqrt3A_211, %mul3A_213 : vector<256x128xf32>
    %sub3A_215 = arith.constant 1.000000e+00 : f32
    %sub3A_216 = vector.broadcast %sub3A_215 : f32 to vector<256x128xf32>
    %sub3A_217 = arith.subf %sub3A_216, %mul3A_214 : vector<256x128xf32>
    %max3A_218 = arith.constant 0.000000e+00 : f32
    %max3A_219 = vector.broadcast %max3A_218 : f32 to vector<256x128xf32>
    %max3A_220 = arith.maximumf %sub3A_217, %max3A_219 : vector<256x128xf32>
    %mul3A_221 = arith.mulf %max3A_220, %convert_element_type3A_73 : vector<256x128xf32>
    %slice3A_222 = vector.extract_strided_slice %concatenate3A {offsets = [1280, 0], sizes = [256, 128], strides = [1, 1]} : vector<6400x128xf32> to vector<256x128xf32>
    %dot_general3A_223 = arith.constant dense<0.000000e+00> : vector<128x128xf32>
    %dot_general3A_224 = tpu.matmul %mul3A_221, %slice3A_222, %dot_general3A_223 {dimension_numbers = #tpu.dot_dimension_numbers<[0], [0], [1], [1], [0, 1, 1, 1], [], []>, transpose_lhs_hint = false} : vector<256x128xf32>, vector<256x128xf32>, vector<128x128xf32> -> vector<128x128xf32>
    %slice3A_225 = vector.extract_strided_slice %concatenate3A_11 {offsets = [1536, 0], sizes = [256, 8], strides = [1, 1]} : vector<6400x8xf32> to vector<256x8xf32>
    %slice3A_226 = vector.extract_strided_slice %get3A_14 {offsets = [0, 2304], sizes = [8, 384], strides = [1, 1]} : vector<8x9600xf32> to vector<8x384xf32>
    %dot_general3A_227 = arith.constant dense<0.000000e+00> : vector<256x384xf32>
    %dot_general3A_228 = tpu.matmul %slice3A_225, %slice3A_226, %dot_general3A_227 {dimension_numbers = #tpu.dot_dimension_numbers<[1], [0], [0], [1], [0, 0, 1, 1], [], []>, transpose_lhs_hint = false} : vector<256x8xf32>, vector<8x384xf32>, vector<256x384xf32> -> vector<256x384xf32>
    %slice3A_229 = vector.extract_strided_slice %dot_general3A_228 {offsets = [0, 0], sizes = [256, 128], strides = [1, 1]} : vector<256x384xf32> to vector<256x128xf32>
    %slice3A_230 = vector.extract_strided_slice %dot_general3A_228 {offsets = [0, 128], sizes = [256, 128], strides = [1, 1]} : vector<256x384xf32> to vector<256x128xf32>
    %slice3A_231 = vector.extract_strided_slice %dot_general3A_228 {offsets = [0, 256], sizes = [256, 128], strides = [1, 1]} : vector<256x384xf32> to vector<256x128xf32>
    %mul3A_232 = arith.mulf %slice3A_229, %slice3A_229 : vector<256x128xf32>
    %mul3A_233 = arith.mulf %slice3A_230, %slice3A_230 : vector<256x128xf32>
    %add3A_234 = arith.addf %mul3A_232, %mul3A_233 : vector<256x128xf32>
    %mul3A_235 = arith.mulf %slice3A_231, %slice3A_231 : vector<256x128xf32>
    %add3A_236 = arith.addf %add3A_234, %mul3A_235 : vector<256x128xf32>
    %sqrt3A_237 = math.sqrt %add3A_236 : vector<256x128xf32>
    %mul3A_238 = arith.constant 0.833333313 : f32
    %mul3A_239 = vector.broadcast %mul3A_238 : f32 to vector<256x128xf32>
    %mul3A_240 = arith.mulf %sqrt3A_237, %mul3A_239 : vector<256x128xf32>
    %sub3A_241 = arith.constant 1.000000e+00 : f32
    %sub3A_242 = vector.broadcast %sub3A_241 : f32 to vector<256x128xf32>
    %sub3A_243 = arith.subf %sub3A_242, %mul3A_240 : vector<256x128xf32>
    %max3A_244 = arith.constant 0.000000e+00 : f32
    %max3A_245 = vector.broadcast %max3A_244 : f32 to vector<256x128xf32>
    %max3A_246 = arith.maximumf %sub3A_243, %max3A_245 : vector<256x128xf32>
    %mul3A_247 = arith.mulf %max3A_246, %convert_element_type3A_73 : vector<256x128xf32>
    %slice3A_248 = vector.extract_strided_slice %concatenate3A {offsets = [1536, 0], sizes = [256, 128], strides = [1, 1]} : vector<6400x128xf32> to vector<256x128xf32>
    %dot_general3A_249 = arith.constant dense<0.000000e+00> : vector<128x128xf32>
    %dot_general3A_250 = tpu.matmul %mul3A_247, %slice3A_248, %dot_general3A_249 {dimension_numbers = #tpu.dot_dimension_numbers<[0], [0], [1], [1], [0, 1, 1, 1], [], []>, transpose_lhs_hint = false} : vector<256x128xf32>, vector<256x128xf32>, vector<128x128xf32> -> vector<128x128xf32>
    %slice3A_251 = vector.extract_strided_slice %concatenate3A_11 {offsets = [1792, 0], sizes = [256, 8], strides = [1, 1]} : vector<6400x8xf32> to vector<256x8xf32>
    %slice3A_252 = vector.extract_strided_slice %get3A_14 {offsets = [0, 2688], sizes = [8, 384], strides = [1, 1]} : vector<8x9600xf32> to vector<8x384xf32>
    %dot_general3A_253 = arith.constant dense<0.000000e+00> : vector<256x384xf32>
    %dot_general3A_254 = tpu.matmul %slice3A_251, %slice3A_252, %dot_general3A_253 {dimension_numbers = #tpu.dot_dimension_numbers<[1], [0], [0], [1], [0, 0, 1, 1], [], []>, transpose_lhs_hint = false} : vector<256x8xf32>, vector<8x384xf32>, vector<256x384xf32> -> vector<256x384xf32>
    %slice3A_255 = vector.extract_strided_slice %dot_general3A_254 {offsets = [0, 0], sizes = [256, 128], strides = [1, 1]} : vector<256x384xf32> to vector<256x128xf32>
    %slice3A_256 = vector.extract_strided_slice %dot_general3A_254 {offsets = [0, 128], sizes = [256, 128], strides = [1, 1]} : vector<256x384xf32> to vector<256x128xf32>
    %slice3A_257 = vector.extract_strided_slice %dot_general3A_254 {offsets = [0, 256], sizes = [256, 128], strides = [1, 1]} : vector<256x384xf32> to vector<256x128xf32>
    %mul3A_258 = arith.mulf %slice3A_255, %slice3A_255 : vector<256x128xf32>
    %mul3A_259 = arith.mulf %slice3A_256, %slice3A_256 : vector<256x128xf32>
    %add3A_260 = arith.addf %mul3A_258, %mul3A_259 : vector<256x128xf32>
    %mul3A_261 = arith.mulf %slice3A_257, %slice3A_257 : vector<256x128xf32>
    %add3A_262 = arith.addf %add3A_260, %mul3A_261 : vector<256x128xf32>
    %sqrt3A_263 = math.sqrt %add3A_262 : vector<256x128xf32>
    %mul3A_264 = arith.constant 0.833333313 : f32
    %mul3A_265 = vector.broadcast %mul3A_264 : f32 to vector<256x128xf32>
    %mul3A_266 = arith.mulf %sqrt3A_263, %mul3A_265 : vector<256x128xf32>
    %sub3A_267 = arith.constant 1.000000e+00 : f32
    %sub3A_268 = vector.broadcast %sub3A_267 : f32 to vector<256x128xf32>
    %sub3A_269 = arith.subf %sub3A_268, %mul3A_266 : vector<256x128xf32>
    %max3A_270 = arith.constant 0.000000e+00 : f32
    %max3A_271 = vector.broadcast %max3A_270 : f32 to vector<256x128xf32>
    %max3A_272 = arith.maximumf %sub3A_269, %max3A_271 : vector<256x128xf32>
    %mul3A_273 = arith.mulf %max3A_272, %convert_element_type3A_73 : vector<256x128xf32>
    %slice3A_274 = vector.extract_strided_slice %concatenate3A {offsets = [1792, 0], sizes = [256, 128], strides = [1, 1]} : vector<6400x128xf32> to vector<256x128xf32>
    %dot_general3A_275 = arith.constant dense<0.000000e+00> : vector<128x128xf32>
    %dot_general3A_276 = tpu.matmul %mul3A_273, %slice3A_274, %dot_general3A_275 {dimension_numbers = #tpu.dot_dimension_numbers<[0], [0], [1], [1], [0, 1, 1, 1], [], []>, transpose_lhs_hint = false} : vector<256x128xf32>, vector<256x128xf32>, vector<128x128xf32> -> vector<128x128xf32>
    %slice3A_277 = vector.extract_strided_slice %concatenate3A_11 {offsets = [2048, 0], sizes = [256, 8], strides = [1, 1]} : vector<6400x8xf32> to vector<256x8xf32>
    %slice3A_278 = vector.extract_strided_slice %get3A_14 {offsets = [0, 3072], sizes = [8, 384], strides = [1, 1]} : vector<8x9600xf32> to vector<8x384xf32>
    %dot_general3A_279 = arith.constant dense<0.000000e+00> : vector<256x384xf32>
    %dot_general3A_280 = tpu.matmul %slice3A_277, %slice3A_278, %dot_general3A_279 {dimension_numbers = #tpu.dot_dimension_numbers<[1], [0], [0], [1], [0, 0, 1, 1], [], []>, transpose_lhs_hint = false} : vector<256x8xf32>, vector<8x384xf32>, vector<256x384xf32> -> vector<256x384xf32>
    %slice3A_281 = vector.extract_strided_slice %dot_general3A_280 {offsets = [0, 0], sizes = [256, 128], strides = [1, 1]} : vector<256x384xf32> to vector<256x128xf32>
    %slice3A_282 = vector.extract_strided_slice %dot_general3A_280 {offsets = [0, 128], sizes = [256, 128], strides = [1, 1]} : vector<256x384xf32> to vector<256x128xf32>
    %slice3A_283 = vector.extract_strided_slice %dot_general3A_280 {offsets = [0, 256], sizes = [256, 128], strides = [1, 1]} : vector<256x384xf32> to vector<256x128xf32>
    %mul3A_284 = arith.mulf %slice3A_281, %slice3A_281 : vector<256x128xf32>
    %mul3A_285 = arith.mulf %slice3A_282, %slice3A_282 : vector<256x128xf32>
    %add3A_286 = arith.addf %mul3A_284, %mul3A_285 : vector<256x128xf32>
    %mul3A_287 = arith.mulf %slice3A_283, %slice3A_283 : vector<256x128xf32>
    %add3A_288 = arith.addf %add3A_286, %mul3A_287 : vector<256x128xf32>
    %sqrt3A_289 = math.sqrt %add3A_288 : vector<256x128xf32>
    %mul3A_290 = arith.constant 0.833333313 : f32
    %mul3A_291 = vector.broadcast %mul3A_290 : f32 to vector<256x128xf32>
    %mul3A_292 = arith.mulf %sqrt3A_289, %mul3A_291 : vector<256x128xf32>
    %sub3A_293 = arith.constant 1.000000e+00 : f32
    %sub3A_294 = vector.broadcast %sub3A_293 : f32 to vector<256x128xf32>
    %sub3A_295 = arith.subf %sub3A_294, %mul3A_292 : vector<256x128xf32>
    %max3A_296 = arith.constant 0.000000e+00 : f32
    %max3A_297 = vector.broadcast %max3A_296 : f32 to vector<256x128xf32>
    %max3A_298 = arith.maximumf %sub3A_295, %max3A_297 : vector<256x128xf32>
    %mul3A_299 = arith.mulf %max3A_298, %convert_element_type3A_73 : vector<256x128xf32>
    %slice3A_300 = vector.extract_strided_slice %concatenate3A {offsets = [2048, 0], sizes = [256, 128], strides = [1, 1]} : vector<6400x128xf32> to vector<256x128xf32>
    %dot_general3A_301 = arith.constant dense<0.000000e+00> : vector<128x128xf32>
    %dot_general3A_302 = tpu.matmul %mul3A_299, %slice3A_300, %dot_general3A_301 {dimension_numbers = #tpu.dot_dimension_numbers<[0], [0], [1], [1], [0, 1, 1, 1], [], []>, transpose_lhs_hint = false} : vector<256x128xf32>, vector<256x128xf32>, vector<128x128xf32> -> vector<128x128xf32>
    %slice3A_303 = vector.extract_strided_slice %concatenate3A_11 {offsets = [2304, 0], sizes = [256, 8], strides = [1, 1]} : vector<6400x8xf32> to vector<256x8xf32>
    %slice3A_304 = vector.extract_strided_slice %get3A_14 {offsets = [0, 3456], sizes = [8, 384], strides = [1, 1]} : vector<8x9600xf32> to vector<8x384xf32>
    %dot_general3A_305 = arith.constant dense<0.000000e+00> : vector<256x384xf32>
    %dot_general3A_306 = tpu.matmul %slice3A_303, %slice3A_304, %dot_general3A_305 {dimension_numbers = #tpu.dot_dimension_numbers<[1], [0], [0], [1], [0, 0, 1, 1], [], []>, transpose_lhs_hint = false} : vector<256x8xf32>, vector<8x384xf32>, vector<256x384xf32> -> vector<256x384xf32>
    %slice3A_307 = vector.extract_strided_slice %dot_general3A_306 {offsets = [0, 0], sizes = [256, 128], strides = [1, 1]} : vector<256x384xf32> to vector<256x128xf32>
    %slice3A_308 = vector.extract_strided_slice %dot_general3A_306 {offsets = [0, 128], sizes = [256, 128], strides = [1, 1]} : vector<256x384xf32> to vector<256x128xf32>
    %slice3A_309 = vector.extract_strided_slice %dot_general3A_306 {offsets = [0, 256], sizes = [256, 128], strides = [1, 1]} : vector<256x384xf32> to vector<256x128xf32>
    %mul3A_310 = arith.mulf %slice3A_307, %slice3A_307 : vector<256x128xf32>
    %mul3A_311 = arith.mulf %slice3A_308, %slice3A_308 : vector<256x128xf32>
    %add3A_312 = arith.addf %mul3A_310, %mul3A_311 : vector<256x128xf32>
    %mul3A_313 = arith.mulf %slice3A_309, %slice3A_309 : vector<256x128xf32>
    %add3A_314 = arith.addf %add3A_312, %mul3A_313 : vector<256x128xf32>
    %sqrt3A_315 = math.sqrt %add3A_314 : vector<256x128xf32>
    %mul3A_316 = arith.constant 0.833333313 : f32
    %mul3A_317 = vector.broadcast %mul3A_316 : f32 to vector<256x128xf32>
    %mul3A_318 = arith.mulf %sqrt3A_315, %mul3A_317 : vector<256x128xf32>
    %sub3A_319 = arith.constant 1.000000e+00 : f32
    %sub3A_320 = vector.broadcast %sub3A_319 : f32 to vector<256x128xf32>
    %sub3A_321 = arith.subf %sub3A_320, %mul3A_318 : vector<256x128xf32>
    %max3A_322 = arith.constant 0.000000e+00 : f32
    %max3A_323 = vector.broadcast %max3A_322 : f32 to vector<256x128xf32>
    %max3A_324 = arith.maximumf %sub3A_321, %max3A_323 : vector<256x128xf32>
    %mul3A_325 = arith.mulf %max3A_324, %convert_element_type3A_73 : vector<256x128xf32>
    %slice3A_326 = vector.extract_strided_slice %concatenate3A {offsets = [2304, 0], sizes = [256, 128], strides = [1, 1]} : vector<6400x128xf32> to vector<256x128xf32>
    %dot_general3A_327 = arith.constant dense<0.000000e+00> : vector<128x128xf32>
    %dot_general3A_328 = tpu.matmul %mul3A_325, %slice3A_326, %dot_general3A_327 {dimension_numbers = #tpu.dot_dimension_numbers<[0], [0], [1], [1], [0, 1, 1, 1], [], []>, transpose_lhs_hint = false} : vector<256x128xf32>, vector<256x128xf32>, vector<128x128xf32> -> vector<128x128xf32>
    %slice3A_329 = vector.extract_strided_slice %concatenate3A_11 {offsets = [2560, 0], sizes = [256, 8], strides = [1, 1]} : vector<6400x8xf32> to vector<256x8xf32>
    %slice3A_330 = vector.extract_strided_slice %get3A_14 {offsets = [0, 3840], sizes = [8, 384], strides = [1, 1]} : vector<8x9600xf32> to vector<8x384xf32>
    %dot_general3A_331 = arith.constant dense<0.000000e+00> : vector<256x384xf32>
    %dot_general3A_332 = tpu.matmul %slice3A_329, %slice3A_330, %dot_general3A_331 {dimension_numbers = #tpu.dot_dimension_numbers<[1], [0], [0], [1], [0, 0, 1, 1], [], []>, transpose_lhs_hint = false} : vector<256x8xf32>, vector<8x384xf32>, vector<256x384xf32> -> vector<256x384xf32>
    %slice3A_333 = vector.extract_strided_slice %dot_general3A_332 {offsets = [0, 0], sizes = [256, 128], strides = [1, 1]} : vector<256x384xf32> to vector<256x128xf32>
    %slice3A_334 = vector.extract_strided_slice %dot_general3A_332 {offsets = [0, 128], sizes = [256, 128], strides = [1, 1]} : vector<256x384xf32> to vector<256x128xf32>
    %slice3A_335 = vector.extract_strided_slice %dot_general3A_332 {offsets = [0, 256], sizes = [256, 128], strides = [1, 1]} : vector<256x384xf32> to vector<256x128xf32>
    %mul3A_336 = arith.mulf %slice3A_333, %slice3A_333 : vector<256x128xf32>
    %mul3A_337 = arith.mulf %slice3A_334, %slice3A_334 : vector<256x128xf32>
    %add3A_338 = arith.addf %mul3A_336, %mul3A_337 : vector<256x128xf32>
    %mul3A_339 = arith.mulf %slice3A_335, %slice3A_335 : vector<256x128xf32>
    %add3A_340 = arith.addf %add3A_338, %mul3A_339 : vector<256x128xf32>
    %sqrt3A_341 = math.sqrt %add3A_340 : vector<256x128xf32>
    %mul3A_342 = arith.constant 0.833333313 : f32
    %mul3A_343 = vector.broadcast %mul3A_342 : f32 to vector<256x128xf32>
    %mul3A_344 = arith.mulf %sqrt3A_341, %mul3A_343 : vector<256x128xf32>
    %sub3A_345 = arith.constant 1.000000e+00 : f32
    %sub3A_346 = vector.broadcast %sub3A_345 : f32 to vector<256x128xf32>
    %sub3A_347 = arith.subf %sub3A_346, %mul3A_344 : vector<256x128xf32>
    %max3A_348 = arith.constant 0.000000e+00 : f32
    %max3A_349 = vector.broadcast %max3A_348 : f32 to vector<256x128xf32>
    %max3A_350 = arith.maximumf %sub3A_347, %max3A_349 : vector<256x128xf32>
    %mul3A_351 = arith.mulf %max3A_350, %convert_element_type3A_73 : vector<256x128xf32>
    %slice3A_352 = vector.extract_strided_slice %concatenate3A {offsets = [2560, 0], sizes = [256, 128], strides = [1, 1]} : vector<6400x128xf32> to vector<256x128xf32>
    %dot_general3A_353 = arith.constant dense<0.000000e+00> : vector<128x128xf32>
    %dot_general3A_354 = tpu.matmul %mul3A_351, %slice3A_352, %dot_general3A_353 {dimension_numbers = #tpu.dot_dimension_numbers<[0], [0], [1], [1], [0, 1, 1, 1], [], []>, transpose_lhs_hint = false} : vector<256x128xf32>, vector<256x128xf32>, vector<128x128xf32> -> vector<128x128xf32>
    %slice3A_355 = vector.extract_strided_slice %concatenate3A_11 {offsets = [2816, 0], sizes = [256, 8], strides = [1, 1]} : vector<6400x8xf32> to vector<256x8xf32>
    %slice3A_356 = vector.extract_strided_slice %get3A_14 {offsets = [0, 4224], sizes = [8, 384], strides = [1, 1]} : vector<8x9600xf32> to vector<8x384xf32>
    %dot_general3A_357 = arith.constant dense<0.000000e+00> : vector<256x384xf32>
    %dot_general3A_358 = tpu.matmul %slice3A_355, %slice3A_356, %dot_general3A_357 {dimension_numbers = #tpu.dot_dimension_numbers<[1], [0], [0], [1], [0, 0, 1, 1], [], []>, transpose_lhs_hint = false} : vector<256x8xf32>, vector<8x384xf32>, vector<256x384xf32> -> vector<256x384xf32>
    %slice3A_359 = vector.extract_strided_slice %dot_general3A_358 {offsets = [0, 0], sizes = [256, 128], strides = [1, 1]} : vector<256x384xf32> to vector<256x128xf32>
    %slice3A_360 = vector.extract_strided_slice %dot_general3A_358 {offsets = [0, 128], sizes = [256, 128], strides = [1, 1]} : vector<256x384xf32> to vector<256x128xf32>
    %slice3A_361 = vector.extract_strided_slice %dot_general3A_358 {offsets = [0, 256], sizes = [256, 128], strides = [1, 1]} : vector<256x384xf32> to vector<256x128xf32>
    %mul3A_362 = arith.mulf %slice3A_359, %slice3A_359 : vector<256x128xf32>
    %mul3A_363 = arith.mulf %slice3A_360, %slice3A_360 : vector<256x128xf32>
    %add3A_364 = arith.addf %mul3A_362, %mul3A_363 : vector<256x128xf32>
    %mul3A_365 = arith.mulf %slice3A_361, %slice3A_361 : vector<256x128xf32>
    %add3A_366 = arith.addf %add3A_364, %mul3A_365 : vector<256x128xf32>
    %sqrt3A_367 = math.sqrt %add3A_366 : vector<256x128xf32>
    %mul3A_368 = arith.constant 0.833333313 : f32
    %mul3A_369 = vector.broadcast %mul3A_368 : f32 to vector<256x128xf32>
    %mul3A_370 = arith.mulf %sqrt3A_367, %mul3A_369 : vector<256x128xf32>
    %sub3A_371 = arith.constant 1.000000e+00 : f32
    %sub3A_372 = vector.broadcast %sub3A_371 : f32 to vector<256x128xf32>
    %sub3A_373 = arith.subf %sub3A_372, %mul3A_370 : vector<256x128xf32>
    %max3A_374 = arith.constant 0.000000e+00 : f32
    %max3A_375 = vector.broadcast %max3A_374 : f32 to vector<256x128xf32>
    %max3A_376 = arith.maximumf %sub3A_373, %max3A_375 : vector<256x128xf32>
    %mul3A_377 = arith.mulf %max3A_376, %convert_element_type3A_73 : vector<256x128xf32>
    %slice3A_378 = vector.extract_strided_slice %concatenate3A {offsets = [2816, 0], sizes = [256, 128], strides = [1, 1]} : vector<6400x128xf32> to vector<256x128xf32>
    %dot_general3A_379 = arith.constant dense<0.000000e+00> : vector<128x128xf32>
    %dot_general3A_380 = tpu.matmul %mul3A_377, %slice3A_378, %dot_general3A_379 {dimension_numbers = #tpu.dot_dimension_numbers<[0], [0], [1], [1], [0, 1, 1, 1], [], []>, transpose_lhs_hint = false} : vector<256x128xf32>, vector<256x128xf32>, vector<128x128xf32> -> vector<128x128xf32>
    %slice3A_381 = vector.extract_strided_slice %concatenate3A_11 {offsets = [3072, 0], sizes = [256, 8], strides = [1, 1]} : vector<6400x8xf32> to vector<256x8xf32>
    %slice3A_382 = vector.extract_strided_slice %get3A_14 {offsets = [0, 4608], sizes = [8, 384], strides = [1, 1]} : vector<8x9600xf32> to vector<8x384xf32>
    %dot_general3A_383 = arith.constant dense<0.000000e+00> : vector<256x384xf32>
    %dot_general3A_384 = tpu.matmul %slice3A_381, %slice3A_382, %dot_general3A_383 {dimension_numbers = #tpu.dot_dimension_numbers<[1], [0], [0], [1], [0, 0, 1, 1], [], []>, transpose_lhs_hint = false} : vector<256x8xf32>, vector<8x384xf32>, vector<256x384xf32> -> vector<256x384xf32>
    %slice3A_385 = vector.extract_strided_slice %dot_general3A_384 {offsets = [0, 0], sizes = [256, 128], strides = [1, 1]} : vector<256x384xf32> to vector<256x128xf32>
    %slice3A_386 = vector.extract_strided_slice %dot_general3A_384 {offsets = [0, 128], sizes = [256, 128], strides = [1, 1]} : vector<256x384xf32> to vector<256x128xf32>
    %slice3A_387 = vector.extract_strided_slice %dot_general3A_384 {offsets = [0, 256], sizes = [256, 128], strides = [1, 1]} : vector<256x384xf32> to vector<256x128xf32>
    %mul3A_388 = arith.mulf %slice3A_385, %slice3A_385 : vector<256x128xf32>
    %mul3A_389 = arith.mulf %slice3A_386, %slice3A_386 : vector<256x128xf32>
    %add3A_390 = arith.addf %mul3A_388, %mul3A_389 : vector<256x128xf32>
    %mul3A_391 = arith.mulf %slice3A_387, %slice3A_387 : vector<256x128xf32>
    %add3A_392 = arith.addf %add3A_390, %mul3A_391 : vector<256x128xf32>
    %sqrt3A_393 = math.sqrt %add3A_392 : vector<256x128xf32>
    %mul3A_394 = arith.constant 0.833333313 : f32
    %mul3A_395 = vector.broadcast %mul3A_394 : f32 to vector<256x128xf32>
    %mul3A_396 = arith.mulf %sqrt3A_393, %mul3A_395 : vector<256x128xf32>
    %sub3A_397 = arith.constant 1.000000e+00 : f32
    %sub3A_398 = vector.broadcast %sub3A_397 : f32 to vector<256x128xf32>
    %sub3A_399 = arith.subf %sub3A_398, %mul3A_396 : vector<256x128xf32>
    %max3A_400 = arith.constant 0.000000e+00 : f32
    %max3A_401 = vector.broadcast %max3A_400 : f32 to vector<256x128xf32>
    %max3A_402 = arith.maximumf %sub3A_399, %max3A_401 : vector<256x128xf32>
    %mul3A_403 = arith.mulf %max3A_402, %convert_element_type3A_73 : vector<256x128xf32>
    %slice3A_404 = vector.extract_strided_slice %concatenate3A {offsets = [3072, 0], sizes = [256, 128], strides = [1, 1]} : vector<6400x128xf32> to vector<256x128xf32>
    %dot_general3A_405 = arith.constant dense<0.000000e+00> : vector<128x128xf32>
    %dot_general3A_406 = tpu.matmul %mul3A_403, %slice3A_404, %dot_general3A_405 {dimension_numbers = #tpu.dot_dimension_numbers<[0], [0], [1], [1], [0, 1, 1, 1], [], []>, transpose_lhs_hint = false} : vector<256x128xf32>, vector<256x128xf32>, vector<128x128xf32> -> vector<128x128xf32>
    %slice3A_407 = vector.extract_strided_slice %concatenate3A_11 {offsets = [3328, 0], sizes = [256, 8], strides = [1, 1]} : vector<6400x8xf32> to vector<256x8xf32>
    %slice3A_408 = vector.extract_strided_slice %get3A_14 {offsets = [0, 4992], sizes = [8, 384], strides = [1, 1]} : vector<8x9600xf32> to vector<8x384xf32>
    %dot_general3A_409 = arith.constant dense<0.000000e+00> : vector<256x384xf32>
    %dot_general3A_410 = tpu.matmul %slice3A_407, %slice3A_408, %dot_general3A_409 {dimension_numbers = #tpu.dot_dimension_numbers<[1], [0], [0], [1], [0, 0, 1, 1], [], []>, transpose_lhs_hint = false} : vector<256x8xf32>, vector<8x384xf32>, vector<256x384xf32> -> vector<256x384xf32>
    %slice3A_411 = vector.extract_strided_slice %dot_general3A_410 {offsets = [0, 0], sizes = [256, 128], strides = [1, 1]} : vector<256x384xf32> to vector<256x128xf32>
    %slice3A_412 = vector.extract_strided_slice %dot_general3A_410 {offsets = [0, 128], sizes = [256, 128], strides = [1, 1]} : vector<256x384xf32> to vector<256x128xf32>
    %slice3A_413 = vector.extract_strided_slice %dot_general3A_410 {offsets = [0, 256], sizes = [256, 128], strides = [1, 1]} : vector<256x384xf32> to vector<256x128xf32>
    %mul3A_414 = arith.mulf %slice3A_411, %slice3A_411 : vector<256x128xf32>
    %mul3A_415 = arith.mulf %slice3A_412, %slice3A_412 : vector<256x128xf32>
    %add3A_416 = arith.addf %mul3A_414, %mul3A_415 : vector<256x128xf32>
    %mul3A_417 = arith.mulf %slice3A_413, %slice3A_413 : vector<256x128xf32>
    %add3A_418 = arith.addf %add3A_416, %mul3A_417 : vector<256x128xf32>
    %sqrt3A_419 = math.sqrt %add3A_418 : vector<256x128xf32>
    %mul3A_420 = arith.constant 0.833333313 : f32
    %mul3A_421 = vector.broadcast %mul3A_420 : f32 to vector<256x128xf32>
    %mul3A_422 = arith.mulf %sqrt3A_419, %mul3A_421 : vector<256x128xf32>
    %sub3A_423 = arith.constant 1.000000e+00 : f32
    %sub3A_424 = vector.broadcast %sub3A_423 : f32 to vector<256x128xf32>
    %sub3A_425 = arith.subf %sub3A_424, %mul3A_422 : vector<256x128xf32>
    %max3A_426 = arith.constant 0.000000e+00 : f32
    %max3A_427 = vector.broadcast %max3A_426 : f32 to vector<256x128xf32>
    %max3A_428 = arith.maximumf %sub3A_425, %max3A_427 : vector<256x128xf32>
    %mul3A_429 = arith.mulf %max3A_428, %convert_element_type3A_73 : vector<256x128xf32>
    %slice3A_430 = vector.extract_strided_slice %concatenate3A {offsets = [3328, 0], sizes = [256, 128], strides = [1, 1]} : vector<6400x128xf32> to vector<256x128xf32>
    %dot_general3A_431 = arith.constant dense<0.000000e+00> : vector<128x128xf32>
    %dot_general3A_432 = tpu.matmul %mul3A_429, %slice3A_430, %dot_general3A_431 {dimension_numbers = #tpu.dot_dimension_numbers<[0], [0], [1], [1], [0, 1, 1, 1], [], []>, transpose_lhs_hint = false} : vector<256x128xf32>, vector<256x128xf32>, vector<128x128xf32> -> vector<128x128xf32>
    %slice3A_433 = vector.extract_strided_slice %concatenate3A_11 {offsets = [3584, 0], sizes = [256, 8], strides = [1, 1]} : vector<6400x8xf32> to vector<256x8xf32>
    %slice3A_434 = vector.extract_strided_slice %get3A_14 {offsets = [0, 5376], sizes = [8, 384], strides = [1, 1]} : vector<8x9600xf32> to vector<8x384xf32>
    %dot_general3A_435 = arith.constant dense<0.000000e+00> : vector<256x384xf32>
    %dot_general3A_436 = tpu.matmul %slice3A_433, %slice3A_434, %dot_general3A_435 {dimension_numbers = #tpu.dot_dimension_numbers<[1], [0], [0], [1], [0, 0, 1, 1], [], []>, transpose_lhs_hint = false} : vector<256x8xf32>, vector<8x384xf32>, vector<256x384xf32> -> vector<256x384xf32>
    %slice3A_437 = vector.extract_strided_slice %dot_general3A_436 {offsets = [0, 0], sizes = [256, 128], strides = [1, 1]} : vector<256x384xf32> to vector<256x128xf32>
    %slice3A_438 = vector.extract_strided_slice %dot_general3A_436 {offsets = [0, 128], sizes = [256, 128], strides = [1, 1]} : vector<256x384xf32> to vector<256x128xf32>
    %slice3A_439 = vector.extract_strided_slice %dot_general3A_436 {offsets = [0, 256], sizes = [256, 128], strides = [1, 1]} : vector<256x384xf32> to vector<256x128xf32>
    %mul3A_440 = arith.mulf %slice3A_437, %slice3A_437 : vector<256x128xf32>
    %mul3A_441 = arith.mulf %slice3A_438, %slice3A_438 : vector<256x128xf32>
    %add3A_442 = arith.addf %mul3A_440, %mul3A_441 : vector<256x128xf32>
    %mul3A_443 = arith.mulf %slice3A_439, %slice3A_439 : vector<256x128xf32>
    %add3A_444 = arith.addf %add3A_442, %mul3A_443 : vector<256x128xf32>
    %sqrt3A_445 = math.sqrt %add3A_444 : vector<256x128xf32>
    %mul3A_446 = arith.constant 0.833333313 : f32
    %mul3A_447 = vector.broadcast %mul3A_446 : f32 to vector<256x128xf32>
    %mul3A_448 = arith.mulf %sqrt3A_445, %mul3A_447 : vector<256x128xf32>
    %sub3A_449 = arith.constant 1.000000e+00 : f32
    %sub3A_450 = vector.broadcast %sub3A_449 : f32 to vector<256x128xf32>
    %sub3A_451 = arith.subf %sub3A_450, %mul3A_448 : vector<256x128xf32>
    %max3A_452 = arith.constant 0.000000e+00 : f32
    %max3A_453 = vector.broadcast %max3A_452 : f32 to vector<256x128xf32>
    %max3A_454 = arith.maximumf %sub3A_451, %max3A_453 : vector<256x128xf32>
    %mul3A_455 = arith.mulf %max3A_454, %convert_element_type3A_73 : vector<256x128xf32>
    %slice3A_456 = vector.extract_strided_slice %concatenate3A {offsets = [3584, 0], sizes = [256, 128], strides = [1, 1]} : vector<6400x128xf32> to vector<256x128xf32>
    %dot_general3A_457 = arith.constant dense<0.000000e+00> : vector<128x128xf32>
    %dot_general3A_458 = tpu.matmul %mul3A_455, %slice3A_456, %dot_general3A_457 {dimension_numbers = #tpu.dot_dimension_numbers<[0], [0], [1], [1], [0, 1, 1, 1], [], []>, transpose_lhs_hint = false} : vector<256x128xf32>, vector<256x128xf32>, vector<128x128xf32> -> vector<128x128xf32>
    %slice3A_459 = vector.extract_strided_slice %concatenate3A_11 {offsets = [3840, 0], sizes = [256, 8], strides = [1, 1]} : vector<6400x8xf32> to vector<256x8xf32>
    %slice3A_460 = vector.extract_strided_slice %get3A_14 {offsets = [0, 5760], sizes = [8, 384], strides = [1, 1]} : vector<8x9600xf32> to vector<8x384xf32>
    %dot_general3A_461 = arith.constant dense<0.000000e+00> : vector<256x384xf32>
    %dot_general3A_462 = tpu.matmul %slice3A_459, %slice3A_460, %dot_general3A_461 {dimension_numbers = #tpu.dot_dimension_numbers<[1], [0], [0], [1], [0, 0, 1, 1], [], []>, transpose_lhs_hint = false} : vector<256x8xf32>, vector<8x384xf32>, vector<256x384xf32> -> vector<256x384xf32>
    %slice3A_463 = vector.extract_strided_slice %dot_general3A_462 {offsets = [0, 0], sizes = [256, 128], strides = [1, 1]} : vector<256x384xf32> to vector<256x128xf32>
    %slice3A_464 = vector.extract_strided_slice %dot_general3A_462 {offsets = [0, 128], sizes = [256, 128], strides = [1, 1]} : vector<256x384xf32> to vector<256x128xf32>
    %slice3A_465 = vector.extract_strided_slice %dot_general3A_462 {offsets = [0, 256], sizes = [256, 128], strides = [1, 1]} : vector<256x384xf32> to vector<256x128xf32>
    %mul3A_466 = arith.mulf %slice3A_463, %slice3A_463 : vector<256x128xf32>
    %mul3A_467 = arith.mulf %slice3A_464, %slice3A_464 : vector<256x128xf32>
    %add3A_468 = arith.addf %mul3A_466, %mul3A_467 : vector<256x128xf32>
    %mul3A_469 = arith.mulf %slice3A_465, %slice3A_465 : vector<256x128xf32>
    %add3A_470 = arith.addf %add3A_468, %mul3A_469 : vector<256x128xf32>
    %sqrt3A_471 = math.sqrt %add3A_470 : vector<256x128xf32>
    %mul3A_472 = arith.constant 0.833333313 : f32
    %mul3A_473 = vector.broadcast %mul3A_472 : f32 to vector<256x128xf32>
    %mul3A_474 = arith.mulf %sqrt3A_471, %mul3A_473 : vector<256x128xf32>
    %sub3A_475 = arith.constant 1.000000e+00 : f32
    %sub3A_476 = vector.broadcast %sub3A_475 : f32 to vector<256x128xf32>
    %sub3A_477 = arith.subf %sub3A_476, %mul3A_474 : vector<256x128xf32>
    %max3A_478 = arith.constant 0.000000e+00 : f32
    %max3A_479 = vector.broadcast %max3A_478 : f32 to vector<256x128xf32>
    %max3A_480 = arith.maximumf %sub3A_477, %max3A_479 : vector<256x128xf32>
    %mul3A_481 = arith.mulf %max3A_480, %convert_element_type3A_73 : vector<256x128xf32>
    %slice3A_482 = vector.extract_strided_slice %concatenate3A {offsets = [3840, 0], sizes = [256, 128], strides = [1, 1]} : vector<6400x128xf32> to vector<256x128xf32>
    %dot_general3A_483 = arith.constant dense<0.000000e+00> : vector<128x128xf32>
    %dot_general3A_484 = tpu.matmul %mul3A_481, %slice3A_482, %dot_general3A_483 {dimension_numbers = #tpu.dot_dimension_numbers<[0], [0], [1], [1], [0, 1, 1, 1], [], []>, transpose_lhs_hint = false} : vector<256x128xf32>, vector<256x128xf32>, vector<128x128xf32> -> vector<128x128xf32>
    %slice3A_485 = vector.extract_strided_slice %concatenate3A_11 {offsets = [4096, 0], sizes = [256, 8], strides = [1, 1]} : vector<6400x8xf32> to vector<256x8xf32>
    %slice3A_486 = vector.extract_strided_slice %get3A_14 {offsets = [0, 6144], sizes = [8, 384], strides = [1, 1]} : vector<8x9600xf32> to vector<8x384xf32>
    %dot_general3A_487 = arith.constant dense<0.000000e+00> : vector<256x384xf32>
    %dot_general3A_488 = tpu.matmul %slice3A_485, %slice3A_486, %dot_general3A_487 {dimension_numbers = #tpu.dot_dimension_numbers<[1], [0], [0], [1], [0, 0, 1, 1], [], []>, transpose_lhs_hint = false} : vector<256x8xf32>, vector<8x384xf32>, vector<256x384xf32> -> vector<256x384xf32>
    %slice3A_489 = vector.extract_strided_slice %dot_general3A_488 {offsets = [0, 0], sizes = [256, 128], strides = [1, 1]} : vector<256x384xf32> to vector<256x128xf32>
    %slice3A_490 = vector.extract_strided_slice %dot_general3A_488 {offsets = [0, 128], sizes = [256, 128], strides = [1, 1]} : vector<256x384xf32> to vector<256x128xf32>
    %slice3A_491 = vector.extract_strided_slice %dot_general3A_488 {offsets = [0, 256], sizes = [256, 128], strides = [1, 1]} : vector<256x384xf32> to vector<256x128xf32>
    %mul3A_492 = arith.mulf %slice3A_489, %slice3A_489 : vector<256x128xf32>
    %mul3A_493 = arith.mulf %slice3A_490, %slice3A_490 : vector<256x128xf32>
    %add3A_494 = arith.addf %mul3A_492, %mul3A_493 : vector<256x128xf32>
    %mul3A_495 = arith.mulf %slice3A_491, %slice3A_491 : vector<256x128xf32>
    %add3A_496 = arith.addf %add3A_494, %mul3A_495 : vector<256x128xf32>
    %sqrt3A_497 = math.sqrt %add3A_496 : vector<256x128xf32>
    %mul3A_498 = arith.constant 0.833333313 : f32
    %mul3A_499 = vector.broadcast %mul3A_498 : f32 to vector<256x128xf32>
    %mul3A_500 = arith.mulf %sqrt3A_497, %mul3A_499 : vector<256x128xf32>
    %sub3A_501 = arith.constant 1.000000e+00 : f32
    %sub3A_502 = vector.broadcast %sub3A_501 : f32 to vector<256x128xf32>
    %sub3A_503 = arith.subf %sub3A_502, %mul3A_500 : vector<256x128xf32>
    %max3A_504 = arith.constant 0.000000e+00 : f32
    %max3A_505 = vector.broadcast %max3A_504 : f32 to vector<256x128xf32>
    %max3A_506 = arith.maximumf %sub3A_503, %max3A_505 : vector<256x128xf32>
    %mul3A_507 = arith.mulf %max3A_506, %convert_element_type3A_73 : vector<256x128xf32>
    %slice3A_508 = vector.extract_strided_slice %concatenate3A {offsets = [4096, 0], sizes = [256, 128], strides = [1, 1]} : vector<6400x128xf32> to vector<256x128xf32>
    %dot_general3A_509 = arith.constant dense<0.000000e+00> : vector<128x128xf32>
    %dot_general3A_510 = tpu.matmul %mul3A_507, %slice3A_508, %dot_general3A_509 {dimension_numbers = #tpu.dot_dimension_numbers<[0], [0], [1], [1], [0, 1, 1, 1], [], []>, transpose_lhs_hint = false} : vector<256x128xf32>, vector<256x128xf32>, vector<128x128xf32> -> vector<128x128xf32>
    %slice3A_511 = vector.extract_strided_slice %concatenate3A_11 {offsets = [4352, 0], sizes = [256, 8], strides = [1, 1]} : vector<6400x8xf32> to vector<256x8xf32>
    %slice3A_512 = vector.extract_strided_slice %get3A_14 {offsets = [0, 6528], sizes = [8, 384], strides = [1, 1]} : vector<8x9600xf32> to vector<8x384xf32>
    %dot_general3A_513 = arith.constant dense<0.000000e+00> : vector<256x384xf32>
    %dot_general3A_514 = tpu.matmul %slice3A_511, %slice3A_512, %dot_general3A_513 {dimension_numbers = #tpu.dot_dimension_numbers<[1], [0], [0], [1], [0, 0, 1, 1], [], []>, transpose_lhs_hint = false} : vector<256x8xf32>, vector<8x384xf32>, vector<256x384xf32> -> vector<256x384xf32>
    %slice3A_515 = vector.extract_strided_slice %dot_general3A_514 {offsets = [0, 0], sizes = [256, 128], strides = [1, 1]} : vector<256x384xf32> to vector<256x128xf32>
    %slice3A_516 = vector.extract_strided_slice %dot_general3A_514 {offsets = [0, 128], sizes = [256, 128], strides = [1, 1]} : vector<256x384xf32> to vector<256x128xf32>
    %slice3A_517 = vector.extract_strided_slice %dot_general3A_514 {offsets = [0, 256], sizes = [256, 128], strides = [1, 1]} : vector<256x384xf32> to vector<256x128xf32>
    %mul3A_518 = arith.mulf %slice3A_515, %slice3A_515 : vector<256x128xf32>
    %mul3A_519 = arith.mulf %slice3A_516, %slice3A_516 : vector<256x128xf32>
    %add3A_520 = arith.addf %mul3A_518, %mul3A_519 : vector<256x128xf32>
    %mul3A_521 = arith.mulf %slice3A_517, %slice3A_517 : vector<256x128xf32>
    %add3A_522 = arith.addf %add3A_520, %mul3A_521 : vector<256x128xf32>
    %sqrt3A_523 = math.sqrt %add3A_522 : vector<256x128xf32>
    %mul3A_524 = arith.constant 0.833333313 : f32
    %mul3A_525 = vector.broadcast %mul3A_524 : f32 to vector<256x128xf32>
    %mul3A_526 = arith.mulf %sqrt3A_523, %mul3A_525 : vector<256x128xf32>
    %sub3A_527 = arith.constant 1.000000e+00 : f32
    %sub3A_528 = vector.broadcast %sub3A_527 : f32 to vector<256x128xf32>
    %sub3A_529 = arith.subf %sub3A_528, %mul3A_526 : vector<256x128xf32>
    %max3A_530 = arith.constant 0.000000e+00 : f32
    %max3A_531 = vector.broadcast %max3A_530 : f32 to vector<256x128xf32>
    %max3A_532 = arith.maximumf %sub3A_529, %max3A_531 : vector<256x128xf32>
    %mul3A_533 = arith.mulf %max3A_532, %convert_element_type3A_73 : vector<256x128xf32>
    %slice3A_534 = vector.extract_strided_slice %concatenate3A {offsets = [4352, 0], sizes = [256, 128], strides = [1, 1]} : vector<6400x128xf32> to vector<256x128xf32>
    %dot_general3A_535 = arith.constant dense<0.000000e+00> : vector<128x128xf32>
    %dot_general3A_536 = tpu.matmul %mul3A_533, %slice3A_534, %dot_general3A_535 {dimension_numbers = #tpu.dot_dimension_numbers<[0], [0], [1], [1], [0, 1, 1, 1], [], []>, transpose_lhs_hint = false} : vector<256x128xf32>, vector<256x128xf32>, vector<128x128xf32> -> vector<128x128xf32>
    %slice3A_537 = vector.extract_strided_slice %concatenate3A_11 {offsets = [4608, 0], sizes = [256, 8], strides = [1, 1]} : vector<6400x8xf32> to vector<256x8xf32>
    %slice3A_538 = vector.extract_strided_slice %get3A_14 {offsets = [0, 6912], sizes = [8, 384], strides = [1, 1]} : vector<8x9600xf32> to vector<8x384xf32>
    %dot_general3A_539 = arith.constant dense<0.000000e+00> : vector<256x384xf32>
    %dot_general3A_540 = tpu.matmul %slice3A_537, %slice3A_538, %dot_general3A_539 {dimension_numbers = #tpu.dot_dimension_numbers<[1], [0], [0], [1], [0, 0, 1, 1], [], []>, transpose_lhs_hint = false} : vector<256x8xf32>, vector<8x384xf32>, vector<256x384xf32> -> vector<256x384xf32>
    %slice3A_541 = vector.extract_strided_slice %dot_general3A_540 {offsets = [0, 0], sizes = [256, 128], strides = [1, 1]} : vector<256x384xf32> to vector<256x128xf32>
    %slice3A_542 = vector.extract_strided_slice %dot_general3A_540 {offsets = [0, 128], sizes = [256, 128], strides = [1, 1]} : vector<256x384xf32> to vector<256x128xf32>
    %slice3A_543 = vector.extract_strided_slice %dot_general3A_540 {offsets = [0, 256], sizes = [256, 128], strides = [1, 1]} : vector<256x384xf32> to vector<256x128xf32>
    %mul3A_544 = arith.mulf %slice3A_541, %slice3A_541 : vector<256x128xf32>
    %mul3A_545 = arith.mulf %slice3A_542, %slice3A_542 : vector<256x128xf32>
    %add3A_546 = arith.addf %mul3A_544, %mul3A_545 : vector<256x128xf32>
    %mul3A_547 = arith.mulf %slice3A_543, %slice3A_543 : vector<256x128xf32>
    %add3A_548 = arith.addf %add3A_546, %mul3A_547 : vector<256x128xf32>
    %sqrt3A_549 = math.sqrt %add3A_548 : vector<256x128xf32>
    %mul3A_550 = arith.constant 0.833333313 : f32
    %mul3A_551 = vector.broadcast %mul3A_550 : f32 to vector<256x128xf32>
    %mul3A_552 = arith.mulf %sqrt3A_549, %mul3A_551 : vector<256x128xf32>
    %sub3A_553 = arith.constant 1.000000e+00 : f32
    %sub3A_554 = vector.broadcast %sub3A_553 : f32 to vector<256x128xf32>
    %sub3A_555 = arith.subf %sub3A_554, %mul3A_552 : vector<256x128xf32>
    %max3A_556 = arith.constant 0.000000e+00 : f32
    %max3A_557 = vector.broadcast %max3A_556 : f32 to vector<256x128xf32>
    %max3A_558 = arith.maximumf %sub3A_555, %max3A_557 : vector<256x128xf32>
    %mul3A_559 = arith.mulf %max3A_558, %convert_element_type3A_73 : vector<256x128xf32>
    %slice3A_560 = vector.extract_strided_slice %concatenate3A {offsets = [4608, 0], sizes = [256, 128], strides = [1, 1]} : vector<6400x128xf32> to vector<256x128xf32>
    %dot_general3A_561 = arith.constant dense<0.000000e+00> : vector<128x128xf32>
    %dot_general3A_562 = tpu.matmul %mul3A_559, %slice3A_560, %dot_general3A_561 {dimension_numbers = #tpu.dot_dimension_numbers<[0], [0], [1], [1], [0, 1, 1, 1], [], []>, transpose_lhs_hint = false} : vector<256x128xf32>, vector<256x128xf32>, vector<128x128xf32> -> vector<128x128xf32>
    %slice3A_563 = vector.extract_strided_slice %concatenate3A_11 {offsets = [4864, 0], sizes = [256, 8], strides = [1, 1]} : vector<6400x8xf32> to vector<256x8xf32>
    %slice3A_564 = vector.extract_strided_slice %get3A_14 {offsets = [0, 7296], sizes = [8, 384], strides = [1, 1]} : vector<8x9600xf32> to vector<8x384xf32>
    %dot_general3A_565 = arith.constant dense<0.000000e+00> : vector<256x384xf32>
    %dot_general3A_566 = tpu.matmul %slice3A_563, %slice3A_564, %dot_general3A_565 {dimension_numbers = #tpu.dot_dimension_numbers<[1], [0], [0], [1], [0, 0, 1, 1], [], []>, transpose_lhs_hint = false} : vector<256x8xf32>, vector<8x384xf32>, vector<256x384xf32> -> vector<256x384xf32>
    %slice3A_567 = vector.extract_strided_slice %dot_general3A_566 {offsets = [0, 0], sizes = [256, 128], strides = [1, 1]} : vector<256x384xf32> to vector<256x128xf32>
    %slice3A_568 = vector.extract_strided_slice %dot_general3A_566 {offsets = [0, 128], sizes = [256, 128], strides = [1, 1]} : vector<256x384xf32> to vector<256x128xf32>
    %slice3A_569 = vector.extract_strided_slice %dot_general3A_566 {offsets = [0, 256], sizes = [256, 128], strides = [1, 1]} : vector<256x384xf32> to vector<256x128xf32>
    %mul3A_570 = arith.mulf %slice3A_567, %slice3A_567 : vector<256x128xf32>
    %mul3A_571 = arith.mulf %slice3A_568, %slice3A_568 : vector<256x128xf32>
    %add3A_572 = arith.addf %mul3A_570, %mul3A_571 : vector<256x128xf32>
    %mul3A_573 = arith.mulf %slice3A_569, %slice3A_569 : vector<256x128xf32>
    %add3A_574 = arith.addf %add3A_572, %mul3A_573 : vector<256x128xf32>
    %sqrt3A_575 = math.sqrt %add3A_574 : vector<256x128xf32>
    %mul3A_576 = arith.constant 0.833333313 : f32
    %mul3A_577 = vector.broadcast %mul3A_576 : f32 to vector<256x128xf32>
    %mul3A_578 = arith.mulf %sqrt3A_575, %mul3A_577 : vector<256x128xf32>
    %sub3A_579 = arith.constant 1.000000e+00 : f32
    %sub3A_580 = vector.broadcast %sub3A_579 : f32 to vector<256x128xf32>
    %sub3A_581 = arith.subf %sub3A_580, %mul3A_578 : vector<256x128xf32>
    %max3A_582 = arith.constant 0.000000e+00 : f32
    %max3A_583 = vector.broadcast %max3A_582 : f32 to vector<256x128xf32>
    %max3A_584 = arith.maximumf %sub3A_581, %max3A_583 : vector<256x128xf32>
    %mul3A_585 = arith.mulf %max3A_584, %convert_element_type3A_73 : vector<256x128xf32>
    %slice3A_586 = vector.extract_strided_slice %concatenate3A {offsets = [4864, 0], sizes = [256, 128], strides = [1, 1]} : vector<6400x128xf32> to vector<256x128xf32>
    %dot_general3A_587 = arith.constant dense<0.000000e+00> : vector<128x128xf32>
    %dot_general3A_588 = tpu.matmul %mul3A_585, %slice3A_586, %dot_general3A_587 {dimension_numbers = #tpu.dot_dimension_numbers<[0], [0], [1], [1], [0, 1, 1, 1], [], []>, transpose_lhs_hint = false} : vector<256x128xf32>, vector<256x128xf32>, vector<128x128xf32> -> vector<128x128xf32>
    %slice3A_589 = vector.extract_strided_slice %concatenate3A_11 {offsets = [5120, 0], sizes = [256, 8], strides = [1, 1]} : vector<6400x8xf32> to vector<256x8xf32>
    %slice3A_590 = vector.extract_strided_slice %get3A_14 {offsets = [0, 7680], sizes = [8, 384], strides = [1, 1]} : vector<8x9600xf32> to vector<8x384xf32>
    %dot_general3A_591 = arith.constant dense<0.000000e+00> : vector<256x384xf32>
    %dot_general3A_592 = tpu.matmul %slice3A_589, %slice3A_590, %dot_general3A_591 {dimension_numbers = #tpu.dot_dimension_numbers<[1], [0], [0], [1], [0, 0, 1, 1], [], []>, transpose_lhs_hint = false} : vector<256x8xf32>, vector<8x384xf32>, vector<256x384xf32> -> vector<256x384xf32>
    %slice3A_593 = vector.extract_strided_slice %dot_general3A_592 {offsets = [0, 0], sizes = [256, 128], strides = [1, 1]} : vector<256x384xf32> to vector<256x128xf32>
    %slice3A_594 = vector.extract_strided_slice %dot_general3A_592 {offsets = [0, 128], sizes = [256, 128], strides = [1, 1]} : vector<256x384xf32> to vector<256x128xf32>
    %slice3A_595 = vector.extract_strided_slice %dot_general3A_592 {offsets = [0, 256], sizes = [256, 128], strides = [1, 1]} : vector<256x384xf32> to vector<256x128xf32>
    %mul3A_596 = arith.mulf %slice3A_593, %slice3A_593 : vector<256x128xf32>
    %mul3A_597 = arith.mulf %slice3A_594, %slice3A_594 : vector<256x128xf32>
    %add3A_598 = arith.addf %mul3A_596, %mul3A_597 : vector<256x128xf32>
    %mul3A_599 = arith.mulf %slice3A_595, %slice3A_595 : vector<256x128xf32>
    %add3A_600 = arith.addf %add3A_598, %mul3A_599 : vector<256x128xf32>
    %sqrt3A_601 = math.sqrt %add3A_600 : vector<256x128xf32>
    %mul3A_602 = arith.constant 0.833333313 : f32
    %mul3A_603 = vector.broadcast %mul3A_602 : f32 to vector<256x128xf32>
    %mul3A_604 = arith.mulf %sqrt3A_601, %mul3A_603 : vector<256x128xf32>
    %sub3A_605 = arith.constant 1.000000e+00 : f32
    %sub3A_606 = vector.broadcast %sub3A_605 : f32 to vector<256x128xf32>
    %sub3A_607 = arith.subf %sub3A_606, %mul3A_604 : vector<256x128xf32>
    %max3A_608 = arith.constant 0.000000e+00 : f32
    %max3A_609 = vector.broadcast %max3A_608 : f32 to vector<256x128xf32>
    %max3A_610 = arith.maximumf %sub3A_607, %max3A_609 : vector<256x128xf32>
    %mul3A_611 = arith.mulf %max3A_610, %convert_element_type3A_73 : vector<256x128xf32>
    %slice3A_612 = vector.extract_strided_slice %concatenate3A {offsets = [5120, 0], sizes = [256, 128], strides = [1, 1]} : vector<6400x128xf32> to vector<256x128xf32>
    %dot_general3A_613 = arith.constant dense<0.000000e+00> : vector<128x128xf32>
    %dot_general3A_614 = tpu.matmul %mul3A_611, %slice3A_612, %dot_general3A_613 {dimension_numbers = #tpu.dot_dimension_numbers<[0], [0], [1], [1], [0, 1, 1, 1], [], []>, transpose_lhs_hint = false} : vector<256x128xf32>, vector<256x128xf32>, vector<128x128xf32> -> vector<128x128xf32>
    %slice3A_615 = vector.extract_strided_slice %concatenate3A_11 {offsets = [5376, 0], sizes = [256, 8], strides = [1, 1]} : vector<6400x8xf32> to vector<256x8xf32>
    %slice3A_616 = vector.extract_strided_slice %get3A_14 {offsets = [0, 8064], sizes = [8, 384], strides = [1, 1]} : vector<8x9600xf32> to vector<8x384xf32>
    %dot_general3A_617 = arith.constant dense<0.000000e+00> : vector<256x384xf32>
    %dot_general3A_618 = tpu.matmul %slice3A_615, %slice3A_616, %dot_general3A_617 {dimension_numbers = #tpu.dot_dimension_numbers<[1], [0], [0], [1], [0, 0, 1, 1], [], []>, transpose_lhs_hint = false} : vector<256x8xf32>, vector<8x384xf32>, vector<256x384xf32> -> vector<256x384xf32>
    %slice3A_619 = vector.extract_strided_slice %dot_general3A_618 {offsets = [0, 0], sizes = [256, 128], strides = [1, 1]} : vector<256x384xf32> to vector<256x128xf32>
    %slice3A_620 = vector.extract_strided_slice %dot_general3A_618 {offsets = [0, 128], sizes = [256, 128], strides = [1, 1]} : vector<256x384xf32> to vector<256x128xf32>
    %slice3A_621 = vector.extract_strided_slice %dot_general3A_618 {offsets = [0, 256], sizes = [256, 128], strides = [1, 1]} : vector<256x384xf32> to vector<256x128xf32>
    %mul3A_622 = arith.mulf %slice3A_619, %slice3A_619 : vector<256x128xf32>
    %mul3A_623 = arith.mulf %slice3A_620, %slice3A_620 : vector<256x128xf32>
    %add3A_624 = arith.addf %mul3A_622, %mul3A_623 : vector<256x128xf32>
    %mul3A_625 = arith.mulf %slice3A_621, %slice3A_621 : vector<256x128xf32>
    %add3A_626 = arith.addf %add3A_624, %mul3A_625 : vector<256x128xf32>
    %sqrt3A_627 = math.sqrt %add3A_626 : vector<256x128xf32>
    %mul3A_628 = arith.constant 0.833333313 : f32
    %mul3A_629 = vector.broadcast %mul3A_628 : f32 to vector<256x128xf32>
    %mul3A_630 = arith.mulf %sqrt3A_627, %mul3A_629 : vector<256x128xf32>
    %sub3A_631 = arith.constant 1.000000e+00 : f32
    %sub3A_632 = vector.broadcast %sub3A_631 : f32 to vector<256x128xf32>
    %sub3A_633 = arith.subf %sub3A_632, %mul3A_630 : vector<256x128xf32>
    %max3A_634 = arith.constant 0.000000e+00 : f32
    %max3A_635 = vector.broadcast %max3A_634 : f32 to vector<256x128xf32>
    %max3A_636 = arith.maximumf %sub3A_633, %max3A_635 : vector<256x128xf32>
    %mul3A_637 = arith.mulf %max3A_636, %convert_element_type3A_73 : vector<256x128xf32>
    %slice3A_638 = vector.extract_strided_slice %concatenate3A {offsets = [5376, 0], sizes = [256, 128], strides = [1, 1]} : vector<6400x128xf32> to vector<256x128xf32>
    %dot_general3A_639 = arith.constant dense<0.000000e+00> : vector<128x128xf32>
    %dot_general3A_640 = tpu.matmul %mul3A_637, %slice3A_638, %dot_general3A_639 {dimension_numbers = #tpu.dot_dimension_numbers<[0], [0], [1], [1], [0, 1, 1, 1], [], []>, transpose_lhs_hint = false} : vector<256x128xf32>, vector<256x128xf32>, vector<128x128xf32> -> vector<128x128xf32>
    %slice3A_641 = vector.extract_strided_slice %concatenate3A_11 {offsets = [5632, 0], sizes = [256, 8], strides = [1, 1]} : vector<6400x8xf32> to vector<256x8xf32>
    %slice3A_642 = vector.extract_strided_slice %get3A_14 {offsets = [0, 8448], sizes = [8, 384], strides = [1, 1]} : vector<8x9600xf32> to vector<8x384xf32>
    %dot_general3A_643 = arith.constant dense<0.000000e+00> : vector<256x384xf32>
    %dot_general3A_644 = tpu.matmul %slice3A_641, %slice3A_642, %dot_general3A_643 {dimension_numbers = #tpu.dot_dimension_numbers<[1], [0], [0], [1], [0, 0, 1, 1], [], []>, transpose_lhs_hint = false} : vector<256x8xf32>, vector<8x384xf32>, vector<256x384xf32> -> vector<256x384xf32>
    %slice3A_645 = vector.extract_strided_slice %dot_general3A_644 {offsets = [0, 0], sizes = [256, 128], strides = [1, 1]} : vector<256x384xf32> to vector<256x128xf32>
    %slice3A_646 = vector.extract_strided_slice %dot_general3A_644 {offsets = [0, 128], sizes = [256, 128], strides = [1, 1]} : vector<256x384xf32> to vector<256x128xf32>
    %slice3A_647 = vector.extract_strided_slice %dot_general3A_644 {offsets = [0, 256], sizes = [256, 128], strides = [1, 1]} : vector<256x384xf32> to vector<256x128xf32>
    %mul3A_648 = arith.mulf %slice3A_645, %slice3A_645 : vector<256x128xf32>
    %mul3A_649 = arith.mulf %slice3A_646, %slice3A_646 : vector<256x128xf32>
    %add3A_650 = arith.addf %mul3A_648, %mul3A_649 : vector<256x128xf32>
    %mul3A_651 = arith.mulf %slice3A_647, %slice3A_647 : vector<256x128xf32>
    %add3A_652 = arith.addf %add3A_650, %mul3A_651 : vector<256x128xf32>
    %sqrt3A_653 = math.sqrt %add3A_652 : vector<256x128xf32>
    %mul3A_654 = arith.constant 0.833333313 : f32
    %mul3A_655 = vector.broadcast %mul3A_654 : f32 to vector<256x128xf32>
    %mul3A_656 = arith.mulf %sqrt3A_653, %mul3A_655 : vector<256x128xf32>
    %sub3A_657 = arith.constant 1.000000e+00 : f32
    %sub3A_658 = vector.broadcast %sub3A_657 : f32 to vector<256x128xf32>
    %sub3A_659 = arith.subf %sub3A_658, %mul3A_656 : vector<256x128xf32>
    %max3A_660 = arith.constant 0.000000e+00 : f32
    %max3A_661 = vector.broadcast %max3A_660 : f32 to vector<256x128xf32>
    %max3A_662 = arith.maximumf %sub3A_659, %max3A_661 : vector<256x128xf32>
    %mul3A_663 = arith.mulf %max3A_662, %convert_element_type3A_73 : vector<256x128xf32>
    %slice3A_664 = vector.extract_strided_slice %concatenate3A {offsets = [5632, 0], sizes = [256, 128], strides = [1, 1]} : vector<6400x128xf32> to vector<256x128xf32>
    %dot_general3A_665 = arith.constant dense<0.000000e+00> : vector<128x128xf32>
    %dot_general3A_666 = tpu.matmul %mul3A_663, %slice3A_664, %dot_general3A_665 {dimension_numbers = #tpu.dot_dimension_numbers<[0], [0], [1], [1], [0, 1, 1, 1], [], []>, transpose_lhs_hint = false} : vector<256x128xf32>, vector<256x128xf32>, vector<128x128xf32> -> vector<128x128xf32>
    %slice3A_667 = vector.extract_strided_slice %concatenate3A_11 {offsets = [5888, 0], sizes = [256, 8], strides = [1, 1]} : vector<6400x8xf32> to vector<256x8xf32>
    %slice3A_668 = vector.extract_strided_slice %get3A_14 {offsets = [0, 8832], sizes = [8, 384], strides = [1, 1]} : vector<8x9600xf32> to vector<8x384xf32>
    %dot_general3A_669 = arith.constant dense<0.000000e+00> : vector<256x384xf32>
    %dot_general3A_670 = tpu.matmul %slice3A_667, %slice3A_668, %dot_general3A_669 {dimension_numbers = #tpu.dot_dimension_numbers<[1], [0], [0], [1], [0, 0, 1, 1], [], []>, transpose_lhs_hint = false} : vector<256x8xf32>, vector<8x384xf32>, vector<256x384xf32> -> vector<256x384xf32>
    %slice3A_671 = vector.extract_strided_slice %dot_general3A_670 {offsets = [0, 0], sizes = [256, 128], strides = [1, 1]} : vector<256x384xf32> to vector<256x128xf32>
    %slice3A_672 = vector.extract_strided_slice %dot_general3A_670 {offsets = [0, 128], sizes = [256, 128], strides = [1, 1]} : vector<256x384xf32> to vector<256x128xf32>
    %slice3A_673 = vector.extract_strided_slice %dot_general3A_670 {offsets = [0, 256], sizes = [256, 128], strides = [1, 1]} : vector<256x384xf32> to vector<256x128xf32>
    %mul3A_674 = arith.mulf %slice3A_671, %slice3A_671 : vector<256x128xf32>
    %mul3A_675 = arith.mulf %slice3A_672, %slice3A_672 : vector<256x128xf32>
    %add3A_676 = arith.addf %mul3A_674, %mul3A_675 : vector<256x128xf32>
    %mul3A_677 = arith.mulf %slice3A_673, %slice3A_673 : vector<256x128xf32>
    %add3A_678 = arith.addf %add3A_676, %mul3A_677 : vector<256x128xf32>
    %sqrt3A_679 = math.sqrt %add3A_678 : vector<256x128xf32>
    %mul3A_680 = arith.constant 0.833333313 : f32
    %mul3A_681 = vector.broadcast %mul3A_680 : f32 to vector<256x128xf32>
    %mul3A_682 = arith.mulf %sqrt3A_679, %mul3A_681 : vector<256x128xf32>
    %sub3A_683 = arith.constant 1.000000e+00 : f32
    %sub3A_684 = vector.broadcast %sub3A_683 : f32 to vector<256x128xf32>
    %sub3A_685 = arith.subf %sub3A_684, %mul3A_682 : vector<256x128xf32>
    %max3A_686 = arith.constant 0.000000e+00 : f32
    %max3A_687 = vector.broadcast %max3A_686 : f32 to vector<256x128xf32>
    %max3A_688 = arith.maximumf %sub3A_685, %max3A_687 : vector<256x128xf32>
    %mul3A_689 = arith.mulf %max3A_688, %convert_element_type3A_73 : vector<256x128xf32>
    %slice3A_690 = vector.extract_strided_slice %concatenate3A {offsets = [5888, 0], sizes = [256, 128], strides = [1, 1]} : vector<6400x128xf32> to vector<256x128xf32>
    %dot_general3A_691 = arith.constant dense<0.000000e+00> : vector<128x128xf32>
    %dot_general3A_692 = tpu.matmul %mul3A_689, %slice3A_690, %dot_general3A_691 {dimension_numbers = #tpu.dot_dimension_numbers<[0], [0], [1], [1], [0, 1, 1, 1], [], []>, transpose_lhs_hint = false} : vector<256x128xf32>, vector<256x128xf32>, vector<128x128xf32> -> vector<128x128xf32>
    %slice3A_693 = vector.extract_strided_slice %concatenate3A_11 {offsets = [6144, 0], sizes = [256, 8], strides = [1, 1]} : vector<6400x8xf32> to vector<256x8xf32>
    %slice3A_694 = vector.extract_strided_slice %get3A_14 {offsets = [0, 9216], sizes = [8, 384], strides = [1, 1]} : vector<8x9600xf32> to vector<8x384xf32>
    %dot_general3A_695 = arith.constant dense<0.000000e+00> : vector<256x384xf32>
    %dot_general3A_696 = tpu.matmul %slice3A_693, %slice3A_694, %dot_general3A_695 {dimension_numbers = #tpu.dot_dimension_numbers<[1], [0], [0], [1], [0, 0, 1, 1], [], []>, transpose_lhs_hint = false} : vector<256x8xf32>, vector<8x384xf32>, vector<256x384xf32> -> vector<256x384xf32>
    %slice3A_697 = vector.extract_strided_slice %dot_general3A_696 {offsets = [0, 0], sizes = [256, 128], strides = [1, 1]} : vector<256x384xf32> to vector<256x128xf32>
    %slice3A_698 = vector.extract_strided_slice %dot_general3A_696 {offsets = [0, 128], sizes = [256, 128], strides = [1, 1]} : vector<256x384xf32> to vector<256x128xf32>
    %slice3A_699 = vector.extract_strided_slice %dot_general3A_696 {offsets = [0, 256], sizes = [256, 128], strides = [1, 1]} : vector<256x384xf32> to vector<256x128xf32>
    %mul3A_700 = arith.mulf %slice3A_697, %slice3A_697 : vector<256x128xf32>
    %mul3A_701 = arith.mulf %slice3A_698, %slice3A_698 : vector<256x128xf32>
    %add3A_702 = arith.addf %mul3A_700, %mul3A_701 : vector<256x128xf32>
    %mul3A_703 = arith.mulf %slice3A_699, %slice3A_699 : vector<256x128xf32>
    %add3A_704 = arith.addf %add3A_702, %mul3A_703 : vector<256x128xf32>
    %sqrt3A_705 = math.sqrt %add3A_704 : vector<256x128xf32>
    %mul3A_706 = arith.constant 0.833333313 : f32
    %mul3A_707 = vector.broadcast %mul3A_706 : f32 to vector<256x128xf32>
    %mul3A_708 = arith.mulf %sqrt3A_705, %mul3A_707 : vector<256x128xf32>
    %sub3A_709 = arith.constant 1.000000e+00 : f32
    %sub3A_710 = vector.broadcast %sub3A_709 : f32 to vector<256x128xf32>
    %sub3A_711 = arith.subf %sub3A_710, %mul3A_708 : vector<256x128xf32>
    %max3A_712 = arith.constant 0.000000e+00 : f32
    %max3A_713 = vector.broadcast %max3A_712 : f32 to vector<256x128xf32>
    %max3A_714 = arith.maximumf %sub3A_711, %max3A_713 : vector<256x128xf32>
    %mul3A_715 = arith.mulf %max3A_714, %convert_element_type3A_73 : vector<256x128xf32>
    %slice3A_716 = vector.extract_strided_slice %concatenate3A {offsets = [6144, 0], sizes = [256, 128], strides = [1, 1]} : vector<6400x128xf32> to vector<256x128xf32>
    %dot_general3A_717 = arith.constant dense<0.000000e+00> : vector<128x128xf32>
    %dot_general3A_718 = tpu.matmul %mul3A_715, %slice3A_716, %dot_general3A_717 {dimension_numbers = #tpu.dot_dimension_numbers<[0], [0], [1], [1], [0, 1, 1, 1], [], []>, transpose_lhs_hint = false} : vector<256x128xf32>, vector<256x128xf32>, vector<128x128xf32> -> vector<128x128xf32>
    %concatenate3A_719 = tpu.concatenate %dot_general3A_94, %dot_general3A_120, %dot_general3A_146, %dot_general3A_172, %dot_general3A_198, %dot_general3A_224, %dot_general3A_250, %dot_general3A_276, %dot_general3A_302, %dot_general3A_328, %dot_general3A_354, %dot_general3A_380, %dot_general3A_406, %dot_general3A_432, %dot_general3A_458, %dot_general3A_484, %dot_general3A_510, %dot_general3A_536, %dot_general3A_562, %dot_general3A_588, %dot_general3A_614, %dot_general3A_640, %dot_general3A_666, %dot_general3A_692, %dot_general3A_718 in 0 : vector<128x128xf32>, vector<128x128xf32>, vector<128x128xf32>, vector<128x128xf32>, vector<128x128xf32>, vector<128x128xf32>, vector<128x128xf32>, vector<128x128xf32>, vector<128x128xf32>, vector<128x128xf32>, vector<128x128xf32>, vector<128x128xf32>, vector<128x128xf32>, vector<128x128xf32>, vector<128x128xf32>, vector<128x128xf32>, vector<128x128xf32>, vector<128x128xf32>, vector<128x128xf32>, vector<128x128xf32>, vector<128x128xf32>, vector<128x128xf32>, vector<128x128xf32>, vector<128x128xf32>, vector<128x128xf32> -> vector<3200x128xf32>
    %reshape3A = vector.shape_cast %concatenate3A_719 : vector<3200x128xf32> to vector<200x2048xf32>
    %get3A_720 = arith.constant 0 : index
    %get3A_721 = arith.constant 0 : index
    %get3A_722 = vector.load %arg2[%get3A_720, %get3A_721] : memref<2048x128xf32, #tpu.memory_space<vmem>>, vector<2048x128xf32>
    %dot_general3A_723 = arith.constant dense<0.000000e+00> : vector<200x128xf32>
    %dot_general3A_724 = tpu.matmul %reshape3A, %get3A_722, %dot_general3A_723 {dimension_numbers = #tpu.dot_dimension_numbers<[1], [0], [0], [1], [0, 0, 1, 1], [], []>, transpose_lhs_hint = false} : vector<200x2048xf32>, vector<2048x128xf32>, vector<200x128xf32> -> vector<200x128xf32>
    %swap3A = arith.constant 0 : index
    %swap3A_725 = arith.constant 0 : index
    %swap3A_726 = vector.load %arg4[%swap3A, %swap3A_725] : memref<200x128xf32, #tpu.memory_space<vmem>>, vector<200x128xf32>
    tpu.vector_store %arg4[%swap3A, %swap3A_725], %dot_general3A_724 {strides = array<i32>} : memref<200x128xf32, #tpu.memory_space<vmem>>, vector<200x128xf32>,
    return
  }
  func.func @transform_0(%arg0: i32) -> (i32, i32) {
    %add3A = arith.constant 10 : i32
    %add3A_0 = arith.addi %add3A, %arg0 : i32
    %c0_i32 = arith.constant 0 : i32
    %c0_i32_1 = arith.constant 0 : i32
    return %c0_i32, %add3A_0 : i32, i32
  }
  func.func @transform_1(%arg0: i32) -> (i32, i32) {
    %c0_i32 = arith.constant 0 : i32
    %c0_i32_0 = arith.constant 0 : i32
    %c0_i32_1 = arith.constant 0 : i32
    return %c0_i32, %c0_i32_0 : i32, i32
  }
  func.func @transform_2(%arg0: i32) -> (i32, i32) {
    %c0_i32 = arith.constant 0 : i32
    %c0_i32_0 = arith.constant 0 : i32
    return %arg0, %c0_i32 : i32, i32
  }
  func.func @transform_3(%arg0: i32) -> (i32, i32) {
    %c0_i32 = arith.constant 0 : i32
    %c0_i32_0 = arith.constant 0 : i32
    return %arg0, %c0_i32 : i32, i32
  }
}

module attributes {stable_mosaic.version = 14 : i64} {
  func.func @_tc_body(%arg0: i32, %arg1: memref<8x9600xf32, #tpu.memory_space<vmem>>, %arg2: memref<2048x128xf32, #tpu.memory_space<vmem>>, %arg3: memref<6400x128xf32, #tpu.memory_space<vmem>>, %arg4: memref<200x128xf32, #tpu.memory_space<vmem>>) attributes {dimension_semantics = [#tpu.dimension_semantics<arbitrary>], iteration_bounds = array<i64: 10>, scalar_prefetch = 0 : i64, scratch_operands = 0 : i64, tpu.core_type = #tpu.core_type<tc>, window_params = [{transform_indices = @transform_0, window_bounds = array<i64: 8, 9600>}, {pipeline_mode = #tpu.pipeline_mode<synchronous>, transform_indices = @transform_1, window_bounds = array<i64: 2048, 128>}, {transform_indices = @transform_2, window_bounds = array<i64: 6400, 128>}, {transform_indices = @transform_3, window_bounds = array<i64: 200, 128>}]} {
    %get3A = arith.constant 0 : index
    %get3A_0 = arith.constant 0 : index
    %get3A_1 = vector.load %arg3[%get3A, %get3A_0] : memref<6400x128xf32, #tpu.memory_space<vmem>>, vector<6400x128xf32>
    %slice3A = vector.extract_strided_slice %get3A_1 {offsets = [0, 0], sizes = [6400, 64], strides = [1, 1]} : vector<6400x128xf32> to vector<6400x64xf32>
    %bitcast_convert_type3A = tpu.bitcast %slice3A : vector<6400x64xf32> -> vector<6400x64xi32>
    %shift_left3A = arith.constant 16 : i32
    %shift_left3A_2 = vector.broadcast %shift_left3A : i32 to vector<6400x64xi32>
    %shift_left3A_3 = arith.shli %bitcast_convert_type3A, %shift_left3A_2 : vector<6400x64xi32>
    %bitcast_convert_type3A_4 = tpu.bitcast %shift_left3A_3 : vector<6400x64xi32> -> vector<6400x64xf32>
    %and3A = arith.constant -65536 : i32
    %and3A_5 = vector.broadcast %and3A : i32 to vector<6400x64xi32>
    %and3A_6 = arith.andi %bitcast_convert_type3A, %and3A_5 : vector<6400x64xi32>
    %bitcast_convert_type3A_7 = tpu.bitcast %and3A_6 : vector<6400x64xi32> -> vector<6400x64xf32>
    %concatenate3A = tpu.concatenate %bitcast_convert_type3A_4, %bitcast_convert_type3A_7 in 1 : vector<6400x64xf32>, vector<6400x64xf32> -> vector<6400x128xf32>
    %slice3A_8 = vector.extract_strided_slice %get3A_1 {offsets = [0, 64], sizes = [6400, 3], strides = [1, 1]} : vector<6400x128xf32> to vector<6400x3xf32>
    %convert_element_type3A = arith.truncf %slice3A_8 : vector<6400x3xf32> to vector<6400x3xbf16>
    %convert_element_type3A_9 = arith.extf %convert_element_type3A : vector<6400x3xbf16> to vector<6400x3xf32>
    %sub3A = arith.subf %slice3A_8, %convert_element_type3A_9 : vector<6400x3xf32>
    %slice3A_10 = vector.extract_strided_slice %get3A_1 {offsets = [0, 67], sizes = [6400, 2], strides = [1, 1]} : vector<6400x128xf32> to vector<6400x2xf32>
    %concatenate3A_11 = tpu.concatenate %convert_element_type3A_9, %sub3A, %slice3A_10 in 1 : vector<6400x3xf32>, vector<6400x3xf32>, vector<6400x2xf32> -> vector<6400x8xf32>
    %get3A_12 = arith.constant 0 : index
    %get3A_13 = arith.constant 0 : index
    %get3A_14 = vector.load %arg1[%get3A_12, %get3A_13] : memref<8x9600xf32, #tpu.memory_space<vmem>>, vector<8x9600xf32>
    %iota3A = tpu.iota {dimensions = array<i32: 0>} : vector<256x128xi32>
    %iota3A_15 = tpu.iota {dimensions = array<i32: 1>} : vector<256x128xi32>
    %jit3A = arith.constant 32 : i32
    %div3A = vector.broadcast %jit3A : i32 to vector<256x128xi32>
    %div3A_16 = arith.divsi %iota3A, %div3A : vector<256x128xi32>
    %sign3A = arith.constant 0 : i32
    %sign3A_17 = vector.broadcast %sign3A : i32 to vector<256x128xi32>
    %sign3A_18 = arith.cmpi sgt, %iota3A, %sign3A_17 : vector<256x128xi32>
    %sign3A_19 = arith.extui %sign3A_18 : vector<256x128xi1> to vector<256x128xi32>
    %sign3A_20 = arith.constant 0 : i32
    %sign3A_21 = vector.broadcast %sign3A_20 : i32 to vector<256x128xi32>
    %sign3A_22 = arith.cmpi slt, %iota3A, %sign3A_21 : vector<256x128xi32>
    %sign3A_23 = arith.extui %sign3A_22 : vector<256x128xi1> to vector<256x128xi32>
    %sign3A_24 = arith.subi %sign3A_19, %sign3A_23 : vector<256x128xi32>
    %sign3A_25 = arith.constant 0 : i32
    %sign3A_26 = arith.cmpi sgt, %jit3A, %sign3A_25 : i32
    %sign3A_27 = arith.extui %sign3A_26 : i1 to i32
    %sign3A_28 = arith.constant 0 : i32
    %sign3A_29 = arith.cmpi slt, %jit3A, %sign3A_28 : i32
    %sign3A_30 = arith.extui %sign3A_29 : i1 to i32
    %sign3A_31 = arith.subi %sign3A_27, %sign3A_30 : i32
    %ne3A = vector.broadcast %sign3A_31 : i32 to vector<256x128xi32>
    %ne3A_32 = arith.cmpi ne, %sign3A_24, %ne3A : vector<256x128xi32>
    %rem3A = vector.broadcast %jit3A : i32 to vector<256x128xi32>
    %rem3A_33 = arith.remsi %iota3A, %rem3A : vector<256x128xi32>
    %ne3A_34 = arith.constant 0 : i32
    %ne3A_35 = vector.broadcast %ne3A_34 : i32 to vector<256x128xi32>
    %ne3A_36 = arith.cmpi ne, %rem3A_33, %ne3A_35 : vector<256x128xi32>
    %and3A_37 = arith.andi %ne3A_32, %ne3A_36 : vector<256x128xi1>
    %sub3A_38 = arith.constant 1 : i32
    %sub3A_39 = vector.broadcast %sub3A_38 : i32 to vector<256x128xi32>
    %sub3A_40 = arith.subi %div3A_16, %sub3A_39 : vector<256x128xi32>
    %select_n3A = arith.select %and3A_37, %sub3A_40, %div3A_16 : vector<256x128xi1>, vector<256x128xi32>
    %jit3A_41 = arith.constant 16 : i32
    %div3A_42 = vector.broadcast %jit3A_41 : i32 to vector<256x128xi32>
    %div3A_43 = arith.divsi %iota3A_15, %div3A_42 : vector<256x128xi32>
    %sign3A_44 = arith.constant 0 : i32
    %sign3A_45 = vector.broadcast %sign3A_44 : i32 to vector<256x128xi32>
    %sign3A_46 = arith.cmpi sgt, %iota3A_15, %sign3A_45 : vector<256x128xi32>
    %sign3A_47 = arith.extui %sign3A_46 : vector<256x128xi1> to vector<256x128xi32>
    %sign3A_48 = arith.constant 0 : i32
    %sign3A_49 = vector.broadcast %sign3A_48 : i32 to vector<256x128xi32>
    %sign3A_50 = arith.cmpi slt, %iota3A_15, %sign3A_49 : vector<256x128xi32>
    %sign3A_51 = arith.extui %sign3A_50 : vector<256x128xi1> to vector<256x128xi32>
    %sign3A_52 = arith.subi %sign3A_47, %sign3A_51 : vector<256x128xi32>
    %sign3A_53 = arith.constant 0 : i32
    %sign3A_54 = arith.cmpi sgt, %jit3A_41, %sign3A_53 : i32
    %sign3A_55 = arith.extui %sign3A_54 : i1 to i32
    %sign3A_56 = arith.constant 0 : i32
    %sign3A_57 = arith.cmpi slt, %jit3A_41, %sign3A_56 : i32
    %sign3A_58 = arith.extui %sign3A_57 : i1 to i32
    %sign3A_59 = arith.subi %sign3A_55, %sign3A_58 : i32
    %ne3A_60 = vector.broadcast %sign3A_59 : i32 to vector<256x128xi32>
    %ne3A_61 = arith.cmpi ne, %sign3A_52, %ne3A_60 : vector<256x128xi32>
    %rem3A_62 = vector.broadcast %jit3A_41 : i32 to vector<256x128xi32>
    %rem3A_63 = arith.remsi %iota3A_15, %rem3A_62 : vector<256x128xi32>
    %ne3A_64 = arith.constant 0 : i32
    %ne3A_65 = vector.broadcast %ne3A_64 : i32 to vector<256x128xi32>
    %ne3A_66 = arith.cmpi ne, %rem3A_63, %ne3A_65 : vector<256x128xi32>
    %and3A_67 = arith.andi %ne3A_61, %ne3A_66 : vector<256x128xi1>
    %sub3A_68 = arith.constant 1 : i32
    %sub3A_69 = vector.broadcast %sub3A_68 : i32 to vector<256x128xi32>
    %sub3A_70 = arith.subi %div3A_43, %sub3A_69 : vector<256x128xi32>
    %select_n3A_71 = arith.select %and3A_67, %sub3A_70, %div3A_43 : vector<256x128xi1>, vector<256x128xi32>
    %eq3A = arith.cmpi eq, %select_n3A, %select_n3A_71 : vector<256x128xi32>
    %convert_element_type3A_72 = arith.extui %eq3A : vector<256x128xi1> to vector<256x128xi32>
    %convert_element_type3A_73 = arith.sitofp %convert_element_type3A_72 : vector<256x128xi32> to vector<256x128xf32>
    %slice3A_74 = vector.extract_strided_slice %concatenate3A_11 {offsets = [0, 0], sizes = [256, 8], strides = [1, 1]} : vector<6400x8xf32> to vector<256x8xf32>
    %slice3A_75 = vector.extract_strided_slice %get3A_14 {offsets = [0, 0], sizes = [8, 384], strides = [1, 1]} : vector<8x9600xf32> to vector<8x384xf32>
    %dot_general3A = arith.constant dense<0.000000e+00> : vector<256x384xf32>
    %dot_general3A_76 = tpu.matmul %slice3A_74, %slice3A_75, %dot_general3A {dimension_numbers = #tpu.dot_dimension_numbers<[1], [0], [0], [1], [0, 0, 1, 1], [], []>, transpose_lhs_hint = false} : vector<256x8xf32>, vector<8x384xf32>, vector<256x384xf32> -> vector<256x384xf32>
    %slice3A_77 = vector.extract_strided_slice %dot_general3A_76 {offsets = [0, 0], sizes = [256, 128], strides = [1, 1]} : vector<256x384xf32> to vector<256x128xf32>
    %slice3A_78 = vector.extract_strided_slice %dot_general3A_76 {offsets = [0, 128], sizes = [256, 128], strides = [1, 1]} : vector<256x384xf32> to vector<256x128xf32>
    %slice3A_79 = vector.extract_strided_slice %dot_general3A_76 {offsets = [0, 256], sizes = [256, 128], strides = [1, 1]} : vector<256x384xf32> to vector<256x128xf32>
    %mul3A = arith.mulf %slice3A_77, %slice3A_77 : vector<256x128xf32>
    %mul3A_80 = arith.mulf %slice3A_78, %slice3A_78 : vector<256x128xf32>
    %add3A = arith.addf %mul3A, %mul3A_80 : vector<256x128xf32>
    %mul3A_81 = arith.mulf %slice3A_79, %slice3A_79 : vector<256x128xf32>
    %add3A_82 = arith.addf %add3A, %mul3A_81 : vector<256x128xf32>
    %sqrt3A = math.sqrt %add3A_82 : vector<256x128xf32>
    %mul3A_83 = arith.constant 0.833333313 : f32
    %mul3A_84 = vector.broadcast %mul3A_83 : f32 to vector<256x128xf32>
    %mul3A_85 = arith.mulf %sqrt3A, %mul3A_84 : vector<256x128xf32>
    %sub3A_86 = arith.constant 1.000000e+00 : f32
    %sub3A_87 = vector.broadcast %sub3A_86 : f32 to vector<256x128xf32>
    %sub3A_88 = arith.subf %sub3A_87, %mul3A_85 : vector<256x128xf32>
    %max3A = arith.constant 0.000000e+00 : f32
    %max3A_89 = vector.broadcast %max3A : f32 to vector<256x128xf32>
    %max3A_90 = arith.maximumf %sub3A_88, %max3A_89 : vector<256x128xf32>
    %mul3A_91 = arith.mulf %max3A_90, %convert_element_type3A_73 : vector<256x128xf32>
    %slice3A_92 = vector.extract_strided_slice %concatenate3A {offsets = [0, 0], sizes = [256, 128], strides = [1, 1]} : vector<6400x128xf32> to vector<256x128xf32>
    %dot_general3A_93 = arith.constant dense<0.000000e+00> : vector<128x128xf32>
    %dot_general3A_94 = tpu.matmul %mul3A_91, %slice3A_92, %dot_general3A_93 {dimension_numbers = #tpu.dot_dimension_numbers<[0], [0], [1], [1], [0, 1, 1, 1], [], []>, transpose_lhs_hint = false} : vector<256x128xf32>, vector<256x128xf32>, vector<128x128xf32> -> vector<128x128xf32>
    %slice3A_95 = vector.extract_strided_slice %concatenate3A_11 {offsets = [256, 0], sizes = [256, 8], strides = [1, 1]} : vector<6400x8xf32> to vector<256x8xf32>
    %slice3A_96 = vector.extract_strided_slice %get3A_14 {offsets = [0, 384], sizes = [8, 384], strides = [1, 1]} : vector<8x9600xf32> to vector<8x384xf32>
    %dot_general3A_97 = arith.constant dense<0.000000e+00> : vector<256x384xf32>
    %dot_general3A_98 = tpu.matmul %slice3A_95, %slice3A_96, %dot_general3A_97 {dimension_numbers = #tpu.dot_dimension_numbers<[1], [0], [0], [1], [0, 0, 1, 1], [], []>, transpose_lhs_hint = false} : vector<256x8xf32>, vector<8x384xf32>, vector<256x384xf32> -> vector<256x384xf32>
    %slice3A_99 = vector.extract_strided_slice %dot_general3A_98 {offsets = [0, 0], sizes = [256, 128], strides = [1, 1]} : vector<256x384xf32> to vector<256x128xf32>
    %slice3A_100 = vector.extract_strided_slice %dot_general3A_98 {offsets = [0, 128], sizes = [256, 128], strides = [1, 1]} : vector<256x384xf32> to vector<256x128xf32>
    %slice3A_101 = vector.extract_strided_slice %dot_general3A_98 {offsets = [0, 256], sizes = [256, 128], strides = [1, 1]} : vector<256x384xf32> to vector<256x128xf32>
    %mul3A_102 = arith.mulf %slice3A_99, %slice3A_99 : vector<256x128xf32>
    %mul3A_103 = arith.mulf %slice3A_100, %slice3A_100 : vector<256x128xf32>
    %add3A_104 = arith.addf %mul3A_102, %mul3A_103 : vector<256x128xf32>
    %mul3A_105 = arith.mulf %slice3A_101, %slice3A_101 : vector<256x128xf32>
    %add3A_106 = arith.addf %add3A_104, %mul3A_105 : vector<256x128xf32>
    %sqrt3A_107 = math.sqrt %add3A_106 : vector<256x128xf32>
    %mul3A_108 = arith.constant 0.833333313 : f32
    %mul3A_109 = vector.broadcast %mul3A_108 : f32 to vector<256x128xf32>
    %mul3A_110 = arith.mulf %sqrt3A_107, %mul3A_109 : vector<256x128xf32>
    %sub3A_111 = arith.constant 1.000000e+00 : f32
    %sub3A_112 = vector.broadcast %sub3A_111 : f32 to vector<256x128xf32>
    %sub3A_113 = arith.subf %sub3A_112, %mul3A_110 : vector<256x128xf32>
    %max3A_114 = arith.constant 0.000000e+00 : f32
    %max3A_115 = vector.broadcast %max3A_114 : f32 to vector<256x128xf32>
    %max3A_116 = arith.maximumf %sub3A_113, %max3A_115 : vector<256x128xf32>
    %mul3A_117 = arith.mulf %max3A_116, %convert_element_type3A_73 : vector<256x128xf32>
    %slice3A_118 = vector.extract_strided_slice %concatenate3A {offsets = [256, 0], sizes = [256, 128], strides = [1, 1]} : vector<6400x128xf32> to vector<256x128xf32>
    %dot_general3A_119 = arith.constant dense<0.000000e+00> : vector<128x128xf32>
    %dot_general3A_120 = tpu.matmul %mul3A_117, %slice3A_118, %dot_general3A_119 {dimension_numbers = #tpu.dot_dimension_numbers<[0], [0], [1], [1], [0, 1, 1, 1], [], []>, transpose_lhs_hint = false} : vector<256x128xf32>, vector<256x128xf32>, vector<128x128xf32> -> vector<128x128xf32>
    %slice3A_121 = vector.extract_strided_slice %concatenate3A_11 {offsets = [512, 0], sizes = [256, 8], strides = [1, 1]} : vector<6400x8xf32> to vector<256x8xf32>
    %slice3A_122 = vector.extract_strided_slice %get3A_14 {offsets = [0, 768], sizes = [8, 384], strides = [1, 1]} : vector<8x9600xf32> to vector<8x384xf32>
    %dot_general3A_123 = arith.constant dense<0.000000e+00> : vector<256x384xf32>
    %dot_general3A_124 = tpu.matmul %slice3A_121, %slice3A_122, %dot_general3A_123 {dimension_numbers = #tpu.dot_dimension_numbers<[1], [0], [0], [1], [0, 0, 1, 1], [], []>, transpose_lhs_hint = false} : vector<256x8xf32>, vector<8x384xf32>, vector<256x384xf32> -> vector<256x384xf32>
    %slice3A_125 = vector.extract_strided_slice %dot_general3A_124 {offsets = [0, 0], sizes = [256, 128], strides = [1, 1]} : vector<256x384xf32> to vector<256x128xf32>
    %slice3A_126 = vector.extract_strided_slice %dot_general3A_124 {offsets = [0, 128], sizes = [256, 128], strides = [1, 1]} : vector<256x384xf32> to vector<256x128xf32>
    %slice3A_127 = vector.extract_strided_slice %dot_general3A_124 {offsets = [0, 256], sizes = [256, 128], strides = [1, 1]} : vector<256x384xf32> to vector<256x128xf32>
    %mul3A_128 = arith.mulf %slice3A_125, %slice3A_125 : vector<256x128xf32>
    %mul3A_129 = arith.mulf %slice3A_126, %slice3A_126 : vector<256x128xf32>
    %add3A_130 = arith.addf %mul3A_128, %mul3A_129 : vector<256x128xf32>
    %mul3A_131 = arith.mulf %slice3A_127, %slice3A_127 : vector<256x128xf32>
    %add3A_132 = arith.addf %add3A_130, %mul3A_131 : vector<256x128xf32>
    %sqrt3A_133 = math.sqrt %add3A_132 : vector<256x128xf32>
    %mul3A_134 = arith.constant 0.833333313 : f32
    %mul3A_135 = vector.broadcast %mul3A_134 : f32 to vector<256x128xf32>
    %mul3A_136 = arith.mulf %sqrt3A_133, %mul3A_135 : vector<256x128xf32>
    %sub3A_137 = arith.constant 1.000000e+00 : f32
    %sub3A_138 = vector.broadcast %sub3A_137 : f32 to vector<256x128xf32>
    %sub3A_139 = arith.subf %sub3A_138, %mul3A_136 : vector<256x128xf32>
    %max3A_140 = arith.constant 0.000000e+00 : f32
    %max3A_141 = vector.broadcast %max3A_140 : f32 to vector<256x128xf32>
    %max3A_142 = arith.maximumf %sub3A_139, %max3A_141 : vector<256x128xf32>
    %mul3A_143 = arith.mulf %max3A_142, %convert_element_type3A_73 : vector<256x128xf32>
    %slice3A_144 = vector.extract_strided_slice %concatenate3A {offsets = [512, 0], sizes = [256, 128], strides = [1, 1]} : vector<6400x128xf32> to vector<256x128xf32>
    %dot_general3A_145 = arith.constant dense<0.000000e+00> : vector<128x128xf32>
    %dot_general3A_146 = tpu.matmul %mul3A_143, %slice3A_144, %dot_general3A_145 {dimension_numbers = #tpu.dot_dimension_numbers<[0], [0], [1], [1], [0, 1, 1, 1], [], []>, transpose_lhs_hint = false} : vector<256x128xf32>, vector<256x128xf32>, vector<128x128xf32> -> vector<128x128xf32>
    %slice3A_147 = vector.extract_strided_slice %concatenate3A_11 {offsets = [768, 0], sizes = [256, 8], strides = [1, 1]} : vector<6400x8xf32> to vector<256x8xf32>
    %slice3A_148 = vector.extract_strided_slice %get3A_14 {offsets = [0, 1152], sizes = [8, 384], strides = [1, 1]} : vector<8x9600xf32> to vector<8x384xf32>
    %dot_general3A_149 = arith.constant dense<0.000000e+00> : vector<256x384xf32>
    %dot_general3A_150 = tpu.matmul %slice3A_147, %slice3A_148, %dot_general3A_149 {dimension_numbers = #tpu.dot_dimension_numbers<[1], [0], [0], [1], [0, 0, 1, 1], [], []>, transpose_lhs_hint = false} : vector<256x8xf32>, vector<8x384xf32>, vector<256x384xf32> -> vector<256x384xf32>
    %slice3A_151 = vector.extract_strided_slice %dot_general3A_150 {offsets = [0, 0], sizes = [256, 128], strides = [1, 1]} : vector<256x384xf32> to vector<256x128xf32>
    %slice3A_152 = vector.extract_strided_slice %dot_general3A_150 {offsets = [0, 128], sizes = [256, 128], strides = [1, 1]} : vector<256x384xf32> to vector<256x128xf32>
    %slice3A_153 = vector.extract_strided_slice %dot_general3A_150 {offsets = [0, 256], sizes = [256, 128], strides = [1, 1]} : vector<256x384xf32> to vector<256x128xf32>
    %mul3A_154 = arith.mulf %slice3A_151, %slice3A_151 : vector<256x128xf32>
    %mul3A_155 = arith.mulf %slice3A_152, %slice3A_152 : vector<256x128xf32>
    %add3A_156 = arith.addf %mul3A_154, %mul3A_155 : vector<256x128xf32>
    %mul3A_157 = arith.mulf %slice3A_153, %slice3A_153 : vector<256x128xf32>
    %add3A_158 = arith.addf %add3A_156, %mul3A_157 : vector<256x128xf32>
    %sqrt3A_159 = math.sqrt %add3A_158 : vector<256x128xf32>
    %mul3A_160 = arith.constant 0.833333313 : f32
    %mul3A_161 = vector.broadcast %mul3A_160 : f32 to vector<256x128xf32>
    %mul3A_162 = arith.mulf %sqrt3A_159, %mul3A_161 : vector<256x128xf32>
    %sub3A_163 = arith.constant 1.000000e+00 : f32
    %sub3A_164 = vector.broadcast %sub3A_163 : f32 to vector<256x128xf32>
    %sub3A_165 = arith.subf %sub3A_164, %mul3A_162 : vector<256x128xf32>
    %max3A_166 = arith.constant 0.000000e+00 : f32
    %max3A_167 = vector.broadcast %max3A_166 : f32 to vector<256x128xf32>
    %max3A_168 = arith.maximumf %sub3A_165, %max3A_167 : vector<256x128xf32>
    %mul3A_169 = arith.mulf %max3A_168, %convert_element_type3A_73 : vector<256x128xf32>
    %slice3A_170 = vector.extract_strided_slice %concatenate3A {offsets = [768, 0], sizes = [256, 128], strides = [1, 1]} : vector<6400x128xf32> to vector<256x128xf32>
    %dot_general3A_171 = arith.constant dense<0.000000e+00> : vector<128x128xf32>
    %dot_general3A_172 = tpu.matmul %mul3A_169, %slice3A_170, %dot_general3A_171 {dimension_numbers = #tpu.dot_dimension_numbers<[0], [0], [1], [1], [0, 1, 1, 1], [], []>, transpose_lhs_hint = false} : vector<256x128xf32>, vector<256x128xf32>, vector<128x128xf32> -> vector<128x128xf32>
    %slice3A_173 = vector.extract_strided_slice %concatenate3A_11 {offsets = [1024, 0], sizes = [256, 8], strides = [1, 1]} : vector<6400x8xf32> to vector<256x8xf32>
    %slice3A_174 = vector.extract_strided_slice %get3A_14 {offsets = [0, 1536], sizes = [8, 384], strides = [1, 1]} : vector<8x9600xf32> to vector<8x384xf32>
    %dot_general3A_175 = arith.constant dense<0.000000e+00> : vector<256x384xf32>
    %dot_general3A_176 = tpu.matmul %slice3A_173, %slice3A_174, %dot_general3A_175 {dimension_numbers = #tpu.dot_dimension_numbers<[1], [0], [0], [1], [0, 0, 1, 1], [], []>, transpose_lhs_hint = false} : vector<256x8xf32>, vector<8x384xf32>, vector<256x384xf32> -> vector<256x384xf32>
    %slice3A_177 = vector.extract_strided_slice %dot_general3A_176 {offsets = [0, 0], sizes = [256, 128], strides = [1, 1]} : vector<256x384xf32> to vector<256x128xf32>
    %slice3A_178 = vector.extract_strided_slice %dot_general3A_176 {offsets = [0, 128], sizes = [256, 128], strides = [1, 1]} : vector<256x384xf32> to vector<256x128xf32>
    %slice3A_179 = vector.extract_strided_slice %dot_general3A_176 {offsets = [0, 256], sizes = [256, 128], strides = [1, 1]} : vector<256x384xf32> to vector<256x128xf32>
    %mul3A_180 = arith.mulf %slice3A_177, %slice3A_177 : vector<256x128xf32>
    %mul3A_181 = arith.mulf %slice3A_178, %slice3A_178 : vector<256x128xf32>
    %add3A_182 = arith.addf %mul3A_180, %mul3A_181 : vector<256x128xf32>
    %mul3A_183 = arith.mulf %slice3A_179, %slice3A_179 : vector<256x128xf32>
    %add3A_184 = arith.addf %add3A_182, %mul3A_183 : vector<256x128xf32>
    %sqrt3A_185 = math.sqrt %add3A_184 : vector<256x128xf32>
    %mul3A_186 = arith.constant 0.833333313 : f32
    %mul3A_187 = vector.broadcast %mul3A_186 : f32 to vector<256x128xf32>
    %mul3A_188 = arith.mulf %sqrt3A_185, %mul3A_187 : vector<256x128xf32>
    %sub3A_189 = arith.constant 1.000000e+00 : f32
    %sub3A_190 = vector.broadcast %sub3A_189 : f32 to vector<256x128xf32>
    %sub3A_191 = arith.subf %sub3A_190, %mul3A_188 : vector<256x128xf32>
    %max3A_192 = arith.constant 0.000000e+00 : f32
    %max3A_193 = vector.broadcast %max3A_192 : f32 to vector<256x128xf32>
    %max3A_194 = arith.maximumf %sub3A_191, %max3A_193 : vector<256x128xf32>
    %mul3A_195 = arith.mulf %max3A_194, %convert_element_type3A_73 : vector<256x128xf32>
    %slice3A_196 = vector.extract_strided_slice %concatenate3A {offsets = [1024, 0], sizes = [256, 128], strides = [1, 1]} : vector<6400x128xf32> to vector<256x128xf32>
    %dot_general3A_197 = arith.constant dense<0.000000e+00> : vector<128x128xf32>
    %dot_general3A_198 = tpu.matmul %mul3A_195, %slice3A_196, %dot_general3A_197 {dimension_numbers = #tpu.dot_dimension_numbers<[0], [0], [1], [1], [0, 1, 1, 1], [], []>, transpose_lhs_hint = false} : vector<256x128xf32>, vector<256x128xf32>, vector<128x128xf32> -> vector<128x128xf32>
    %slice3A_199 = vector.extract_strided_slice %concatenate3A_11 {offsets = [1280, 0], sizes = [256, 8], strides = [1, 1]} : vector<6400x8xf32> to vector<256x8xf32>
    %slice3A_200 = vector.extract_strided_slice %get3A_14 {offsets = [0, 1920], sizes = [8, 384], strides = [1, 1]} : vector<8x9600xf32> to vector<8x384xf32>
    %dot_general3A_201 = arith.constant dense<0.000000e+00> : vector<256x384xf32>
    %dot_general3A_202 = tpu.matmul %slice3A_199, %slice3A_200, %dot_general3A_201 {dimension_numbers = #tpu.dot_dimension_numbers<[1], [0], [0], [1], [0, 0, 1, 1], [], []>, transpose_lhs_hint = false} : vector<256x8xf32>, vector<8x384xf32>, vector<256x384xf32> -> vector<256x384xf32>
    %slice3A_203 = vector.extract_strided_slice %dot_general3A_202 {offsets = [0, 0], sizes = [256, 128], strides = [1, 1]} : vector<256x384xf32> to vector<256x128xf32>
    %slice3A_204 = vector.extract_strided_slice %dot_general3A_202 {offsets = [0, 128], sizes = [256, 128], strides = [1, 1]} : vector<256x384xf32> to vector<256x128xf32>
    %slice3A_205 = vector.extract_strided_slice %dot_general3A_202 {offsets = [0, 256], sizes = [256, 128], strides = [1, 1]} : vector<256x384xf32> to vector<256x128xf32>
    %mul3A_206 = arith.mulf %slice3A_203, %slice3A_203 : vector<256x128xf32>
    %mul3A_207 = arith.mulf %slice3A_204, %slice3A_204 : vector<256x128xf32>
    %add3A_208 = arith.addf %mul3A_206, %mul3A_207 : vector<256x128xf32>
    %mul3A_209 = arith.mulf %slice3A_205, %slice3A_205 : vector<256x128xf32>
    %add3A_210 = arith.addf %add3A_208, %mul3A_209 : vector<256x128xf32>
    %sqrt3A_211 = math.sqrt %add3A_210 : vector<256x128xf32>
    %mul3A_212 = arith.constant 0.833333313 : f32
    %mul3A_213 = vector.broadcast %mul3A_212 : f32 to vector<256x128xf32>
    %mul3A_214 = arith.mulf %sqrt3A_211, %mul3A_213 : vector<256x128xf32>
    %sub3A_215 = arith.constant 1.000000e+00 : f32
    %sub3A_216 = vector.broadcast %sub3A_215 : f32 to vector<256x128xf32>
    %sub3A_217 = arith.subf %sub3A_216, %mul3A_214 : vector<256x128xf32>
    %max3A_218 = arith.constant 0.000000e+00 : f32
    %max3A_219 = vector.broadcast %max3A_218 : f32 to vector<256x128xf32>
    %max3A_220 = arith.maximumf %sub3A_217, %max3A_219 : vector<256x128xf32>
    %mul3A_221 = arith.mulf %max3A_220, %convert_element_type3A_73 : vector<256x128xf32>
    %slice3A_222 = vector.extract_strided_slice %concatenate3A {offsets = [1280, 0], sizes = [256, 128], strides = [1, 1]} : vector<6400x128xf32> to vector<256x128xf32>
    %dot_general3A_223 = arith.constant dense<0.000000e+00> : vector<128x128xf32>
    %dot_general3A_224 = tpu.matmul %mul3A_221, %slice3A_222, %dot_general3A_223 {dimension_numbers = #tpu.dot_dimension_numbers<[0], [0], [1], [1], [0, 1, 1, 1], [], []>, transpose_lhs_hint = false} : vector<256x128xf32>, vector<256x128xf32>, vector<128x128xf32> -> vector<128x128xf32>
    %slice3A_225 = vector.extract_strided_slice %concatenate3A_11 {offsets = [1536, 0], sizes = [256, 8], strides = [1, 1]} : vector<6400x8xf32> to vector<256x8xf32>
    %slice3A_226 = vector.extract_strided_slice %get3A_14 {offsets = [0, 2304], sizes = [8, 384], strides = [1, 1]} : vector<8x9600xf32> to vector<8x384xf32>
    %dot_general3A_227 = arith.constant dense<0.000000e+00> : vector<256x384xf32>
    %dot_general3A_228 = tpu.matmul %slice3A_225, %slice3A_226, %dot_general3A_227 {dimension_numbers = #tpu.dot_dimension_numbers<[1], [0], [0], [1], [0, 0, 1, 1], [], []>, transpose_lhs_hint = false} : vector<256x8xf32>, vector<8x384xf32>, vector<256x384xf32> -> vector<256x384xf32>
    %slice3A_229 = vector.extract_strided_slice %dot_general3A_228 {offsets = [0, 0], sizes = [256, 128], strides = [1, 1]} : vector<256x384xf32> to vector<256x128xf32>
    %slice3A_230 = vector.extract_strided_slice %dot_general3A_228 {offsets = [0, 128], sizes = [256, 128], strides = [1, 1]} : vector<256x384xf32> to vector<256x128xf32>
    %slice3A_231 = vector.extract_strided_slice %dot_general3A_228 {offsets = [0, 256], sizes = [256, 128], strides = [1, 1]} : vector<256x384xf32> to vector<256x128xf32>
    %mul3A_232 = arith.mulf %slice3A_229, %slice3A_229 : vector<256x128xf32>
    %mul3A_233 = arith.mulf %slice3A_230, %slice3A_230 : vector<256x128xf32>
    %add3A_234 = arith.addf %mul3A_232, %mul3A_233 : vector<256x128xf32>
    %mul3A_235 = arith.mulf %slice3A_231, %slice3A_231 : vector<256x128xf32>
    %add3A_236 = arith.addf %add3A_234, %mul3A_235 : vector<256x128xf32>
    %sqrt3A_237 = math.sqrt %add3A_236 : vector<256x128xf32>
    %mul3A_238 = arith.constant 0.833333313 : f32
    %mul3A_239 = vector.broadcast %mul3A_238 : f32 to vector<256x128xf32>
    %mul3A_240 = arith.mulf %sqrt3A_237, %mul3A_239 : vector<256x128xf32>
    %sub3A_241 = arith.constant 1.000000e+00 : f32
    %sub3A_242 = vector.broadcast %sub3A_241 : f32 to vector<256x128xf32>
    %sub3A_243 = arith.subf %sub3A_242, %mul3A_240 : vector<256x128xf32>
    %max3A_244 = arith.constant 0.000000e+00 : f32
    %max3A_245 = vector.broadcast %max3A_244 : f32 to vector<256x128xf32>
    %max3A_246 = arith.maximumf %sub3A_243, %max3A_245 : vector<256x128xf32>
    %mul3A_247 = arith.mulf %max3A_246, %convert_element_type3A_73 : vector<256x128xf32>
    %slice3A_248 = vector.extract_strided_slice %concatenate3A {offsets = [1536, 0], sizes = [256, 128], strides = [1, 1]} : vector<6400x128xf32> to vector<256x128xf32>
    %dot_general3A_249 = arith.constant dense<0.000000e+00> : vector<128x128xf32>
    %dot_general3A_250 = tpu.matmul %mul3A_247, %slice3A_248, %dot_general3A_249 {dimension_numbers = #tpu.dot_dimension_numbers<[0], [0], [1], [1], [0, 1, 1, 1], [], []>, transpose_lhs_hint = false} : vector<256x128xf32>, vector<256x128xf32>, vector<128x128xf32> -> vector<128x128xf32>
    %slice3A_251 = vector.extract_strided_slice %concatenate3A_11 {offsets = [1792, 0], sizes = [256, 8], strides = [1, 1]} : vector<6400x8xf32> to vector<256x8xf32>
    %slice3A_252 = vector.extract_strided_slice %get3A_14 {offsets = [0, 2688], sizes = [8, 384], strides = [1, 1]} : vector<8x9600xf32> to vector<8x384xf32>
    %dot_general3A_253 = arith.constant dense<0.000000e+00> : vector<256x384xf32>
    %dot_general3A_254 = tpu.matmul %slice3A_251, %slice3A_252, %dot_general3A_253 {dimension_numbers = #tpu.dot_dimension_numbers<[1], [0], [0], [1], [0, 0, 1, 1], [], []>, transpose_lhs_hint = false} : vector<256x8xf32>, vector<8x384xf32>, vector<256x384xf32> -> vector<256x384xf32>
    %slice3A_255 = vector.extract_strided_slice %dot_general3A_254 {offsets = [0, 0], sizes = [256, 128], strides = [1, 1]} : vector<256x384xf32> to vector<256x128xf32>
    %slice3A_256 = vector.extract_strided_slice %dot_general3A_254 {offsets = [0, 128], sizes = [256, 128], strides = [1, 1]} : vector<256x384xf32> to vector<256x128xf32>
    %slice3A_257 = vector.extract_strided_slice %dot_general3A_254 {offsets = [0, 256], sizes = [256, 128], strides = [1, 1]} : vector<256x384xf32> to vector<256x128xf32>
    %mul3A_258 = arith.mulf %slice3A_255, %slice3A_255 : vector<256x128xf32>
    %mul3A_259 = arith.mulf %slice3A_256, %slice3A_256 : vector<256x128xf32>
    %add3A_260 = arith.addf %mul3A_258, %mul3A_259 : vector<256x128xf32>
    %mul3A_261 = arith.mulf %slice3A_257, %slice3A_257 : vector<256x128xf32>
    %add3A_262 = arith.addf %add3A_260, %mul3A_261 : vector<256x128xf32>
    %sqrt3A_263 = math.sqrt %add3A_262 : vector<256x128xf32>
    %mul3A_264 = arith.constant 0.833333313 : f32
    %mul3A_265 = vector.broadcast %mul3A_264 : f32 to vector<256x128xf32>
    %mul3A_266 = arith.mulf %sqrt3A_263, %mul3A_265 : vector<256x128xf32>
    %sub3A_267 = arith.constant 1.000000e+00 : f32
    %sub3A_268 = vector.broadcast %sub3A_267 : f32 to vector<256x128xf32>
    %sub3A_269 = arith.subf %sub3A_268, %mul3A_266 : vector<256x128xf32>
    %max3A_270 = arith.constant 0.000000e+00 : f32
    %max3A_271 = vector.broadcast %max3A_270 : f32 to vector<256x128xf32>
    %max3A_272 = arith.maximumf %sub3A_269, %max3A_271 : vector<256x128xf32>
    %mul3A_273 = arith.mulf %max3A_272, %convert_element_type3A_73 : vector<256x128xf32>
    %slice3A_274 = vector.extract_strided_slice %concatenate3A {offsets = [1792, 0], sizes = [256, 128], strides = [1, 1]} : vector<6400x128xf32> to vector<256x128xf32>
    %dot_general3A_275 = arith.constant dense<0.000000e+00> : vector<128x128xf32>
    %dot_general3A_276 = tpu.matmul %mul3A_273, %slice3A_274, %dot_general3A_275 {dimension_numbers = #tpu.dot_dimension_numbers<[0], [0], [1], [1], [0, 1, 1, 1], [], []>, transpose_lhs_hint = false} : vector<256x128xf32>, vector<256x128xf32>, vector<128x128xf32> -> vector<128x128xf32>
    %slice3A_277 = vector.extract_strided_slice %concatenate3A_11 {offsets = [2048, 0], sizes = [256, 8], strides = [1, 1]} : vector<6400x8xf32> to vector<256x8xf32>
    %slice3A_278 = vector.extract_strided_slice %get3A_14 {offsets = [0, 3072], sizes = [8, 384], strides = [1, 1]} : vector<8x9600xf32> to vector<8x384xf32>
    %dot_general3A_279 = arith.constant dense<0.000000e+00> : vector<256x384xf32>
    %dot_general3A_280 = tpu.matmul %slice3A_277, %slice3A_278, %dot_general3A_279 {dimension_numbers = #tpu.dot_dimension_numbers<[1], [0], [0], [1], [0, 0, 1, 1], [], []>, transpose_lhs_hint = false} : vector<256x8xf32>, vector<8x384xf32>, vector<256x384xf32> -> vector<256x384xf32>
    %slice3A_281 = vector.extract_strided_slice %dot_general3A_280 {offsets = [0, 0], sizes = [256, 128], strides = [1, 1]} : vector<256x384xf32> to vector<256x128xf32>
    %slice3A_282 = vector.extract_strided_slice %dot_general3A_280 {offsets = [0, 128], sizes = [256, 128], strides = [1, 1]} : vector<256x384xf32> to vector<256x128xf32>
    %slice3A_283 = vector.extract_strided_slice %dot_general3A_280 {offsets = [0, 256], sizes = [256, 128], strides = [1, 1]} : vector<256x384xf32> to vector<256x128xf32>
    %mul3A_284 = arith.mulf %slice3A_281, %slice3A_281 : vector<256x128xf32>
    %mul3A_285 = arith.mulf %slice3A_282, %slice3A_282 : vector<256x128xf32>
    %add3A_286 = arith.addf %mul3A_284, %mul3A_285 : vector<256x128xf32>
    %mul3A_287 = arith.mulf %slice3A_283, %slice3A_283 : vector<256x128xf32>
    %add3A_288 = arith.addf %add3A_286, %mul3A_287 : vector<256x128xf32>
    %sqrt3A_289 = math.sqrt %add3A_288 : vector<256x128xf32>
    %mul3A_290 = arith.constant 0.833333313 : f32
    %mul3A_291 = vector.broadcast %mul3A_290 : f32 to vector<256x128xf32>
    %mul3A_292 = arith.mulf %sqrt3A_289, %mul3A_291 : vector<256x128xf32>
    %sub3A_293 = arith.constant 1.000000e+00 : f32
    %sub3A_294 = vector.broadcast %sub3A_293 : f32 to vector<256x128xf32>
    %sub3A_295 = arith.subf %sub3A_294, %mul3A_292 : vector<256x128xf32>
    %max3A_296 = arith.constant 0.000000e+00 : f32
    %max3A_297 = vector.broadcast %max3A_296 : f32 to vector<256x128xf32>
    %max3A_298 = arith.maximumf %sub3A_295, %max3A_297 : vector<256x128xf32>
    %mul3A_299 = arith.mulf %max3A_298, %convert_element_type3A_73 : vector<256x128xf32>
    %slice3A_300 = vector.extract_strided_slice %concatenate3A {offsets = [2048, 0], sizes = [256, 128], strides = [1, 1]} : vector<6400x128xf32> to vector<256x128xf32>
    %dot_general3A_301 = arith.constant dense<0.000000e+00> : vector<128x128xf32>
    %dot_general3A_302 = tpu.matmul %mul3A_299, %slice3A_300, %dot_general3A_301 {dimension_numbers = #tpu.dot_dimension_numbers<[0], [0], [1], [1], [0, 1, 1, 1], [], []>, transpose_lhs_hint = false} : vector<256x128xf32>, vector<256x128xf32>, vector<128x128xf32> -> vector<128x128xf32>
    %slice3A_303 = vector.extract_strided_slice %concatenate3A_11 {offsets = [2304, 0], sizes = [256, 8], strides = [1, 1]} : vector<6400x8xf32> to vector<256x8xf32>
    %slice3A_304 = vector.extract_strided_slice %get3A_14 {offsets = [0, 3456], sizes = [8, 384], strides = [1, 1]} : vector<8x9600xf32> to vector<8x384xf32>
    %dot_general3A_305 = arith.constant dense<0.000000e+00> : vector<256x384xf32>
    %dot_general3A_306 = tpu.matmul %slice3A_303, %slice3A_304, %dot_general3A_305 {dimension_numbers = #tpu.dot_dimension_numbers<[1], [0], [0], [1], [0, 0, 1, 1], [], []>, transpose_lhs_hint = false} : vector<256x8xf32>, vector<8x384xf32>, vector<256x384xf32> -> vector<256x384xf32>
    %slice3A_307 = vector.extract_strided_slice %dot_general3A_306 {offsets = [0, 0], sizes = [256, 128], strides = [1, 1]} : vector<256x384xf32> to vector<256x128xf32>
    %slice3A_308 = vector.extract_strided_slice %dot_general3A_306 {offsets = [0, 128], sizes = [256, 128], strides = [1, 1]} : vector<256x384xf32> to vector<256x128xf32>
    %slice3A_309 = vector.extract_strided_slice %dot_general3A_306 {offsets = [0, 256], sizes = [256, 128], strides = [1, 1]} : vector<256x384xf32> to vector<256x128xf32>
    %mul3A_310 = arith.mulf %slice3A_307, %slice3A_307 : vector<256x128xf32>
    %mul3A_311 = arith.mulf %slice3A_308, %slice3A_308 : vector<256x128xf32>
    %add3A_312 = arith.addf %mul3A_310, %mul3A_311 : vector<256x128xf32>
    %mul3A_313 = arith.mulf %slice3A_309, %slice3A_309 : vector<256x128xf32>
    %add3A_314 = arith.addf %add3A_312, %mul3A_313 : vector<256x128xf32>
    %sqrt3A_315 = math.sqrt %add3A_314 : vector<256x128xf32>
    %mul3A_316 = arith.constant 0.833333313 : f32
    %mul3A_317 = vector.broadcast %mul3A_316 : f32 to vector<256x128xf32>
    %mul3A_318 = arith.mulf %sqrt3A_315, %mul3A_317 : vector<256x128xf32>
    %sub3A_319 = arith.constant 1.000000e+00 : f32
    %sub3A_320 = vector.broadcast %sub3A_319 : f32 to vector<256x128xf32>
    %sub3A_321 = arith.subf %sub3A_320, %mul3A_318 : vector<256x128xf32>
    %max3A_322 = arith.constant 0.000000e+00 : f32
    %max3A_323 = vector.broadcast %max3A_322 : f32 to vector<256x128xf32>
    %max3A_324 = arith.maximumf %sub3A_321, %max3A_323 : vector<256x128xf32>
    %mul3A_325 = arith.mulf %max3A_324, %convert_element_type3A_73 : vector<256x128xf32>
    %slice3A_326 = vector.extract_strided_slice %concatenate3A {offsets = [2304, 0], sizes = [256, 128], strides = [1, 1]} : vector<6400x128xf32> to vector<256x128xf32>
    %dot_general3A_327 = arith.constant dense<0.000000e+00> : vector<128x128xf32>
    %dot_general3A_328 = tpu.matmul %mul3A_325, %slice3A_326, %dot_general3A_327 {dimension_numbers = #tpu.dot_dimension_numbers<[0], [0], [1], [1], [0, 1, 1, 1], [], []>, transpose_lhs_hint = false} : vector<256x128xf32>, vector<256x128xf32>, vector<128x128xf32> -> vector<128x128xf32>
    %slice3A_329 = vector.extract_strided_slice %concatenate3A_11 {offsets = [2560, 0], sizes = [256, 8], strides = [1, 1]} : vector<6400x8xf32> to vector<256x8xf32>
    %slice3A_330 = vector.extract_strided_slice %get3A_14 {offsets = [0, 3840], sizes = [8, 384], strides = [1, 1]} : vector<8x9600xf32> to vector<8x384xf32>
    %dot_general3A_331 = arith.constant dense<0.000000e+00> : vector<256x384xf32>
    %dot_general3A_332 = tpu.matmul %slice3A_329, %slice3A_330, %dot_general3A_331 {dimension_numbers = #tpu.dot_dimension_numbers<[1], [0], [0], [1], [0, 0, 1, 1], [], []>, transpose_lhs_hint = false} : vector<256x8xf32>, vector<8x384xf32>, vector<256x384xf32> -> vector<256x384xf32>
    %slice3A_333 = vector.extract_strided_slice %dot_general3A_332 {offsets = [0, 0], sizes = [256, 128], strides = [1, 1]} : vector<256x384xf32> to vector<256x128xf32>
    %slice3A_334 = vector.extract_strided_slice %dot_general3A_332 {offsets = [0, 128], sizes = [256, 128], strides = [1, 1]} : vector<256x384xf32> to vector<256x128xf32>
    %slice3A_335 = vector.extract_strided_slice %dot_general3A_332 {offsets = [0, 256], sizes = [256, 128], strides = [1, 1]} : vector<256x384xf32> to vector<256x128xf32>
    %mul3A_336 = arith.mulf %slice3A_333, %slice3A_333 : vector<256x128xf32>
    %mul3A_337 = arith.mulf %slice3A_334, %slice3A_334 : vector<256x128xf32>
    %add3A_338 = arith.addf %mul3A_336, %mul3A_337 : vector<256x128xf32>
    %mul3A_339 = arith.mulf %slice3A_335, %slice3A_335 : vector<256x128xf32>
    %add3A_340 = arith.addf %add3A_338, %mul3A_339 : vector<256x128xf32>
    %sqrt3A_341 = math.sqrt %add3A_340 : vector<256x128xf32>
    %mul3A_342 = arith.constant 0.833333313 : f32
    %mul3A_343 = vector.broadcast %mul3A_342 : f32 to vector<256x128xf32>
    %mul3A_344 = arith.mulf %sqrt3A_341, %mul3A_343 : vector<256x128xf32>
    %sub3A_345 = arith.constant 1.000000e+00 : f32
    %sub3A_346 = vector.broadcast %sub3A_345 : f32 to vector<256x128xf32>
    %sub3A_347 = arith.subf %sub3A_346, %mul3A_344 : vector<256x128xf32>
    %max3A_348 = arith.constant 0.000000e+00 : f32
    %max3A_349 = vector.broadcast %max3A_348 : f32 to vector<256x128xf32>
    %max3A_350 = arith.maximumf %sub3A_347, %max3A_349 : vector<256x128xf32>
    %mul3A_351 = arith.mulf %max3A_350, %convert_element_type3A_73 : vector<256x128xf32>
    %slice3A_352 = vector.extract_strided_slice %concatenate3A {offsets = [2560, 0], sizes = [256, 128], strides = [1, 1]} : vector<6400x128xf32> to vector<256x128xf32>
    %dot_general3A_353 = arith.constant dense<0.000000e+00> : vector<128x128xf32>
    %dot_general3A_354 = tpu.matmul %mul3A_351, %slice3A_352, %dot_general3A_353 {dimension_numbers = #tpu.dot_dimension_numbers<[0], [0], [1], [1], [0, 1, 1, 1], [], []>, transpose_lhs_hint = false} : vector<256x128xf32>, vector<256x128xf32>, vector<128x128xf32> -> vector<128x128xf32>
    %slice3A_355 = vector.extract_strided_slice %concatenate3A_11 {offsets = [2816, 0], sizes = [256, 8], strides = [1, 1]} : vector<6400x8xf32> to vector<256x8xf32>
    %slice3A_356 = vector.extract_strided_slice %get3A_14 {offsets = [0, 4224], sizes = [8, 384], strides = [1, 1]} : vector<8x9600xf32> to vector<8x384xf32>
    %dot_general3A_357 = arith.constant dense<0.000000e+00> : vector<256x384xf32>
    %dot_general3A_358 = tpu.matmul %slice3A_355, %slice3A_356, %dot_general3A_357 {dimension_numbers = #tpu.dot_dimension_numbers<[1], [0], [0], [1], [0, 0, 1, 1], [], []>, transpose_lhs_hint = false} : vector<256x8xf32>, vector<8x384xf32>, vector<256x384xf32> -> vector<256x384xf32>
    %slice3A_359 = vector.extract_strided_slice %dot_general3A_358 {offsets = [0, 0], sizes = [256, 128], strides = [1, 1]} : vector<256x384xf32> to vector<256x128xf32>
    %slice3A_360 = vector.extract_strided_slice %dot_general3A_358 {offsets = [0, 128], sizes = [256, 128], strides = [1, 1]} : vector<256x384xf32> to vector<256x128xf32>
    %slice3A_361 = vector.extract_strided_slice %dot_general3A_358 {offsets = [0, 256], sizes = [256, 128], strides = [1, 1]} : vector<256x384xf32> to vector<256x128xf32>
    %mul3A_362 = arith.mulf %slice3A_359, %slice3A_359 : vector<256x128xf32>
    %mul3A_363 = arith.mulf %slice3A_360, %slice3A_360 : vector<256x128xf32>
    %add3A_364 = arith.addf %mul3A_362, %mul3A_363 : vector<256x128xf32>
    %mul3A_365 = arith.mulf %slice3A_361, %slice3A_361 : vector<256x128xf32>
    %add3A_366 = arith.addf %add3A_364, %mul3A_365 : vector<256x128xf32>
    %sqrt3A_367 = math.sqrt %add3A_366 : vector<256x128xf32>
    %mul3A_368 = arith.constant 0.833333313 : f32
    %mul3A_369 = vector.broadcast %mul3A_368 : f32 to vector<256x128xf32>
    %mul3A_370 = arith.mulf %sqrt3A_367, %mul3A_369 : vector<256x128xf32>
    %sub3A_371 = arith.constant 1.000000e+00 : f32
    %sub3A_372 = vector.broadcast %sub3A_371 : f32 to vector<256x128xf32>
    %sub3A_373 = arith.subf %sub3A_372, %mul3A_370 : vector<256x128xf32>
    %max3A_374 = arith.constant 0.000000e+00 : f32
    %max3A_375 = vector.broadcast %max3A_374 : f32 to vector<256x128xf32>
    %max3A_376 = arith.maximumf %sub3A_373, %max3A_375 : vector<256x128xf32>
    %mul3A_377 = arith.mulf %max3A_376, %convert_element_type3A_73 : vector<256x128xf32>
    %slice3A_378 = vector.extract_strided_slice %concatenate3A {offsets = [2816, 0], sizes = [256, 128], strides = [1, 1]} : vector<6400x128xf32> to vector<256x128xf32>
    %dot_general3A_379 = arith.constant dense<0.000000e+00> : vector<128x128xf32>
    %dot_general3A_380 = tpu.matmul %mul3A_377, %slice3A_378, %dot_general3A_379 {dimension_numbers = #tpu.dot_dimension_numbers<[0], [0], [1], [1], [0, 1, 1, 1], [], []>, transpose_lhs_hint = false} : vector<256x128xf32>, vector<256x128xf32>, vector<128x128xf32> -> vector<128x128xf32>
    %slice3A_381 = vector.extract_strided_slice %concatenate3A_11 {offsets = [3072, 0], sizes = [256, 8], strides = [1, 1]} : vector<6400x8xf32> to vector<256x8xf32>
    %slice3A_382 = vector.extract_strided_slice %get3A_14 {offsets = [0, 4608], sizes = [8, 384], strides = [1, 1]} : vector<8x9600xf32> to vector<8x384xf32>
    %dot_general3A_383 = arith.constant dense<0.000000e+00> : vector<256x384xf32>
    %dot_general3A_384 = tpu.matmul %slice3A_381, %slice3A_382, %dot_general3A_383 {dimension_numbers = #tpu.dot_dimension_numbers<[1], [0], [0], [1], [0, 0, 1, 1], [], []>, transpose_lhs_hint = false} : vector<256x8xf32>, vector<8x384xf32>, vector<256x384xf32> -> vector<256x384xf32>
    %slice3A_385 = vector.extract_strided_slice %dot_general3A_384 {offsets = [0, 0], sizes = [256, 128], strides = [1, 1]} : vector<256x384xf32> to vector<256x128xf32>
    %slice3A_386 = vector.extract_strided_slice %dot_general3A_384 {offsets = [0, 128], sizes = [256, 128], strides = [1, 1]} : vector<256x384xf32> to vector<256x128xf32>
    %slice3A_387 = vector.extract_strided_slice %dot_general3A_384 {offsets = [0, 256], sizes = [256, 128], strides = [1, 1]} : vector<256x384xf32> to vector<256x128xf32>
    %mul3A_388 = arith.mulf %slice3A_385, %slice3A_385 : vector<256x128xf32>
    %mul3A_389 = arith.mulf %slice3A_386, %slice3A_386 : vector<256x128xf32>
    %add3A_390 = arith.addf %mul3A_388, %mul3A_389 : vector<256x128xf32>
    %mul3A_391 = arith.mulf %slice3A_387, %slice3A_387 : vector<256x128xf32>
    %add3A_392 = arith.addf %add3A_390, %mul3A_391 : vector<256x128xf32>
    %sqrt3A_393 = math.sqrt %add3A_392 : vector<256x128xf32>
    %mul3A_394 = arith.constant 0.833333313 : f32
    %mul3A_395 = vector.broadcast %mul3A_394 : f32 to vector<256x128xf32>
    %mul3A_396 = arith.mulf %sqrt3A_393, %mul3A_395 : vector<256x128xf32>
    %sub3A_397 = arith.constant 1.000000e+00 : f32
    %sub3A_398 = vector.broadcast %sub3A_397 : f32 to vector<256x128xf32>
    %sub3A_399 = arith.subf %sub3A_398, %mul3A_396 : vector<256x128xf32>
    %max3A_400 = arith.constant 0.000000e+00 : f32
    %max3A_401 = vector.broadcast %max3A_400 : f32 to vector<256x128xf32>
    %max3A_402 = arith.maximumf %sub3A_399, %max3A_401 : vector<256x128xf32>
    %mul3A_403 = arith.mulf %max3A_402, %convert_element_type3A_73 : vector<256x128xf32>
    %slice3A_404 = vector.extract_strided_slice %concatenate3A {offsets = [3072, 0], sizes = [256, 128], strides = [1, 1]} : vector<6400x128xf32> to vector<256x128xf32>
    %dot_general3A_405 = arith.constant dense<0.000000e+00> : vector<128x128xf32>
    %dot_general3A_406 = tpu.matmul %mul3A_403, %slice3A_404, %dot_general3A_405 {dimension_numbers = #tpu.dot_dimension_numbers<[0], [0], [1], [1], [0, 1, 1, 1], [], []>, transpose_lhs_hint = false} : vector<256x128xf32>, vector<256x128xf32>, vector<128x128xf32> -> vector<128x128xf32>
    %slice3A_407 = vector.extract_strided_slice %concatenate3A_11 {offsets = [3328, 0], sizes = [256, 8], strides = [1, 1]} : vector<6400x8xf32> to vector<256x8xf32>
    %slice3A_408 = vector.extract_strided_slice %get3A_14 {offsets = [0, 4992], sizes = [8, 384], strides = [1, 1]} : vector<8x9600xf32> to vector<8x384xf32>
    %dot_general3A_409 = arith.constant dense<0.000000e+00> : vector<256x384xf32>
    %dot_general3A_410 = tpu.matmul %slice3A_407, %slice3A_408, %dot_general3A_409 {dimension_numbers = #tpu.dot_dimension_numbers<[1], [0], [0], [1], [0, 0, 1, 1], [], []>, transpose_lhs_hint = false} : vector<256x8xf32>, vector<8x384xf32>, vector<256x384xf32> -> vector<256x384xf32>
    %slice3A_411 = vector.extract_strided_slice %dot_general3A_410 {offsets = [0, 0], sizes = [256, 128], strides = [1, 1]} : vector<256x384xf32> to vector<256x128xf32>
    %slice3A_412 = vector.extract_strided_slice %dot_general3A_410 {offsets = [0, 128], sizes = [256, 128], strides = [1, 1]} : vector<256x384xf32> to vector<256x128xf32>
    %slice3A_413 = vector.extract_strided_slice %dot_general3A_410 {offsets = [0, 256], sizes = [256, 128], strides = [1, 1]} : vector<256x384xf32> to vector<256x128xf32>
    %mul3A_414 = arith.mulf %slice3A_411, %slice3A_411 : vector<256x128xf32>
    %mul3A_415 = arith.mulf %slice3A_412, %slice3A_412 : vector<256x128xf32>
    %add3A_416 = arith.addf %mul3A_414, %mul3A_415 : vector<256x128xf32>
    %mul3A_417 = arith.mulf %slice3A_413, %slice3A_413 : vector<256x128xf32>
    %add3A_418 = arith.addf %add3A_416, %mul3A_417 : vector<256x128xf32>
    %sqrt3A_419 = math.sqrt %add3A_418 : vector<256x128xf32>
    %mul3A_420 = arith.constant 0.833333313 : f32
    %mul3A_421 = vector.broadcast %mul3A_420 : f32 to vector<256x128xf32>
    %mul3A_422 = arith.mulf %sqrt3A_419, %mul3A_421 : vector<256x128xf32>
    %sub3A_423 = arith.constant 1.000000e+00 : f32
    %sub3A_424 = vector.broadcast %sub3A_423 : f32 to vector<256x128xf32>
    %sub3A_425 = arith.subf %sub3A_424, %mul3A_422 : vector<256x128xf32>
    %max3A_426 = arith.constant 0.000000e+00 : f32
    %max3A_427 = vector.broadcast %max3A_426 : f32 to vector<256x128xf32>
    %max3A_428 = arith.maximumf %sub3A_425, %max3A_427 : vector<256x128xf32>
    %mul3A_429 = arith.mulf %max3A_428, %convert_element_type3A_73 : vector<256x128xf32>
    %slice3A_430 = vector.extract_strided_slice %concatenate3A {offsets = [3328, 0], sizes = [256, 128], strides = [1, 1]} : vector<6400x128xf32> to vector<256x128xf32>
    %dot_general3A_431 = arith.constant dense<0.000000e+00> : vector<128x128xf32>
    %dot_general3A_432 = tpu.matmul %mul3A_429, %slice3A_430, %dot_general3A_431 {dimension_numbers = #tpu.dot_dimension_numbers<[0], [0], [1], [1], [0, 1, 1, 1], [], []>, transpose_lhs_hint = false} : vector<256x128xf32>, vector<256x128xf32>, vector<128x128xf32> -> vector<128x128xf32>
    %slice3A_433 = vector.extract_strided_slice %concatenate3A_11 {offsets = [3584, 0], sizes = [256, 8], strides = [1, 1]} : vector<6400x8xf32> to vector<256x8xf32>
    %slice3A_434 = vector.extract_strided_slice %get3A_14 {offsets = [0, 5376], sizes = [8, 384], strides = [1, 1]} : vector<8x9600xf32> to vector<8x384xf32>
    %dot_general3A_435 = arith.constant dense<0.000000e+00> : vector<256x384xf32>
    %dot_general3A_436 = tpu.matmul %slice3A_433, %slice3A_434, %dot_general3A_435 {dimension_numbers = #tpu.dot_dimension_numbers<[1], [0], [0], [1], [0, 0, 1, 1], [], []>, transpose_lhs_hint = false} : vector<256x8xf32>, vector<8x384xf32>, vector<256x384xf32> -> vector<256x384xf32>
    %slice3A_437 = vector.extract_strided_slice %dot_general3A_436 {offsets = [0, 0], sizes = [256, 128], strides = [1, 1]} : vector<256x384xf32> to vector<256x128xf32>
    %slice3A_438 = vector.extract_strided_slice %dot_general3A_436 {offsets = [0, 128], sizes = [256, 128], strides = [1, 1]} : vector<256x384xf32> to vector<256x128xf32>
    %slice3A_439 = vector.extract_strided_slice %dot_general3A_436 {offsets = [0, 256], sizes = [256, 128], strides = [1, 1]} : vector<256x384xf32> to vector<256x128xf32>
    %mul3A_440 = arith.mulf %slice3A_437, %slice3A_437 : vector<256x128xf32>
    %mul3A_441 = arith.mulf %slice3A_438, %slice3A_438 : vector<256x128xf32>
    %add3A_442 = arith.addf %mul3A_440, %mul3A_441 : vector<256x128xf32>
    %mul3A_443 = arith.mulf %slice3A_439, %slice3A_439 : vector<256x128xf32>
    %add3A_444 = arith.addf %add3A_442, %mul3A_443 : vector<256x128xf32>
    %sqrt3A_445 = math.sqrt %add3A_444 : vector<256x128xf32>
    %mul3A_446 = arith.constant 0.833333313 : f32
    %mul3A_447 = vector.broadcast %mul3A_446 : f32 to vector<256x128xf32>
    %mul3A_448 = arith.mulf %sqrt3A_445, %mul3A_447 : vector<256x128xf32>
    %sub3A_449 = arith.constant 1.000000e+00 : f32
    %sub3A_450 = vector.broadcast %sub3A_449 : f32 to vector<256x128xf32>
    %sub3A_451 = arith.subf %sub3A_450, %mul3A_448 : vector<256x128xf32>
    %max3A_452 = arith.constant 0.000000e+00 : f32
    %max3A_453 = vector.broadcast %max3A_452 : f32 to vector<256x128xf32>
    %max3A_454 = arith.maximumf %sub3A_451, %max3A_453 : vector<256x128xf32>
    %mul3A_455 = arith.mulf %max3A_454, %convert_element_type3A_73 : vector<256x128xf32>
    %slice3A_456 = vector.extract_strided_slice %concatenate3A {offsets = [3584, 0], sizes = [256, 128], strides = [1, 1]} : vector<6400x128xf32> to vector<256x128xf32>
    %dot_general3A_457 = arith.constant dense<0.000000e+00> : vector<128x128xf32>
    %dot_general3A_458 = tpu.matmul %mul3A_455, %slice3A_456, %dot_general3A_457 {dimension_numbers = #tpu.dot_dimension_numbers<[0], [0], [1], [1], [0, 1, 1, 1], [], []>, transpose_lhs_hint = false} : vector<256x128xf32>, vector<256x128xf32>, vector<128x128xf32> -> vector<128x128xf32>
    %slice3A_459 = vector.extract_strided_slice %concatenate3A_11 {offsets = [3840, 0], sizes = [256, 8], strides = [1, 1]} : vector<6400x8xf32> to vector<256x8xf32>
    %slice3A_460 = vector.extract_strided_slice %get3A_14 {offsets = [0, 5760], sizes = [8, 384], strides = [1, 1]} : vector<8x9600xf32> to vector<8x384xf32>
    %dot_general3A_461 = arith.constant dense<0.000000e+00> : vector<256x384xf32>
    %dot_general3A_462 = tpu.matmul %slice3A_459, %slice3A_460, %dot_general3A_461 {dimension_numbers = #tpu.dot_dimension_numbers<[1], [0], [0], [1], [0, 0, 1, 1], [], []>, transpose_lhs_hint = false} : vector<256x8xf32>, vector<8x384xf32>, vector<256x384xf32> -> vector<256x384xf32>
    %slice3A_463 = vector.extract_strided_slice %dot_general3A_462 {offsets = [0, 0], sizes = [256, 128], strides = [1, 1]} : vector<256x384xf32> to vector<256x128xf32>
    %slice3A_464 = vector.extract_strided_slice %dot_general3A_462 {offsets = [0, 128], sizes = [256, 128], strides = [1, 1]} : vector<256x384xf32> to vector<256x128xf32>
    %slice3A_465 = vector.extract_strided_slice %dot_general3A_462 {offsets = [0, 256], sizes = [256, 128], strides = [1, 1]} : vector<256x384xf32> to vector<256x128xf32>
    %mul3A_466 = arith.mulf %slice3A_463, %slice3A_463 : vector<256x128xf32>
    %mul3A_467 = arith.mulf %slice3A_464, %slice3A_464 : vector<256x128xf32>
    %add3A_468 = arith.addf %mul3A_466, %mul3A_467 : vector<256x128xf32>
    %mul3A_469 = arith.mulf %slice3A_465, %slice3A_465 : vector<256x128xf32>
    %add3A_470 = arith.addf %add3A_468, %mul3A_469 : vector<256x128xf32>
    %sqrt3A_471 = math.sqrt %add3A_470 : vector<256x128xf32>
    %mul3A_472 = arith.constant 0.833333313 : f32
    %mul3A_473 = vector.broadcast %mul3A_472 : f32 to vector<256x128xf32>
    %mul3A_474 = arith.mulf %sqrt3A_471, %mul3A_473 : vector<256x128xf32>
    %sub3A_475 = arith.constant 1.000000e+00 : f32
    %sub3A_476 = vector.broadcast %sub3A_475 : f32 to vector<256x128xf32>
    %sub3A_477 = arith.subf %sub3A_476, %mul3A_474 : vector<256x128xf32>
    %max3A_478 = arith.constant 0.000000e+00 : f32
    %max3A_479 = vector.broadcast %max3A_478 : f32 to vector<256x128xf32>
    %max3A_480 = arith.maximumf %sub3A_477, %max3A_479 : vector<256x128xf32>
    %mul3A_481 = arith.mulf %max3A_480, %convert_element_type3A_73 : vector<256x128xf32>
    %slice3A_482 = vector.extract_strided_slice %concatenate3A {offsets = [3840, 0], sizes = [256, 128], strides = [1, 1]} : vector<6400x128xf32> to vector<256x128xf32>
    %dot_general3A_483 = arith.constant dense<0.000000e+00> : vector<128x128xf32>
    %dot_general3A_484 = tpu.matmul %mul3A_481, %slice3A_482, %dot_general3A_483 {dimension_numbers = #tpu.dot_dimension_numbers<[0], [0], [1], [1], [0, 1, 1, 1], [], []>, transpose_lhs_hint = false} : vector<256x128xf32>, vector<256x128xf32>, vector<128x128xf32> -> vector<128x128xf32>
    %slice3A_485 = vector.extract_strided_slice %concatenate3A_11 {offsets = [4096, 0], sizes = [256, 8], strides = [1, 1]} : vector<6400x8xf32> to vector<256x8xf32>
    %slice3A_486 = vector.extract_strided_slice %get3A_14 {offsets = [0, 6144], sizes = [8, 384], strides = [1, 1]} : vector<8x9600xf32> to vector<8x384xf32>
    %dot_general3A_487 = arith.constant dense<0.000000e+00> : vector<256x384xf32>
    %dot_general3A_488 = tpu.matmul %slice3A_485, %slice3A_486, %dot_general3A_487 {dimension_numbers = #tpu.dot_dimension_numbers<[1], [0], [0], [1], [0, 0, 1, 1], [], []>, transpose_lhs_hint = false} : vector<256x8xf32>, vector<8x384xf32>, vector<256x384xf32> -> vector<256x384xf32>
    %slice3A_489 = vector.extract_strided_slice %dot_general3A_488 {offsets = [0, 0], sizes = [256, 128], strides = [1, 1]} : vector<256x384xf32> to vector<256x128xf32>
    %slice3A_490 = vector.extract_strided_slice %dot_general3A_488 {offsets = [0, 128], sizes = [256, 128], strides = [1, 1]} : vector<256x384xf32> to vector<256x128xf32>
    %slice3A_491 = vector.extract_strided_slice %dot_general3A_488 {offsets = [0, 256], sizes = [256, 128], strides = [1, 1]} : vector<256x384xf32> to vector<256x128xf32>
    %mul3A_492 = arith.mulf %slice3A_489, %slice3A_489 : vector<256x128xf32>
    %mul3A_493 = arith.mulf %slice3A_490, %slice3A_490 : vector<256x128xf32>
    %add3A_494 = arith.addf %mul3A_492, %mul3A_493 : vector<256x128xf32>
    %mul3A_495 = arith.mulf %slice3A_491, %slice3A_491 : vector<256x128xf32>
    %add3A_496 = arith.addf %add3A_494, %mul3A_495 : vector<256x128xf32>
    %sqrt3A_497 = math.sqrt %add3A_496 : vector<256x128xf32>
    %mul3A_498 = arith.constant 0.833333313 : f32
    %mul3A_499 = vector.broadcast %mul3A_498 : f32 to vector<256x128xf32>
    %mul3A_500 = arith.mulf %sqrt3A_497, %mul3A_499 : vector<256x128xf32>
    %sub3A_501 = arith.constant 1.000000e+00 : f32
    %sub3A_502 = vector.broadcast %sub3A_501 : f32 to vector<256x128xf32>
    %sub3A_503 = arith.subf %sub3A_502, %mul3A_500 : vector<256x128xf32>
    %max3A_504 = arith.constant 0.000000e+00 : f32
    %max3A_505 = vector.broadcast %max3A_504 : f32 to vector<256x128xf32>
    %max3A_506 = arith.maximumf %sub3A_503, %max3A_505 : vector<256x128xf32>
    %mul3A_507 = arith.mulf %max3A_506, %convert_element_type3A_73 : vector<256x128xf32>
    %slice3A_508 = vector.extract_strided_slice %concatenate3A {offsets = [4096, 0], sizes = [256, 128], strides = [1, 1]} : vector<6400x128xf32> to vector<256x128xf32>
    %dot_general3A_509 = arith.constant dense<0.000000e+00> : vector<128x128xf32>
    %dot_general3A_510 = tpu.matmul %mul3A_507, %slice3A_508, %dot_general3A_509 {dimension_numbers = #tpu.dot_dimension_numbers<[0], [0], [1], [1], [0, 1, 1, 1], [], []>, transpose_lhs_hint = false} : vector<256x128xf32>, vector<256x128xf32>, vector<128x128xf32> -> vector<128x128xf32>
    %slice3A_511 = vector.extract_strided_slice %concatenate3A_11 {offsets = [4352, 0], sizes = [256, 8], strides = [1, 1]} : vector<6400x8xf32> to vector<256x8xf32>
    %slice3A_512 = vector.extract_strided_slice %get3A_14 {offsets = [0, 6528], sizes = [8, 384], strides = [1, 1]} : vector<8x9600xf32> to vector<8x384xf32>
    %dot_general3A_513 = arith.constant dense<0.000000e+00> : vector<256x384xf32>
    %dot_general3A_514 = tpu.matmul %slice3A_511, %slice3A_512, %dot_general3A_513 {dimension_numbers = #tpu.dot_dimension_numbers<[1], [0], [0], [1], [0, 0, 1, 1], [], []>, transpose_lhs_hint = false} : vector<256x8xf32>, vector<8x384xf32>, vector<256x384xf32> -> vector<256x384xf32>
    %slice3A_515 = vector.extract_strided_slice %dot_general3A_514 {offsets = [0, 0], sizes = [256, 128], strides = [1, 1]} : vector<256x384xf32> to vector<256x128xf32>
    %slice3A_516 = vector.extract_strided_slice %dot_general3A_514 {offsets = [0, 128], sizes = [256, 128], strides = [1, 1]} : vector<256x384xf32> to vector<256x128xf32>
    %slice3A_517 = vector.extract_strided_slice %dot_general3A_514 {offsets = [0, 256], sizes = [256, 128], strides = [1, 1]} : vector<256x384xf32> to vector<256x128xf32>
    %mul3A_518 = arith.mulf %slice3A_515, %slice3A_515 : vector<256x128xf32>
    %mul3A_519 = arith.mulf %slice3A_516, %slice3A_516 : vector<256x128xf32>
    %add3A_520 = arith.addf %mul3A_518, %mul3A_519 : vector<256x128xf32>
    %mul3A_521 = arith.mulf %slice3A_517, %slice3A_517 : vector<256x128xf32>
    %add3A_522 = arith.addf %add3A_520, %mul3A_521 : vector<256x128xf32>
    %sqrt3A_523 = math.sqrt %add3A_522 : vector<256x128xf32>
    %mul3A_524 = arith.constant 0.833333313 : f32
    %mul3A_525 = vector.broadcast %mul3A_524 : f32 to vector<256x128xf32>
    %mul3A_526 = arith.mulf %sqrt3A_523, %mul3A_525 : vector<256x128xf32>
    %sub3A_527 = arith.constant 1.000000e+00 : f32
    %sub3A_528 = vector.broadcast %sub3A_527 : f32 to vector<256x128xf32>
    %sub3A_529 = arith.subf %sub3A_528, %mul3A_526 : vector<256x128xf32>
    %max3A_530 = arith.constant 0.000000e+00 : f32
    %max3A_531 = vector.broadcast %max3A_530 : f32 to vector<256x128xf32>
    %max3A_532 = arith.maximumf %sub3A_529, %max3A_531 : vector<256x128xf32>
    %mul3A_533 = arith.mulf %max3A_532, %convert_element_type3A_73 : vector<256x128xf32>
    %slice3A_534 = vector.extract_strided_slice %concatenate3A {offsets = [4352, 0], sizes = [256, 128], strides = [1, 1]} : vector<6400x128xf32> to vector<256x128xf32>
    %dot_general3A_535 = arith.constant dense<0.000000e+00> : vector<128x128xf32>
    %dot_general3A_536 = tpu.matmul %mul3A_533, %slice3A_534, %dot_general3A_535 {dimension_numbers = #tpu.dot_dimension_numbers<[0], [0], [1], [1], [0, 1, 1, 1], [], []>, transpose_lhs_hint = false} : vector<256x128xf32>, vector<256x128xf32>, vector<128x128xf32> -> vector<128x128xf32>
    %slice3A_537 = vector.extract_strided_slice %concatenate3A_11 {offsets = [4608, 0], sizes = [256, 8], strides = [1, 1]} : vector<6400x8xf32> to vector<256x8xf32>
    %slice3A_538 = vector.extract_strided_slice %get3A_14 {offsets = [0, 6912], sizes = [8, 384], strides = [1, 1]} : vector<8x9600xf32> to vector<8x384xf32>
    %dot_general3A_539 = arith.constant dense<0.000000e+00> : vector<256x384xf32>
    %dot_general3A_540 = tpu.matmul %slice3A_537, %slice3A_538, %dot_general3A_539 {dimension_numbers = #tpu.dot_dimension_numbers<[1], [0], [0], [1], [0, 0, 1, 1], [], []>, transpose_lhs_hint = false} : vector<256x8xf32>, vector<8x384xf32>, vector<256x384xf32> -> vector<256x384xf32>
    %slice3A_541 = vector.extract_strided_slice %dot_general3A_540 {offsets = [0, 0], sizes = [256, 128], strides = [1, 1]} : vector<256x384xf32> to vector<256x128xf32>
    %slice3A_542 = vector.extract_strided_slice %dot_general3A_540 {offsets = [0, 128], sizes = [256, 128], strides = [1, 1]} : vector<256x384xf32> to vector<256x128xf32>
    %slice3A_543 = vector.extract_strided_slice %dot_general3A_540 {offsets = [0, 256], sizes = [256, 128], strides = [1, 1]} : vector<256x384xf32> to vector<256x128xf32>
    %mul3A_544 = arith.mulf %slice3A_541, %slice3A_541 : vector<256x128xf32>
    %mul3A_545 = arith.mulf %slice3A_542, %slice3A_542 : vector<256x128xf32>
    %add3A_546 = arith.addf %mul3A_544, %mul3A_545 : vector<256x128xf32>
    %mul3A_547 = arith.mulf %slice3A_543, %slice3A_543 : vector<256x128xf32>
    %add3A_548 = arith.addf %add3A_546, %mul3A_547 : vector<256x128xf32>
    %sqrt3A_549 = math.sqrt %add3A_548 : vector<256x128xf32>
    %mul3A_550 = arith.constant 0.833333313 : f32
    %mul3A_551 = vector.broadcast %mul3A_550 : f32 to vector<256x128xf32>
    %mul3A_552 = arith.mulf %sqrt3A_549, %mul3A_551 : vector<256x128xf32>
    %sub3A_553 = arith.constant 1.000000e+00 : f32
    %sub3A_554 = vector.broadcast %sub3A_553 : f32 to vector<256x128xf32>
    %sub3A_555 = arith.subf %sub3A_554, %mul3A_552 : vector<256x128xf32>
    %max3A_556 = arith.constant 0.000000e+00 : f32
    %max3A_557 = vector.broadcast %max3A_556 : f32 to vector<256x128xf32>
    %max3A_558 = arith.maximumf %sub3A_555, %max3A_557 : vector<256x128xf32>
    %mul3A_559 = arith.mulf %max3A_558, %convert_element_type3A_73 : vector<256x128xf32>
    %slice3A_560 = vector.extract_strided_slice %concatenate3A {offsets = [4608, 0], sizes = [256, 128], strides = [1, 1]} : vector<6400x128xf32> to vector<256x128xf32>
    %dot_general3A_561 = arith.constant dense<0.000000e+00> : vector<128x128xf32>
    %dot_general3A_562 = tpu.matmul %mul3A_559, %slice3A_560, %dot_general3A_561 {dimension_numbers = #tpu.dot_dimension_numbers<[0], [0], [1], [1], [0, 1, 1, 1], [], []>, transpose_lhs_hint = false} : vector<256x128xf32>, vector<256x128xf32>, vector<128x128xf32> -> vector<128x128xf32>
    %slice3A_563 = vector.extract_strided_slice %concatenate3A_11 {offsets = [4864, 0], sizes = [256, 8], strides = [1, 1]} : vector<6400x8xf32> to vector<256x8xf32>
    %slice3A_564 = vector.extract_strided_slice %get3A_14 {offsets = [0, 7296], sizes = [8, 384], strides = [1, 1]} : vector<8x9600xf32> to vector<8x384xf32>
    %dot_general3A_565 = arith.constant dense<0.000000e+00> : vector<256x384xf32>
    %dot_general3A_566 = tpu.matmul %slice3A_563, %slice3A_564, %dot_general3A_565 {dimension_numbers = #tpu.dot_dimension_numbers<[1], [0], [0], [1], [0, 0, 1, 1], [], []>, transpose_lhs_hint = false} : vector<256x8xf32>, vector<8x384xf32>, vector<256x384xf32> -> vector<256x384xf32>
    %slice3A_567 = vector.extract_strided_slice %dot_general3A_566 {offsets = [0, 0], sizes = [256, 128], strides = [1, 1]} : vector<256x384xf32> to vector<256x128xf32>
    %slice3A_568 = vector.extract_strided_slice %dot_general3A_566 {offsets = [0, 128], sizes = [256, 128], strides = [1, 1]} : vector<256x384xf32> to vector<256x128xf32>
    %slice3A_569 = vector.extract_strided_slice %dot_general3A_566 {offsets = [0, 256], sizes = [256, 128], strides = [1, 1]} : vector<256x384xf32> to vector<256x128xf32>
    %mul3A_570 = arith.mulf %slice3A_567, %slice3A_567 : vector<256x128xf32>
    %mul3A_571 = arith.mulf %slice3A_568, %slice3A_568 : vector<256x128xf32>
    %add3A_572 = arith.addf %mul3A_570, %mul3A_571 : vector<256x128xf32>
    %mul3A_573 = arith.mulf %slice3A_569, %slice3A_569 : vector<256x128xf32>
    %add3A_574 = arith.addf %add3A_572, %mul3A_573 : vector<256x128xf32>
    %sqrt3A_575 = math.sqrt %add3A_574 : vector<256x128xf32>
    %mul3A_576 = arith.constant 0.833333313 : f32
    %mul3A_577 = vector.broadcast %mul3A_576 : f32 to vector<256x128xf32>
    %mul3A_578 = arith.mulf %sqrt3A_575, %mul3A_577 : vector<256x128xf32>
    %sub3A_579 = arith.constant 1.000000e+00 : f32
    %sub3A_580 = vector.broadcast %sub3A_579 : f32 to vector<256x128xf32>
    %sub3A_581 = arith.subf %sub3A_580, %mul3A_578 : vector<256x128xf32>
    %max3A_582 = arith.constant 0.000000e+00 : f32
    %max3A_583 = vector.broadcast %max3A_582 : f32 to vector<256x128xf32>
    %max3A_584 = arith.maximumf %sub3A_581, %max3A_583 : vector<256x128xf32>
    %mul3A_585 = arith.mulf %max3A_584, %convert_element_type3A_73 : vector<256x128xf32>
    %slice3A_586 = vector.extract_strided_slice %concatenate3A {offsets = [4864, 0], sizes = [256, 128], strides = [1, 1]} : vector<6400x128xf32> to vector<256x128xf32>
    %dot_general3A_587 = arith.constant dense<0.000000e+00> : vector<128x128xf32>
    %dot_general3A_588 = tpu.matmul %mul3A_585, %slice3A_586, %dot_general3A_587 {dimension_numbers = #tpu.dot_dimension_numbers<[0], [0], [1], [1], [0, 1, 1, 1], [], []>, transpose_lhs_hint = false} : vector<256x128xf32>, vector<256x128xf32>, vector<128x128xf32> -> vector<128x128xf32>
    %slice3A_589 = vector.extract_strided_slice %concatenate3A_11 {offsets = [5120, 0], sizes = [256, 8], strides = [1, 1]} : vector<6400x8xf32> to vector<256x8xf32>
    %slice3A_590 = vector.extract_strided_slice %get3A_14 {offsets = [0, 7680], sizes = [8, 384], strides = [1, 1]} : vector<8x9600xf32> to vector<8x384xf32>
    %dot_general3A_591 = arith.constant dense<0.000000e+00> : vector<256x384xf32>
    %dot_general3A_592 = tpu.matmul %slice3A_589, %slice3A_590, %dot_general3A_591 {dimension_numbers = #tpu.dot_dimension_numbers<[1], [0], [0], [1], [0, 0, 1, 1], [], []>, transpose_lhs_hint = false} : vector<256x8xf32>, vector<8x384xf32>, vector<256x384xf32> -> vector<256x384xf32>
    %slice3A_593 = vector.extract_strided_slice %dot_general3A_592 {offsets = [0, 0], sizes = [256, 128], strides = [1, 1]} : vector<256x384xf32> to vector<256x128xf32>
    %slice3A_594 = vector.extract_strided_slice %dot_general3A_592 {offsets = [0, 128], sizes = [256, 128], strides = [1, 1]} : vector<256x384xf32> to vector<256x128xf32>
    %slice3A_595 = vector.extract_strided_slice %dot_general3A_592 {offsets = [0, 256], sizes = [256, 128], strides = [1, 1]} : vector<256x384xf32> to vector<256x128xf32>
    %mul3A_596 = arith.mulf %slice3A_593, %slice3A_593 : vector<256x128xf32>
    %mul3A_597 = arith.mulf %slice3A_594, %slice3A_594 : vector<256x128xf32>
    %add3A_598 = arith.addf %mul3A_596, %mul3A_597 : vector<256x128xf32>
    %mul3A_599 = arith.mulf %slice3A_595, %slice3A_595 : vector<256x128xf32>
    %add3A_600 = arith.addf %add3A_598, %mul3A_599 : vector<256x128xf32>
    %sqrt3A_601 = math.sqrt %add3A_600 : vector<256x128xf32>
    %mul3A_602 = arith.constant 0.833333313 : f32
    %mul3A_603 = vector.broadcast %mul3A_602 : f32 to vector<256x128xf32>
    %mul3A_604 = arith.mulf %sqrt3A_601, %mul3A_603 : vector<256x128xf32>
    %sub3A_605 = arith.constant 1.000000e+00 : f32
    %sub3A_606 = vector.broadcast %sub3A_605 : f32 to vector<256x128xf32>
    %sub3A_607 = arith.subf %sub3A_606, %mul3A_604 : vector<256x128xf32>
    %max3A_608 = arith.constant 0.000000e+00 : f32
    %max3A_609 = vector.broadcast %max3A_608 : f32 to vector<256x128xf32>
    %max3A_610 = arith.maximumf %sub3A_607, %max3A_609 : vector<256x128xf32>
    %mul3A_611 = arith.mulf %max3A_610, %convert_element_type3A_73 : vector<256x128xf32>
    %slice3A_612 = vector.extract_strided_slice %concatenate3A {offsets = [5120, 0], sizes = [256, 128], strides = [1, 1]} : vector<6400x128xf32> to vector<256x128xf32>
    %dot_general3A_613 = arith.constant dense<0.000000e+00> : vector<128x128xf32>
    %dot_general3A_614 = tpu.matmul %mul3A_611, %slice3A_612, %dot_general3A_613 {dimension_numbers = #tpu.dot_dimension_numbers<[0], [0], [1], [1], [0, 1, 1, 1], [], []>, transpose_lhs_hint = false} : vector<256x128xf32>, vector<256x128xf32>, vector<128x128xf32> -> vector<128x128xf32>
    %slice3A_615 = vector.extract_strided_slice %concatenate3A_11 {offsets = [5376, 0], sizes = [256, 8], strides = [1, 1]} : vector<6400x8xf32> to vector<256x8xf32>
    %slice3A_616 = vector.extract_strided_slice %get3A_14 {offsets = [0, 8064], sizes = [8, 384], strides = [1, 1]} : vector<8x9600xf32> to vector<8x384xf32>
    %dot_general3A_617 = arith.constant dense<0.000000e+00> : vector<256x384xf32>
    %dot_general3A_618 = tpu.matmul %slice3A_615, %slice3A_616, %dot_general3A_617 {dimension_numbers = #tpu.dot_dimension_numbers<[1], [0], [0], [1], [0, 0, 1, 1], [], []>, transpose_lhs_hint = false} : vector<256x8xf32>, vector<8x384xf32>, vector<256x384xf32> -> vector<256x384xf32>
    %slice3A_619 = vector.extract_strided_slice %dot_general3A_618 {offsets = [0, 0], sizes = [256, 128], strides = [1, 1]} : vector<256x384xf32> to vector<256x128xf32>
    %slice3A_620 = vector.extract_strided_slice %dot_general3A_618 {offsets = [0, 128], sizes = [256, 128], strides = [1, 1]} : vector<256x384xf32> to vector<256x128xf32>
    %slice3A_621 = vector.extract_strided_slice %dot_general3A_618 {offsets = [0, 256], sizes = [256, 128], strides = [1, 1]} : vector<256x384xf32> to vector<256x128xf32>
    %mul3A_622 = arith.mulf %slice3A_619, %slice3A_619 : vector<256x128xf32>
    %mul3A_623 = arith.mulf %slice3A_620, %slice3A_620 : vector<256x128xf32>
    %add3A_624 = arith.addf %mul3A_622, %mul3A_623 : vector<256x128xf32>
    %mul3A_625 = arith.mulf %slice3A_621, %slice3A_621 : vector<256x128xf32>
    %add3A_626 = arith.addf %add3A_624, %mul3A_625 : vector<256x128xf32>
    %sqrt3A_627 = math.sqrt %add3A_626 : vector<256x128xf32>
    %mul3A_628 = arith.constant 0.833333313 : f32
    %mul3A_629 = vector.broadcast %mul3A_628 : f32 to vector<256x128xf32>
    %mul3A_630 = arith.mulf %sqrt3A_627, %mul3A_629 : vector<256x128xf32>
    %sub3A_631 = arith.constant 1.000000e+00 : f32
    %sub3A_632 = vector.broadcast %sub3A_631 : f32 to vector<256x128xf32>
    %sub3A_633 = arith.subf %sub3A_632, %mul3A_630 : vector<256x128xf32>
    %max3A_634 = arith.constant 0.000000e+00 : f32
    %max3A_635 = vector.broadcast %max3A_634 : f32 to vector<256x128xf32>
    %max3A_636 = arith.maximumf %sub3A_633, %max3A_635 : vector<256x128xf32>
    %mul3A_637 = arith.mulf %max3A_636, %convert_element_type3A_73 : vector<256x128xf32>
    %slice3A_638 = vector.extract_strided_slice %concatenate3A {offsets = [5376, 0], sizes = [256, 128], strides = [1, 1]} : vector<6400x128xf32> to vector<256x128xf32>
    %dot_general3A_639 = arith.constant dense<0.000000e+00> : vector<128x128xf32>
    %dot_general3A_640 = tpu.matmul %mul3A_637, %slice3A_638, %dot_general3A_639 {dimension_numbers = #tpu.dot_dimension_numbers<[0], [0], [1], [1], [0, 1, 1, 1], [], []>, transpose_lhs_hint = false} : vector<256x128xf32>, vector<256x128xf32>, vector<128x128xf32> -> vector<128x128xf32>
    %slice3A_641 = vector.extract_strided_slice %concatenate3A_11 {offsets = [5632, 0], sizes = [256, 8], strides = [1, 1]} : vector<6400x8xf32> to vector<256x8xf32>
    %slice3A_642 = vector.extract_strided_slice %get3A_14 {offsets = [0, 8448], sizes = [8, 384], strides = [1, 1]} : vector<8x9600xf32> to vector<8x384xf32>
    %dot_general3A_643 = arith.constant dense<0.000000e+00> : vector<256x384xf32>
    %dot_general3A_644 = tpu.matmul %slice3A_641, %slice3A_642, %dot_general3A_643 {dimension_numbers = #tpu.dot_dimension_numbers<[1], [0], [0], [1], [0, 0, 1, 1], [], []>, transpose_lhs_hint = false} : vector<256x8xf32>, vector<8x384xf32>, vector<256x384xf32> -> vector<256x384xf32>
    %slice3A_645 = vector.extract_strided_slice %dot_general3A_644 {offsets = [0, 0], sizes = [256, 128], strides = [1, 1]} : vector<256x384xf32> to vector<256x128xf32>
    %slice3A_646 = vector.extract_strided_slice %dot_general3A_644 {offsets = [0, 128], sizes = [256, 128], strides = [1, 1]} : vector<256x384xf32> to vector<256x128xf32>
    %slice3A_647 = vector.extract_strided_slice %dot_general3A_644 {offsets = [0, 256], sizes = [256, 128], strides = [1, 1]} : vector<256x384xf32> to vector<256x128xf32>
    %mul3A_648 = arith.mulf %slice3A_645, %slice3A_645 : vector<256x128xf32>
    %mul3A_649 = arith.mulf %slice3A_646, %slice3A_646 : vector<256x128xf32>
    %add3A_650 = arith.addf %mul3A_648, %mul3A_649 : vector<256x128xf32>
    %mul3A_651 = arith.mulf %slice3A_647, %slice3A_647 : vector<256x128xf32>
    %add3A_652 = arith.addf %add3A_650, %mul3A_651 : vector<256x128xf32>
    %sqrt3A_653 = math.sqrt %add3A_652 : vector<256x128xf32>
    %mul3A_654 = arith.constant 0.833333313 : f32
    %mul3A_655 = vector.broadcast %mul3A_654 : f32 to vector<256x128xf32>
    %mul3A_656 = arith.mulf %sqrt3A_653, %mul3A_655 : vector<256x128xf32>
    %sub3A_657 = arith.constant 1.000000e+00 : f32
    %sub3A_658 = vector.broadcast %sub3A_657 : f32 to vector<256x128xf32>
    %sub3A_659 = arith.subf %sub3A_658, %mul3A_656 : vector<256x128xf32>
    %max3A_660 = arith.constant 0.000000e+00 : f32
    %max3A_661 = vector.broadcast %max3A_660 : f32 to vector<256x128xf32>
    %max3A_662 = arith.maximumf %sub3A_659, %max3A_661 : vector<256x128xf32>
    %mul3A_663 = arith.mulf %max3A_662, %convert_element_type3A_73 : vector<256x128xf32>
    %slice3A_664 = vector.extract_strided_slice %concatenate3A {offsets = [5632, 0], sizes = [256, 128], strides = [1, 1]} : vector<6400x128xf32> to vector<256x128xf32>
    %dot_general3A_665 = arith.constant dense<0.000000e+00> : vector<128x128xf32>
    %dot_general3A_666 = tpu.matmul %mul3A_663, %slice3A_664, %dot_general3A_665 {dimension_numbers = #tpu.dot_dimension_numbers<[0], [0], [1], [1], [0, 1, 1, 1], [], []>, transpose_lhs_hint = false} : vector<256x128xf32>, vector<256x128xf32>, vector<128x128xf32> -> vector<128x128xf32>
    %slice3A_667 = vector.extract_strided_slice %concatenate3A_11 {offsets = [5888, 0], sizes = [256, 8], strides = [1, 1]} : vector<6400x8xf32> to vector<256x8xf32>
    %slice3A_668 = vector.extract_strided_slice %get3A_14 {offsets = [0, 8832], sizes = [8, 384], strides = [1, 1]} : vector<8x9600xf32> to vector<8x384xf32>
    %dot_general3A_669 = arith.constant dense<0.000000e+00> : vector<256x384xf32>
    %dot_general3A_670 = tpu.matmul %slice3A_667, %slice3A_668, %dot_general3A_669 {dimension_numbers = #tpu.dot_dimension_numbers<[1], [0], [0], [1], [0, 0, 1, 1], [], []>, transpose_lhs_hint = false} : vector<256x8xf32>, vector<8x384xf32>, vector<256x384xf32> -> vector<256x384xf32>
    %slice3A_671 = vector.extract_strided_slice %dot_general3A_670 {offsets = [0, 0], sizes = [256, 128], strides = [1, 1]} : vector<256x384xf32> to vector<256x128xf32>
    %slice3A_672 = vector.extract_strided_slice %dot_general3A_670 {offsets = [0, 128], sizes = [256, 128], strides = [1, 1]} : vector<256x384xf32> to vector<256x128xf32>
    %slice3A_673 = vector.extract_strided_slice %dot_general3A_670 {offsets = [0, 256], sizes = [256, 128], strides = [1, 1]} : vector<256x384xf32> to vector<256x128xf32>
    %mul3A_674 = arith.mulf %slice3A_671, %slice3A_671 : vector<256x128xf32>
    %mul3A_675 = arith.mulf %slice3A_672, %slice3A_672 : vector<256x128xf32>
    %add3A_676 = arith.addf %mul3A_674, %mul3A_675 : vector<256x128xf32>
    %mul3A_677 = arith.mulf %slice3A_673, %slice3A_673 : vector<256x128xf32>
    %add3A_678 = arith.addf %add3A_676, %mul3A_677 : vector<256x128xf32>
    %sqrt3A_679 = math.sqrt %add3A_678 : vector<256x128xf32>
    %mul3A_680 = arith.constant 0.833333313 : f32
    %mul3A_681 = vector.broadcast %mul3A_680 : f32 to vector<256x128xf32>
    %mul3A_682 = arith.mulf %sqrt3A_679, %mul3A_681 : vector<256x128xf32>
    %sub3A_683 = arith.constant 1.000000e+00 : f32
    %sub3A_684 = vector.broadcast %sub3A_683 : f32 to vector<256x128xf32>
    %sub3A_685 = arith.subf %sub3A_684, %mul3A_682 : vector<256x128xf32>
    %max3A_686 = arith.constant 0.000000e+00 : f32
    %max3A_687 = vector.broadcast %max3A_686 : f32 to vector<256x128xf32>
    %max3A_688 = arith.maximumf %sub3A_685, %max3A_687 : vector<256x128xf32>
    %mul3A_689 = arith.mulf %max3A_688, %convert_element_type3A_73 : vector<256x128xf32>
    %slice3A_690 = vector.extract_strided_slice %concatenate3A {offsets = [5888, 0], sizes = [256, 128], strides = [1, 1]} : vector<6400x128xf32> to vector<256x128xf32>
    %dot_general3A_691 = arith.constant dense<0.000000e+00> : vector<128x128xf32>
    %dot_general3A_692 = tpu.matmul %mul3A_689, %slice3A_690, %dot_general3A_691 {dimension_numbers = #tpu.dot_dimension_numbers<[0], [0], [1], [1], [0, 1, 1, 1], [], []>, transpose_lhs_hint = false} : vector<256x128xf32>, vector<256x128xf32>, vector<128x128xf32> -> vector<128x128xf32>
    %slice3A_693 = vector.extract_strided_slice %concatenate3A_11 {offsets = [6144, 0], sizes = [256, 8], strides = [1, 1]} : vector<6400x8xf32> to vector<256x8xf32>
    %slice3A_694 = vector.extract_strided_slice %get3A_14 {offsets = [0, 9216], sizes = [8, 384], strides = [1, 1]} : vector<8x9600xf32> to vector<8x384xf32>
    %dot_general3A_695 = arith.constant dense<0.000000e+00> : vector<256x384xf32>
    %dot_general3A_696 = tpu.matmul %slice3A_693, %slice3A_694, %dot_general3A_695 {dimension_numbers = #tpu.dot_dimension_numbers<[1], [0], [0], [1], [0, 0, 1, 1], [], []>, transpose_lhs_hint = false} : vector<256x8xf32>, vector<8x384xf32>, vector<256x384xf32> -> vector<256x384xf32>
    %slice3A_697 = vector.extract_strided_slice %dot_general3A_696 {offsets = [0, 0], sizes = [256, 128], strides = [1, 1]} : vector<256x384xf32> to vector<256x128xf32>
    %slice3A_698 = vector.extract_strided_slice %dot_general3A_696 {offsets = [0, 128], sizes = [256, 128], strides = [1, 1]} : vector<256x384xf32> to vector<256x128xf32>
    %slice3A_699 = vector.extract_strided_slice %dot_general3A_696 {offsets = [0, 256], sizes = [256, 128], strides = [1, 1]} : vector<256x384xf32> to vector<256x128xf32>
    %mul3A_700 = arith.mulf %slice3A_697, %slice3A_697 : vector<256x128xf32>
    %mul3A_701 = arith.mulf %slice3A_698, %slice3A_698 : vector<256x128xf32>
    %add3A_702 = arith.addf %mul3A_700, %mul3A_701 : vector<256x128xf32>
    %mul3A_703 = arith.mulf %slice3A_699, %slice3A_699 : vector<256x128xf32>
    %add3A_704 = arith.addf %add3A_702, %mul3A_703 : vector<256x128xf32>
    %sqrt3A_705 = math.sqrt %add3A_704 : vector<256x128xf32>
    %mul3A_706 = arith.constant 0.833333313 : f32
    %mul3A_707 = vector.broadcast %mul3A_706 : f32 to vector<256x128xf32>
    %mul3A_708 = arith.mulf %sqrt3A_705, %mul3A_707 : vector<256x128xf32>
    %sub3A_709 = arith.constant 1.000000e+00 : f32
    %sub3A_710 = vector.broadcast %sub3A_709 : f32 to vector<256x128xf32>
    %sub3A_711 = arith.subf %sub3A_710, %mul3A_708 : vector<256x128xf32>
    %max3A_712 = arith.constant 0.000000e+00 : f32
    %max3A_713 = vector.broadcast %max3A_712 : f32 to vector<256x128xf32>
    %max3A_714 = arith.maximumf %sub3A_711, %max3A_713 : vector<256x128xf32>
    %mul3A_715 = arith.mulf %max3A_714, %convert_element_type3A_73 : vector<256x128xf32>
    %slice3A_716 = vector.extract_strided_slice %concatenate3A {offsets = [6144, 0], sizes = [256, 128], strides = [1, 1]} : vector<6400x128xf32> to vector<256x128xf32>
    %dot_general3A_717 = arith.constant dense<0.000000e+00> : vector<128x128xf32>
    %dot_general3A_718 = tpu.matmul %mul3A_715, %slice3A_716, %dot_general3A_717 {dimension_numbers = #tpu.dot_dimension_numbers<[0], [0], [1], [1], [0, 1, 1, 1], [], []>, transpose_lhs_hint = false} : vector<256x128xf32>, vector<256x128xf32>, vector<128x128xf32> -> vector<128x128xf32>
    %concatenate3A_719 = tpu.concatenate %dot_general3A_94, %dot_general3A_120, %dot_general3A_146, %dot_general3A_172, %dot_general3A_198, %dot_general3A_224, %dot_general3A_250, %dot_general3A_276, %dot_general3A_302, %dot_general3A_328, %dot_general3A_354, %dot_general3A_380, %dot_general3A_406, %dot_general3A_432, %dot_general3A_458, %dot_general3A_484, %dot_general3A_510, %dot_general3A_536, %dot_general3A_562, %dot_general3A_588, %dot_general3A_614, %dot_general3A_640, %dot_general3A_666, %dot_general3A_692, %dot_general3A_718 in 0 : vector<128x128xf32>, vector<128x128xf32>, vector<128x128xf32>, vector<128x128xf32>, vector<128x128xf32>, vector<128x128xf32>, vector<128x128xf32>, vector<128x128xf32>, vector<128x128xf32>, vector<128x128xf32>, vector<128x128xf32>, vector<128x128xf32>, vector<128x128xf32>, vector<128x128xf32>, vector<128x128xf32>, vector<128x128xf32>, vector<128x128xf32>, vector<128x128xf32>, vector<128x128xf32>, vector<128x128xf32>, vector<128x128xf32>, vector<128x128xf32>, vector<128x128xf32>, vector<128x128xf32>, vector<128x128xf32> -> vector<3200x128xf32>
    %reshape3A = vector.shape_cast %concatenate3A_719 : vector<3200x128xf32> to vector<200x2048xf32>
    %get3A_720 = arith.constant 0 : index
    %get3A_721 = arith.constant 0 : index
    %get3A_722 = vector.load %arg2[%get3A_720, %get3A_721] : memref<2048x128xf32, #tpu.memory_space<vmem>>, vector<2048x128xf32>
    %dot_general3A_723 = arith.constant dense<0.000000e+00> : vector<200x128xf32>
    %dot_general3A_724 = tpu.matmul %reshape3A, %get3A_722, %dot_general3A_723 {dimension_numbers = #tpu.dot_dimension_numbers<[1], [0], [0], [1], [0, 0, 1, 1], [], []>, transpose_lhs_hint = false} : vector<200x2048xf32>, vector<2048x128xf32>, vector<200x128xf32> -> vector<200x128xf32>
    %swap3A = arith.constant 0 : index
    %swap3A_725 = arith.constant 0 : index
    %swap3A_726 = vector.load %arg4[%swap3A, %swap3A_725] : memref<200x128xf32, #tpu.memory_space<vmem>>, vector<200x128xf32>
    tpu.vector_store %arg4[%swap3A, %swap3A_725], %dot_general3A_724 {strides = array<i32>} : memref<200x128xf32, #tpu.memory_space<vmem>>, vector<200x128xf32>,
    return
  }
  func.func @transform_0(%arg0: i32) -> (i32, i32) {
    %add3A = arith.constant 0 : i32
    %add3A_0 = arith.addi %add3A, %arg0 : i32
    %c0_i32 = arith.constant 0 : i32
    %c0_i32_1 = arith.constant 0 : i32
    return %c0_i32, %add3A_0 : i32, i32
  }
  func.func @transform_1(%arg0: i32) -> (i32, i32) {
    %c0_i32 = arith.constant 0 : i32
    %c0_i32_0 = arith.constant 0 : i32
    %c0_i32_1 = arith.constant 0 : i32
    return %c0_i32, %c0_i32_0 : i32, i32
  }
  func.func @transform_2(%arg0: i32) -> (i32, i32) {
    %c0_i32 = arith.constant 0 : i32
    %c0_i32_0 = arith.constant 0 : i32
    return %arg0, %c0_i32 : i32, i32
  }
  func.func @transform_3(%arg0: i32) -> (i32, i32) {
    %c0_i32 = arith.constant 0 : i32
    %c0_i32_0 = arith.constant 0 : i32
    return %arg0, %c0_i32 : i32, i32
  }
}

module attributes {stable_mosaic.version = 14 : i64} {
  func.func @_tc_body(%arg0: i32, %arg1: memref<8x9600xf32, #tpu.memory_space<vmem>>, %arg2: memref<2048x128xf32, #tpu.memory_space<vmem>>, %arg3: memref<6400x128xf32, #tpu.memory_space<vmem>>, %arg4: memref<200x128xf32, #tpu.memory_space<vmem>>) attributes {dimension_semantics = [#tpu.dimension_semantics<arbitrary>], iteration_bounds = array<i64: 10>, scalar_prefetch = 0 : i64, scratch_operands = 0 : i64, tpu.core_type = #tpu.core_type<tc>, window_params = [{transform_indices = @transform_0, window_bounds = array<i64: 8, 9600>}, {pipeline_mode = #tpu.pipeline_mode<synchronous>, transform_indices = @transform_1, window_bounds = array<i64: 2048, 128>}, {transform_indices = @transform_2, window_bounds = array<i64: 6400, 128>}, {transform_indices = @transform_3, window_bounds = array<i64: 200, 128>}]} {
    %get3A = arith.constant 0 : index
    %get3A_0 = arith.constant 0 : index
    %get3A_1 = vector.load %arg3[%get3A, %get3A_0] : memref<6400x128xf32, #tpu.memory_space<vmem>>, vector<6400x128xf32>
    %slice3A = vector.extract_strided_slice %get3A_1 {offsets = [0, 0], sizes = [6400, 64], strides = [1, 1]} : vector<6400x128xf32> to vector<6400x64xf32>
    %bitcast_convert_type3A = tpu.bitcast %slice3A : vector<6400x64xf32> -> vector<6400x64xi32>
    %shift_left3A = arith.constant 16 : i32
    %shift_left3A_2 = vector.broadcast %shift_left3A : i32 to vector<6400x64xi32>
    %shift_left3A_3 = arith.shli %bitcast_convert_type3A, %shift_left3A_2 : vector<6400x64xi32>
    %bitcast_convert_type3A_4 = tpu.bitcast %shift_left3A_3 : vector<6400x64xi32> -> vector<6400x64xf32>
    %and3A = arith.constant -65536 : i32
    %and3A_5 = vector.broadcast %and3A : i32 to vector<6400x64xi32>
    %and3A_6 = arith.andi %bitcast_convert_type3A, %and3A_5 : vector<6400x64xi32>
    %bitcast_convert_type3A_7 = tpu.bitcast %and3A_6 : vector<6400x64xi32> -> vector<6400x64xf32>
    %concatenate3A = tpu.concatenate %bitcast_convert_type3A_4, %bitcast_convert_type3A_7 in 1 : vector<6400x64xf32>, vector<6400x64xf32> -> vector<6400x128xf32>
    %slice3A_8 = vector.extract_strided_slice %get3A_1 {offsets = [0, 64], sizes = [6400, 3], strides = [1, 1]} : vector<6400x128xf32> to vector<6400x3xf32>
    %convert_element_type3A = arith.truncf %slice3A_8 : vector<6400x3xf32> to vector<6400x3xbf16>
    %convert_element_type3A_9 = arith.extf %convert_element_type3A : vector<6400x3xbf16> to vector<6400x3xf32>
    %sub3A = arith.subf %slice3A_8, %convert_element_type3A_9 : vector<6400x3xf32>
    %slice3A_10 = vector.extract_strided_slice %get3A_1 {offsets = [0, 67], sizes = [6400, 2], strides = [1, 1]} : vector<6400x128xf32> to vector<6400x2xf32>
    %concatenate3A_11 = tpu.concatenate %convert_element_type3A_9, %sub3A, %slice3A_10 in 1 : vector<6400x3xf32>, vector<6400x3xf32>, vector<6400x2xf32> -> vector<6400x8xf32>
    %get3A_12 = arith.constant 0 : index
    %get3A_13 = arith.constant 0 : index
    %get3A_14 = vector.load %arg1[%get3A_12, %get3A_13] : memref<8x9600xf32, #tpu.memory_space<vmem>>, vector<8x9600xf32>
    %iota3A = tpu.iota {dimensions = array<i32: 0>} : vector<256x128xi32>
    %iota3A_15 = tpu.iota {dimensions = array<i32: 1>} : vector<256x128xi32>
    %jit3A = arith.constant 32 : i32
    %div3A = vector.broadcast %jit3A : i32 to vector<256x128xi32>
    %div3A_16 = arith.divsi %iota3A, %div3A : vector<256x128xi32>
    %sign3A = arith.constant 0 : i32
    %sign3A_17 = vector.broadcast %sign3A : i32 to vector<256x128xi32>
    %sign3A_18 = arith.cmpi sgt, %iota3A, %sign3A_17 : vector<256x128xi32>
    %sign3A_19 = arith.extui %sign3A_18 : vector<256x128xi1> to vector<256x128xi32>
    %sign3A_20 = arith.constant 0 : i32
    %sign3A_21 = vector.broadcast %sign3A_20 : i32 to vector<256x128xi32>
    %sign3A_22 = arith.cmpi slt, %iota3A, %sign3A_21 : vector<256x128xi32>
    %sign3A_23 = arith.extui %sign3A_22 : vector<256x128xi1> to vector<256x128xi32>
    %sign3A_24 = arith.subi %sign3A_19, %sign3A_23 : vector<256x128xi32>
    %sign3A_25 = arith.constant 0 : i32
    %sign3A_26 = arith.cmpi sgt, %jit3A, %sign3A_25 : i32
    %sign3A_27 = arith.extui %sign3A_26 : i1 to i32
    %sign3A_28 = arith.constant 0 : i32
    %sign3A_29 = arith.cmpi slt, %jit3A, %sign3A_28 : i32
    %sign3A_30 = arith.extui %sign3A_29 : i1 to i32
    %sign3A_31 = arith.subi %sign3A_27, %sign3A_30 : i32
    %ne3A = vector.broadcast %sign3A_31 : i32 to vector<256x128xi32>
    %ne3A_32 = arith.cmpi ne, %sign3A_24, %ne3A : vector<256x128xi32>
    %rem3A = vector.broadcast %jit3A : i32 to vector<256x128xi32>
    %rem3A_33 = arith.remsi %iota3A, %rem3A : vector<256x128xi32>
    %ne3A_34 = arith.constant 0 : i32
    %ne3A_35 = vector.broadcast %ne3A_34 : i32 to vector<256x128xi32>
    %ne3A_36 = arith.cmpi ne, %rem3A_33, %ne3A_35 : vector<256x128xi32>
    %and3A_37 = arith.andi %ne3A_32, %ne3A_36 : vector<256x128xi1>
    %sub3A_38 = arith.constant 1 : i32
    %sub3A_39 = vector.broadcast %sub3A_38 : i32 to vector<256x128xi32>
    %sub3A_40 = arith.subi %div3A_16, %sub3A_39 : vector<256x128xi32>
    %select_n3A = arith.select %and3A_37, %sub3A_40, %div3A_16 : vector<256x128xi1>, vector<256x128xi32>
    %jit3A_41 = arith.constant 16 : i32
    %div3A_42 = vector.broadcast %jit3A_41 : i32 to vector<256x128xi32>
    %div3A_43 = arith.divsi %iota3A_15, %div3A_42 : vector<256x128xi32>
    %sign3A_44 = arith.constant 0 : i32
    %sign3A_45 = vector.broadcast %sign3A_44 : i32 to vector<256x128xi32>
    %sign3A_46 = arith.cmpi sgt, %iota3A_15, %sign3A_45 : vector<256x128xi32>
    %sign3A_47 = arith.extui %sign3A_46 : vector<256x128xi1> to vector<256x128xi32>
    %sign3A_48 = arith.constant 0 : i32
    %sign3A_49 = vector.broadcast %sign3A_48 : i32 to vector<256x128xi32>
    %sign3A_50 = arith.cmpi slt, %iota3A_15, %sign3A_49 : vector<256x128xi32>
    %sign3A_51 = arith.extui %sign3A_50 : vector<256x128xi1> to vector<256x128xi32>
    %sign3A_52 = arith.subi %sign3A_47, %sign3A_51 : vector<256x128xi32>
    %sign3A_53 = arith.constant 0 : i32
    %sign3A_54 = arith.cmpi sgt, %jit3A_41, %sign3A_53 : i32
    %sign3A_55 = arith.extui %sign3A_54 : i1 to i32
    %sign3A_56 = arith.constant 0 : i32
    %sign3A_57 = arith.cmpi slt, %jit3A_41, %sign3A_56 : i32
    %sign3A_58 = arith.extui %sign3A_57 : i1 to i32
    %sign3A_59 = arith.subi %sign3A_55, %sign3A_58 : i32
    %ne3A_60 = vector.broadcast %sign3A_59 : i32 to vector<256x128xi32>
    %ne3A_61 = arith.cmpi ne, %sign3A_52, %ne3A_60 : vector<256x128xi32>
    %rem3A_62 = vector.broadcast %jit3A_41 : i32 to vector<256x128xi32>
    %rem3A_63 = arith.remsi %iota3A_15, %rem3A_62 : vector<256x128xi32>
    %ne3A_64 = arith.constant 0 : i32
    %ne3A_65 = vector.broadcast %ne3A_64 : i32 to vector<256x128xi32>
    %ne3A_66 = arith.cmpi ne, %rem3A_63, %ne3A_65 : vector<256x128xi32>
    %and3A_67 = arith.andi %ne3A_61, %ne3A_66 : vector<256x128xi1>
    %sub3A_68 = arith.constant 1 : i32
    %sub3A_69 = vector.broadcast %sub3A_68 : i32 to vector<256x128xi32>
    %sub3A_70 = arith.subi %div3A_43, %sub3A_69 : vector<256x128xi32>
    %select_n3A_71 = arith.select %and3A_67, %sub3A_70, %div3A_43 : vector<256x128xi1>, vector<256x128xi32>
    %eq3A = arith.cmpi eq, %select_n3A, %select_n3A_71 : vector<256x128xi32>
    %convert_element_type3A_72 = arith.extui %eq3A : vector<256x128xi1> to vector<256x128xi32>
    %convert_element_type3A_73 = arith.sitofp %convert_element_type3A_72 : vector<256x128xi32> to vector<256x128xf32>
    %slice3A_74 = vector.extract_strided_slice %concatenate3A_11 {offsets = [0, 0], sizes = [256, 8], strides = [1, 1]} : vector<6400x8xf32> to vector<256x8xf32>
    %slice3A_75 = vector.extract_strided_slice %get3A_14 {offsets = [0, 0], sizes = [8, 384], strides = [1, 1]} : vector<8x9600xf32> to vector<8x384xf32>
    %dot_general3A = arith.constant dense<0.000000e+00> : vector<256x384xf32>
    %dot_general3A_76 = tpu.matmul %slice3A_74, %slice3A_75, %dot_general3A {dimension_numbers = #tpu.dot_dimension_numbers<[1], [0], [0], [1], [0, 0, 1, 1], [], []>, transpose_lhs_hint = false} : vector<256x8xf32>, vector<8x384xf32>, vector<256x384xf32> -> vector<256x384xf32>
    %slice3A_77 = vector.extract_strided_slice %dot_general3A_76 {offsets = [0, 0], sizes = [256, 128], strides = [1, 1]} : vector<256x384xf32> to vector<256x128xf32>
    %slice3A_78 = vector.extract_strided_slice %dot_general3A_76 {offsets = [0, 128], sizes = [256, 128], strides = [1, 1]} : vector<256x384xf32> to vector<256x128xf32>
    %slice3A_79 = vector.extract_strided_slice %dot_general3A_76 {offsets = [0, 256], sizes = [256, 128], strides = [1, 1]} : vector<256x384xf32> to vector<256x128xf32>
    %mul3A = arith.mulf %slice3A_77, %slice3A_77 : vector<256x128xf32>
    %mul3A_80 = arith.mulf %slice3A_78, %slice3A_78 : vector<256x128xf32>
    %add3A = arith.addf %mul3A, %mul3A_80 : vector<256x128xf32>
    %mul3A_81 = arith.mulf %slice3A_79, %slice3A_79 : vector<256x128xf32>
    %add3A_82 = arith.addf %add3A, %mul3A_81 : vector<256x128xf32>
    %sqrt3A = math.sqrt %add3A_82 : vector<256x128xf32>
    %mul3A_83 = arith.constant 0.833333313 : f32
    %mul3A_84 = vector.broadcast %mul3A_83 : f32 to vector<256x128xf32>
    %mul3A_85 = arith.mulf %sqrt3A, %mul3A_84 : vector<256x128xf32>
    %sub3A_86 = arith.constant 1.000000e+00 : f32
    %sub3A_87 = vector.broadcast %sub3A_86 : f32 to vector<256x128xf32>
    %sub3A_88 = arith.subf %sub3A_87, %mul3A_85 : vector<256x128xf32>
    %max3A = arith.constant 0.000000e+00 : f32
    %max3A_89 = vector.broadcast %max3A : f32 to vector<256x128xf32>
    %max3A_90 = arith.maximumf %sub3A_88, %max3A_89 : vector<256x128xf32>
    %mul3A_91 = arith.mulf %max3A_90, %convert_element_type3A_73 : vector<256x128xf32>
    %slice3A_92 = vector.extract_strided_slice %concatenate3A {offsets = [0, 0], sizes = [256, 128], strides = [1, 1]} : vector<6400x128xf32> to vector<256x128xf32>
    %dot_general3A_93 = arith.constant dense<0.000000e+00> : vector<128x128xf32>
    %dot_general3A_94 = tpu.matmul %mul3A_91, %slice3A_92, %dot_general3A_93 {dimension_numbers = #tpu.dot_dimension_numbers<[0], [0], [1], [1], [0, 1, 1, 1], [], []>, transpose_lhs_hint = false} : vector<256x128xf32>, vector<256x128xf32>, vector<128x128xf32> -> vector<128x128xf32>
    %slice3A_95 = vector.extract_strided_slice %concatenate3A_11 {offsets = [256, 0], sizes = [256, 8], strides = [1, 1]} : vector<6400x8xf32> to vector<256x8xf32>
    %slice3A_96 = vector.extract_strided_slice %get3A_14 {offsets = [0, 384], sizes = [8, 384], strides = [1, 1]} : vector<8x9600xf32> to vector<8x384xf32>
    %dot_general3A_97 = arith.constant dense<0.000000e+00> : vector<256x384xf32>
    %dot_general3A_98 = tpu.matmul %slice3A_95, %slice3A_96, %dot_general3A_97 {dimension_numbers = #tpu.dot_dimension_numbers<[1], [0], [0], [1], [0, 0, 1, 1], [], []>, transpose_lhs_hint = false} : vector<256x8xf32>, vector<8x384xf32>, vector<256x384xf32> -> vector<256x384xf32>
    %slice3A_99 = vector.extract_strided_slice %dot_general3A_98 {offsets = [0, 0], sizes = [256, 128], strides = [1, 1]} : vector<256x384xf32> to vector<256x128xf32>
    %slice3A_100 = vector.extract_strided_slice %dot_general3A_98 {offsets = [0, 128], sizes = [256, 128], strides = [1, 1]} : vector<256x384xf32> to vector<256x128xf32>
    %slice3A_101 = vector.extract_strided_slice %dot_general3A_98 {offsets = [0, 256], sizes = [256, 128], strides = [1, 1]} : vector<256x384xf32> to vector<256x128xf32>
    %mul3A_102 = arith.mulf %slice3A_99, %slice3A_99 : vector<256x128xf32>
    %mul3A_103 = arith.mulf %slice3A_100, %slice3A_100 : vector<256x128xf32>
    %add3A_104 = arith.addf %mul3A_102, %mul3A_103 : vector<256x128xf32>
    %mul3A_105 = arith.mulf %slice3A_101, %slice3A_101 : vector<256x128xf32>
    %add3A_106 = arith.addf %add3A_104, %mul3A_105 : vector<256x128xf32>
    %sqrt3A_107 = math.sqrt %add3A_106 : vector<256x128xf32>
    %mul3A_108 = arith.constant 0.833333313 : f32
    %mul3A_109 = vector.broadcast %mul3A_108 : f32 to vector<256x128xf32>
    %mul3A_110 = arith.mulf %sqrt3A_107, %mul3A_109 : vector<256x128xf32>
    %sub3A_111 = arith.constant 1.000000e+00 : f32
    %sub3A_112 = vector.broadcast %sub3A_111 : f32 to vector<256x128xf32>
    %sub3A_113 = arith.subf %sub3A_112, %mul3A_110 : vector<256x128xf32>
    %max3A_114 = arith.constant 0.000000e+00 : f32
    %max3A_115 = vector.broadcast %max3A_114 : f32 to vector<256x128xf32>
    %max3A_116 = arith.maximumf %sub3A_113, %max3A_115 : vector<256x128xf32>
    %mul3A_117 = arith.mulf %max3A_116, %convert_element_type3A_73 : vector<256x128xf32>
    %slice3A_118 = vector.extract_strided_slice %concatenate3A {offsets = [256, 0], sizes = [256, 128], strides = [1, 1]} : vector<6400x128xf32> to vector<256x128xf32>
    %dot_general3A_119 = arith.constant dense<0.000000e+00> : vector<128x128xf32>
    %dot_general3A_120 = tpu.matmul %mul3A_117, %slice3A_118, %dot_general3A_119 {dimension_numbers = #tpu.dot_dimension_numbers<[0], [0], [1], [1], [0, 1, 1, 1], [], []>, transpose_lhs_hint = false} : vector<256x128xf32>, vector<256x128xf32>, vector<128x128xf32> -> vector<128x128xf32>
    %slice3A_121 = vector.extract_strided_slice %concatenate3A_11 {offsets = [512, 0], sizes = [256, 8], strides = [1, 1]} : vector<6400x8xf32> to vector<256x8xf32>
    %slice3A_122 = vector.extract_strided_slice %get3A_14 {offsets = [0, 768], sizes = [8, 384], strides = [1, 1]} : vector<8x9600xf32> to vector<8x384xf32>
    %dot_general3A_123 = arith.constant dense<0.000000e+00> : vector<256x384xf32>
    %dot_general3A_124 = tpu.matmul %slice3A_121, %slice3A_122, %dot_general3A_123 {dimension_numbers = #tpu.dot_dimension_numbers<[1], [0], [0], [1], [0, 0, 1, 1], [], []>, transpose_lhs_hint = false} : vector<256x8xf32>, vector<8x384xf32>, vector<256x384xf32> -> vector<256x384xf32>
    %slice3A_125 = vector.extract_strided_slice %dot_general3A_124 {offsets = [0, 0], sizes = [256, 128], strides = [1, 1]} : vector<256x384xf32> to vector<256x128xf32>
    %slice3A_126 = vector.extract_strided_slice %dot_general3A_124 {offsets = [0, 128], sizes = [256, 128], strides = [1, 1]} : vector<256x384xf32> to vector<256x128xf32>
    %slice3A_127 = vector.extract_strided_slice %dot_general3A_124 {offsets = [0, 256], sizes = [256, 128], strides = [1, 1]} : vector<256x384xf32> to vector<256x128xf32>
    %mul3A_128 = arith.mulf %slice3A_125, %slice3A_125 : vector<256x128xf32>
    %mul3A_129 = arith.mulf %slice3A_126, %slice3A_126 : vector<256x128xf32>
    %add3A_130 = arith.addf %mul3A_128, %mul3A_129 : vector<256x128xf32>
    %mul3A_131 = arith.mulf %slice3A_127, %slice3A_127 : vector<256x128xf32>
    %add3A_132 = arith.addf %add3A_130, %mul3A_131 : vector<256x128xf32>
    %sqrt3A_133 = math.sqrt %add3A_132 : vector<256x128xf32>
    %mul3A_134 = arith.constant 0.833333313 : f32
    %mul3A_135 = vector.broadcast %mul3A_134 : f32 to vector<256x128xf32>
    %mul3A_136 = arith.mulf %sqrt3A_133, %mul3A_135 : vector<256x128xf32>
    %sub3A_137 = arith.constant 1.000000e+00 : f32
    %sub3A_138 = vector.broadcast %sub3A_137 : f32 to vector<256x128xf32>
    %sub3A_139 = arith.subf %sub3A_138, %mul3A_136 : vector<256x128xf32>
    %max3A_140 = arith.constant 0.000000e+00 : f32
    %max3A_141 = vector.broadcast %max3A_140 : f32 to vector<256x128xf32>
    %max3A_142 = arith.maximumf %sub3A_139, %max3A_141 : vector<256x128xf32>
    %mul3A_143 = arith.mulf %max3A_142, %convert_element_type3A_73 : vector<256x128xf32>
    %slice3A_144 = vector.extract_strided_slice %concatenate3A {offsets = [512, 0], sizes = [256, 128], strides = [1, 1]} : vector<6400x128xf32> to vector<256x128xf32>
    %dot_general3A_145 = arith.constant dense<0.000000e+00> : vector<128x128xf32>
    %dot_general3A_146 = tpu.matmul %mul3A_143, %slice3A_144, %dot_general3A_145 {dimension_numbers = #tpu.dot_dimension_numbers<[0], [0], [1], [1], [0, 1, 1, 1], [], []>, transpose_lhs_hint = false} : vector<256x128xf32>, vector<256x128xf32>, vector<128x128xf32> -> vector<128x128xf32>
    %slice3A_147 = vector.extract_strided_slice %concatenate3A_11 {offsets = [768, 0], sizes = [256, 8], strides = [1, 1]} : vector<6400x8xf32> to vector<256x8xf32>
    %slice3A_148 = vector.extract_strided_slice %get3A_14 {offsets = [0, 1152], sizes = [8, 384], strides = [1, 1]} : vector<8x9600xf32> to vector<8x384xf32>
    %dot_general3A_149 = arith.constant dense<0.000000e+00> : vector<256x384xf32>
    %dot_general3A_150 = tpu.matmul %slice3A_147, %slice3A_148, %dot_general3A_149 {dimension_numbers = #tpu.dot_dimension_numbers<[1], [0], [0], [1], [0, 0, 1, 1], [], []>, transpose_lhs_hint = false} : vector<256x8xf32>, vector<8x384xf32>, vector<256x384xf32> -> vector<256x384xf32>
    %slice3A_151 = vector.extract_strided_slice %dot_general3A_150 {offsets = [0, 0], sizes = [256, 128], strides = [1, 1]} : vector<256x384xf32> to vector<256x128xf32>
    %slice3A_152 = vector.extract_strided_slice %dot_general3A_150 {offsets = [0, 128], sizes = [256, 128], strides = [1, 1]} : vector<256x384xf32> to vector<256x128xf32>
    %slice3A_153 = vector.extract_strided_slice %dot_general3A_150 {offsets = [0, 256], sizes = [256, 128], strides = [1, 1]} : vector<256x384xf32> to vector<256x128xf32>
    %mul3A_154 = arith.mulf %slice3A_151, %slice3A_151 : vector<256x128xf32>
    %mul3A_155 = arith.mulf %slice3A_152, %slice3A_152 : vector<256x128xf32>
    %add3A_156 = arith.addf %mul3A_154, %mul3A_155 : vector<256x128xf32>
    %mul3A_157 = arith.mulf %slice3A_153, %slice3A_153 : vector<256x128xf32>
    %add3A_158 = arith.addf %add3A_156, %mul3A_157 : vector<256x128xf32>
    %sqrt3A_159 = math.sqrt %add3A_158 : vector<256x128xf32>
    %mul3A_160 = arith.constant 0.833333313 : f32
    %mul3A_161 = vector.broadcast %mul3A_160 : f32 to vector<256x128xf32>
    %mul3A_162 = arith.mulf %sqrt3A_159, %mul3A_161 : vector<256x128xf32>
    %sub3A_163 = arith.constant 1.000000e+00 : f32
    %sub3A_164 = vector.broadcast %sub3A_163 : f32 to vector<256x128xf32>
    %sub3A_165 = arith.subf %sub3A_164, %mul3A_162 : vector<256x128xf32>
    %max3A_166 = arith.constant 0.000000e+00 : f32
    %max3A_167 = vector.broadcast %max3A_166 : f32 to vector<256x128xf32>
    %max3A_168 = arith.maximumf %sub3A_165, %max3A_167 : vector<256x128xf32>
    %mul3A_169 = arith.mulf %max3A_168, %convert_element_type3A_73 : vector<256x128xf32>
    %slice3A_170 = vector.extract_strided_slice %concatenate3A {offsets = [768, 0], sizes = [256, 128], strides = [1, 1]} : vector<6400x128xf32> to vector<256x128xf32>
    %dot_general3A_171 = arith.constant dense<0.000000e+00> : vector<128x128xf32>
    %dot_general3A_172 = tpu.matmul %mul3A_169, %slice3A_170, %dot_general3A_171 {dimension_numbers = #tpu.dot_dimension_numbers<[0], [0], [1], [1], [0, 1, 1, 1], [], []>, transpose_lhs_hint = false} : vector<256x128xf32>, vector<256x128xf32>, vector<128x128xf32> -> vector<128x128xf32>
    %slice3A_173 = vector.extract_strided_slice %concatenate3A_11 {offsets = [1024, 0], sizes = [256, 8], strides = [1, 1]} : vector<6400x8xf32> to vector<256x8xf32>
    %slice3A_174 = vector.extract_strided_slice %get3A_14 {offsets = [0, 1536], sizes = [8, 384], strides = [1, 1]} : vector<8x9600xf32> to vector<8x384xf32>
    %dot_general3A_175 = arith.constant dense<0.000000e+00> : vector<256x384xf32>
    %dot_general3A_176 = tpu.matmul %slice3A_173, %slice3A_174, %dot_general3A_175 {dimension_numbers = #tpu.dot_dimension_numbers<[1], [0], [0], [1], [0, 0, 1, 1], [], []>, transpose_lhs_hint = false} : vector<256x8xf32>, vector<8x384xf32>, vector<256x384xf32> -> vector<256x384xf32>
    %slice3A_177 = vector.extract_strided_slice %dot_general3A_176 {offsets = [0, 0], sizes = [256, 128], strides = [1, 1]} : vector<256x384xf32> to vector<256x128xf32>
    %slice3A_178 = vector.extract_strided_slice %dot_general3A_176 {offsets = [0, 128], sizes = [256, 128], strides = [1, 1]} : vector<256x384xf32> to vector<256x128xf32>
    %slice3A_179 = vector.extract_strided_slice %dot_general3A_176 {offsets = [0, 256], sizes = [256, 128], strides = [1, 1]} : vector<256x384xf32> to vector<256x128xf32>
    %mul3A_180 = arith.mulf %slice3A_177, %slice3A_177 : vector<256x128xf32>
    %mul3A_181 = arith.mulf %slice3A_178, %slice3A_178 : vector<256x128xf32>
    %add3A_182 = arith.addf %mul3A_180, %mul3A_181 : vector<256x128xf32>
    %mul3A_183 = arith.mulf %slice3A_179, %slice3A_179 : vector<256x128xf32>
    %add3A_184 = arith.addf %add3A_182, %mul3A_183 : vector<256x128xf32>
    %sqrt3A_185 = math.sqrt %add3A_184 : vector<256x128xf32>
    %mul3A_186 = arith.constant 0.833333313 : f32
    %mul3A_187 = vector.broadcast %mul3A_186 : f32 to vector<256x128xf32>
    %mul3A_188 = arith.mulf %sqrt3A_185, %mul3A_187 : vector<256x128xf32>
    %sub3A_189 = arith.constant 1.000000e+00 : f32
    %sub3A_190 = vector.broadcast %sub3A_189 : f32 to vector<256x128xf32>
    %sub3A_191 = arith.subf %sub3A_190, %mul3A_188 : vector<256x128xf32>
    %max3A_192 = arith.constant 0.000000e+00 : f32
    %max3A_193 = vector.broadcast %max3A_192 : f32 to vector<256x128xf32>
    %max3A_194 = arith.maximumf %sub3A_191, %max3A_193 : vector<256x128xf32>
    %mul3A_195 = arith.mulf %max3A_194, %convert_element_type3A_73 : vector<256x128xf32>
    %slice3A_196 = vector.extract_strided_slice %concatenate3A {offsets = [1024, 0], sizes = [256, 128], strides = [1, 1]} : vector<6400x128xf32> to vector<256x128xf32>
    %dot_general3A_197 = arith.constant dense<0.000000e+00> : vector<128x128xf32>
    %dot_general3A_198 = tpu.matmul %mul3A_195, %slice3A_196, %dot_general3A_197 {dimension_numbers = #tpu.dot_dimension_numbers<[0], [0], [1], [1], [0, 1, 1, 1], [], []>, transpose_lhs_hint = false} : vector<256x128xf32>, vector<256x128xf32>, vector<128x128xf32> -> vector<128x128xf32>
    %slice3A_199 = vector.extract_strided_slice %concatenate3A_11 {offsets = [1280, 0], sizes = [256, 8], strides = [1, 1]} : vector<6400x8xf32> to vector<256x8xf32>
    %slice3A_200 = vector.extract_strided_slice %get3A_14 {offsets = [0, 1920], sizes = [8, 384], strides = [1, 1]} : vector<8x9600xf32> to vector<8x384xf32>
    %dot_general3A_201 = arith.constant dense<0.000000e+00> : vector<256x384xf32>
    %dot_general3A_202 = tpu.matmul %slice3A_199, %slice3A_200, %dot_general3A_201 {dimension_numbers = #tpu.dot_dimension_numbers<[1], [0], [0], [1], [0, 0, 1, 1], [], []>, transpose_lhs_hint = false} : vector<256x8xf32>, vector<8x384xf32>, vector<256x384xf32> -> vector<256x384xf32>
    %slice3A_203 = vector.extract_strided_slice %dot_general3A_202 {offsets = [0, 0], sizes = [256, 128], strides = [1, 1]} : vector<256x384xf32> to vector<256x128xf32>
    %slice3A_204 = vector.extract_strided_slice %dot_general3A_202 {offsets = [0, 128], sizes = [256, 128], strides = [1, 1]} : vector<256x384xf32> to vector<256x128xf32>
    %slice3A_205 = vector.extract_strided_slice %dot_general3A_202 {offsets = [0, 256], sizes = [256, 128], strides = [1, 1]} : vector<256x384xf32> to vector<256x128xf32>
    %mul3A_206 = arith.mulf %slice3A_203, %slice3A_203 : vector<256x128xf32>
    %mul3A_207 = arith.mulf %slice3A_204, %slice3A_204 : vector<256x128xf32>
    %add3A_208 = arith.addf %mul3A_206, %mul3A_207 : vector<256x128xf32>
    %mul3A_209 = arith.mulf %slice3A_205, %slice3A_205 : vector<256x128xf32>
    %add3A_210 = arith.addf %add3A_208, %mul3A_209 : vector<256x128xf32>
    %sqrt3A_211 = math.sqrt %add3A_210 : vector<256x128xf32>
    %mul3A_212 = arith.constant 0.833333313 : f32
    %mul3A_213 = vector.broadcast %mul3A_212 : f32 to vector<256x128xf32>
    %mul3A_214 = arith.mulf %sqrt3A_211, %mul3A_213 : vector<256x128xf32>
    %sub3A_215 = arith.constant 1.000000e+00 : f32
    %sub3A_216 = vector.broadcast %sub3A_215 : f32 to vector<256x128xf32>
    %sub3A_217 = arith.subf %sub3A_216, %mul3A_214 : vector<256x128xf32>
    %max3A_218 = arith.constant 0.000000e+00 : f32
    %max3A_219 = vector.broadcast %max3A_218 : f32 to vector<256x128xf32>
    %max3A_220 = arith.maximumf %sub3A_217, %max3A_219 : vector<256x128xf32>
    %mul3A_221 = arith.mulf %max3A_220, %convert_element_type3A_73 : vector<256x128xf32>
    %slice3A_222 = vector.extract_strided_slice %concatenate3A {offsets = [1280, 0], sizes = [256, 128], strides = [1, 1]} : vector<6400x128xf32> to vector<256x128xf32>
    %dot_general3A_223 = arith.constant dense<0.000000e+00> : vector<128x128xf32>
    %dot_general3A_224 = tpu.matmul %mul3A_221, %slice3A_222, %dot_general3A_223 {dimension_numbers = #tpu.dot_dimension_numbers<[0], [0], [1], [1], [0, 1, 1, 1], [], []>, transpose_lhs_hint = false} : vector<256x128xf32>, vector<256x128xf32>, vector<128x128xf32> -> vector<128x128xf32>
    %slice3A_225 = vector.extract_strided_slice %concatenate3A_11 {offsets = [1536, 0], sizes = [256, 8], strides = [1, 1]} : vector<6400x8xf32> to vector<256x8xf32>
    %slice3A_226 = vector.extract_strided_slice %get3A_14 {offsets = [0, 2304], sizes = [8, 384], strides = [1, 1]} : vector<8x9600xf32> to vector<8x384xf32>
    %dot_general3A_227 = arith.constant dense<0.000000e+00> : vector<256x384xf32>
    %dot_general3A_228 = tpu.matmul %slice3A_225, %slice3A_226, %dot_general3A_227 {dimension_numbers = #tpu.dot_dimension_numbers<[1], [0], [0], [1], [0, 0, 1, 1], [], []>, transpose_lhs_hint = false} : vector<256x8xf32>, vector<8x384xf32>, vector<256x384xf32> -> vector<256x384xf32>
    %slice3A_229 = vector.extract_strided_slice %dot_general3A_228 {offsets = [0, 0], sizes = [256, 128], strides = [1, 1]} : vector<256x384xf32> to vector<256x128xf32>
    %slice3A_230 = vector.extract_strided_slice %dot_general3A_228 {offsets = [0, 128], sizes = [256, 128], strides = [1, 1]} : vector<256x384xf32> to vector<256x128xf32>
    %slice3A_231 = vector.extract_strided_slice %dot_general3A_228 {offsets = [0, 256], sizes = [256, 128], strides = [1, 1]} : vector<256x384xf32> to vector<256x128xf32>
    %mul3A_232 = arith.mulf %slice3A_229, %slice3A_229 : vector<256x128xf32>
    %mul3A_233 = arith.mulf %slice3A_230, %slice3A_230 : vector<256x128xf32>
    %add3A_234 = arith.addf %mul3A_232, %mul3A_233 : vector<256x128xf32>
    %mul3A_235 = arith.mulf %slice3A_231, %slice3A_231 : vector<256x128xf32>
    %add3A_236 = arith.addf %add3A_234, %mul3A_235 : vector<256x128xf32>
    %sqrt3A_237 = math.sqrt %add3A_236 : vector<256x128xf32>
    %mul3A_238 = arith.constant 0.833333313 : f32
    %mul3A_239 = vector.broadcast %mul3A_238 : f32 to vector<256x128xf32>
    %mul3A_240 = arith.mulf %sqrt3A_237, %mul3A_239 : vector<256x128xf32>
    %sub3A_241 = arith.constant 1.000000e+00 : f32
    %sub3A_242 = vector.broadcast %sub3A_241 : f32 to vector<256x128xf32>
    %sub3A_243 = arith.subf %sub3A_242, %mul3A_240 : vector<256x128xf32>
    %max3A_244 = arith.constant 0.000000e+00 : f32
    %max3A_245 = vector.broadcast %max3A_244 : f32 to vector<256x128xf32>
    %max3A_246 = arith.maximumf %sub3A_243, %max3A_245 : vector<256x128xf32>
    %mul3A_247 = arith.mulf %max3A_246, %convert_element_type3A_73 : vector<256x128xf32>
    %slice3A_248 = vector.extract_strided_slice %concatenate3A {offsets = [1536, 0], sizes = [256, 128], strides = [1, 1]} : vector<6400x128xf32> to vector<256x128xf32>
    %dot_general3A_249 = arith.constant dense<0.000000e+00> : vector<128x128xf32>
    %dot_general3A_250 = tpu.matmul %mul3A_247, %slice3A_248, %dot_general3A_249 {dimension_numbers = #tpu.dot_dimension_numbers<[0], [0], [1], [1], [0, 1, 1, 1], [], []>, transpose_lhs_hint = false} : vector<256x128xf32>, vector<256x128xf32>, vector<128x128xf32> -> vector<128x128xf32>
    %slice3A_251 = vector.extract_strided_slice %concatenate3A_11 {offsets = [1792, 0], sizes = [256, 8], strides = [1, 1]} : vector<6400x8xf32> to vector<256x8xf32>
    %slice3A_252 = vector.extract_strided_slice %get3A_14 {offsets = [0, 2688], sizes = [8, 384], strides = [1, 1]} : vector<8x9600xf32> to vector<8x384xf32>
    %dot_general3A_253 = arith.constant dense<0.000000e+00> : vector<256x384xf32>
    %dot_general3A_254 = tpu.matmul %slice3A_251, %slice3A_252, %dot_general3A_253 {dimension_numbers = #tpu.dot_dimension_numbers<[1], [0], [0], [1], [0, 0, 1, 1], [], []>, transpose_lhs_hint = false} : vector<256x8xf32>, vector<8x384xf32>, vector<256x384xf32> -> vector<256x384xf32>
    %slice3A_255 = vector.extract_strided_slice %dot_general3A_254 {offsets = [0, 0], sizes = [256, 128], strides = [1, 1]} : vector<256x384xf32> to vector<256x128xf32>
    %slice3A_256 = vector.extract_strided_slice %dot_general3A_254 {offsets = [0, 128], sizes = [256, 128], strides = [1, 1]} : vector<256x384xf32> to vector<256x128xf32>
    %slice3A_257 = vector.extract_strided_slice %dot_general3A_254 {offsets = [0, 256], sizes = [256, 128], strides = [1, 1]} : vector<256x384xf32> to vector<256x128xf32>
    %mul3A_258 = arith.mulf %slice3A_255, %slice3A_255 : vector<256x128xf32>
    %mul3A_259 = arith.mulf %slice3A_256, %slice3A_256 : vector<256x128xf32>
    %add3A_260 = arith.addf %mul3A_258, %mul3A_259 : vector<256x128xf32>
    %mul3A_261 = arith.mulf %slice3A_257, %slice3A_257 : vector<256x128xf32>
    %add3A_262 = arith.addf %add3A_260, %mul3A_261 : vector<256x128xf32>
    %sqrt3A_263 = math.sqrt %add3A_262 : vector<256x128xf32>
    %mul3A_264 = arith.constant 0.833333313 : f32
    %mul3A_265 = vector.broadcast %mul3A_264 : f32 to vector<256x128xf32>
    %mul3A_266 = arith.mulf %sqrt3A_263, %mul3A_265 : vector<256x128xf32>
    %sub3A_267 = arith.constant 1.000000e+00 : f32
    %sub3A_268 = vector.broadcast %sub3A_267 : f32 to vector<256x128xf32>
    %sub3A_269 = arith.subf %sub3A_268, %mul3A_266 : vector<256x128xf32>
    %max3A_270 = arith.constant 0.000000e+00 : f32
    %max3A_271 = vector.broadcast %max3A_270 : f32 to vector<256x128xf32>
    %max3A_272 = arith.maximumf %sub3A_269, %max3A_271 : vector<256x128xf32>
    %mul3A_273 = arith.mulf %max3A_272, %convert_element_type3A_73 : vector<256x128xf32>
    %slice3A_274 = vector.extract_strided_slice %concatenate3A {offsets = [1792, 0], sizes = [256, 128], strides = [1, 1]} : vector<6400x128xf32> to vector<256x128xf32>
    %dot_general3A_275 = arith.constant dense<0.000000e+00> : vector<128x128xf32>
    %dot_general3A_276 = tpu.matmul %mul3A_273, %slice3A_274, %dot_general3A_275 {dimension_numbers = #tpu.dot_dimension_numbers<[0], [0], [1], [1], [0, 1, 1, 1], [], []>, transpose_lhs_hint = false} : vector<256x128xf32>, vector<256x128xf32>, vector<128x128xf32> -> vector<128x128xf32>
    %slice3A_277 = vector.extract_strided_slice %concatenate3A_11 {offsets = [2048, 0], sizes = [256, 8], strides = [1, 1]} : vector<6400x8xf32> to vector<256x8xf32>
    %slice3A_278 = vector.extract_strided_slice %get3A_14 {offsets = [0, 3072], sizes = [8, 384], strides = [1, 1]} : vector<8x9600xf32> to vector<8x384xf32>
    %dot_general3A_279 = arith.constant dense<0.000000e+00> : vector<256x384xf32>
    %dot_general3A_280 = tpu.matmul %slice3A_277, %slice3A_278, %dot_general3A_279 {dimension_numbers = #tpu.dot_dimension_numbers<[1], [0], [0], [1], [0, 0, 1, 1], [], []>, transpose_lhs_hint = false} : vector<256x8xf32>, vector<8x384xf32>, vector<256x384xf32> -> vector<256x384xf32>
    %slice3A_281 = vector.extract_strided_slice %dot_general3A_280 {offsets = [0, 0], sizes = [256, 128], strides = [1, 1]} : vector<256x384xf32> to vector<256x128xf32>
    %slice3A_282 = vector.extract_strided_slice %dot_general3A_280 {offsets = [0, 128], sizes = [256, 128], strides = [1, 1]} : vector<256x384xf32> to vector<256x128xf32>
    %slice3A_283 = vector.extract_strided_slice %dot_general3A_280 {offsets = [0, 256], sizes = [256, 128], strides = [1, 1]} : vector<256x384xf32> to vector<256x128xf32>
    %mul3A_284 = arith.mulf %slice3A_281, %slice3A_281 : vector<256x128xf32>
    %mul3A_285 = arith.mulf %slice3A_282, %slice3A_282 : vector<256x128xf32>
    %add3A_286 = arith.addf %mul3A_284, %mul3A_285 : vector<256x128xf32>
    %mul3A_287 = arith.mulf %slice3A_283, %slice3A_283 : vector<256x128xf32>
    %add3A_288 = arith.addf %add3A_286, %mul3A_287 : vector<256x128xf32>
    %sqrt3A_289 = math.sqrt %add3A_288 : vector<256x128xf32>
    %mul3A_290 = arith.constant 0.833333313 : f32
    %mul3A_291 = vector.broadcast %mul3A_290 : f32 to vector<256x128xf32>
    %mul3A_292 = arith.mulf %sqrt3A_289, %mul3A_291 : vector<256x128xf32>
    %sub3A_293 = arith.constant 1.000000e+00 : f32
    %sub3A_294 = vector.broadcast %sub3A_293 : f32 to vector<256x128xf32>
    %sub3A_295 = arith.subf %sub3A_294, %mul3A_292 : vector<256x128xf32>
    %max3A_296 = arith.constant 0.000000e+00 : f32
    %max3A_297 = vector.broadcast %max3A_296 : f32 to vector<256x128xf32>
    %max3A_298 = arith.maximumf %sub3A_295, %max3A_297 : vector<256x128xf32>
    %mul3A_299 = arith.mulf %max3A_298, %convert_element_type3A_73 : vector<256x128xf32>
    %slice3A_300 = vector.extract_strided_slice %concatenate3A {offsets = [2048, 0], sizes = [256, 128], strides = [1, 1]} : vector<6400x128xf32> to vector<256x128xf32>
    %dot_general3A_301 = arith.constant dense<0.000000e+00> : vector<128x128xf32>
    %dot_general3A_302 = tpu.matmul %mul3A_299, %slice3A_300, %dot_general3A_301 {dimension_numbers = #tpu.dot_dimension_numbers<[0], [0], [1], [1], [0, 1, 1, 1], [], []>, transpose_lhs_hint = false} : vector<256x128xf32>, vector<256x128xf32>, vector<128x128xf32> -> vector<128x128xf32>
    %slice3A_303 = vector.extract_strided_slice %concatenate3A_11 {offsets = [2304, 0], sizes = [256, 8], strides = [1, 1]} : vector<6400x8xf32> to vector<256x8xf32>
    %slice3A_304 = vector.extract_strided_slice %get3A_14 {offsets = [0, 3456], sizes = [8, 384], strides = [1, 1]} : vector<8x9600xf32> to vector<8x384xf32>
    %dot_general3A_305 = arith.constant dense<0.000000e+00> : vector<256x384xf32>
    %dot_general3A_306 = tpu.matmul %slice3A_303, %slice3A_304, %dot_general3A_305 {dimension_numbers = #tpu.dot_dimension_numbers<[1], [0], [0], [1], [0, 0, 1, 1], [], []>, transpose_lhs_hint = false} : vector<256x8xf32>, vector<8x384xf32>, vector<256x384xf32> -> vector<256x384xf32>
    %slice3A_307 = vector.extract_strided_slice %dot_general3A_306 {offsets = [0, 0], sizes = [256, 128], strides = [1, 1]} : vector<256x384xf32> to vector<256x128xf32>
    %slice3A_308 = vector.extract_strided_slice %dot_general3A_306 {offsets = [0, 128], sizes = [256, 128], strides = [1, 1]} : vector<256x384xf32> to vector<256x128xf32>
    %slice3A_309 = vector.extract_strided_slice %dot_general3A_306 {offsets = [0, 256], sizes = [256, 128], strides = [1, 1]} : vector<256x384xf32> to vector<256x128xf32>
    %mul3A_310 = arith.mulf %slice3A_307, %slice3A_307 : vector<256x128xf32>
    %mul3A_311 = arith.mulf %slice3A_308, %slice3A_308 : vector<256x128xf32>
    %add3A_312 = arith.addf %mul3A_310, %mul3A_311 : vector<256x128xf32>
    %mul3A_313 = arith.mulf %slice3A_309, %slice3A_309 : vector<256x128xf32>
    %add3A_314 = arith.addf %add3A_312, %mul3A_313 : vector<256x128xf32>
    %sqrt3A_315 = math.sqrt %add3A_314 : vector<256x128xf32>
    %mul3A_316 = arith.constant 0.833333313 : f32
    %mul3A_317 = vector.broadcast %mul3A_316 : f32 to vector<256x128xf32>
    %mul3A_318 = arith.mulf %sqrt3A_315, %mul3A_317 : vector<256x128xf32>
    %sub3A_319 = arith.constant 1.000000e+00 : f32
    %sub3A_320 = vector.broadcast %sub3A_319 : f32 to vector<256x128xf32>
    %sub3A_321 = arith.subf %sub3A_320, %mul3A_318 : vector<256x128xf32>
    %max3A_322 = arith.constant 0.000000e+00 : f32
    %max3A_323 = vector.broadcast %max3A_322 : f32 to vector<256x128xf32>
    %max3A_324 = arith.maximumf %sub3A_321, %max3A_323 : vector<256x128xf32>
    %mul3A_325 = arith.mulf %max3A_324, %convert_element_type3A_73 : vector<256x128xf32>
    %slice3A_326 = vector.extract_strided_slice %concatenate3A {offsets = [2304, 0], sizes = [256, 128], strides = [1, 1]} : vector<6400x128xf32> to vector<256x128xf32>
    %dot_general3A_327 = arith.constant dense<0.000000e+00> : vector<128x128xf32>
    %dot_general3A_328 = tpu.matmul %mul3A_325, %slice3A_326, %dot_general3A_327 {dimension_numbers = #tpu.dot_dimension_numbers<[0], [0], [1], [1], [0, 1, 1, 1], [], []>, transpose_lhs_hint = false} : vector<256x128xf32>, vector<256x128xf32>, vector<128x128xf32> -> vector<128x128xf32>
    %slice3A_329 = vector.extract_strided_slice %concatenate3A_11 {offsets = [2560, 0], sizes = [256, 8], strides = [1, 1]} : vector<6400x8xf32> to vector<256x8xf32>
    %slice3A_330 = vector.extract_strided_slice %get3A_14 {offsets = [0, 3840], sizes = [8, 384], strides = [1, 1]} : vector<8x9600xf32> to vector<8x384xf32>
    %dot_general3A_331 = arith.constant dense<0.000000e+00> : vector<256x384xf32>
    %dot_general3A_332 = tpu.matmul %slice3A_329, %slice3A_330, %dot_general3A_331 {dimension_numbers = #tpu.dot_dimension_numbers<[1], [0], [0], [1], [0, 0, 1, 1], [], []>, transpose_lhs_hint = false} : vector<256x8xf32>, vector<8x384xf32>, vector<256x384xf32> -> vector<256x384xf32>
    %slice3A_333 = vector.extract_strided_slice %dot_general3A_332 {offsets = [0, 0], sizes = [256, 128], strides = [1, 1]} : vector<256x384xf32> to vector<256x128xf32>
    %slice3A_334 = vector.extract_strided_slice %dot_general3A_332 {offsets = [0, 128], sizes = [256, 128], strides = [1, 1]} : vector<256x384xf32> to vector<256x128xf32>
    %slice3A_335 = vector.extract_strided_slice %dot_general3A_332 {offsets = [0, 256], sizes = [256, 128], strides = [1, 1]} : vector<256x384xf32> to vector<256x128xf32>
    %mul3A_336 = arith.mulf %slice3A_333, %slice3A_333 : vector<256x128xf32>
    %mul3A_337 = arith.mulf %slice3A_334, %slice3A_334 : vector<256x128xf32>
    %add3A_338 = arith.addf %mul3A_336, %mul3A_337 : vector<256x128xf32>
    %mul3A_339 = arith.mulf %slice3A_335, %slice3A_335 : vector<256x128xf32>
    %add3A_340 = arith.addf %add3A_338, %mul3A_339 : vector<256x128xf32>
    %sqrt3A_341 = math.sqrt %add3A_340 : vector<256x128xf32>
    %mul3A_342 = arith.constant 0.833333313 : f32
    %mul3A_343 = vector.broadcast %mul3A_342 : f32 to vector<256x128xf32>
    %mul3A_344 = arith.mulf %sqrt3A_341, %mul3A_343 : vector<256x128xf32>
    %sub3A_345 = arith.constant 1.000000e+00 : f32
    %sub3A_346 = vector.broadcast %sub3A_345 : f32 to vector<256x128xf32>
    %sub3A_347 = arith.subf %sub3A_346, %mul3A_344 : vector<256x128xf32>
    %max3A_348 = arith.constant 0.000000e+00 : f32
    %max3A_349 = vector.broadcast %max3A_348 : f32 to vector<256x128xf32>
    %max3A_350 = arith.maximumf %sub3A_347, %max3A_349 : vector<256x128xf32>
    %mul3A_351 = arith.mulf %max3A_350, %convert_element_type3A_73 : vector<256x128xf32>
    %slice3A_352 = vector.extract_strided_slice %concatenate3A {offsets = [2560, 0], sizes = [256, 128], strides = [1, 1]} : vector<6400x128xf32> to vector<256x128xf32>
    %dot_general3A_353 = arith.constant dense<0.000000e+00> : vector<128x128xf32>
    %dot_general3A_354 = tpu.matmul %mul3A_351, %slice3A_352, %dot_general3A_353 {dimension_numbers = #tpu.dot_dimension_numbers<[0], [0], [1], [1], [0, 1, 1, 1], [], []>, transpose_lhs_hint = false} : vector<256x128xf32>, vector<256x128xf32>, vector<128x128xf32> -> vector<128x128xf32>
    %slice3A_355 = vector.extract_strided_slice %concatenate3A_11 {offsets = [2816, 0], sizes = [256, 8], strides = [1, 1]} : vector<6400x8xf32> to vector<256x8xf32>
    %slice3A_356 = vector.extract_strided_slice %get3A_14 {offsets = [0, 4224], sizes = [8, 384], strides = [1, 1]} : vector<8x9600xf32> to vector<8x384xf32>
    %dot_general3A_357 = arith.constant dense<0.000000e+00> : vector<256x384xf32>
    %dot_general3A_358 = tpu.matmul %slice3A_355, %slice3A_356, %dot_general3A_357 {dimension_numbers = #tpu.dot_dimension_numbers<[1], [0], [0], [1], [0, 0, 1, 1], [], []>, transpose_lhs_hint = false} : vector<256x8xf32>, vector<8x384xf32>, vector<256x384xf32> -> vector<256x384xf32>
    %slice3A_359 = vector.extract_strided_slice %dot_general3A_358 {offsets = [0, 0], sizes = [256, 128], strides = [1, 1]} : vector<256x384xf32> to vector<256x128xf32>
    %slice3A_360 = vector.extract_strided_slice %dot_general3A_358 {offsets = [0, 128], sizes = [256, 128], strides = [1, 1]} : vector<256x384xf32> to vector<256x128xf32>
    %slice3A_361 = vector.extract_strided_slice %dot_general3A_358 {offsets = [0, 256], sizes = [256, 128], strides = [1, 1]} : vector<256x384xf32> to vector<256x128xf32>
    %mul3A_362 = arith.mulf %slice3A_359, %slice3A_359 : vector<256x128xf32>
    %mul3A_363 = arith.mulf %slice3A_360, %slice3A_360 : vector<256x128xf32>
    %add3A_364 = arith.addf %mul3A_362, %mul3A_363 : vector<256x128xf32>
    %mul3A_365 = arith.mulf %slice3A_361, %slice3A_361 : vector<256x128xf32>
    %add3A_366 = arith.addf %add3A_364, %mul3A_365 : vector<256x128xf32>
    %sqrt3A_367 = math.sqrt %add3A_366 : vector<256x128xf32>
    %mul3A_368 = arith.constant 0.833333313 : f32
    %mul3A_369 = vector.broadcast %mul3A_368 : f32 to vector<256x128xf32>
    %mul3A_370 = arith.mulf %sqrt3A_367, %mul3A_369 : vector<256x128xf32>
    %sub3A_371 = arith.constant 1.000000e+00 : f32
    %sub3A_372 = vector.broadcast %sub3A_371 : f32 to vector<256x128xf32>
    %sub3A_373 = arith.subf %sub3A_372, %mul3A_370 : vector<256x128xf32>
    %max3A_374 = arith.constant 0.000000e+00 : f32
    %max3A_375 = vector.broadcast %max3A_374 : f32 to vector<256x128xf32>
    %max3A_376 = arith.maximumf %sub3A_373, %max3A_375 : vector<256x128xf32>
    %mul3A_377 = arith.mulf %max3A_376, %convert_element_type3A_73 : vector<256x128xf32>
    %slice3A_378 = vector.extract_strided_slice %concatenate3A {offsets = [2816, 0], sizes = [256, 128], strides = [1, 1]} : vector<6400x128xf32> to vector<256x128xf32>
    %dot_general3A_379 = arith.constant dense<0.000000e+00> : vector<128x128xf32>
    %dot_general3A_380 = tpu.matmul %mul3A_377, %slice3A_378, %dot_general3A_379 {dimension_numbers = #tpu.dot_dimension_numbers<[0], [0], [1], [1], [0, 1, 1, 1], [], []>, transpose_lhs_hint = false} : vector<256x128xf32>, vector<256x128xf32>, vector<128x128xf32> -> vector<128x128xf32>
    %slice3A_381 = vector.extract_strided_slice %concatenate3A_11 {offsets = [3072, 0], sizes = [256, 8], strides = [1, 1]} : vector<6400x8xf32> to vector<256x8xf32>
    %slice3A_382 = vector.extract_strided_slice %get3A_14 {offsets = [0, 4608], sizes = [8, 384], strides = [1, 1]} : vector<8x9600xf32> to vector<8x384xf32>
    %dot_general3A_383 = arith.constant dense<0.000000e+00> : vector<256x384xf32>
    %dot_general3A_384 = tpu.matmul %slice3A_381, %slice3A_382, %dot_general3A_383 {dimension_numbers = #tpu.dot_dimension_numbers<[1], [0], [0], [1], [0, 0, 1, 1], [], []>, transpose_lhs_hint = false} : vector<256x8xf32>, vector<8x384xf32>, vector<256x384xf32> -> vector<256x384xf32>
    %slice3A_385 = vector.extract_strided_slice %dot_general3A_384 {offsets = [0, 0], sizes = [256, 128], strides = [1, 1]} : vector<256x384xf32> to vector<256x128xf32>
    %slice3A_386 = vector.extract_strided_slice %dot_general3A_384 {offsets = [0, 128], sizes = [256, 128], strides = [1, 1]} : vector<256x384xf32> to vector<256x128xf32>
    %slice3A_387 = vector.extract_strided_slice %dot_general3A_384 {offsets = [0, 256], sizes = [256, 128], strides = [1, 1]} : vector<256x384xf32> to vector<256x128xf32>
    %mul3A_388 = arith.mulf %slice3A_385, %slice3A_385 : vector<256x128xf32>
    %mul3A_389 = arith.mulf %slice3A_386, %slice3A_386 : vector<256x128xf32>
    %add3A_390 = arith.addf %mul3A_388, %mul3A_389 : vector<256x128xf32>
    %mul3A_391 = arith.mulf %slice3A_387, %slice3A_387 : vector<256x128xf32>
    %add3A_392 = arith.addf %add3A_390, %mul3A_391 : vector<256x128xf32>
    %sqrt3A_393 = math.sqrt %add3A_392 : vector<256x128xf32>
    %mul3A_394 = arith.constant 0.833333313 : f32
    %mul3A_395 = vector.broadcast %mul3A_394 : f32 to vector<256x128xf32>
    %mul3A_396 = arith.mulf %sqrt3A_393, %mul3A_395 : vector<256x128xf32>
    %sub3A_397 = arith.constant 1.000000e+00 : f32
    %sub3A_398 = vector.broadcast %sub3A_397 : f32 to vector<256x128xf32>
    %sub3A_399 = arith.subf %sub3A_398, %mul3A_396 : vector<256x128xf32>
    %max3A_400 = arith.constant 0.000000e+00 : f32
    %max3A_401 = vector.broadcast %max3A_400 : f32 to vector<256x128xf32>
    %max3A_402 = arith.maximumf %sub3A_399, %max3A_401 : vector<256x128xf32>
    %mul3A_403 = arith.mulf %max3A_402, %convert_element_type3A_73 : vector<256x128xf32>
    %slice3A_404 = vector.extract_strided_slice %concatenate3A {offsets = [3072, 0], sizes = [256, 128], strides = [1, 1]} : vector<6400x128xf32> to vector<256x128xf32>
    %dot_general3A_405 = arith.constant dense<0.000000e+00> : vector<128x128xf32>
    %dot_general3A_406 = tpu.matmul %mul3A_403, %slice3A_404, %dot_general3A_405 {dimension_numbers = #tpu.dot_dimension_numbers<[0], [0], [1], [1], [0, 1, 1, 1], [], []>, transpose_lhs_hint = false} : vector<256x128xf32>, vector<256x128xf32>, vector<128x128xf32> -> vector<128x128xf32>
    %slice3A_407 = vector.extract_strided_slice %concatenate3A_11 {offsets = [3328, 0], sizes = [256, 8], strides = [1, 1]} : vector<6400x8xf32> to vector<256x8xf32>
    %slice3A_408 = vector.extract_strided_slice %get3A_14 {offsets = [0, 4992], sizes = [8, 384], strides = [1, 1]} : vector<8x9600xf32> to vector<8x384xf32>
    %dot_general3A_409 = arith.constant dense<0.000000e+00> : vector<256x384xf32>
    %dot_general3A_410 = tpu.matmul %slice3A_407, %slice3A_408, %dot_general3A_409 {dimension_numbers = #tpu.dot_dimension_numbers<[1], [0], [0], [1], [0, 0, 1, 1], [], []>, transpose_lhs_hint = false} : vector<256x8xf32>, vector<8x384xf32>, vector<256x384xf32> -> vector<256x384xf32>
    %slice3A_411 = vector.extract_strided_slice %dot_general3A_410 {offsets = [0, 0], sizes = [256, 128], strides = [1, 1]} : vector<256x384xf32> to vector<256x128xf32>
    %slice3A_412 = vector.extract_strided_slice %dot_general3A_410 {offsets = [0, 128], sizes = [256, 128], strides = [1, 1]} : vector<256x384xf32> to vector<256x128xf32>
    %slice3A_413 = vector.extract_strided_slice %dot_general3A_410 {offsets = [0, 256], sizes = [256, 128], strides = [1, 1]} : vector<256x384xf32> to vector<256x128xf32>
    %mul3A_414 = arith.mulf %slice3A_411, %slice3A_411 : vector<256x128xf32>
    %mul3A_415 = arith.mulf %slice3A_412, %slice3A_412 : vector<256x128xf32>
    %add3A_416 = arith.addf %mul3A_414, %mul3A_415 : vector<256x128xf32>
    %mul3A_417 = arith.mulf %slice3A_413, %slice3A_413 : vector<256x128xf32>
    %add3A_418 = arith.addf %add3A_416, %mul3A_417 : vector<256x128xf32>
    %sqrt3A_419 = math.sqrt %add3A_418 : vector<256x128xf32>
    %mul3A_420 = arith.constant 0.833333313 : f32
    %mul3A_421 = vector.broadcast %mul3A_420 : f32 to vector<256x128xf32>
    %mul3A_422 = arith.mulf %sqrt3A_419, %mul3A_421 : vector<256x128xf32>
    %sub3A_423 = arith.constant 1.000000e+00 : f32
    %sub3A_424 = vector.broadcast %sub3A_423 : f32 to vector<256x128xf32>
    %sub3A_425 = arith.subf %sub3A_424, %mul3A_422 : vector<256x128xf32>
    %max3A_426 = arith.constant 0.000000e+00 : f32
    %max3A_427 = vector.broadcast %max3A_426 : f32 to vector<256x128xf32>
    %max3A_428 = arith.maximumf %sub3A_425, %max3A_427 : vector<256x128xf32>
    %mul3A_429 = arith.mulf %max3A_428, %convert_element_type3A_73 : vector<256x128xf32>
    %slice3A_430 = vector.extract_strided_slice %concatenate3A {offsets = [3328, 0], sizes = [256, 128], strides = [1, 1]} : vector<6400x128xf32> to vector<256x128xf32>
    %dot_general3A_431 = arith.constant dense<0.000000e+00> : vector<128x128xf32>
    %dot_general3A_432 = tpu.matmul %mul3A_429, %slice3A_430, %dot_general3A_431 {dimension_numbers = #tpu.dot_dimension_numbers<[0], [0], [1], [1], [0, 1, 1, 1], [], []>, transpose_lhs_hint = false} : vector<256x128xf32>, vector<256x128xf32>, vector<128x128xf32> -> vector<128x128xf32>
    %slice3A_433 = vector.extract_strided_slice %concatenate3A_11 {offsets = [3584, 0], sizes = [256, 8], strides = [1, 1]} : vector<6400x8xf32> to vector<256x8xf32>
    %slice3A_434 = vector.extract_strided_slice %get3A_14 {offsets = [0, 5376], sizes = [8, 384], strides = [1, 1]} : vector<8x9600xf32> to vector<8x384xf32>
    %dot_general3A_435 = arith.constant dense<0.000000e+00> : vector<256x384xf32>
    %dot_general3A_436 = tpu.matmul %slice3A_433, %slice3A_434, %dot_general3A_435 {dimension_numbers = #tpu.dot_dimension_numbers<[1], [0], [0], [1], [0, 0, 1, 1], [], []>, transpose_lhs_hint = false} : vector<256x8xf32>, vector<8x384xf32>, vector<256x384xf32> -> vector<256x384xf32>
    %slice3A_437 = vector.extract_strided_slice %dot_general3A_436 {offsets = [0, 0], sizes = [256, 128], strides = [1, 1]} : vector<256x384xf32> to vector<256x128xf32>
    %slice3A_438 = vector.extract_strided_slice %dot_general3A_436 {offsets = [0, 128], sizes = [256, 128], strides = [1, 1]} : vector<256x384xf32> to vector<256x128xf32>
    %slice3A_439 = vector.extract_strided_slice %dot_general3A_436 {offsets = [0, 256], sizes = [256, 128], strides = [1, 1]} : vector<256x384xf32> to vector<256x128xf32>
    %mul3A_440 = arith.mulf %slice3A_437, %slice3A_437 : vector<256x128xf32>
    %mul3A_441 = arith.mulf %slice3A_438, %slice3A_438 : vector<256x128xf32>
    %add3A_442 = arith.addf %mul3A_440, %mul3A_441 : vector<256x128xf32>
    %mul3A_443 = arith.mulf %slice3A_439, %slice3A_439 : vector<256x128xf32>
    %add3A_444 = arith.addf %add3A_442, %mul3A_443 : vector<256x128xf32>
    %sqrt3A_445 = math.sqrt %add3A_444 : vector<256x128xf32>
    %mul3A_446 = arith.constant 0.833333313 : f32
    %mul3A_447 = vector.broadcast %mul3A_446 : f32 to vector<256x128xf32>
    %mul3A_448 = arith.mulf %sqrt3A_445, %mul3A_447 : vector<256x128xf32>
    %sub3A_449 = arith.constant 1.000000e+00 : f32
    %sub3A_450 = vector.broadcast %sub3A_449 : f32 to vector<256x128xf32>
    %sub3A_451 = arith.subf %sub3A_450, %mul3A_448 : vector<256x128xf32>
    %max3A_452 = arith.constant 0.000000e+00 : f32
    %max3A_453 = vector.broadcast %max3A_452 : f32 to vector<256x128xf32>
    %max3A_454 = arith.maximumf %sub3A_451, %max3A_453 : vector<256x128xf32>
    %mul3A_455 = arith.mulf %max3A_454, %convert_element_type3A_73 : vector<256x128xf32>
    %slice3A_456 = vector.extract_strided_slice %concatenate3A {offsets = [3584, 0], sizes = [256, 128], strides = [1, 1]} : vector<6400x128xf32> to vector<256x128xf32>
    %dot_general3A_457 = arith.constant dense<0.000000e+00> : vector<128x128xf32>
    %dot_general3A_458 = tpu.matmul %mul3A_455, %slice3A_456, %dot_general3A_457 {dimension_numbers = #tpu.dot_dimension_numbers<[0], [0], [1], [1], [0, 1, 1, 1], [], []>, transpose_lhs_hint = false} : vector<256x128xf32>, vector<256x128xf32>, vector<128x128xf32> -> vector<128x128xf32>
    %slice3A_459 = vector.extract_strided_slice %concatenate3A_11 {offsets = [3840, 0], sizes = [256, 8], strides = [1, 1]} : vector<6400x8xf32> to vector<256x8xf32>
    %slice3A_460 = vector.extract_strided_slice %get3A_14 {offsets = [0, 5760], sizes = [8, 384], strides = [1, 1]} : vector<8x9600xf32> to vector<8x384xf32>
    %dot_general3A_461 = arith.constant dense<0.000000e+00> : vector<256x384xf32>
    %dot_general3A_462 = tpu.matmul %slice3A_459, %slice3A_460, %dot_general3A_461 {dimension_numbers = #tpu.dot_dimension_numbers<[1], [0], [0], [1], [0, 0, 1, 1], [], []>, transpose_lhs_hint = false} : vector<256x8xf32>, vector<8x384xf32>, vector<256x384xf32> -> vector<256x384xf32>
    %slice3A_463 = vector.extract_strided_slice %dot_general3A_462 {offsets = [0, 0], sizes = [256, 128], strides = [1, 1]} : vector<256x384xf32> to vector<256x128xf32>
    %slice3A_464 = vector.extract_strided_slice %dot_general3A_462 {offsets = [0, 128], sizes = [256, 128], strides = [1, 1]} : vector<256x384xf32> to vector<256x128xf32>
    %slice3A_465 = vector.extract_strided_slice %dot_general3A_462 {offsets = [0, 256], sizes = [256, 128], strides = [1, 1]} : vector<256x384xf32> to vector<256x128xf32>
    %mul3A_466 = arith.mulf %slice3A_463, %slice3A_463 : vector<256x128xf32>
    %mul3A_467 = arith.mulf %slice3A_464, %slice3A_464 : vector<256x128xf32>
    %add3A_468 = arith.addf %mul3A_466, %mul3A_467 : vector<256x128xf32>
    %mul3A_469 = arith.mulf %slice3A_465, %slice3A_465 : vector<256x128xf32>
    %add3A_470 = arith.addf %add3A_468, %mul3A_469 : vector<256x128xf32>
    %sqrt3A_471 = math.sqrt %add3A_470 : vector<256x128xf32>
    %mul3A_472 = arith.constant 0.833333313 : f32
    %mul3A_473 = vector.broadcast %mul3A_472 : f32 to vector<256x128xf32>
    %mul3A_474 = arith.mulf %sqrt3A_471, %mul3A_473 : vector<256x128xf32>
    %sub3A_475 = arith.constant 1.000000e+00 : f32
    %sub3A_476 = vector.broadcast %sub3A_475 : f32 to vector<256x128xf32>
    %sub3A_477 = arith.subf %sub3A_476, %mul3A_474 : vector<256x128xf32>
    %max3A_478 = arith.constant 0.000000e+00 : f32
    %max3A_479 = vector.broadcast %max3A_478 : f32 to vector<256x128xf32>
    %max3A_480 = arith.maximumf %sub3A_477, %max3A_479 : vector<256x128xf32>
    %mul3A_481 = arith.mulf %max3A_480, %convert_element_type3A_73 : vector<256x128xf32>
    %slice3A_482 = vector.extract_strided_slice %concatenate3A {offsets = [3840, 0], sizes = [256, 128], strides = [1, 1]} : vector<6400x128xf32> to vector<256x128xf32>
    %dot_general3A_483 = arith.constant dense<0.000000e+00> : vector<128x128xf32>
    %dot_general3A_484 = tpu.matmul %mul3A_481, %slice3A_482, %dot_general3A_483 {dimension_numbers = #tpu.dot_dimension_numbers<[0], [0], [1], [1], [0, 1, 1, 1], [], []>, transpose_lhs_hint = false} : vector<256x128xf32>, vector<256x128xf32>, vector<128x128xf32> -> vector<128x128xf32>
    %slice3A_485 = vector.extract_strided_slice %concatenate3A_11 {offsets = [4096, 0], sizes = [256, 8], strides = [1, 1]} : vector<6400x8xf32> to vector<256x8xf32>
    %slice3A_486 = vector.extract_strided_slice %get3A_14 {offsets = [0, 6144], sizes = [8, 384], strides = [1, 1]} : vector<8x9600xf32> to vector<8x384xf32>
    %dot_general3A_487 = arith.constant dense<0.000000e+00> : vector<256x384xf32>
    %dot_general3A_488 = tpu.matmul %slice3A_485, %slice3A_486, %dot_general3A_487 {dimension_numbers = #tpu.dot_dimension_numbers<[1], [0], [0], [1], [0, 0, 1, 1], [], []>, transpose_lhs_hint = false} : vector<256x8xf32>, vector<8x384xf32>, vector<256x384xf32> -> vector<256x384xf32>
    %slice3A_489 = vector.extract_strided_slice %dot_general3A_488 {offsets = [0, 0], sizes = [256, 128], strides = [1, 1]} : vector<256x384xf32> to vector<256x128xf32>
    %slice3A_490 = vector.extract_strided_slice %dot_general3A_488 {offsets = [0, 128], sizes = [256, 128], strides = [1, 1]} : vector<256x384xf32> to vector<256x128xf32>
    %slice3A_491 = vector.extract_strided_slice %dot_general3A_488 {offsets = [0, 256], sizes = [256, 128], strides = [1, 1]} : vector<256x384xf32> to vector<256x128xf32>
    %mul3A_492 = arith.mulf %slice3A_489, %slice3A_489 : vector<256x128xf32>
    %mul3A_493 = arith.mulf %slice3A_490, %slice3A_490 : vector<256x128xf32>
    %add3A_494 = arith.addf %mul3A_492, %mul3A_493 : vector<256x128xf32>
    %mul3A_495 = arith.mulf %slice3A_491, %slice3A_491 : vector<256x128xf32>
    %add3A_496 = arith.addf %add3A_494, %mul3A_495 : vector<256x128xf32>
    %sqrt3A_497 = math.sqrt %add3A_496 : vector<256x128xf32>
    %mul3A_498 = arith.constant 0.833333313 : f32
    %mul3A_499 = vector.broadcast %mul3A_498 : f32 to vector<256x128xf32>
    %mul3A_500 = arith.mulf %sqrt3A_497, %mul3A_499 : vector<256x128xf32>
    %sub3A_501 = arith.constant 1.000000e+00 : f32
    %sub3A_502 = vector.broadcast %sub3A_501 : f32 to vector<256x128xf32>
    %sub3A_503 = arith.subf %sub3A_502, %mul3A_500 : vector<256x128xf32>
    %max3A_504 = arith.constant 0.000000e+00 : f32
    %max3A_505 = vector.broadcast %max3A_504 : f32 to vector<256x128xf32>
    %max3A_506 = arith.maximumf %sub3A_503, %max3A_505 : vector<256x128xf32>
    %mul3A_507 = arith.mulf %max3A_506, %convert_element_type3A_73 : vector<256x128xf32>
    %slice3A_508 = vector.extract_strided_slice %concatenate3A {offsets = [4096, 0], sizes = [256, 128], strides = [1, 1]} : vector<6400x128xf32> to vector<256x128xf32>
    %dot_general3A_509 = arith.constant dense<0.000000e+00> : vector<128x128xf32>
    %dot_general3A_510 = tpu.matmul %mul3A_507, %slice3A_508, %dot_general3A_509 {dimension_numbers = #tpu.dot_dimension_numbers<[0], [0], [1], [1], [0, 1, 1, 1], [], []>, transpose_lhs_hint = false} : vector<256x128xf32>, vector<256x128xf32>, vector<128x128xf32> -> vector<128x128xf32>
    %slice3A_511 = vector.extract_strided_slice %concatenate3A_11 {offsets = [4352, 0], sizes = [256, 8], strides = [1, 1]} : vector<6400x8xf32> to vector<256x8xf32>
    %slice3A_512 = vector.extract_strided_slice %get3A_14 {offsets = [0, 6528], sizes = [8, 384], strides = [1, 1]} : vector<8x9600xf32> to vector<8x384xf32>
    %dot_general3A_513 = arith.constant dense<0.000000e+00> : vector<256x384xf32>
    %dot_general3A_514 = tpu.matmul %slice3A_511, %slice3A_512, %dot_general3A_513 {dimension_numbers = #tpu.dot_dimension_numbers<[1], [0], [0], [1], [0, 0, 1, 1], [], []>, transpose_lhs_hint = false} : vector<256x8xf32>, vector<8x384xf32>, vector<256x384xf32> -> vector<256x384xf32>
    %slice3A_515 = vector.extract_strided_slice %dot_general3A_514 {offsets = [0, 0], sizes = [256, 128], strides = [1, 1]} : vector<256x384xf32> to vector<256x128xf32>
    %slice3A_516 = vector.extract_strided_slice %dot_general3A_514 {offsets = [0, 128], sizes = [256, 128], strides = [1, 1]} : vector<256x384xf32> to vector<256x128xf32>
    %slice3A_517 = vector.extract_strided_slice %dot_general3A_514 {offsets = [0, 256], sizes = [256, 128], strides = [1, 1]} : vector<256x384xf32> to vector<256x128xf32>
    %mul3A_518 = arith.mulf %slice3A_515, %slice3A_515 : vector<256x128xf32>
    %mul3A_519 = arith.mulf %slice3A_516, %slice3A_516 : vector<256x128xf32>
    %add3A_520 = arith.addf %mul3A_518, %mul3A_519 : vector<256x128xf32>
    %mul3A_521 = arith.mulf %slice3A_517, %slice3A_517 : vector<256x128xf32>
    %add3A_522 = arith.addf %add3A_520, %mul3A_521 : vector<256x128xf32>
    %sqrt3A_523 = math.sqrt %add3A_522 : vector<256x128xf32>
    %mul3A_524 = arith.constant 0.833333313 : f32
    %mul3A_525 = vector.broadcast %mul3A_524 : f32 to vector<256x128xf32>
    %mul3A_526 = arith.mulf %sqrt3A_523, %mul3A_525 : vector<256x128xf32>
    %sub3A_527 = arith.constant 1.000000e+00 : f32
    %sub3A_528 = vector.broadcast %sub3A_527 : f32 to vector<256x128xf32>
    %sub3A_529 = arith.subf %sub3A_528, %mul3A_526 : vector<256x128xf32>
    %max3A_530 = arith.constant 0.000000e+00 : f32
    %max3A_531 = vector.broadcast %max3A_530 : f32 to vector<256x128xf32>
    %max3A_532 = arith.maximumf %sub3A_529, %max3A_531 : vector<256x128xf32>
    %mul3A_533 = arith.mulf %max3A_532, %convert_element_type3A_73 : vector<256x128xf32>
    %slice3A_534 = vector.extract_strided_slice %concatenate3A {offsets = [4352, 0], sizes = [256, 128], strides = [1, 1]} : vector<6400x128xf32> to vector<256x128xf32>
    %dot_general3A_535 = arith.constant dense<0.000000e+00> : vector<128x128xf32>
    %dot_general3A_536 = tpu.matmul %mul3A_533, %slice3A_534, %dot_general3A_535 {dimension_numbers = #tpu.dot_dimension_numbers<[0], [0], [1], [1], [0, 1, 1, 1], [], []>, transpose_lhs_hint = false} : vector<256x128xf32>, vector<256x128xf32>, vector<128x128xf32> -> vector<128x128xf32>
    %slice3A_537 = vector.extract_strided_slice %concatenate3A_11 {offsets = [4608, 0], sizes = [256, 8], strides = [1, 1]} : vector<6400x8xf32> to vector<256x8xf32>
    %slice3A_538 = vector.extract_strided_slice %get3A_14 {offsets = [0, 6912], sizes = [8, 384], strides = [1, 1]} : vector<8x9600xf32> to vector<8x384xf32>
    %dot_general3A_539 = arith.constant dense<0.000000e+00> : vector<256x384xf32>
    %dot_general3A_540 = tpu.matmul %slice3A_537, %slice3A_538, %dot_general3A_539 {dimension_numbers = #tpu.dot_dimension_numbers<[1], [0], [0], [1], [0, 0, 1, 1], [], []>, transpose_lhs_hint = false} : vector<256x8xf32>, vector<8x384xf32>, vector<256x384xf32> -> vector<256x384xf32>
    %slice3A_541 = vector.extract_strided_slice %dot_general3A_540 {offsets = [0, 0], sizes = [256, 128], strides = [1, 1]} : vector<256x384xf32> to vector<256x128xf32>
    %slice3A_542 = vector.extract_strided_slice %dot_general3A_540 {offsets = [0, 128], sizes = [256, 128], strides = [1, 1]} : vector<256x384xf32> to vector<256x128xf32>
    %slice3A_543 = vector.extract_strided_slice %dot_general3A_540 {offsets = [0, 256], sizes = [256, 128], strides = [1, 1]} : vector<256x384xf32> to vector<256x128xf32>
    %mul3A_544 = arith.mulf %slice3A_541, %slice3A_541 : vector<256x128xf32>
    %mul3A_545 = arith.mulf %slice3A_542, %slice3A_542 : vector<256x128xf32>
    %add3A_546 = arith.addf %mul3A_544, %mul3A_545 : vector<256x128xf32>
    %mul3A_547 = arith.mulf %slice3A_543, %slice3A_543 : vector<256x128xf32>
    %add3A_548 = arith.addf %add3A_546, %mul3A_547 : vector<256x128xf32>
    %sqrt3A_549 = math.sqrt %add3A_548 : vector<256x128xf32>
    %mul3A_550 = arith.constant 0.833333313 : f32
    %mul3A_551 = vector.broadcast %mul3A_550 : f32 to vector<256x128xf32>
    %mul3A_552 = arith.mulf %sqrt3A_549, %mul3A_551 : vector<256x128xf32>
    %sub3A_553 = arith.constant 1.000000e+00 : f32
    %sub3A_554 = vector.broadcast %sub3A_553 : f32 to vector<256x128xf32>
    %sub3A_555 = arith.subf %sub3A_554, %mul3A_552 : vector<256x128xf32>
    %max3A_556 = arith.constant 0.000000e+00 : f32
    %max3A_557 = vector.broadcast %max3A_556 : f32 to vector<256x128xf32>
    %max3A_558 = arith.maximumf %sub3A_555, %max3A_557 : vector<256x128xf32>
    %mul3A_559 = arith.mulf %max3A_558, %convert_element_type3A_73 : vector<256x128xf32>
    %slice3A_560 = vector.extract_strided_slice %concatenate3A {offsets = [4608, 0], sizes = [256, 128], strides = [1, 1]} : vector<6400x128xf32> to vector<256x128xf32>
    %dot_general3A_561 = arith.constant dense<0.000000e+00> : vector<128x128xf32>
    %dot_general3A_562 = tpu.matmul %mul3A_559, %slice3A_560, %dot_general3A_561 {dimension_numbers = #tpu.dot_dimension_numbers<[0], [0], [1], [1], [0, 1, 1, 1], [], []>, transpose_lhs_hint = false} : vector<256x128xf32>, vector<256x128xf32>, vector<128x128xf32> -> vector<128x128xf32>
    %slice3A_563 = vector.extract_strided_slice %concatenate3A_11 {offsets = [4864, 0], sizes = [256, 8], strides = [1, 1]} : vector<6400x8xf32> to vector<256x8xf32>
    %slice3A_564 = vector.extract_strided_slice %get3A_14 {offsets = [0, 7296], sizes = [8, 384], strides = [1, 1]} : vector<8x9600xf32> to vector<8x384xf32>
    %dot_general3A_565 = arith.constant dense<0.000000e+00> : vector<256x384xf32>
    %dot_general3A_566 = tpu.matmul %slice3A_563, %slice3A_564, %dot_general3A_565 {dimension_numbers = #tpu.dot_dimension_numbers<[1], [0], [0], [1], [0, 0, 1, 1], [], []>, transpose_lhs_hint = false} : vector<256x8xf32>, vector<8x384xf32>, vector<256x384xf32> -> vector<256x384xf32>
    %slice3A_567 = vector.extract_strided_slice %dot_general3A_566 {offsets = [0, 0], sizes = [256, 128], strides = [1, 1]} : vector<256x384xf32> to vector<256x128xf32>
    %slice3A_568 = vector.extract_strided_slice %dot_general3A_566 {offsets = [0, 128], sizes = [256, 128], strides = [1, 1]} : vector<256x384xf32> to vector<256x128xf32>
    %slice3A_569 = vector.extract_strided_slice %dot_general3A_566 {offsets = [0, 256], sizes = [256, 128], strides = [1, 1]} : vector<256x384xf32> to vector<256x128xf32>
    %mul3A_570 = arith.mulf %slice3A_567, %slice3A_567 : vector<256x128xf32>
    %mul3A_571 = arith.mulf %slice3A_568, %slice3A_568 : vector<256x128xf32>
    %add3A_572 = arith.addf %mul3A_570, %mul3A_571 : vector<256x128xf32>
    %mul3A_573 = arith.mulf %slice3A_569, %slice3A_569 : vector<256x128xf32>
    %add3A_574 = arith.addf %add3A_572, %mul3A_573 : vector<256x128xf32>
    %sqrt3A_575 = math.sqrt %add3A_574 : vector<256x128xf32>
    %mul3A_576 = arith.constant 0.833333313 : f32
    %mul3A_577 = vector.broadcast %mul3A_576 : f32 to vector<256x128xf32>
    %mul3A_578 = arith.mulf %sqrt3A_575, %mul3A_577 : vector<256x128xf32>
    %sub3A_579 = arith.constant 1.000000e+00 : f32
    %sub3A_580 = vector.broadcast %sub3A_579 : f32 to vector<256x128xf32>
    %sub3A_581 = arith.subf %sub3A_580, %mul3A_578 : vector<256x128xf32>
    %max3A_582 = arith.constant 0.000000e+00 : f32
    %max3A_583 = vector.broadcast %max3A_582 : f32 to vector<256x128xf32>
    %max3A_584 = arith.maximumf %sub3A_581, %max3A_583 : vector<256x128xf32>
    %mul3A_585 = arith.mulf %max3A_584, %convert_element_type3A_73 : vector<256x128xf32>
    %slice3A_586 = vector.extract_strided_slice %concatenate3A {offsets = [4864, 0], sizes = [256, 128], strides = [1, 1]} : vector<6400x128xf32> to vector<256x128xf32>
    %dot_general3A_587 = arith.constant dense<0.000000e+00> : vector<128x128xf32>
    %dot_general3A_588 = tpu.matmul %mul3A_585, %slice3A_586, %dot_general3A_587 {dimension_numbers = #tpu.dot_dimension_numbers<[0], [0], [1], [1], [0, 1, 1, 1], [], []>, transpose_lhs_hint = false} : vector<256x128xf32>, vector<256x128xf32>, vector<128x128xf32> -> vector<128x128xf32>
    %slice3A_589 = vector.extract_strided_slice %concatenate3A_11 {offsets = [5120, 0], sizes = [256, 8], strides = [1, 1]} : vector<6400x8xf32> to vector<256x8xf32>
    %slice3A_590 = vector.extract_strided_slice %get3A_14 {offsets = [0, 7680], sizes = [8, 384], strides = [1, 1]} : vector<8x9600xf32> to vector<8x384xf32>
    %dot_general3A_591 = arith.constant dense<0.000000e+00> : vector<256x384xf32>
    %dot_general3A_592 = tpu.matmul %slice3A_589, %slice3A_590, %dot_general3A_591 {dimension_numbers = #tpu.dot_dimension_numbers<[1], [0], [0], [1], [0, 0, 1, 1], [], []>, transpose_lhs_hint = false} : vector<256x8xf32>, vector<8x384xf32>, vector<256x384xf32> -> vector<256x384xf32>
    %slice3A_593 = vector.extract_strided_slice %dot_general3A_592 {offsets = [0, 0], sizes = [256, 128], strides = [1, 1]} : vector<256x384xf32> to vector<256x128xf32>
    %slice3A_594 = vector.extract_strided_slice %dot_general3A_592 {offsets = [0, 128], sizes = [256, 128], strides = [1, 1]} : vector<256x384xf32> to vector<256x128xf32>
    %slice3A_595 = vector.extract_strided_slice %dot_general3A_592 {offsets = [0, 256], sizes = [256, 128], strides = [1, 1]} : vector<256x384xf32> to vector<256x128xf32>
    %mul3A_596 = arith.mulf %slice3A_593, %slice3A_593 : vector<256x128xf32>
    %mul3A_597 = arith.mulf %slice3A_594, %slice3A_594 : vector<256x128xf32>
    %add3A_598 = arith.addf %mul3A_596, %mul3A_597 : vector<256x128xf32>
    %mul3A_599 = arith.mulf %slice3A_595, %slice3A_595 : vector<256x128xf32>
    %add3A_600 = arith.addf %add3A_598, %mul3A_599 : vector<256x128xf32>
    %sqrt3A_601 = math.sqrt %add3A_600 : vector<256x128xf32>
    %mul3A_602 = arith.constant 0.833333313 : f32
    %mul3A_603 = vector.broadcast %mul3A_602 : f32 to vector<256x128xf32>
    %mul3A_604 = arith.mulf %sqrt3A_601, %mul3A_603 : vector<256x128xf32>
    %sub3A_605 = arith.constant 1.000000e+00 : f32
    %sub3A_606 = vector.broadcast %sub3A_605 : f32 to vector<256x128xf32>
    %sub3A_607 = arith.subf %sub3A_606, %mul3A_604 : vector<256x128xf32>
    %max3A_608 = arith.constant 0.000000e+00 : f32
    %max3A_609 = vector.broadcast %max3A_608 : f32 to vector<256x128xf32>
    %max3A_610 = arith.maximumf %sub3A_607, %max3A_609 : vector<256x128xf32>
    %mul3A_611 = arith.mulf %max3A_610, %convert_element_type3A_73 : vector<256x128xf32>
    %slice3A_612 = vector.extract_strided_slice %concatenate3A {offsets = [5120, 0], sizes = [256, 128], strides = [1, 1]} : vector<6400x128xf32> to vector<256x128xf32>
    %dot_general3A_613 = arith.constant dense<0.000000e+00> : vector<128x128xf32>
    %dot_general3A_614 = tpu.matmul %mul3A_611, %slice3A_612, %dot_general3A_613 {dimension_numbers = #tpu.dot_dimension_numbers<[0], [0], [1], [1], [0, 1, 1, 1], [], []>, transpose_lhs_hint = false} : vector<256x128xf32>, vector<256x128xf32>, vector<128x128xf32> -> vector<128x128xf32>
    %slice3A_615 = vector.extract_strided_slice %concatenate3A_11 {offsets = [5376, 0], sizes = [256, 8], strides = [1, 1]} : vector<6400x8xf32> to vector<256x8xf32>
    %slice3A_616 = vector.extract_strided_slice %get3A_14 {offsets = [0, 8064], sizes = [8, 384], strides = [1, 1]} : vector<8x9600xf32> to vector<8x384xf32>
    %dot_general3A_617 = arith.constant dense<0.000000e+00> : vector<256x384xf32>
    %dot_general3A_618 = tpu.matmul %slice3A_615, %slice3A_616, %dot_general3A_617 {dimension_numbers = #tpu.dot_dimension_numbers<[1], [0], [0], [1], [0, 0, 1, 1], [], []>, transpose_lhs_hint = false} : vector<256x8xf32>, vector<8x384xf32>, vector<256x384xf32> -> vector<256x384xf32>
    %slice3A_619 = vector.extract_strided_slice %dot_general3A_618 {offsets = [0, 0], sizes = [256, 128], strides = [1, 1]} : vector<256x384xf32> to vector<256x128xf32>
    %slice3A_620 = vector.extract_strided_slice %dot_general3A_618 {offsets = [0, 128], sizes = [256, 128], strides = [1, 1]} : vector<256x384xf32> to vector<256x128xf32>
    %slice3A_621 = vector.extract_strided_slice %dot_general3A_618 {offsets = [0, 256], sizes = [256, 128], strides = [1, 1]} : vector<256x384xf32> to vector<256x128xf32>
    %mul3A_622 = arith.mulf %slice3A_619, %slice3A_619 : vector<256x128xf32>
    %mul3A_623 = arith.mulf %slice3A_620, %slice3A_620 : vector<256x128xf32>
    %add3A_624 = arith.addf %mul3A_622, %mul3A_623 : vector<256x128xf32>
    %mul3A_625 = arith.mulf %slice3A_621, %slice3A_621 : vector<256x128xf32>
    %add3A_626 = arith.addf %add3A_624, %mul3A_625 : vector<256x128xf32>
    %sqrt3A_627 = math.sqrt %add3A_626 : vector<256x128xf32>
    %mul3A_628 = arith.constant 0.833333313 : f32
    %mul3A_629 = vector.broadcast %mul3A_628 : f32 to vector<256x128xf32>
    %mul3A_630 = arith.mulf %sqrt3A_627, %mul3A_629 : vector<256x128xf32>
    %sub3A_631 = arith.constant 1.000000e+00 : f32
    %sub3A_632 = vector.broadcast %sub3A_631 : f32 to vector<256x128xf32>
    %sub3A_633 = arith.subf %sub3A_632, %mul3A_630 : vector<256x128xf32>
    %max3A_634 = arith.constant 0.000000e+00 : f32
    %max3A_635 = vector.broadcast %max3A_634 : f32 to vector<256x128xf32>
    %max3A_636 = arith.maximumf %sub3A_633, %max3A_635 : vector<256x128xf32>
    %mul3A_637 = arith.mulf %max3A_636, %convert_element_type3A_73 : vector<256x128xf32>
    %slice3A_638 = vector.extract_strided_slice %concatenate3A {offsets = [5376, 0], sizes = [256, 128], strides = [1, 1]} : vector<6400x128xf32> to vector<256x128xf32>
    %dot_general3A_639 = arith.constant dense<0.000000e+00> : vector<128x128xf32>
    %dot_general3A_640 = tpu.matmul %mul3A_637, %slice3A_638, %dot_general3A_639 {dimension_numbers = #tpu.dot_dimension_numbers<[0], [0], [1], [1], [0, 1, 1, 1], [], []>, transpose_lhs_hint = false} : vector<256x128xf32>, vector<256x128xf32>, vector<128x128xf32> -> vector<128x128xf32>
    %slice3A_641 = vector.extract_strided_slice %concatenate3A_11 {offsets = [5632, 0], sizes = [256, 8], strides = [1, 1]} : vector<6400x8xf32> to vector<256x8xf32>
    %slice3A_642 = vector.extract_strided_slice %get3A_14 {offsets = [0, 8448], sizes = [8, 384], strides = [1, 1]} : vector<8x9600xf32> to vector<8x384xf32>
    %dot_general3A_643 = arith.constant dense<0.000000e+00> : vector<256x384xf32>
    %dot_general3A_644 = tpu.matmul %slice3A_641, %slice3A_642, %dot_general3A_643 {dimension_numbers = #tpu.dot_dimension_numbers<[1], [0], [0], [1], [0, 0, 1, 1], [], []>, transpose_lhs_hint = false} : vector<256x8xf32>, vector<8x384xf32>, vector<256x384xf32> -> vector<256x384xf32>
    %slice3A_645 = vector.extract_strided_slice %dot_general3A_644 {offsets = [0, 0], sizes = [256, 128], strides = [1, 1]} : vector<256x384xf32> to vector<256x128xf32>
    %slice3A_646 = vector.extract_strided_slice %dot_general3A_644 {offsets = [0, 128], sizes = [256, 128], strides = [1, 1]} : vector<256x384xf32> to vector<256x128xf32>
    %slice3A_647 = vector.extract_strided_slice %dot_general3A_644 {offsets = [0, 256], sizes = [256, 128], strides = [1, 1]} : vector<256x384xf32> to vector<256x128xf32>
    %mul3A_648 = arith.mulf %slice3A_645, %slice3A_645 : vector<256x128xf32>
    %mul3A_649 = arith.mulf %slice3A_646, %slice3A_646 : vector<256x128xf32>
    %add3A_650 = arith.addf %mul3A_648, %mul3A_649 : vector<256x128xf32>
    %mul3A_651 = arith.mulf %slice3A_647, %slice3A_647 : vector<256x128xf32>
    %add3A_652 = arith.addf %add3A_650, %mul3A_651 : vector<256x128xf32>
    %sqrt3A_653 = math.sqrt %add3A_652 : vector<256x128xf32>
    %mul3A_654 = arith.constant 0.833333313 : f32
    %mul3A_655 = vector.broadcast %mul3A_654 : f32 to vector<256x128xf32>
    %mul3A_656 = arith.mulf %sqrt3A_653, %mul3A_655 : vector<256x128xf32>
    %sub3A_657 = arith.constant 1.000000e+00 : f32
    %sub3A_658 = vector.broadcast %sub3A_657 : f32 to vector<256x128xf32>
    %sub3A_659 = arith.subf %sub3A_658, %mul3A_656 : vector<256x128xf32>
    %max3A_660 = arith.constant 0.000000e+00 : f32
    %max3A_661 = vector.broadcast %max3A_660 : f32 to vector<256x128xf32>
    %max3A_662 = arith.maximumf %sub3A_659, %max3A_661 : vector<256x128xf32>
    %mul3A_663 = arith.mulf %max3A_662, %convert_element_type3A_73 : vector<256x128xf32>
    %slice3A_664 = vector.extract_strided_slice %concatenate3A {offsets = [5632, 0], sizes = [256, 128], strides = [1, 1]} : vector<6400x128xf32> to vector<256x128xf32>
    %dot_general3A_665 = arith.constant dense<0.000000e+00> : vector<128x128xf32>
    %dot_general3A_666 = tpu.matmul %mul3A_663, %slice3A_664, %dot_general3A_665 {dimension_numbers = #tpu.dot_dimension_numbers<[0], [0], [1], [1], [0, 1, 1, 1], [], []>, transpose_lhs_hint = false} : vector<256x128xf32>, vector<256x128xf32>, vector<128x128xf32> -> vector<128x128xf32>
    %slice3A_667 = vector.extract_strided_slice %concatenate3A_11 {offsets = [5888, 0], sizes = [256, 8], strides = [1, 1]} : vector<6400x8xf32> to vector<256x8xf32>
    %slice3A_668 = vector.extract_strided_slice %get3A_14 {offsets = [0, 8832], sizes = [8, 384], strides = [1, 1]} : vector<8x9600xf32> to vector<8x384xf32>
    %dot_general3A_669 = arith.constant dense<0.000000e+00> : vector<256x384xf32>
    %dot_general3A_670 = tpu.matmul %slice3A_667, %slice3A_668, %dot_general3A_669 {dimension_numbers = #tpu.dot_dimension_numbers<[1], [0], [0], [1], [0, 0, 1, 1], [], []>, transpose_lhs_hint = false} : vector<256x8xf32>, vector<8x384xf32>, vector<256x384xf32> -> vector<256x384xf32>
    %slice3A_671 = vector.extract_strided_slice %dot_general3A_670 {offsets = [0, 0], sizes = [256, 128], strides = [1, 1]} : vector<256x384xf32> to vector<256x128xf32>
    %slice3A_672 = vector.extract_strided_slice %dot_general3A_670 {offsets = [0, 128], sizes = [256, 128], strides = [1, 1]} : vector<256x384xf32> to vector<256x128xf32>
    %slice3A_673 = vector.extract_strided_slice %dot_general3A_670 {offsets = [0, 256], sizes = [256, 128], strides = [1, 1]} : vector<256x384xf32> to vector<256x128xf32>
    %mul3A_674 = arith.mulf %slice3A_671, %slice3A_671 : vector<256x128xf32>
    %mul3A_675 = arith.mulf %slice3A_672, %slice3A_672 : vector<256x128xf32>
    %add3A_676 = arith.addf %mul3A_674, %mul3A_675 : vector<256x128xf32>
    %mul3A_677 = arith.mulf %slice3A_673, %slice3A_673 : vector<256x128xf32>
    %add3A_678 = arith.addf %add3A_676, %mul3A_677 : vector<256x128xf32>
    %sqrt3A_679 = math.sqrt %add3A_678 : vector<256x128xf32>
    %mul3A_680 = arith.constant 0.833333313 : f32
    %mul3A_681 = vector.broadcast %mul3A_680 : f32 to vector<256x128xf32>
    %mul3A_682 = arith.mulf %sqrt3A_679, %mul3A_681 : vector<256x128xf32>
    %sub3A_683 = arith.constant 1.000000e+00 : f32
    %sub3A_684 = vector.broadcast %sub3A_683 : f32 to vector<256x128xf32>
    %sub3A_685 = arith.subf %sub3A_684, %mul3A_682 : vector<256x128xf32>
    %max3A_686 = arith.constant 0.000000e+00 : f32
    %max3A_687 = vector.broadcast %max3A_686 : f32 to vector<256x128xf32>
    %max3A_688 = arith.maximumf %sub3A_685, %max3A_687 : vector<256x128xf32>
    %mul3A_689 = arith.mulf %max3A_688, %convert_element_type3A_73 : vector<256x128xf32>
    %slice3A_690 = vector.extract_strided_slice %concatenate3A {offsets = [5888, 0], sizes = [256, 128], strides = [1, 1]} : vector<6400x128xf32> to vector<256x128xf32>
    %dot_general3A_691 = arith.constant dense<0.000000e+00> : vector<128x128xf32>
    %dot_general3A_692 = tpu.matmul %mul3A_689, %slice3A_690, %dot_general3A_691 {dimension_numbers = #tpu.dot_dimension_numbers<[0], [0], [1], [1], [0, 1, 1, 1], [], []>, transpose_lhs_hint = false} : vector<256x128xf32>, vector<256x128xf32>, vector<128x128xf32> -> vector<128x128xf32>
    %slice3A_693 = vector.extract_strided_slice %concatenate3A_11 {offsets = [6144, 0], sizes = [256, 8], strides = [1, 1]} : vector<6400x8xf32> to vector<256x8xf32>
    %slice3A_694 = vector.extract_strided_slice %get3A_14 {offsets = [0, 9216], sizes = [8, 384], strides = [1, 1]} : vector<8x9600xf32> to vector<8x384xf32>
    %dot_general3A_695 = arith.constant dense<0.000000e+00> : vector<256x384xf32>
    %dot_general3A_696 = tpu.matmul %slice3A_693, %slice3A_694, %dot_general3A_695 {dimension_numbers = #tpu.dot_dimension_numbers<[1], [0], [0], [1], [0, 0, 1, 1], [], []>, transpose_lhs_hint = false} : vector<256x8xf32>, vector<8x384xf32>, vector<256x384xf32> -> vector<256x384xf32>
    %slice3A_697 = vector.extract_strided_slice %dot_general3A_696 {offsets = [0, 0], sizes = [256, 128], strides = [1, 1]} : vector<256x384xf32> to vector<256x128xf32>
    %slice3A_698 = vector.extract_strided_slice %dot_general3A_696 {offsets = [0, 128], sizes = [256, 128], strides = [1, 1]} : vector<256x384xf32> to vector<256x128xf32>
    %slice3A_699 = vector.extract_strided_slice %dot_general3A_696 {offsets = [0, 256], sizes = [256, 128], strides = [1, 1]} : vector<256x384xf32> to vector<256x128xf32>
    %mul3A_700 = arith.mulf %slice3A_697, %slice3A_697 : vector<256x128xf32>
    %mul3A_701 = arith.mulf %slice3A_698, %slice3A_698 : vector<256x128xf32>
    %add3A_702 = arith.addf %mul3A_700, %mul3A_701 : vector<256x128xf32>
    %mul3A_703 = arith.mulf %slice3A_699, %slice3A_699 : vector<256x128xf32>
    %add3A_704 = arith.addf %add3A_702, %mul3A_703 : vector<256x128xf32>
    %sqrt3A_705 = math.sqrt %add3A_704 : vector<256x128xf32>
    %mul3A_706 = arith.constant 0.833333313 : f32
    %mul3A_707 = vector.broadcast %mul3A_706 : f32 to vector<256x128xf32>
    %mul3A_708 = arith.mulf %sqrt3A_705, %mul3A_707 : vector<256x128xf32>
    %sub3A_709 = arith.constant 1.000000e+00 : f32
    %sub3A_710 = vector.broadcast %sub3A_709 : f32 to vector<256x128xf32>
    %sub3A_711 = arith.subf %sub3A_710, %mul3A_708 : vector<256x128xf32>
    %max3A_712 = arith.constant 0.000000e+00 : f32
    %max3A_713 = vector.broadcast %max3A_712 : f32 to vector<256x128xf32>
    %max3A_714 = arith.maximumf %sub3A_711, %max3A_713 : vector<256x128xf32>
    %mul3A_715 = arith.mulf %max3A_714, %convert_element_type3A_73 : vector<256x128xf32>
    %slice3A_716 = vector.extract_strided_slice %concatenate3A {offsets = [6144, 0], sizes = [256, 128], strides = [1, 1]} : vector<6400x128xf32> to vector<256x128xf32>
    %dot_general3A_717 = arith.constant dense<0.000000e+00> : vector<128x128xf32>
    %dot_general3A_718 = tpu.matmul %mul3A_715, %slice3A_716, %dot_general3A_717 {dimension_numbers = #tpu.dot_dimension_numbers<[0], [0], [1], [1], [0, 1, 1, 1], [], []>, transpose_lhs_hint = false} : vector<256x128xf32>, vector<256x128xf32>, vector<128x128xf32> -> vector<128x128xf32>
    %concatenate3A_719 = tpu.concatenate %dot_general3A_94, %dot_general3A_120, %dot_general3A_146, %dot_general3A_172, %dot_general3A_198, %dot_general3A_224, %dot_general3A_250, %dot_general3A_276, %dot_general3A_302, %dot_general3A_328, %dot_general3A_354, %dot_general3A_380, %dot_general3A_406, %dot_general3A_432, %dot_general3A_458, %dot_general3A_484, %dot_general3A_510, %dot_general3A_536, %dot_general3A_562, %dot_general3A_588, %dot_general3A_614, %dot_general3A_640, %dot_general3A_666, %dot_general3A_692, %dot_general3A_718 in 0 : vector<128x128xf32>, vector<128x128xf32>, vector<128x128xf32>, vector<128x128xf32>, vector<128x128xf32>, vector<128x128xf32>, vector<128x128xf32>, vector<128x128xf32>, vector<128x128xf32>, vector<128x128xf32>, vector<128x128xf32>, vector<128x128xf32>, vector<128x128xf32>, vector<128x128xf32>, vector<128x128xf32>, vector<128x128xf32>, vector<128x128xf32>, vector<128x128xf32>, vector<128x128xf32>, vector<128x128xf32>, vector<128x128xf32>, vector<128x128xf32>, vector<128x128xf32>, vector<128x128xf32>, vector<128x128xf32> -> vector<3200x128xf32>
    %reshape3A = vector.shape_cast %concatenate3A_719 : vector<3200x128xf32> to vector<200x2048xf32>
    %get3A_720 = arith.constant 0 : index
    %get3A_721 = arith.constant 0 : index
    %get3A_722 = vector.load %arg2[%get3A_720, %get3A_721] : memref<2048x128xf32, #tpu.memory_space<vmem>>, vector<2048x128xf32>
    %dot_general3A_723 = arith.constant dense<0.000000e+00> : vector<200x128xf32>
    %dot_general3A_724 = tpu.matmul %reshape3A, %get3A_722, %dot_general3A_723 {dimension_numbers = #tpu.dot_dimension_numbers<[1], [0], [0], [1], [0, 0, 1, 1], [], []>, transpose_lhs_hint = false} : vector<200x2048xf32>, vector<2048x128xf32>, vector<200x128xf32> -> vector<200x128xf32>
    %swap3A = arith.constant 0 : index
    %swap3A_725 = arith.constant 0 : index
    %swap3A_726 = vector.load %arg4[%swap3A, %swap3A_725] : memref<200x128xf32, #tpu.memory_space<vmem>>, vector<200x128xf32>
    tpu.vector_store %arg4[%swap3A, %swap3A_725], %dot_general3A_724 {strides = array<i32>} : memref<200x128xf32, #tpu.memory_space<vmem>>, vector<200x128xf32>,
    return
  }
  func.func @transform_0(%arg0: i32) -> (i32, i32) {
    %add3A = arith.constant 40 : i32
    %add3A_0 = arith.addi %add3A, %arg0 : i32
    %c0_i32 = arith.constant 0 : i32
    %c0_i32_1 = arith.constant 0 : i32
    return %c0_i32, %add3A_0 : i32, i32
  }
  func.func @transform_1(%arg0: i32) -> (i32, i32) {
    %c0_i32 = arith.constant 0 : i32
    %c0_i32_0 = arith.constant 0 : i32
    %c0_i32_1 = arith.constant 0 : i32
    return %c0_i32, %c0_i32_0 : i32, i32
  }
  func.func @transform_2(%arg0: i32) -> (i32, i32) {
    %c0_i32 = arith.constant 0 : i32
    %c0_i32_0 = arith.constant 0 : i32
    return %arg0, %c0_i32 : i32, i32
  }
  func.func @transform_3(%arg0: i32) -> (i32, i32) {
    %c0_i32 = arith.constant 0 : i32
    %c0_i32_0 = arith.constant 0 : i32
    return %arg0, %c0_i32 : i32, i32
  }
}

</mosaic_0001>

<sc_bundles>
// kernel: kernel.12.cloned.1.call-start
scs
__scs_entry_jumppad:
0x0: {  	(pc) =	sbr.rel $0x88, $3  }
0x1: {  	(tag) =	ssettag $0x0;
	lr =	simm.s32 $0x1  }
0x2: {  	[smem:$0x3F9B] =	sst lr;
	_ =	strace $0xD0000000  }
0x3: {  	_ = 	snop  }
0x4: {  	_ = 	snop  }
0x5: {  	_ = 	snop  }
0x6: {  	_ = 	snop  }
0x7: {  	_ = 	snop  }
__scs_overlays_trampoline_lowered:
0x8: {  	[smem:$0x3FAA] =	sst s0  }
0x9: {  	[smem:$0x3FAB] =	sst s1  }
0xa: {  	[smem:$0x3FAC] =	sst s2  }
0xb: {  	[smem:$0x3FAD] =	sst s3  }
0xc: {  	[smem:$0x3FAE] =	sst s4  }
0xd: {  	[smem:$0x3FAF] =	sst s5  }
0xe: {  	[smem:$0x3FB0] =	sst s6  }
0xf: {  	[smem:$0x3FB1] =	sst s7  }
0x10: {  	[smem:$0x3FB2] =	sst s8  }
0x11: {  	[smem:$0x3FB3] =	sst s9;
	s0 =	simm.s32 @!p0 $0x0  }
0x12: {  	s1 =	sld [smem:$0x3F99];
	s0 =	simm.s32 @p0 $0x1  }
0x13: {  	[smem:$0x3FB4] =	sst s0;
	s0 =	simm.s32 @!p1 $0x0  }
0x14: {  	s2 =	sld [smem:$0x3F98];
	s0 =	simm.s32 @p1 $0x1  }
0x15: {  	[smem:$0x3FB5] =	sst s0;
	s0 =	simm.s32 @!p2 $0x0  }
0x16: {  	s3 =	sld [smem:$0x3FDB];
	s0 =	simm.s32 @p2 $0x1  }
0x17: {  	s4 =	simm.s32 $0x1BF5;
	[smem:$0x3FB7] =	sst s0  }
0x18: {  	s0 =	sld [smem:$0x3F9A];
	_ =	swait.ge [sflag:s4], $0x0  }
0x19: {  	s7 =	sld [smem:$0x3F9B]  }
0x1a: {  	s8 =	sadd.s32 $0xFFFFE003, lr  }
0x1b: {  	s9 =	sadd.s32 $0xFFFFFEF7, lr;
	s5 =	simm.s32 $0xFFFFFFFF;
	p2 =	slt.u32 s8, $0xFFFFF086  }
0x1c: {  	p1 =	slt.u32 s9, $0xF7A;
	s5 =	simm.s32 @!p2 $0x0  }
0x1d: {  	s5 =	simm.s32 @p1 $0x1;
	p0 =	seq.s32 s7, s2  }
0x1e: {  	s7 =	smul.u32 @!p0 $0xF7A, s2;
	p2 =	seq.s32 @!p0 s5, $0x0  }
0x1f: {  	s9 =	smul.u32 $0xF7A, s1;
	s8 =	simm.s32 @!p0 $0x1BF5;
	p2 =	por !p2, p0  }
0x20: {  	[sflag:s8] =	ssyncset.s32 @!p0 $0xFFFFF086;
	s6 =	sadd.s32 @!p0 s3, s7;
	s7 =	simm.s32 @!p0 $0x108  }
0x21: {  	s3 =	sadd.s32 s3, s9;
	s6 =	sadd.s32 @!p0 $0x88, s6;
	s7 =	simm.s32 @p2 $0x1082  }
0x22: {  	[simem:s7], [sflag:s8] =	dma.local @!p0 [hbm:s6], $0xF7A  }
0x23: {  	s9 =	sor.u32 $0xD0000000, s2;
	s6 =	simm.s32 $0x108;
	_ =	swait.ge @!p0 [sflag:s8], $0x0  }
0x24: {  	s3 =	sadd.s32 $0x88, s3;
	s6 =	simm.s32 @!p1 $0x1082;
	[sflag:s4] =	ssyncset.s32 $0xFFFFF086  }
0x25: {  	[simem:s6], [sflag:s4] =	dma.local [hbm:s3], $0xF7A  }
0x26: {  	[smem:$0x3F9B] =	sst s1;
	(tag) =	ssettag s2;
	_ =	strace s9  }
0x27: {  	s1 =	sld [smem:$0x3FAB]  }
0x28: {  	s2 =	sld [smem:$0x3FAC]  }
0x29: {  	s4 =	sld [smem:$0x3FAE]  }
0x2a: {  	p0 =	seq.s32 s5, $0x0;
	s5 =	sld [smem:$0x3FAF]  }
0x2b: {  	s6 =	sld [smem:$0x3FB0]  }
0x2c: {  	s7 =	sld [smem:$0x3FB1]  }
0x2d: {  	s3 =	simm.s32 $0x108;
	s8 =	sld [smem:$0x3FB2]  }
0x2e: {  	s3 =	simm.s32 @!p0 $0x1082;
	s9 =	sld [smem:$0x3FB3]  }
0x2f: {  	lr =	sadd.s32 s0, s3;
	s0 =	sld [smem:$0x3FAA]  }
0x30: {  	s3 =	sld [smem:$0x3FAD]  }
0x31: {  	[smem:$0x3FB6] =	sst s10  }
0x32: {  	s10 =	sld [smem:$0x3FB4];
	_ =	sdelay $0x3  }
0x33: {  	p0 =	seq.s32 s10, $0x1;
	s10 =	sld [smem:$0x3FB6];
	_ =	sdelay $0x3  }
0x34: {  	[smem:$0x3FB6] =	sst s10  }
0x35: {  	s10 =	sld [smem:$0x3FB5];
	_ =	sdelay $0x3  }
0x36: {  	p1 =	seq.s32 s10, $0x1;
	s10 =	sld [smem:$0x3FB6];
	_ =	sdelay $0x3  }
0x37: {  	[smem:$0x3FB6] =	sst s10  }
0x38: {  	s10 =	sld [smem:$0x3FB7]  }
0x39: {  	_ = 	snop;
	(pc) =	sbr.ind lr, $3  }
0x3a: {  	_ = 	snop  }
0x3b: {  	_ = 	snop  }
0x3c: {  	p2 =	seq.s32 s10, $0x1;
	s10 =	sld [smem:$0x3FB6]  }
0x3d: {  	_ =	shalt  }
0x3e: {  	_ =	shalt  }
0x3f: {  	_ =	shalt  }
0x40: {  	_ =	shalt  }
0x41: {  	_ =	shalt  }
0x42: {  	_ =	shalt  }
0x43: {  	_ =	shalt  }
0x44: {  	_ =	shalt  }
0x45: {  	_ =	shalt  }
0x46: {  	_ =	shalt  }
0x47: {  	_ =	shalt  }
0x48: {  	_ =	shalt  }
0x49: {  	_ =	shalt  }
0x4a: {  	_ =	shalt  }
0x4b: {  	_ =	shalt  }
0x4c: {  	_ =	shalt  }
0x4d: {  	_ =	shalt  }
0x4e: {  	_ =	shalt  }
0x4f: {  	_ =	shalt  }
0x50: {  	_ =	shalt  }
0x51: {  	_ =	shalt  }
0x52: {  	_ =	shalt  }
0x53: {  	_ =	shalt  }
0x54: {  	_ =	shalt  }
0x55: {  	_ =	shalt  }
0x56: {  	_ =	shalt  }
0x57: {  	_ =	shalt  }
0x58: {  	_ =	shalt  }
0x59: {  	_ =	shalt  }
0x5a: {  	_ =	shalt  }
0x5b: {  	_ =	shalt  }
0x5c: {  	_ =	shalt  }
0x5d: {  	_ =	shalt  }
0x5e: {  	_ =	shalt  }
0x5f: {  	_ =	shalt  }
0x60: {  	_ =	shalt  }
0x61: {  	_ =	shalt  }
0x62: {  	_ =	shalt  }
0x63: {  	_ =	shalt  }
0x64: {  	_ =	shalt  }
0x65: {  	_ =	shalt  }
0x66: {  	_ =	shalt  }
0x67: {  	_ =	shalt  }
0x68: {  	_ =	shalt  }
0x69: {  	_ =	shalt  }
0x6a: {  	_ =	shalt  }
0x6b: {  	_ =	shalt  }
0x6c: {  	_ =	shalt  }
0x6d: {  	_ =	shalt  }
0x6e: {  	_ =	shalt  }
0x6f: {  	_ =	shalt  }
0x70: {  	_ =	shalt  }
0x71: {  	_ =	shalt  }
0x72: {  	_ =	shalt  }
0x73: {  	_ =	shalt  }
0x74: {  	_ =	shalt  }
0x75: {  	_ =	shalt  }
0x76: {  	_ =	shalt  }
0x77: {  	_ =	shalt  }
0x78: {  	_ =	shalt  }
0x79: {  	_ =	shalt  }
0x7a: {  	_ =	shalt  }
0x7b: {  	_ =	shalt  }
0x7c: {  	_ =	shalt  }
0x7d: {  	_ =	shalt  }
0x7e: {  	_ =	shalt  }
0x7f: {  	_ =	shalt  }
0x80: {  	_ =	shalt  }
0x81: {  	_ =	shalt  }
0x82: {  	_ =	shalt  }
0x83: {  	_ =	shalt  }
0x84: {  	_ =	shalt  }
0x85: {  	_ =	shalt  }
0x86: {  	_ =	shalt  }
0x87: {  	_ =	shalt  }
.Lfunc_end0:
.L_simem_size_0:
called_computation_lowered:
.L_overlay_start_0:
0x88: {  	s2 =	sld [smem:$0x3FD9]  }
0x89: {  	s3 =	sld [smem:$0x3FFE];
	_ =	sdelay $0x1  }
0x8a: {  	s1 =	srdreg.scid  }
0x8b: {  	s0 =	sand.u32 $0x1, s1  }
0x8c: {  	s17 =	sshll.u32 s0, $0xA;
	s2 =	sadd.s32 s3, s2  }
0x8d: {  	s2 =	sadd.s32 s2, s17  }
0x8e: {  	[smem:$0x3FC2] =	sst s2  }
0x8f: {  	_ = 	snop  }
0x90: {  	s18 =	sld [smem:$0x3FD0];
	(tm) =	ssettm $0x1  }
0x91: {  	s19 =	sld [smem:$0x3FFB];
	_ =	sdelay $0x3  }
0x92: {  	_ =	strace s19  }
0x93: {  	s2 =	sld [smem:$0x3FFC];
	_ =	sdelay $0x3  }
0x94: {  	_ =	strace s2  }
0x95: {  	s2 =	sld [smem:$0x3FFD];
	_ =	sdelay $0x3  }
0x96: {  	_ =	strace s2  }
0x97: {  	_ =	strace $0x8FFFFFFF  }
0x98: {  	s20 =	sld [smem:$0x3FDB];
	_ =	sdelay $0x1  }
0x99: {  	s4 =	simm.s32 $_scs_section_size  }
0x9a: {  	s5 =	simm.s32 $_size__tile_overlayer_lowered;
	s6 =	simm.s32 $_tile_overlayer_lowered  }
0x9b: {  	s7 =	simm.s32 $0x1BFF;
	s21 =	sshll.u32 s6, $0x1;
	s4 =	sadd.s32 s4, s20  }
0x9c: {  	s22 =	simm.s32 $0x0;
	s5 =	sshll.u32 s5, $0x1;
	s6 =	sadd.s32 s21, s4  }
0x9d: {  	[timem:s22], [sflag:s7] =	dma.local [hbm:s6], s5  }
0x9e: {  	_ =	swait.ge [sflag:s7], s5  }
0x9f: {  	s5 =	ssub.s32 $0x0, s5;
	[sflag:s7] =	ssyncset.done $0x0  }
0xa0: {  	[sflag:s7] =	ssyncadd.s32 s5;
	_ =	sdelay $0x1  }
0xa1: {  	s23 =	simm.s32 $0x1B8B  }
0xa2: {  	_ =	swait.ge [sflag:s23], $0x1  }
0xa3: {  	[sflag:s23] =	ssyncset.done $0x0  }
0xa4: {  	[sflag:s23] =	ssyncadd.s32 $0xFFFFFFFF  }
0xa5: {  	s5 =	sld [smem:$0x0]  }
0xa6: {  	s6 =	sand.u32 $0xFFFFFFFE, s1  }
0xa7: {  	p0 =	sne.s32 s1, s6  }
0xa8: {  	s6 =	sshll.u32 @p0 s6, $0xE  }
0xa9: {  	s6 =	sadd.s32 @p0 $0x11B8D, s6;
	s7 =	sshll.u32 @p0 s5, $0x11  }
0xaa: {  	s6 =	sor.u32 @p0 s7, s6  }
0xab: {  	[sflag:s6] =	ssyncadd.remote.s32 @p0 $0x1;
	_ =	sdelay $0x1  }
0xac: {  	s6 =	simm.s32 @p0 $0x1B8D  }
0xad: {  	_ =	swait.eq @p0 [sflag:s6], $0x1  }
0xae: {  	[sflag:s6] =	ssyncadd.s32 @p0 $0xFFFFFFFF  }
0xaf: {  	s7 =	sshll.u32 @!p0 s1, $0xE  }
0xb0: {  	s7 =	sor.u32 @!p0 $0x4000, s7;
	s6 =	simm.s32 @!p0 $0x1B8D  }
0xb1: {  	s5 =	sshll.u32 @!p0 s5, $0x11;
	s7 =	sadd.s32 @!p0 $0x11B8D, s7;
	_ =	swait.eq @!p0 [sflag:s6], $0x1  }
0xb2: {  	s5 =	sor.u32 @!p0 s5, s7;
	[sflag:s6] =	ssyncadd.s32 @!p0 $0xFFFFFFFF  }
0xb3: {  	s25 =	simm.s32 $0x1B8E;
	s24 =	sld [smem:$0x3FFE];
	[sflag:s5] =	ssyncadd.remote.s32 @!p0 $0x1  }
0xb4: {  	s26 =	simm.s32 $execute0_lowered;
	[smem:$0x3FD2] =	sst s25  }
0xb5: {  	s6 =	sshll.u32 s26, $0x1;
	_ =	strace $0x8000004F;
	[dreg:$0x1] =	wrdreg $0xFFFFFFFF  }
0xb6: {  	s28 =	simm.s32 $_size_execute0_lowered;
	s4 =	sadd.s32 s4, s6;
	[dreg:$0x0] =	wrdreg $0x0  }
0xb7: {  	s6 =	sshll.u32 s28, $0x1;
	[dreg:$0x2] =	wrdreg s4  }
0xb8: {  	[dreg:$0x3] =	wrdreg s6  }
0xb9: {  	[dreg:$0x4] =	wrdreg $0xC0  }
0xba: {  	_ =	task [dreg:s22], $0x5FFFF  }
0xbb: {  	[dreg:$0x1] =	wrdreg $0xFFFFFFFF  }
0xbc: {  	[dreg:$0x0] =	wrdreg $0x60  }
0xbd: {  	[dreg:$0x2] =	wrdreg s24  }
0xbe: {  	[dreg:$0x3] =	wrdreg s18  }
0xbf: {  	[dreg:$0x4] =	wrdreg $0x9  }
0xc0: {  	_ =	task.clear_ibuf [dreg:s22], $0x5FFFF;
	_ =	strace $0x9000004F  }
0xc1: {  	s29 =	simm.s32 $0x9;
	_ =	strace $0x80000051  }
0xc2: {  	_ =	swait.ge [sflag:s29], $0x1  }
0xc3: {  	[sflag:s29] =	ssyncadd.s32 $0xFFFFFFFF  }
0xc4: {  	_ =	strace $0x90000051  }
0xc5: {  	_ =	sfence  }
0xc6: {  	s30 =	sld [smem:$0x0];
	_ =	sdelay $0x2  }
0xc7: {  	s31 =	sshll.u32 s1, $0xD;
	s1 =	sshrl.u32 s1, $0x2  }
0xc8: {  	s4 =	sand.u32 $0x4000, s31;
	s1 =	sadd.s32 s1, s30  }
0xc9: {  	s0 =	sor.u32 s4, s0;
	s1 =	sshll.u32 s1, $0x11  }
0xca: {  	s0 =	sor.u32 s1, s0  }
0xcb: {  	s0 =	sadd.s32 $0x8F2B, s0  }
0xcc: {  	[sflag:s0] =	ssyncadd.remote.s32 $0x1  }
0xcd: {  	_ =	sfence.sel $0xFFFF  }
0xce: {  	[dreg:$0x0] =	wrdreg $0xFFFFFFFF;
	(pc) =	sbr.abs _section_cstart, $3  }
0xcf: {  	[dreg:$0x1] =	wrdreg $0xFFFFFFFF  }
0xd0: {  	_ =	task.clear_ibuf [dreg:s22], $0x2FFFF;
	_ =	strace $0x9FFFFFFF  }
0xd1: {  	(tm) =	ssettm $0x7FFFFFFF  }
tec
execute0_lowered:
.L_overlay_start_1:
0x0: {  	(tag) =	ssettag $0x1  }
0x1: {  	s4 =	rddreg [dreg:$0x0]  }
0x2: {  	s5 =	rddreg [dreg:$0x1]  }
0x3: {  	s0 =	rddreg [dreg:$0x2]  }
0x4: {  	s2 =	simm.s32 $0x0;
	s3 =	srdreg.scid;
	s1 =	stileid.u32  }
0x5: {  	[smem:$0x7FF] =	sst s2;
	s6 =	sand.u32 $0x1, s3;
	s3 =	sadd.s32 $0x9E00, s4  }
0x6: {  	s7 =	sshll.u32 s1, $0xC;
	s31 =	sshll.u32 s1, $0x5;
	_ =	strace $0x80000050  }
0x7: {  	s8 =	ssub.s32 $0x2, s6;
	s4 =	sadd.s32 s7, s4;
	s9 =	sshll.u32 s6, $0xB  }
0x8: {  	s10 =	sshll.u32 s6, $0x4;
	s29 =	sshrl.u32 s8, $0x1;
	s30 =	sadd.s32 s9, s4  }
0x9: {  	s4 =	sshll.u32 s1, $0x1;
	s9 =	sadd.s32 s31, s5;
	s7 =	ssub.s32 s8, s29  }
0xa: {  	s6 =	sadd.s32 $0x31F000, s30;
	s5 =	smax.u32 s7, $0x1;
	s7 =	sadd.s32 s10, s9  }
.LBB2_1:
0xb: {  	s8 =	sadd.s32 $0x0, s4  }
0xc: {  	p0 =	sgt.u32 s8, $0x1F3  }
0xd: {  	s8 =	simm.s32 @!p0 $0x0;
	s9 =	simm.s32 @!p0 $0x3  }
0xe: {  	[tilespmem:s8], [sflag:$0x3] =	stream.linear.gather @!p0 [hbm4b:s7+s8], $0x80, $0x38;
	[tilespmem:$0x4080] =	vst v63  }
0xf: {  	_ =	swait.ge @!p0 [sflag:s9], $0x80  }
0x10: {  	[sflag:s9] =	ssyncset.done @!p0 $0x0;
	p0 =	por p0, p0  }
0x11: {  	[sflag:s9] =	ssyncadd.s32 @!p0 $0xFFFFFF80;
	s10 =	simm.s32 @!p0 $0x80;
	s11 =	simm.s32 @!p0 $0x1  }
0x12: {  	[tilespmem:s10], [sflag:$0x1] =	stream.indirect.gather @!p0 [hbm4b:s3+s10], $0x80, s8, s10, $0xb8;
	[tilespmem:$0x4080] =	vst v63  }
0x13: {  	_ =	swait.ge @!p0 [sflag:s11], $0x4000  }
0x14: {  	[sflag:s11] =	ssyncset.done @!p0 $0x0  }
0x15: {  	s31 =	sadd.s32 $0x20, s4;
	[sflag:s11] =	ssyncadd.s32 @!p0 $0xFFFFC000;
	s11 =	simm.s32 @!p0 $0x2  }
0x16: {  	[hbm4b:s6+s8] =	stream.linear.scatter @!p0 [tilespmem:s10], [sflag:$0x2], $0x4000, $0x38;
	[tilespmem:$0x4080] =	vst v63  }
0x17: {  	p1 =	sgt.u32 s31, $0x1F3;
	s9 =	simm.s32 $0x40;
	_ =	swait.ge @!p0 [sflag:s11], $0x4000  }
0x18: {  	s10 =	sadd.s32 $0x200, s7;
	s8 =	sadd.s32 $0x10000, s6;
	[sflag:s11] =	ssyncset.done @!p0 $0x0  }
.LBB2_2:
0x19: {  	s12 =	simm.s32 @!p1 $0x0;
	s13 =	simm.s32 @!p1 $0x3;
	[sflag:s11] =	ssyncadd.s32 @!p0 $0xFFFFC000  }
0x1a: {  	[tilespmem:s12], [sflag:$0x3] =	stream.linear.gather @!p1 [hbm4b:s10+s12], $0x80, $0x38;
	[tilespmem:$0x4080] =	vst v63  }
0x1b: {  	s14 =	smov.u32 s9;
	s9 =	sadd.s32 $0x20, s9;
	_ =	swait.ge @!p1 [sflag:s13], $0x80  }
0x1c: {  	p0 =	por p1, p1;
	p2 =	sne.s32 s9, $0x200;
	[sflag:s13] =	ssyncset.done @!p1 $0x0  }
0x1d: {  	s11 =	simm.s32 @!p0 $0x1;
	[sflag:s13] =	ssyncadd.s32 @!p0 $0xFFFFFF80;
	s13 =	simm.s32 @!p0 $0x80  }
0x1e: {  	[tilespmem:s13], [sflag:$0x1] =	stream.indirect.gather @!p0 [hbm4b:s3+s13], $0x80, s12, s13, $0xb8;
	[tilespmem:$0x4080] =	vst v63  }
0x1f: {  	_ =	swait.ge @!p0 [sflag:s11], $0x4000  }
.Ltmp0:
0x20: {  	[sflag:s11] =	ssyncset.done @!p0 $0x0;
	(pc) =	sbr.rel @p2 .LBB2_2-.Ltmp0, $4  }
0x21: {  	[sflag:s11] =	ssyncadd.s32 @!p0 $0xFFFFC000;
	s11 =	simm.s32 @!p0 $0x2  }
0x22: {  	[hbm4b:s8+s12] =	stream.linear.scatter @!p0 [tilespmem:s13], [sflag:$0x2], $0x4000, $0x38;
	[tilespmem:$0x4080] =	vst v63  }
0x23: {  	s10 =	sadd.s32 $0x200, s10;
	s12 =	sadd.s32 s14, s4;
	_ =	swait.ge @!p0 [sflag:s11], $0x4000  }
0x24: {  	s8 =	sadd.s32 $0x10000, s8;
	p1 =	sgt.u32 s12, $0x1F3;
	[sflag:s11] =	ssyncset.done @!p0 $0x0  }
0x25: {  	s9 =	simm.s32 @!p1 $0x0;
	s12 =	simm.s32 @!p1 $0x3;
	[sflag:s11] =	ssyncadd.s32 @!p0 $0xFFFFC000  }
0x26: {  	[tilespmem:s9], [sflag:$0x3] =	stream.linear.gather @!p1 [hbm4b:s10+s9], $0x80, $0x38;
	[tilespmem:$0x4080] =	vst v63  }
0x27: {  	_ =	swait.ge @!p1 [sflag:s12], $0x80  }
0x28: {  	p0 =	por p1, p1;
	[sflag:s12] =	ssyncset.done @!p1 $0x0  }
0x29: {  	s10 =	simm.s32 @!p0 $0x80;
	s11 =	simm.s32 @!p0 $0x1;
	[sflag:s12] =	ssyncadd.s32 @!p0 $0xFFFFFF80  }
0x2a: {  	[tilespmem:s10], [sflag:$0x1] =	stream.indirect.gather @!p0 [hbm4b:s3+s10], $0x80, s9, s10, $0xb8;
	[tilespmem:$0x4080] =	vst v63  }
0x2b: {  	s2 =	sadd.s32 $0x1, s2;
	_ =	swait.ge @!p0 [sflag:s11], $0x4000  }
0x2c: {  	p1 =	sne.s32 s2, s5;
	[sflag:s11] =	ssyncset.done @!p0 $0x0  }
.Ltmp1:
0x2d: {  	[sflag:s11] =	ssyncadd.s32 @!p0 $0xFFFFC000;
	s11 =	simm.s32 @!p0 $0x2;
	(pc) =	sbr.rel @p1 .LBB2_1-.Ltmp1, $4  }
0x2e: {  	[hbm4b:s8+s9] =	stream.linear.scatter @!p0 [tilespmem:s10], [sflag:$0x2], $0x4000, $0x38;
	[tilespmem:$0x4080] =	vst v63  }
0x2f: {  	_ =	swait.ge @!p0 [sflag:s11], $0x4000  }
0x30: {  	[sflag:s11] =	ssyncset.done @!p0 $0x0  }
0x31: {  	[sflag:s11] =	ssyncadd.s32 @!p0 $0xFFFFC000  }
0x32: {  	_ =	sfence.sel $0x180000  }
0x33: {  	[bflag:$0x0] =	sbarrier.arrive $0xFFFF  }
0x34: {  	p0 =	sne.s32 s1, $0x0;
	_ =	strace $0x90000050  }
0x35: {  	s0 =	sadd.s32 @!p0 $0x100000, s0;
	[bflag:$0x2] =	sbarrier.arrive $0xFFFF  }
0x36: {  	[sflag:s0] =	ssyncadd.tile.s32 @!p0 $0x1;
	_ =	shalt  }
.Lfunc_end2:
_tile_overlayer_lowered:
.L_overlay_start_2:
0x37: {  	(tag) =	ssettag $0x2  }
0x38: {  	s0 =	rddreg [dreg:$0x0];
	s2 =	stileid.u32  }
0x39: {  	s1 =	rddreg [dreg:$0x1];
	p0 =	sne.s32 s2, $0x0  }
0x3a: {  	s3 =	rddreg [dreg:$0x2];
	[bflag:$0x3] =	sbarrier.arrive $0xFFFF;
	s2 =	simm.s32 @!p0 $0x1C02  }
0x3b: {  	[timem:s3], [sflag:s2] =	dma.local @!p0 [hbm:s0], s1  }
0x3c: {  	s0 =	simm.s32 @!p0 $0x2  }
0x3d: {  	_ =	swait.ge @!p0 [sflag:s0], s1  }
0x3e: {  	s1 =	ssub.s32 @!p0 $0x0, s1;
	[sflag:s0] =	ssyncset.done @!p0 $0x0  }
0x3f: {  	[sflag:s0] =	ssyncadd.s32 @!p0 s1  }
0x40: {  	[bflag:$0x3] =	sbarrier.arrive $0xFFFF  }
0x41: {  	_ =	shalt  }

// kernel: kernel.15.cloned.1.call-start
scs
__scs_entry_jumppad:
0x0: {  	(pc) =	sbr.rel $0x88, $3  }
0x1: {  	(tag) =	ssettag $0x0;
	lr =	simm.s32 $0x1  }
0x2: {  	[smem:$0x3F9B] =	sst lr;
	_ =	strace $0xD0000000  }
0x3: {  	_ = 	snop  }
0x4: {  	_ = 	snop  }
0x5: {  	_ = 	snop  }
0x6: {  	_ = 	snop  }
0x7: {  	_ = 	snop  }
__scs_overlays_trampoline_lowered:
0x8: {  	[smem:$0x3FAA] =	sst s0  }
0x9: {  	[smem:$0x3FAB] =	sst s1  }
0xa: {  	[smem:$0x3FAC] =	sst s2  }
0xb: {  	[smem:$0x3FAD] =	sst s3  }
0xc: {  	[smem:$0x3FAE] =	sst s4  }
0xd: {  	[smem:$0x3FAF] =	sst s5  }
0xe: {  	[smem:$0x3FB0] =	sst s6  }
0xf: {  	[smem:$0x3FB1] =	sst s7  }
0x10: {  	[smem:$0x3FB2] =	sst s8  }
0x11: {  	[smem:$0x3FB3] =	sst s9;
	s0 =	simm.s32 @!p0 $0x0  }
0x12: {  	s1 =	sld [smem:$0x3F99];
	s0 =	simm.s32 @p0 $0x1  }
0x13: {  	[smem:$0x3FB4] =	sst s0;
	s0 =	simm.s32 @!p1 $0x0  }
0x14: {  	s2 =	sld [smem:$0x3F98];
	s0 =	simm.s32 @p1 $0x1  }
0x15: {  	[smem:$0x3FB5] =	sst s0;
	s0 =	simm.s32 @!p2 $0x0  }
0x16: {  	s3 =	sld [smem:$0x3FDB];
	s0 =	simm.s32 @p2 $0x1  }
0x17: {  	s4 =	simm.s32 $0x1BF5;
	[smem:$0x3FB7] =	sst s0  }
0x18: {  	s0 =	sld [smem:$0x3F9A];
	_ =	swait.ge [sflag:s4], $0x0  }
0x19: {  	s7 =	sld [smem:$0x3F9B]  }
0x1a: {  	s8 =	sadd.s32 $0xFFFFE003, lr  }
0x1b: {  	s9 =	sadd.s32 $0xFFFFFEF7, lr;
	s5 =	simm.s32 $0xFFFFFFFF;
	p2 =	slt.u32 s8, $0xFFFFF086  }
0x1c: {  	p1 =	slt.u32 s9, $0xF7A;
	s5 =	simm.s32 @!p2 $0x0  }
0x1d: {  	s5 =	simm.s32 @p1 $0x1;
	p0 =	seq.s32 s7, s2  }
0x1e: {  	s7 =	smul.u32 @!p0 $0xF7A, s2;
	p2 =	seq.s32 @!p0 s5, $0x0  }
0x1f: {  	s9 =	smul.u32 $0xF7A, s1;
	s8 =	simm.s32 @!p0 $0x1BF5;
	p2 =	por !p2, p0  }
0x20: {  	[sflag:s8] =	ssyncset.s32 @!p0 $0xFFFFF086;
	s6 =	sadd.s32 @!p0 s3, s7;
	s7 =	simm.s32 @!p0 $0x108  }
0x21: {  	s3 =	sadd.s32 s3, s9;
	s6 =	sadd.s32 @!p0 $0x88, s6;
	s7 =	simm.s32 @p2 $0x1082  }
0x22: {  	[simem:s7], [sflag:s8] =	dma.local @!p0 [hbm:s6], $0xF7A  }
0x23: {  	s9 =	sor.u32 $0xD0000000, s2;
	s6 =	simm.s32 $0x108;
	_ =	swait.ge @!p0 [sflag:s8], $0x0  }
0x24: {  	s3 =	sadd.s32 $0x88, s3;
	s6 =	simm.s32 @!p1 $0x1082;
	[sflag:s4] =	ssyncset.s32 $0xFFFFF086  }
0x25: {  	[simem:s6], [sflag:s4] =	dma.local [hbm:s3], $0xF7A  }
0x26: {  	[smem:$0x3F9B] =	sst s1;
	(tag) =	ssettag s2;
	_ =	strace s9  }
0x27: {  	s1 =	sld [smem:$0x3FAB]  }
0x28: {  	s2 =	sld [smem:$0x3FAC]  }
0x29: {  	s4 =	sld [smem:$0x3FAE]  }
0x2a: {  	p0 =	seq.s32 s5, $0x0;
	s5 =	sld [smem:$0x3FAF]  }
0x2b: {  	s6 =	sld [smem:$0x3FB0]  }
0x2c: {  	s7 =	sld [smem:$0x3FB1]  }
0x2d: {  	s3 =	simm.s32 $0x108;
	s8 =	sld [smem:$0x3FB2]  }
0x2e: {  	s3 =	simm.s32 @!p0 $0x1082;
	s9 =	sld [smem:$0x3FB3]  }
0x2f: {  	lr =	sadd.s32 s0, s3;
	s0 =	sld [smem:$0x3FAA]  }
0x30: {  	s3 =	sld [smem:$0x3FAD]  }
0x31: {  	[smem:$0x3FB6] =	sst s10  }
0x32: {  	s10 =	sld [smem:$0x3FB4];
	_ =	sdelay $0x3  }
0x33: {  	p0 =	seq.s32 s10, $0x1;
	s10 =	sld [smem:$0x3FB6];
	_ =	sdelay $0x3  }
0x34: {  	[smem:$0x3FB6] =	sst s10  }
0x35: {  	s10 =	sld [smem:$0x3FB5];
	_ =	sdelay $0x3  }
0x36: {  	p1 =	seq.s32 s10, $0x1;
	s10 =	sld [smem:$0x3FB6];
	_ =	sdelay $0x3  }
0x37: {  	[smem:$0x3FB6] =	sst s10  }
0x38: {  	s10 =	sld [smem:$0x3FB7]  }
0x39: {  	_ = 	snop;
	(pc) =	sbr.ind lr, $3  }
0x3a: {  	_ = 	snop  }
0x3b: {  	_ = 	snop  }
0x3c: {  	p2 =	seq.s32 s10, $0x1;
	s10 =	sld [smem:$0x3FB6]  }
0x3d: {  	_ =	shalt  }
0x3e: {  	_ =	shalt  }
0x3f: {  	_ =	shalt  }
0x40: {  	_ =	shalt  }
0x41: {  	_ =	shalt  }
0x42: {  	_ =	shalt  }
0x43: {  	_ =	shalt  }
0x44: {  	_ =	shalt  }
0x45: {  	_ =	shalt  }
0x46: {  	_ =	shalt  }
0x47: {  	_ =	shalt  }
0x48: {  	_ =	shalt  }
0x49: {  	_ =	shalt  }
0x4a: {  	_ =	shalt  }
0x4b: {  	_ =	shalt  }
0x4c: {  	_ =	shalt  }
0x4d: {  	_ =	shalt  }
0x4e: {  	_ =	shalt  }
0x4f: {  	_ =	shalt  }
0x50: {  	_ =	shalt  }
0x51: {  	_ =	shalt  }
0x52: {  	_ =	shalt  }
0x53: {  	_ =	shalt  }
0x54: {  	_ =	shalt  }
0x55: {  	_ =	shalt  }
0x56: {  	_ =	shalt  }
0x57: {  	_ =	shalt  }
0x58: {  	_ =	shalt  }
0x59: {  	_ =	shalt  }
0x5a: {  	_ =	shalt  }
0x5b: {  	_ =	shalt  }
0x5c: {  	_ =	shalt  }
0x5d: {  	_ =	shalt  }
0x5e: {  	_ =	shalt  }
0x5f: {  	_ =	shalt  }
0x60: {  	_ =	shalt  }
0x61: {  	_ =	shalt  }
0x62: {  	_ =	shalt  }
0x63: {  	_ =	shalt  }
0x64: {  	_ =	shalt  }
0x65: {  	_ =	shalt  }
0x66: {  	_ =	shalt  }
0x67: {  	_ =	shalt  }
0x68: {  	_ =	shalt  }
0x69: {  	_ =	shalt  }
0x6a: {  	_ =	shalt  }
0x6b: {  	_ =	shalt  }
0x6c: {  	_ =	shalt  }
0x6d: {  	_ =	shalt  }
0x6e: {  	_ =	shalt  }
0x6f: {  	_ =	shalt  }
0x70: {  	_ =	shalt  }
0x71: {  	_ =	shalt  }
0x72: {  	_ =	shalt  }
0x73: {  	_ =	shalt  }
0x74: {  	_ =	shalt  }
0x75: {  	_ =	shalt  }
0x76: {  	_ =	shalt  }
0x77: {  	_ =	shalt  }
0x78: {  	_ =	shalt  }
0x79: {  	_ =	shalt  }
0x7a: {  	_ =	shalt  }
0x7b: {  	_ =	shalt  }
0x7c: {  	_ =	shalt  }
0x7d: {  	_ =	shalt  }
0x7e: {  	_ =	shalt  }
0x7f: {  	_ =	shalt  }
0x80: {  	_ =	shalt  }
0x81: {  	_ =	shalt  }
0x82: {  	_ =	shalt  }
0x83: {  	_ =	shalt  }
0x84: {  	_ =	shalt  }
0x85: {  	_ =	shalt  }
0x86: {  	_ =	shalt  }
0x87: {  	_ =	shalt  }
.Lfunc_end0:
.L_simem_size_0:
called_computation.1_lowered:
.L_overlay_start_0:
0x88: {  	s2 =	sld [smem:$0x3FD9]  }
0x89: {  	s3 =	sld [smem:$0x3FFE];
	_ =	sdelay $0x1  }
0x8a: {  	s1 =	srdreg.scid  }
0x8b: {  	s0 =	sand.u32 $0x1, s1  }
0x8c: {  	s17 =	sshll.u32 s0, $0xA;
	s2 =	sadd.s32 s3, s2  }
0x8d: {  	s2 =	sadd.s32 s2, s17  }
0x8e: {  	[smem:$0x3FC2] =	sst s2  }
0x8f: {  	_ = 	snop  }
0x90: {  	(tm) =	ssettm $0x1  }
0x91: {  	s18 =	sld [smem:$0x3FFB];
	_ =	sdelay $0x3  }
0x92: {  	_ =	strace s18  }
0x93: {  	s2 =	sld [smem:$0x3FFC];
	_ =	sdelay $0x3  }
0x94: {  	_ =	strace s2  }
0x95: {  	s2 =	sld [smem:$0x3FFD];
	_ =	sdelay $0x3  }
0x96: {  	_ =	strace s2  }
0x97: {  	_ =	strace $0x8FFFFFFF  }
0x98: {  	s19 =	sld [smem:$0x3FDB];
	_ =	sdelay $0x1  }
0x99: {  	s20 =	simm.s32 $_scs_section_size  }
0x9a: {  	s4 =	simm.s32 $_size__tile_overlayer_lowered;
	s5 =	simm.s32 $_tile_overlayer_lowered  }
0x9b: {  	s6 =	simm.s32 $0x1BFF;
	s21 =	sshll.u32 s5, $0x1;
	s3 =	sadd.s32 s20, s19  }
0x9c: {  	s22 =	simm.s32 $0x0;
	s4 =	sshll.u32 s4, $0x1;
	s5 =	sadd.s32 s21, s3  }
0x9d: {  	[timem:s22], [sflag:s6] =	dma.local [hbm:s5], s4  }
0x9e: {  	_ =	swait.ge [sflag:s6], s4  }
0x9f: {  	s4 =	ssub.s32 $0x0, s4;
	[sflag:s6] =	ssyncset.done $0x0  }
0xa0: {  	[sflag:s6] =	ssyncadd.s32 s4;
	_ =	sdelay $0x1  }
0xa1: {  	s23 =	simm.s32 $0x1B8B  }
0xa2: {  	_ =	swait.ge [sflag:s23], $0x1  }
0xa3: {  	[sflag:s23] =	ssyncset.done $0x0  }
0xa4: {  	[sflag:s23] =	ssyncadd.s32 $0xFFFFFFFF  }
0xa5: {  	s4 =	sld [smem:$0x0]  }
0xa6: {  	s5 =	sand.u32 $0xFFFFFFFE, s1  }
0xa7: {  	p0 =	sne.s32 s1, s5  }
0xa8: {  	s5 =	sshll.u32 @p0 s5, $0xE  }
0xa9: {  	s5 =	sadd.s32 @p0 $0x11B8D, s5;
	s6 =	sshll.u32 @p0 s4, $0x11  }
0xaa: {  	s5 =	sor.u32 @p0 s6, s5  }
0xab: {  	[sflag:s5] =	ssyncadd.remote.s32 @p0 $0x1;
	_ =	sdelay $0x1  }
0xac: {  	s5 =	simm.s32 @p0 $0x1B8D  }
0xad: {  	_ =	swait.eq @p0 [sflag:s5], $0x1  }
0xae: {  	[sflag:s5] =	ssyncadd.s32 @p0 $0xFFFFFFFF  }
0xaf: {  	s6 =	sshll.u32 @!p0 s1, $0xE  }
0xb0: {  	s6 =	sor.u32 @!p0 $0x4000, s6;
	s5 =	simm.s32 @!p0 $0x1B8D  }
0xb1: {  	s4 =	sshll.u32 @!p0 s4, $0x11;
	s6 =	sadd.s32 @!p0 $0x11B8D, s6;
	_ =	swait.eq @!p0 [sflag:s5], $0x1  }
0xb2: {  	s4 =	sor.u32 @!p0 s4, s6;
	[sflag:s5] =	ssyncadd.s32 @!p0 $0xFFFFFFFF  }
0xb3: {  	s25 =	simm.s32 $0x1B8E;
	s24 =	sld [smem:$0x3FFE];
	[sflag:s4] =	ssyncadd.remote.s32 @!p0 $0x1  }
0xb4: {  	s26 =	simm.s32 $execute0_lowered;
	[smem:$0x3FD2] =	sst s25  }
0xb5: {  	s5 =	sshll.u32 s26, $0x1;
	_ =	strace $0x8000004C;
	[dreg:$0x1] =	wrdreg $0xFFFFFFFF  }
0xb6: {  	s28 =	simm.s32 $_size_execute0_lowered;
	s3 =	sadd.s32 s3, s5;
	[dreg:$0x0] =	wrdreg $0x0  }
0xb7: {  	s5 =	sshll.u32 s28, $0x1;
	[dreg:$0x2] =	wrdreg s3  }
0xb8: {  	[dreg:$0x3] =	wrdreg s5  }
0xb9: {  	[dreg:$0x4] =	wrdreg $0xC0  }
0xba: {  	_ =	task [dreg:s22], $0x5FFFF  }
0xbb: {  	[dreg:$0x1] =	wrdreg $0xFFFFFFFF  }
0xbc: {  	[dreg:$0x0] =	wrdreg $0x60  }
0xbd: {  	[dreg:$0x2] =	wrdreg s24  }
0xbe: {  	[dreg:$0x3] =	wrdreg $0xA  }
0xbf: {  	_ =	task.clear_ibuf [dreg:s22], $0x4FFFF;
	_ =	strace $0x9000004C  }
0xc0: {  	s29 =	simm.s32 $0xA;
	_ =	strace $0x8000004E  }
0xc1: {  	_ =	swait.ge [sflag:s29], $0x1  }
0xc2: {  	[sflag:s29] =	ssyncadd.s32 $0xFFFFFFFF  }
0xc3: {  	_ =	strace $0x9000004E  }
0xc4: {  	_ =	sfence  }
0xc5: {  	s30 =	sld [smem:$0x0];
	_ =	sdelay $0x2  }
0xc6: {  	s31 =	sshll.u32 s1, $0xD;
	s1 =	sshrl.u32 s1, $0x2  }
0xc7: {  	s4 =	sand.u32 $0x4000, s31;
	s1 =	sadd.s32 s1, s30  }
0xc8: {  	s0 =	sor.u32 s4, s0;
	s1 =	sshll.u32 s1, $0x11  }
0xc9: {  	s0 =	sor.u32 s1, s0  }
0xca: {  	s0 =	sadd.s32 $0x8F2B, s0  }
0xcb: {  	[sflag:s0] =	ssyncadd.remote.s32 $0x1  }
0xcc: {  	_ =	sfence.sel $0xFFFF  }
0xcd: {  	[dreg:$0x0] =	wrdreg $0xFFFFFFFF;
	(pc) =	sbr.abs _section_cstart, $3  }
0xce: {  	[dreg:$0x1] =	wrdreg $0xFFFFFFFF  }
0xcf: {  	_ =	task.clear_ibuf [dreg:s22], $0x2FFFF;
	_ =	strace $0x9FFFFFFF  }
0xd0: {  	(tm) =	ssettm $0x7FFFFFFF  }
0xd1: {  	_ =	shalt  }
tec
execute0_lowered:
.L_overlay_start_1:
0x0: {  	(tag) =	ssettag $0x1  }
0x1: {  	s4 =	rddreg [dreg:$0x0]  }
0x2: {  	s0 =	rddreg [dreg:$0x1];
	s1 =	simm.s32 $0x0;
	s5 =	srdreg.scid  }
0x3: {  	s2 =	stileid.u32;
	[smem:$0x7FF] =	sst s1  }
0x4: {  	s3 =	sadd.s32 $0x9E00, s4;
	s5 =	sand.u32 $0x1, s5;
	s6 =	sshll.u32 s2, $0x5  }
0x5: {  	s7 =	sshll.u32 s2, $0xC;
	_ =	strace $0x8000004D;
	s8 =	ssub.s32 $0x2, s5  }
0x6: {  	s6 =	sadd.s32 s6, s4;
	s7 =	sadd.s32 s7, s4;
	s9 =	sshll.u32 s5, $0xB  }
0x7: {  	s5 =	sshll.u32 s5, $0x4;
	s4 =	sshll.u32 s2, $0x1;
	s30 =	sshrl.u32 s8, $0x1  }
0x8: {  	s7 =	sadd.s32 s9, s7;
	s31 =	sadd.s32 s5, s6;
	s8 =	ssub.s32 s8, s30  }
0x9: {  	s6 =	sadd.s32 $0x225000, s7;
	s7 =	sadd.s32 $0x5E00, s31;
	s5 =	smax.u32 s8, $0x1  }
.LBB2_1:
0xa: {  	s8 =	sadd.s32 $0x0, s4  }
0xb: {  	p0 =	sgt.u32 s8, $0x1F3  }
0xc: {  	s8 =	simm.s32 @!p0 $0x0;
	s9 =	simm.s32 @!p0 $0x3  }
0xd: {  	[tilespmem:s8], [sflag:$0x3] =	stream.linear.gather @!p0 [hbm4b:s7+s8], $0x80, $0x38;
	[tilespmem:$0x4080] =	vst v63  }
0xe: {  	_ =	swait.ge @!p0 [sflag:s9], $0x80  }
0xf: {  	[sflag:s9] =	ssyncset.done @!p0 $0x0;
	p0 =	por p0, p0  }
0x10: {  	[sflag:s9] =	ssyncadd.s32 @!p0 $0xFFFFFF80;
	s10 =	simm.s32 @!p0 $0x80;
	s11 =	simm.s32 @!p0 $0x1  }
0x11: {  	[tilespmem:s10], [sflag:$0x1] =	stream.indirect.gather @!p0 [hbm4b:s3+s10], $0x80, s8, s10, $0xb8;
	[tilespmem:$0x4080] =	vst v63  }
0x12: {  	_ =	swait.ge @!p0 [sflag:s11], $0x4000  }
0x13: {  	[sflag:s11] =	ssyncset.done @!p0 $0x0  }
0x14: {  	s31 =	sadd.s32 $0x20, s4;
	[sflag:s11] =	ssyncadd.s32 @!p0 $0xFFFFC000;
	s11 =	simm.s32 @!p0 $0x2  }
0x15: {  	[hbm4b:s6+s8] =	stream.linear.scatter @!p0 [tilespmem:s10], [sflag:$0x2], $0x4000, $0x38;
	[tilespmem:$0x4080] =	vst v63  }
0x16: {  	p1 =	sgt.u32 s31, $0x1F3;
	s9 =	simm.s32 $0x40;
	_ =	swait.ge @!p0 [sflag:s11], $0x4000  }
0x17: {  	s10 =	sadd.s32 $0x200, s7;
	s8 =	sadd.s32 $0x10000, s6;
	[sflag:s11] =	ssyncset.done @!p0 $0x0  }
.LBB2_2:
0x18: {  	s12 =	simm.s32 @!p1 $0x0;
	s13 =	simm.s32 @!p1 $0x3;
	[sflag:s11] =	ssyncadd.s32 @!p0 $0xFFFFC000  }
0x19: {  	[tilespmem:s12], [sflag:$0x3] =	stream.linear.gather @!p1 [hbm4b:s10+s12], $0x80, $0x38;
	[tilespmem:$0x4080] =	vst v63  }
0x1a: {  	s14 =	smov.u32 s9;
	s9 =	sadd.s32 $0x20, s9;
	_ =	swait.ge @!p1 [sflag:s13], $0x80  }
0x1b: {  	p0 =	por p1, p1;
	p2 =	sne.s32 s9, $0x200;
	[sflag:s13] =	ssyncset.done @!p1 $0x0  }
0x1c: {  	s11 =	simm.s32 @!p0 $0x1;
	[sflag:s13] =	ssyncadd.s32 @!p0 $0xFFFFFF80;
	s13 =	simm.s32 @!p0 $0x80  }
0x1d: {  	[tilespmem:s13], [sflag:$0x1] =	stream.indirect.gather @!p0 [hbm4b:s3+s13], $0x80, s12, s13, $0xb8;
	[tilespmem:$0x4080] =	vst v63  }
0x1e: {  	_ =	swait.ge @!p0 [sflag:s11], $0x4000  }
.Ltmp0:
0x1f: {  	[sflag:s11] =	ssyncset.done @!p0 $0x0;
	(pc) =	sbr.rel @p2 .LBB2_2-.Ltmp0, $4  }
0x20: {  	[sflag:s11] =	ssyncadd.s32 @!p0 $0xFFFFC000;
	s11 =	simm.s32 @!p0 $0x2  }
0x21: {  	[hbm4b:s8+s12] =	stream.linear.scatter @!p0 [tilespmem:s13], [sflag:$0x2], $0x4000, $0x38;
	[tilespmem:$0x4080] =	vst v63  }
0x22: {  	s10 =	sadd.s32 $0x200, s10;
	s12 =	sadd.s32 s14, s4;
	_ =	swait.ge @!p0 [sflag:s11], $0x4000  }
0x23: {  	s8 =	sadd.s32 $0x10000, s8;
	p1 =	sgt.u32 s12, $0x1F3;
	[sflag:s11] =	ssyncset.done @!p0 $0x0  }
0x24: {  	s9 =	simm.s32 @!p1 $0x0;
	s12 =	simm.s32 @!p1 $0x3;
	[sflag:s11] =	ssyncadd.s32 @!p0 $0xFFFFC000  }
0x25: {  	[tilespmem:s9], [sflag:$0x3] =	stream.linear.gather @!p1 [hbm4b:s10+s9], $0x80, $0x38;
	[tilespmem:$0x4080] =	vst v63  }
0x26: {  	_ =	swait.ge @!p1 [sflag:s12], $0x80  }
0x27: {  	p0 =	por p1, p1;
	[sflag:s12] =	ssyncset.done @!p1 $0x0  }
0x28: {  	s10 =	simm.s32 @!p0 $0x80;
	s11 =	simm.s32 @!p0 $0x1;
	[sflag:s12] =	ssyncadd.s32 @!p0 $0xFFFFFF80  }
0x29: {  	[tilespmem:s10], [sflag:$0x1] =	stream.indirect.gather @!p0 [hbm4b:s3+s10], $0x80, s9, s10, $0xb8;
	[tilespmem:$0x4080] =	vst v63  }
0x2a: {  	s1 =	sadd.s32 $0x1, s1;
	_ =	swait.ge @!p0 [sflag:s11], $0x4000  }
0x2b: {  	p1 =	sne.s32 s1, s5;
	[sflag:s11] =	ssyncset.done @!p0 $0x0  }
.Ltmp1:
0x2c: {  	[sflag:s11] =	ssyncadd.s32 @!p0 $0xFFFFC000;
	s11 =	simm.s32 @!p0 $0x2;
	(pc) =	sbr.rel @p1 .LBB2_1-.Ltmp1, $4  }
0x2d: {  	[hbm4b:s8+s9] =	stream.linear.scatter @!p0 [tilespmem:s10], [sflag:$0x2], $0x4000, $0x38;
	[tilespmem:$0x4080] =	vst v63  }
0x2e: {  	_ =	swait.ge @!p0 [sflag:s11], $0x4000  }
0x2f: {  	[sflag:s11] =	ssyncset.done @!p0 $0x0  }
0x30: {  	[sflag:s11] =	ssyncadd.s32 @!p0 $0xFFFFC000  }
0x31: {  	_ =	sfence.sel $0x180000  }
0x32: {  	[bflag:$0x0] =	sbarrier.arrive $0xFFFF  }
0x33: {  	p0 =	sne.s32 s2, $0x0;
	_ =	strace $0x9000004D  }
0x34: {  	s0 =	sadd.s32 @!p0 $0x100000, s0;
	[bflag:$0x2] =	sbarrier.arrive $0xFFFF  }
0x35: {  	[sflag:s0] =	ssyncadd.tile.s32 @!p0 $0x1;
	_ =	shalt  }
.Lfunc_end2:
_tile_overlayer_lowered:
.L_overlay_start_2:
0x36: {  	(tag) =	ssettag $0x2  }
0x37: {  	s0 =	rddreg [dreg:$0x0];
	s2 =	stileid.u32  }
0x38: {  	s1 =	rddreg [dreg:$0x1];
	p0 =	sne.s32 s2, $0x0  }
0x39: {  	s3 =	rddreg [dreg:$0x2];
	[bflag:$0x3] =	sbarrier.arrive $0xFFFF;
	s2 =	simm.s32 @!p0 $0x1C02  }
0x3a: {  	[timem:s3], [sflag:s2] =	dma.local @!p0 [hbm:s0], s1  }
0x3b: {  	s0 =	simm.s32 @!p0 $0x2  }
0x3c: {  	_ =	swait.ge @!p0 [sflag:s0], s1  }
0x3d: {  	s1 =	ssub.s32 @!p0 $0x0, s1;
	[sflag:s0] =	ssyncset.done @!p0 $0x0  }
0x3e: {  	[sflag:s0] =	ssyncadd.s32 @!p0 s1  }
0x3f: {  	[bflag:$0x3] =	sbarrier.arrive $0xFFFF  }
0x40: {  	_ =	shalt  }

// kernel: kernel.18.cloned.1.call-start
scs
__scs_entry_jumppad:
0x0: {  	(pc) =	sbr.rel $0x88, $3  }
0x1: {  	(tag) =	ssettag $0x0;
	lr =	simm.s32 $0x1  }
0x2: {  	[smem:$0x3F9B] =	sst lr;
	_ =	strace $0xD0000000  }
0x3: {  	_ = 	snop  }
0x4: {  	_ = 	snop  }
0x5: {  	_ = 	snop  }
0x6: {  	_ = 	snop  }
0x7: {  	_ = 	snop  }
__scs_overlays_trampoline_lowered:
0x8: {  	[smem:$0x3FAA] =	sst s0  }
0x9: {  	[smem:$0x3FAB] =	sst s1  }
0xa: {  	[smem:$0x3FAC] =	sst s2  }
0xb: {  	[smem:$0x3FAD] =	sst s3  }
0xc: {  	[smem:$0x3FAE] =	sst s4  }
0xd: {  	[smem:$0x3FAF] =	sst s5  }
0xe: {  	[smem:$0x3FB0] =	sst s6  }
0xf: {  	[smem:$0x3FB1] =	sst s7  }
0x10: {  	[smem:$0x3FB2] =	sst s8  }
0x11: {  	[smem:$0x3FB3] =	sst s9;
	s0 =	simm.s32 @!p0 $0x0  }
0x12: {  	s1 =	sld [smem:$0x3F99];
	s0 =	simm.s32 @p0 $0x1  }
0x13: {  	[smem:$0x3FB4] =	sst s0;
	s0 =	simm.s32 @!p1 $0x0  }
0x14: {  	s2 =	sld [smem:$0x3F98];
	s0 =	simm.s32 @p1 $0x1  }
0x15: {  	[smem:$0x3FB5] =	sst s0;
	s0 =	simm.s32 @!p2 $0x0  }
0x16: {  	s3 =	sld [smem:$0x3FDB];
	s0 =	simm.s32 @p2 $0x1  }
0x17: {  	s4 =	simm.s32 $0x1BF5;
	[smem:$0x3FB7] =	sst s0  }
0x18: {  	s0 =	sld [smem:$0x3F9A];
	_ =	swait.ge [sflag:s4], $0x0  }
0x19: {  	s7 =	sld [smem:$0x3F9B]  }
0x1a: {  	s8 =	sadd.s32 $0xFFFFE003, lr  }
0x1b: {  	s9 =	sadd.s32 $0xFFFFFEF7, lr;
	s5 =	simm.s32 $0xFFFFFFFF;
	p2 =	slt.u32 s8, $0xFFFFF086  }
0x1c: {  	p1 =	slt.u32 s9, $0xF7A;
	s5 =	simm.s32 @!p2 $0x0  }
0x1d: {  	s5 =	simm.s32 @p1 $0x1;
	p0 =	seq.s32 s7, s2  }
0x1e: {  	s7 =	smul.u32 @!p0 $0xF7A, s2;
	p2 =	seq.s32 @!p0 s5, $0x0  }
0x1f: {  	s9 =	smul.u32 $0xF7A, s1;
	s8 =	simm.s32 @!p0 $0x1BF5;
	p2 =	por !p2, p0  }
0x20: {  	[sflag:s8] =	ssyncset.s32 @!p0 $0xFFFFF086;
	s6 =	sadd.s32 @!p0 s3, s7;
	s7 =	simm.s32 @!p0 $0x108  }
0x21: {  	s3 =	sadd.s32 s3, s9;
	s6 =	sadd.s32 @!p0 $0x88, s6;
	s7 =	simm.s32 @p2 $0x1082  }
0x22: {  	[simem:s7], [sflag:s8] =	dma.local @!p0 [hbm:s6], $0xF7A  }
0x23: {  	s9 =	sor.u32 $0xD0000000, s2;
	s6 =	simm.s32 $0x108;
	_ =	swait.ge @!p0 [sflag:s8], $0x0  }
0x24: {  	s3 =	sadd.s32 $0x88, s3;
	s6 =	simm.s32 @!p1 $0x1082;
	[sflag:s4] =	ssyncset.s32 $0xFFFFF086  }
0x25: {  	[simem:s6], [sflag:s4] =	dma.local [hbm:s3], $0xF7A  }
0x26: {  	[smem:$0x3F9B] =	sst s1;
	(tag) =	ssettag s2;
	_ =	strace s9  }
0x27: {  	s1 =	sld [smem:$0x3FAB]  }
0x28: {  	s2 =	sld [smem:$0x3FAC]  }
0x29: {  	s4 =	sld [smem:$0x3FAE]  }
0x2a: {  	p0 =	seq.s32 s5, $0x0;
	s5 =	sld [smem:$0x3FAF]  }
0x2b: {  	s6 =	sld [smem:$0x3FB0]  }
0x2c: {  	s7 =	sld [smem:$0x3FB1]  }
0x2d: {  	s3 =	simm.s32 $0x108;
	s8 =	sld [smem:$0x3FB2]  }
0x2e: {  	s3 =	simm.s32 @!p0 $0x1082;
	s9 =	sld [smem:$0x3FB3]  }
0x2f: {  	lr =	sadd.s32 s0, s3;
	s0 =	sld [smem:$0x3FAA]  }
0x30: {  	s3 =	sld [smem:$0x3FAD]  }
0x31: {  	[smem:$0x3FB6] =	sst s10  }
0x32: {  	s10 =	sld [smem:$0x3FB4];
	_ =	sdelay $0x3  }
0x33: {  	p0 =	seq.s32 s10, $0x1;
	s10 =	sld [smem:$0x3FB6];
	_ =	sdelay $0x3  }
0x34: {  	[smem:$0x3FB6] =	sst s10  }
0x35: {  	s10 =	sld [smem:$0x3FB5];
	_ =	sdelay $0x3  }
0x36: {  	p1 =	seq.s32 s10, $0x1;
	s10 =	sld [smem:$0x3FB6];
	_ =	sdelay $0x3  }
0x37: {  	[smem:$0x3FB6] =	sst s10  }
0x38: {  	s10 =	sld [smem:$0x3FB7]  }
0x39: {  	_ = 	snop;
	(pc) =	sbr.ind lr, $3  }
0x3a: {  	_ = 	snop  }
0x3b: {  	_ = 	snop  }
0x3c: {  	p2 =	seq.s32 s10, $0x1;
	s10 =	sld [smem:$0x3FB6]  }
0x3d: {  	_ =	shalt  }
0x3e: {  	_ =	shalt  }
0x3f: {  	_ =	shalt  }
0x40: {  	_ =	shalt  }
0x41: {  	_ =	shalt  }
0x42: {  	_ =	shalt  }
0x43: {  	_ =	shalt  }
0x44: {  	_ =	shalt  }
0x45: {  	_ =	shalt  }
0x46: {  	_ =	shalt  }
0x47: {  	_ =	shalt  }
0x48: {  	_ =	shalt  }
0x49: {  	_ =	shalt  }
0x4a: {  	_ =	shalt  }
0x4b: {  	_ =	shalt  }
0x4c: {  	_ =	shalt  }
0x4d: {  	_ =	shalt  }
0x4e: {  	_ =	shalt  }
0x4f: {  	_ =	shalt  }
0x50: {  	_ =	shalt  }
0x51: {  	_ =	shalt  }
0x52: {  	_ =	shalt  }
0x53: {  	_ =	shalt  }
0x54: {  	_ =	shalt  }
0x55: {  	_ =	shalt  }
0x56: {  	_ =	shalt  }
0x57: {  	_ =	shalt  }
0x58: {  	_ =	shalt  }
0x59: {  	_ =	shalt  }
0x5a: {  	_ =	shalt  }
0x5b: {  	_ =	shalt  }
0x5c: {  	_ =	shalt  }
0x5d: {  	_ =	shalt  }
0x5e: {  	_ =	shalt  }
0x5f: {  	_ =	shalt  }
0x60: {  	_ =	shalt  }
0x61: {  	_ =	shalt  }
0x62: {  	_ =	shalt  }
0x63: {  	_ =	shalt  }
0x64: {  	_ =	shalt  }
0x65: {  	_ =	shalt  }
0x66: {  	_ =	shalt  }
0x67: {  	_ =	shalt  }
0x68: {  	_ =	shalt  }
0x69: {  	_ =	shalt  }
0x6a: {  	_ =	shalt  }
0x6b: {  	_ =	shalt  }
0x6c: {  	_ =	shalt  }
0x6d: {  	_ =	shalt  }
0x6e: {  	_ =	shalt  }
0x6f: {  	_ =	shalt  }
0x70: {  	_ =	shalt  }
0x71: {  	_ =	shalt  }
0x72: {  	_ =	shalt  }
0x73: {  	_ =	shalt  }
0x74: {  	_ =	shalt  }
0x75: {  	_ =	shalt  }
0x76: {  	_ =	shalt  }
0x77: {  	_ =	shalt  }
0x78: {  	_ =	shalt  }
0x79: {  	_ =	shalt  }
0x7a: {  	_ =	shalt  }
0x7b: {  	_ =	shalt  }
0x7c: {  	_ =	shalt  }
0x7d: {  	_ =	shalt  }
0x7e: {  	_ =	shalt  }
0x7f: {  	_ =	shalt  }
0x80: {  	_ =	shalt  }
0x81: {  	_ =	shalt  }
0x82: {  	_ =	shalt  }
0x83: {  	_ =	shalt  }
0x84: {  	_ =	shalt  }
0x85: {  	_ =	shalt  }
0x86: {  	_ =	shalt  }
0x87: {  	_ =	shalt  }
.Lfunc_end0:
.L_simem_size_0:
called_computation.2_lowered:
.L_overlay_start_0:
0x88: {  	s2 =	sld [smem:$0x3FD9]  }
0x89: {  	s3 =	sld [smem:$0x3FFE];
	_ =	sdelay $0x1  }
0x8a: {  	s1 =	srdreg.scid  }
0x8b: {  	s0 =	sand.u32 $0x1, s1  }
0x8c: {  	s17 =	sshll.u32 s0, $0xA;
	s2 =	sadd.s32 s3, s2  }
0x8d: {  	s2 =	sadd.s32 s2, s17  }
0x8e: {  	[smem:$0x3FC2] =	sst s2  }
0x8f: {  	_ = 	snop  }
0x90: {  	(tm) =	ssettm $0x1  }
0x91: {  	s18 =	sld [smem:$0x3FFB];
	_ =	sdelay $0x3  }
0x92: {  	_ =	strace s18  }
0x93: {  	s2 =	sld [smem:$0x3FFC];
	_ =	sdelay $0x3  }
0x94: {  	_ =	strace s2  }
0x95: {  	s2 =	sld [smem:$0x3FFD];
	_ =	sdelay $0x3  }
0x96: {  	_ =	strace s2  }
0x97: {  	_ =	strace $0x8FFFFFFF  }
0x98: {  	s19 =	sld [smem:$0x3FDB];
	_ =	sdelay $0x1  }
0x99: {  	s20 =	simm.s32 $_scs_section_size  }
0x9a: {  	s4 =	simm.s32 $_size__tile_overlayer_lowered;
	s5 =	simm.s32 $_tile_overlayer_lowered  }
0x9b: {  	s6 =	simm.s32 $0x1BFF;
	s21 =	sshll.u32 s5, $0x1;
	s3 =	sadd.s32 s20, s19  }
0x9c: {  	s22 =	simm.s32 $0x0;
	s4 =	sshll.u32 s4, $0x1;
	s5 =	sadd.s32 s21, s3  }
0x9d: {  	[timem:s22], [sflag:s6] =	dma.local [hbm:s5], s4  }
0x9e: {  	_ =	swait.ge [sflag:s6], s4  }
0x9f: {  	s4 =	ssub.s32 $0x0, s4;
	[sflag:s6] =	ssyncset.done $0x0  }
0xa0: {  	[sflag:s6] =	ssyncadd.s32 s4;
	_ =	sdelay $0x1  }
0xa1: {  	s23 =	simm.s32 $0x1B8B  }
0xa2: {  	_ =	swait.ge [sflag:s23], $0x1  }
0xa3: {  	[sflag:s23] =	ssyncset.done $0x0  }
0xa4: {  	[sflag:s23] =	ssyncadd.s32 $0xFFFFFFFF  }
0xa5: {  	s4 =	sld [smem:$0x0]  }
0xa6: {  	s5 =	sand.u32 $0xFFFFFFFE, s1  }
0xa7: {  	p0 =	sne.s32 s1, s5  }
0xa8: {  	s5 =	sshll.u32 @p0 s5, $0xE  }
0xa9: {  	s5 =	sadd.s32 @p0 $0x11B8D, s5;
	s6 =	sshll.u32 @p0 s4, $0x11  }
0xaa: {  	s5 =	sor.u32 @p0 s6, s5  }
0xab: {  	[sflag:s5] =	ssyncadd.remote.s32 @p0 $0x1;
	_ =	sdelay $0x1  }
0xac: {  	s5 =	simm.s32 @p0 $0x1B8D  }
0xad: {  	_ =	swait.eq @p0 [sflag:s5], $0x1  }
0xae: {  	[sflag:s5] =	ssyncadd.s32 @p0 $0xFFFFFFFF  }
0xaf: {  	s6 =	sshll.u32 @!p0 s1, $0xE  }
0xb0: {  	s6 =	sor.u32 @!p0 $0x4000, s6;
	s5 =	simm.s32 @!p0 $0x1B8D  }
0xb1: {  	s4 =	sshll.u32 @!p0 s4, $0x11;
	s6 =	sadd.s32 @!p0 $0x11B8D, s6;
	_ =	swait.eq @!p0 [sflag:s5], $0x1  }
0xb2: {  	s4 =	sor.u32 @!p0 s4, s6;
	[sflag:s5] =	ssyncadd.s32 @!p0 $0xFFFFFFFF  }
0xb3: {  	s25 =	simm.s32 $0x1B8E;
	s24 =	sld [smem:$0x3FFE];
	[sflag:s4] =	ssyncadd.remote.s32 @!p0 $0x1  }
0xb4: {  	s26 =	simm.s32 $execute0_lowered;
	[smem:$0x3FD2] =	sst s25  }
0xb5: {  	s5 =	sshll.u32 s26, $0x1;
	_ =	strace $0x80000049;
	[dreg:$0x1] =	wrdreg $0xFFFFFFFF  }
0xb6: {  	s28 =	simm.s32 $_size_execute0_lowered;
	s3 =	sadd.s32 s3, s5;
	[dreg:$0x0] =	wrdreg $0x0  }
0xb7: {  	s5 =	sshll.u32 s28, $0x1;
	[dreg:$0x2] =	wrdreg s3  }
0xb8: {  	[dreg:$0x3] =	wrdreg s5  }
0xb9: {  	[dreg:$0x4] =	wrdreg $0xC0  }
0xba: {  	_ =	task [dreg:s22], $0x5FFFF  }
0xbb: {  	[dreg:$0x1] =	wrdreg $0xFFFFFFFF  }
0xbc: {  	[dreg:$0x0] =	wrdreg $0x60  }
0xbd: {  	[dreg:$0x2] =	wrdreg s24  }
0xbe: {  	[dreg:$0x3] =	wrdreg $0xB  }
0xbf: {  	_ =	task.clear_ibuf [dreg:s22], $0x4FFFF;
	_ =	strace $0x90000049  }
0xc0: {  	s29 =	simm.s32 $0xB;
	_ =	strace $0x8000004B  }
0xc1: {  	_ =	swait.ge [sflag:s29], $0x1  }
0xc2: {  	[sflag:s29] =	ssyncadd.s32 $0xFFFFFFFF  }
0xc3: {  	_ =	strace $0x9000004B  }
0xc4: {  	_ =	sfence  }
0xc5: {  	s30 =	sld [smem:$0x0];
	_ =	sdelay $0x2  }
0xc6: {  	s31 =	sshll.u32 s1, $0xD;
	s1 =	sshrl.u32 s1, $0x2  }
0xc7: {  	s4 =	sand.u32 $0x4000, s31;
	s1 =	sadd.s32 s1, s30  }
0xc8: {  	s0 =	sor.u32 s4, s0;
	s1 =	sshll.u32 s1, $0x11  }
0xc9: {  	s0 =	sor.u32 s1, s0  }
0xca: {  	s0 =	sadd.s32 $0x8F2B, s0  }
0xcb: {  	[sflag:s0] =	ssyncadd.remote.s32 $0x1  }
0xcc: {  	_ =	sfence.sel $0xFFFF  }
0xcd: {  	[dreg:$0x0] =	wrdreg $0xFFFFFFFF;
	(pc) =	sbr.abs _section_cstart, $3  }
0xce: {  	[dreg:$0x1] =	wrdreg $0xFFFFFFFF  }
0xcf: {  	_ =	task.clear_ibuf [dreg:s22], $0x2FFFF;
	_ =	strace $0x9FFFFFFF  }
0xd0: {  	(tm) =	ssettm $0x7FFFFFFF  }
0xd1: {  	_ =	shalt  }
tec
execute0_lowered:
.L_overlay_start_1:
0x0: {  	(tag) =	ssettag $0x1  }
0x1: {  	s4 =	rddreg [dreg:$0x0]  }
0x2: {  	s0 =	rddreg [dreg:$0x1];
	s1 =	simm.s32 $0x0;
	s5 =	srdreg.scid  }
0x3: {  	s2 =	stileid.u32;
	[smem:$0x7FF] =	sst s1  }
0x4: {  	s3 =	sadd.s32 $0x9E00, s4;
	s5 =	sand.u32 $0x1, s5;
	s6 =	sshll.u32 s2, $0x5  }
0x5: {  	s7 =	sshll.u32 s2, $0xC;
	_ =	strace $0x8000004A;
	s8 =	ssub.s32 $0x2, s5  }
0x6: {  	s6 =	sadd.s32 s6, s4;
	s7 =	sadd.s32 s7, s4;
	s9 =	sshll.u32 s5, $0xB  }
0x7: {  	s5 =	sshll.u32 s5, $0x4;
	s4 =	sshll.u32 s2, $0x1;
	s30 =	sshrl.u32 s8, $0x1  }
0x8: {  	s7 =	sadd.s32 s9, s7;
	s31 =	sadd.s32 s5, s6;
	s8 =	ssub.s32 s8, s30  }
0x9: {  	s6 =	sadd.s32 $0x12B000, s7;
	s7 =	sadd.s32 $0x3E00, s31;
	s5 =	smax.u32 s8, $0x1  }
.LBB2_1:
0xa: {  	s8 =	sadd.s32 $0x0, s4  }
0xb: {  	p0 =	sgt.u32 s8, $0x1F3  }
0xc: {  	s8 =	simm.s32 @!p0 $0x0;
	s9 =	simm.s32 @!p0 $0x3  }
0xd: {  	[tilespmem:s8], [sflag:$0x3] =	stream.linear.gather @!p0 [hbm4b:s7+s8], $0x80, $0x38;
	[tilespmem:$0x4080] =	vst v63  }
0xe: {  	_ =	swait.ge @!p0 [sflag:s9], $0x80  }
0xf: {  	[sflag:s9] =	ssyncset.done @!p0 $0x0;
	p0 =	por p0, p0  }
0x10: {  	[sflag:s9] =	ssyncadd.s32 @!p0 $0xFFFFFF80;
	s10 =	simm.s32 @!p0 $0x80;
	s11 =	simm.s32 @!p0 $0x1  }
0x11: {  	[tilespmem:s10], [sflag:$0x1] =	stream.indirect.gather @!p0 [hbm4b:s3+s10], $0x80, s8, s10, $0xb8;
	[tilespmem:$0x4080] =	vst v63  }
0x12: {  	_ =	swait.ge @!p0 [sflag:s11], $0x4000  }
0x13: {  	[sflag:s11] =	ssyncset.done @!p0 $0x0  }
0x14: {  	s31 =	sadd.s32 $0x20, s4;
	[sflag:s11] =	ssyncadd.s32 @!p0 $0xFFFFC000;
	s11 =	simm.s32 @!p0 $0x2  }
0x15: {  	[hbm4b:s6+s8] =	stream.linear.scatter @!p0 [tilespmem:s10], [sflag:$0x2], $0x4000, $0x38;
	[tilespmem:$0x4080] =	vst v63  }
0x16: {  	p1 =	sgt.u32 s31, $0x1F3;
	s9 =	simm.s32 $0x40;
	_ =	swait.ge @!p0 [sflag:s11], $0x4000  }
0x17: {  	s10 =	sadd.s32 $0x200, s7;
	s8 =	sadd.s32 $0x10000, s6;
	[sflag:s11] =	ssyncset.done @!p0 $0x0  }
.LBB2_2:
0x18: {  	s12 =	simm.s32 @!p1 $0x0;
	s13 =	simm.s32 @!p1 $0x3;
	[sflag:s11] =	ssyncadd.s32 @!p0 $0xFFFFC000  }
0x19: {  	[tilespmem:s12], [sflag:$0x3] =	stream.linear.gather @!p1 [hbm4b:s10+s12], $0x80, $0x38;
	[tilespmem:$0x4080] =	vst v63  }
0x1a: {  	s14 =	smov.u32 s9;
	s9 =	sadd.s32 $0x20, s9;
	_ =	swait.ge @!p1 [sflag:s13], $0x80  }
0x1b: {  	p0 =	por p1, p1;
	p2 =	sne.s32 s9, $0x200;
	[sflag:s13] =	ssyncset.done @!p1 $0x0  }
0x1c: {  	s11 =	simm.s32 @!p0 $0x1;
	[sflag:s13] =	ssyncadd.s32 @!p0 $0xFFFFFF80;
	s13 =	simm.s32 @!p0 $0x80  }
0x1d: {  	[tilespmem:s13], [sflag:$0x1] =	stream.indirect.gather @!p0 [hbm4b:s3+s13], $0x80, s12, s13, $0xb8;
	[tilespmem:$0x4080] =	vst v63  }
0x1e: {  	_ =	swait.ge @!p0 [sflag:s11], $0x4000  }
.Ltmp0:
0x1f: {  	[sflag:s11] =	ssyncset.done @!p0 $0x0;
	(pc) =	sbr.rel @p2 .LBB2_2-.Ltmp0, $4  }
0x20: {  	[sflag:s11] =	ssyncadd.s32 @!p0 $0xFFFFC000;
	s11 =	simm.s32 @!p0 $0x2  }
0x21: {  	[hbm4b:s8+s12] =	stream.linear.scatter @!p0 [tilespmem:s13], [sflag:$0x2], $0x4000, $0x38;
	[tilespmem:$0x4080] =	vst v63  }
0x22: {  	s10 =	sadd.s32 $0x200, s10;
	s12 =	sadd.s32 s14, s4;
	_ =	swait.ge @!p0 [sflag:s11], $0x4000  }
0x23: {  	s8 =	sadd.s32 $0x10000, s8;
	p1 =	sgt.u32 s12, $0x1F3;
	[sflag:s11] =	ssyncset.done @!p0 $0x0  }
0x24: {  	s9 =	simm.s32 @!p1 $0x0;
	s12 =	simm.s32 @!p1 $0x3;
	[sflag:s11] =	ssyncadd.s32 @!p0 $0xFFFFC000  }
0x25: {  	[tilespmem:s9], [sflag:$0x3] =	stream.linear.gather @!p1 [hbm4b:s10+s9], $0x80, $0x38;
	[tilespmem:$0x4080] =	vst v63  }
0x26: {  	_ =	swait.ge @!p1 [sflag:s12], $0x80  }
0x27: {  	p0 =	por p1, p1;
	[sflag:s12] =	ssyncset.done @!p1 $0x0  }
0x28: {  	s10 =	simm.s32 @!p0 $0x80;
	s11 =	simm.s32 @!p0 $0x1;
	[sflag:s12] =	ssyncadd.s32 @!p0 $0xFFFFFF80  }
0x29: {  	[tilespmem:s10], [sflag:$0x1] =	stream.indirect.gather @!p0 [hbm4b:s3+s10], $0x80, s9, s10, $0xb8;
	[tilespmem:$0x4080] =	vst v63  }
0x2a: {  	s1 =	sadd.s32 $0x1, s1;
	_ =	swait.ge @!p0 [sflag:s11], $0x4000  }
0x2b: {  	p1 =	sne.s32 s1, s5;
	[sflag:s11] =	ssyncset.done @!p0 $0x0  }
.Ltmp1:
0x2c: {  	[sflag:s11] =	ssyncadd.s32 @!p0 $0xFFFFC000;
	s11 =	simm.s32 @!p0 $0x2;
	(pc) =	sbr.rel @p1 .LBB2_1-.Ltmp1, $4  }
0x2d: {  	[hbm4b:s8+s9] =	stream.linear.scatter @!p0 [tilespmem:s10], [sflag:$0x2], $0x4000, $0x38;
	[tilespmem:$0x4080] =	vst v63  }
0x2e: {  	_ =	swait.ge @!p0 [sflag:s11], $0x4000  }
0x2f: {  	[sflag:s11] =	ssyncset.done @!p0 $0x0  }
0x30: {  	[sflag:s11] =	ssyncadd.s32 @!p0 $0xFFFFC000  }
0x31: {  	_ =	sfence.sel $0x180000  }
0x32: {  	[bflag:$0x0] =	sbarrier.arrive $0xFFFF  }
0x33: {  	p0 =	sne.s32 s2, $0x0;
	_ =	strace $0x9000004A  }
0x34: {  	s0 =	sadd.s32 @!p0 $0x100000, s0;
	[bflag:$0x2] =	sbarrier.arrive $0xFFFF  }
0x35: {  	[sflag:s0] =	ssyncadd.tile.s32 @!p0 $0x1;
	_ =	shalt  }
.Lfunc_end2:
_tile_overlayer_lowered:
.L_overlay_start_2:
0x36: {  	(tag) =	ssettag $0x2  }
0x37: {  	s0 =	rddreg [dreg:$0x0];
	s2 =	stileid.u32  }
0x38: {  	s1 =	rddreg [dreg:$0x1];
	p0 =	sne.s32 s2, $0x0  }
0x39: {  	s3 =	rddreg [dreg:$0x2];
	[bflag:$0x3] =	sbarrier.arrive $0xFFFF;
	s2 =	simm.s32 @!p0 $0x1C02  }
0x3a: {  	[timem:s3], [sflag:s2] =	dma.local @!p0 [hbm:s0], s1  }
0x3b: {  	s0 =	simm.s32 @!p0 $0x2  }
0x3c: {  	_ =	swait.ge @!p0 [sflag:s0], s1  }
0x3d: {  	s1 =	ssub.s32 @!p0 $0x0, s1;
	[sflag:s0] =	ssyncset.done @!p0 $0x0  }
0x3e: {  	[sflag:s0] =	ssyncadd.s32 @!p0 s1  }
0x3f: {  	[bflag:$0x3] =	sbarrier.arrive $0xFFFF  }
0x40: {  	_ =	shalt  }

// kernel: kernel.21.cloned.1.call-start
scs
__scs_entry_jumppad:
0x0: {  	(pc) =	sbr.rel $0x88, $3  }
0x1: {  	(tag) =	ssettag $0x0;
	lr =	simm.s32 $0x1  }
0x2: {  	[smem:$0x3F9B] =	sst lr;
	_ =	strace $0xD0000000  }
0x3: {  	_ = 	snop  }
0x4: {  	_ = 	snop  }
0x5: {  	_ = 	snop  }
0x6: {  	_ = 	snop  }
0x7: {  	_ = 	snop  }
__scs_overlays_trampoline_lowered:
0x8: {  	[smem:$0x3FAA] =	sst s0  }
0x9: {  	[smem:$0x3FAB] =	sst s1  }
0xa: {  	[smem:$0x3FAC] =	sst s2  }
0xb: {  	[smem:$0x3FAD] =	sst s3  }
0xc: {  	[smem:$0x3FAE] =	sst s4  }
0xd: {  	[smem:$0x3FAF] =	sst s5  }
0xe: {  	[smem:$0x3FB0] =	sst s6  }
0xf: {  	[smem:$0x3FB1] =	sst s7  }
0x10: {  	[smem:$0x3FB2] =	sst s8  }
0x11: {  	[smem:$0x3FB3] =	sst s9;
	s0 =	simm.s32 @!p0 $0x0  }
0x12: {  	s1 =	sld [smem:$0x3F99];
	s0 =	simm.s32 @p0 $0x1  }
0x13: {  	[smem:$0x3FB4] =	sst s0;
	s0 =	simm.s32 @!p1 $0x0  }
0x14: {  	s2 =	sld [smem:$0x3F98];
	s0 =	simm.s32 @p1 $0x1  }
0x15: {  	[smem:$0x3FB5] =	sst s0;
	s0 =	simm.s32 @!p2 $0x0  }
0x16: {  	s3 =	sld [smem:$0x3FDB];
	s0 =	simm.s32 @p2 $0x1  }
0x17: {  	s4 =	simm.s32 $0x1BF5;
	[smem:$0x3FB7] =	sst s0  }
0x18: {  	s0 =	sld [smem:$0x3F9A];
	_ =	swait.ge [sflag:s4], $0x0  }
0x19: {  	s7 =	sld [smem:$0x3F9B]  }
0x1a: {  	s8 =	sadd.s32 $0xFFFFE003, lr  }
0x1b: {  	s9 =	sadd.s32 $0xFFFFFEF7, lr;
	s5 =	simm.s32 $0xFFFFFFFF;
	p2 =	slt.u32 s8, $0xFFFFF086  }
0x1c: {  	p1 =	slt.u32 s9, $0xF7A;
	s5 =	simm.s32 @!p2 $0x0  }
0x1d: {  	s5 =	simm.s32 @p1 $0x1;
	p0 =	seq.s32 s7, s2  }
0x1e: {  	s7 =	smul.u32 @!p0 $0xF7A, s2;
	p2 =	seq.s32 @!p0 s5, $0x0  }
0x1f: {  	s9 =	smul.u32 $0xF7A, s1;
	s8 =	simm.s32 @!p0 $0x1BF5;
	p2 =	por !p2, p0  }
0x20: {  	[sflag:s8] =	ssyncset.s32 @!p0 $0xFFFFF086;
	s6 =	sadd.s32 @!p0 s3, s7;
	s7 =	simm.s32 @!p0 $0x108  }
0x21: {  	s3 =	sadd.s32 s3, s9;
	s6 =	sadd.s32 @!p0 $0x88, s6;
	s7 =	simm.s32 @p2 $0x1082  }
0x22: {  	[simem:s7], [sflag:s8] =	dma.local @!p0 [hbm:s6], $0xF7A  }
0x23: {  	s9 =	sor.u32 $0xD0000000, s2;
	s6 =	simm.s32 $0x108;
	_ =	swait.ge @!p0 [sflag:s8], $0x0  }
0x24: {  	s3 =	sadd.s32 $0x88, s3;
	s6 =	simm.s32 @!p1 $0x1082;
	[sflag:s4] =	ssyncset.s32 $0xFFFFF086  }
0x25: {  	[simem:s6], [sflag:s4] =	dma.local [hbm:s3], $0xF7A  }
0x26: {  	[smem:$0x3F9B] =	sst s1;
	(tag) =	ssettag s2;
	_ =	strace s9  }
0x27: {  	s1 =	sld [smem:$0x3FAB]  }
0x28: {  	s2 =	sld [smem:$0x3FAC]  }
0x29: {  	s4 =	sld [smem:$0x3FAE]  }
0x2a: {  	p0 =	seq.s32 s5, $0x0;
	s5 =	sld [smem:$0x3FAF]  }
0x2b: {  	s6 =	sld [smem:$0x3FB0]  }
0x2c: {  	s7 =	sld [smem:$0x3FB1]  }
0x2d: {  	s3 =	simm.s32 $0x108;
	s8 =	sld [smem:$0x3FB2]  }
0x2e: {  	s3 =	simm.s32 @!p0 $0x1082;
	s9 =	sld [smem:$0x3FB3]  }
0x2f: {  	lr =	sadd.s32 s0, s3;
	s0 =	sld [smem:$0x3FAA]  }
0x30: {  	s3 =	sld [smem:$0x3FAD]  }
0x31: {  	[smem:$0x3FB6] =	sst s10  }
0x32: {  	s10 =	sld [smem:$0x3FB4];
	_ =	sdelay $0x3  }
0x33: {  	p0 =	seq.s32 s10, $0x1;
	s10 =	sld [smem:$0x3FB6];
	_ =	sdelay $0x3  }
0x34: {  	[smem:$0x3FB6] =	sst s10  }
0x35: {  	s10 =	sld [smem:$0x3FB5];
	_ =	sdelay $0x3  }
0x36: {  	p1 =	seq.s32 s10, $0x1;
	s10 =	sld [smem:$0x3FB6];
	_ =	sdelay $0x3  }
0x37: {  	[smem:$0x3FB6] =	sst s10  }
0x38: {  	s10 =	sld [smem:$0x3FB7]  }
0x39: {  	_ = 	snop;
	(pc) =	sbr.ind lr, $3  }
0x3a: {  	_ = 	snop  }
0x3b: {  	_ = 	snop  }
0x3c: {  	p2 =	seq.s32 s10, $0x1;
	s10 =	sld [smem:$0x3FB6]  }
0x3d: {  	_ =	shalt  }
0x3e: {  	_ =	shalt  }
0x3f: {  	_ =	shalt  }
0x40: {  	_ =	shalt  }
0x41: {  	_ =	shalt  }
0x42: {  	_ =	shalt  }
0x43: {  	_ =	shalt  }
0x44: {  	_ =	shalt  }
0x45: {  	_ =	shalt  }
0x46: {  	_ =	shalt  }
0x47: {  	_ =	shalt  }
0x48: {  	_ =	shalt  }
0x49: {  	_ =	shalt  }
0x4a: {  	_ =	shalt  }
0x4b: {  	_ =	shalt  }
0x4c: {  	_ =	shalt  }
0x4d: {  	_ =	shalt  }
0x4e: {  	_ =	shalt  }
0x4f: {  	_ =	shalt  }
0x50: {  	_ =	shalt  }
0x51: {  	_ =	shalt  }
0x52: {  	_ =	shalt  }
0x53: {  	_ =	shalt  }
0x54: {  	_ =	shalt  }
0x55: {  	_ =	shalt  }
0x56: {  	_ =	shalt  }
0x57: {  	_ =	shalt  }
0x58: {  	_ =	shalt  }
0x59: {  	_ =	shalt  }
0x5a: {  	_ =	shalt  }
0x5b: {  	_ =	shalt  }
0x5c: {  	_ =	shalt  }
0x5d: {  	_ =	shalt  }
0x5e: {  	_ =	shalt  }
0x5f: {  	_ =	shalt  }
0x60: {  	_ =	shalt  }
0x61: {  	_ =	shalt  }
0x62: {  	_ =	shalt  }
0x63: {  	_ =	shalt  }
0x64: {  	_ =	shalt  }
0x65: {  	_ =	shalt  }
0x66: {  	_ =	shalt  }
0x67: {  	_ =	shalt  }
0x68: {  	_ =	shalt  }
0x69: {  	_ =	shalt  }
0x6a: {  	_ =	shalt  }
0x6b: {  	_ =	shalt  }
0x6c: {  	_ =	shalt  }
0x6d: {  	_ =	shalt  }
0x6e: {  	_ =	shalt  }
0x6f: {  	_ =	shalt  }
0x70: {  	_ =	shalt  }
0x71: {  	_ =	shalt  }
0x72: {  	_ =	shalt  }
0x73: {  	_ =	shalt  }
0x74: {  	_ =	shalt  }
0x75: {  	_ =	shalt  }
0x76: {  	_ =	shalt  }
0x77: {  	_ =	shalt  }
0x78: {  	_ =	shalt  }
0x79: {  	_ =	shalt  }
0x7a: {  	_ =	shalt  }
0x7b: {  	_ =	shalt  }
0x7c: {  	_ =	shalt  }
0x7d: {  	_ =	shalt  }
0x7e: {  	_ =	shalt  }
0x7f: {  	_ =	shalt  }
0x80: {  	_ =	shalt  }
0x81: {  	_ =	shalt  }
0x82: {  	_ =	shalt  }
0x83: {  	_ =	shalt  }
0x84: {  	_ =	shalt  }
0x85: {  	_ =	shalt  }
0x86: {  	_ =	shalt  }
0x87: {  	_ =	shalt  }
.Lfunc_end0:
.L_simem_size_0:
called_computation.3_lowered:
.L_overlay_start_0:
0x88: {  	s2 =	sld [smem:$0x3FD9]  }
0x89: {  	s3 =	sld [smem:$0x3FFE];
	_ =	sdelay $0x1  }
0x8a: {  	s1 =	srdreg.scid  }
0x8b: {  	s0 =	sand.u32 $0x1, s1  }
0x8c: {  	s16 =	sshll.u32 s0, $0xA;
	s2 =	sadd.s32 s3, s2  }
0x8d: {  	s2 =	sadd.s32 s2, s16  }
0x8e: {  	[smem:$0x3FC2] =	sst s2  }
0x8f: {  	_ = 	snop  }
0x90: {  	(tm) =	ssettm $0x1  }
0x91: {  	s17 =	sld [smem:$0x3FFB];
	_ =	sdelay $0x3  }
0x92: {  	_ =	strace s17  }
0x93: {  	s2 =	sld [smem:$0x3FFC];
	_ =	sdelay $0x3  }
0x94: {  	_ =	strace s2  }
0x95: {  	s2 =	sld [smem:$0x3FFD];
	_ =	sdelay $0x3  }
0x96: {  	_ =	strace s2  }
0x97: {  	_ =	strace $0x8FFFFFFF  }
0x98: {  	s18 =	sld [smem:$0x3FDB];
	_ =	sdelay $0x1  }
0x99: {  	s19 =	simm.s32 $_scs_section_size  }
0x9a: {  	s4 =	simm.s32 $_size__tile_overlayer_lowered;
	s5 =	simm.s32 $_tile_overlayer_lowered  }
0x9b: {  	s22 =	simm.s32 $0x1BFF;
	s21 =	sshll.u32 s5, $0x1;
	s2 =	sadd.s32 s19, s18  }
0x9c: {  	s6 =	simm.s32 $0x0;
	s20 =	sshll.u32 s4, $0x1;
	s4 =	sadd.s32 s21, s2  }
0x9d: {  	[timem:s6], [sflag:s22] =	dma.local [hbm:s4], s20  }
0x9e: {  	_ =	swait.ge [sflag:s22], s20  }
0x9f: {  	s3 =	ssub.s32 $0x0, s20;
	[sflag:s22] =	ssyncset.done $0x0  }
0xa0: {  	[sflag:s22] =	ssyncadd.s32 s3;
	_ =	sdelay $0x1  }
0xa1: {  	s23 =	simm.s32 $0x1B8B  }
0xa2: {  	_ =	swait.ge [sflag:s23], $0x1  }
0xa3: {  	[sflag:s23] =	ssyncset.done $0x0  }
0xa4: {  	s25 =	simm.s32 $0x1B8E;
	s24 =	sld [smem:$0x3FFE];
	[sflag:s23] =	ssyncadd.s32 $0xFFFFFFFF  }
0xa5: {  	s26 =	simm.s32 $execute0_lowered;
	[smem:$0x3FD2] =	sst s25  }
0xa6: {  	s4 =	sshll.u32 s26, $0x1;
	_ =	strace $0x80000046;
	[dreg:$0x1] =	wrdreg $0xFFFFFFFF  }
0xa7: {  	s28 =	simm.s32 $_size_execute0_lowered;
	s2 =	sadd.s32 s2, s4;
	[dreg:$0x0] =	wrdreg $0x0  }
0xa8: {  	s4 =	sshll.u32 s28, $0x1;
	[dreg:$0x2] =	wrdreg s2  }
0xa9: {  	[dreg:$0x3] =	wrdreg s4  }
0xaa: {  	[dreg:$0x4] =	wrdreg $0xC0  }
0xab: {  	_ =	task [dreg:s6], $0x5FFFF  }
0xac: {  	[dreg:$0x1] =	wrdreg $0xFFFFFFFF  }
0xad: {  	[dreg:$0x0] =	wrdreg $0x60  }
0xae: {  	[dreg:$0x2] =	wrdreg s24  }
0xaf: {  	[dreg:$0x3] =	wrdreg $0xC  }
0xb0: {  	_ =	task.clear_ibuf [dreg:s6], $0x4FFFF;
	_ =	strace $0x90000046  }
0xb1: {  	s29 =	simm.s32 $0xC;
	_ =	strace $0x80000048  }
0xb2: {  	_ =	swait.ge [sflag:s29], $0x1  }
0xb3: {  	[sflag:s29] =	ssyncadd.s32 $0xFFFFFFFF  }
0xb4: {  	_ =	strace $0x90000048  }
0xb5: {  	_ =	sfence  }
0xb6: {  	s30 =	sld [smem:$0x0];
	_ =	sdelay $0x2  }
0xb7: {  	s31 =	sshll.u32 s1, $0xD;
	s1 =	sshrl.u32 s1, $0x2  }
0xb8: {  	s3 =	sand.u32 $0x4000, s31;
	s1 =	sadd.s32 s1, s30  }
0xb9: {  	s0 =	sor.u32 s3, s0;
	s1 =	sshll.u32 s1, $0x11  }
0xba: {  	s0 =	sor.u32 s1, s0  }
0xbb: {  	s0 =	sadd.s32 $0x8F2B, s0  }
0xbc: {  	[sflag:s0] =	ssyncadd.remote.s32 $0x1  }
0xbd: {  	_ =	sfence.sel $0xFFFF  }
0xbe: {  	[dreg:$0x0] =	wrdreg $0xFFFFFFFF;
	(pc) =	sbr.abs _section_cstart, $3  }
0xbf: {  	[dreg:$0x1] =	wrdreg $0xFFFFFFFF  }
0xc0: {  	_ =	task.clear_ibuf [dreg:s6], $0x2FFFF;
	_ =	strace $0x9FFFFFFF  }
0xc1: {  	(tm) =	ssettm $0x7FFFFFFF  }
tec
execute0_lowered:
.L_overlay_start_1:
0x0: {  	(tag) =	ssettag $0x1  }
0x1: {  	s4 =	rddreg [dreg:$0x0]  }
0x2: {  	s0 =	rddreg [dreg:$0x1];
	s1 =	simm.s32 $0x0;
	s5 =	srdreg.scid  }
0x3: {  	s2 =	stileid.u32;
	[smem:$0x7FF] =	sst s1  }
0x4: {  	s3 =	sadd.s32 $0x9E00, s4;
	s5 =	sand.u32 $0x1, s5;
	s6 =	sshll.u32 s2, $0x5  }
0x5: {  	s7 =	sshll.u32 s2, $0xC;
	_ =	strace $0x80000047;
	s8 =	ssub.s32 $0x2, s5  }
0x6: {  	s6 =	sadd.s32 s6, s4;
	s7 =	sadd.s32 s7, s4;
	s9 =	sshll.u32 s5, $0xB  }
0x7: {  	s5 =	sshll.u32 s5, $0x4;
	s4 =	sshll.u32 s2, $0x1;
	s30 =	sshrl.u32 s8, $0x1  }
0x8: {  	s7 =	sadd.s32 s9, s7;
	s31 =	sadd.s32 s5, s6;
	s8 =	ssub.s32 s8, s30  }
0x9: {  	s6 =	sadd.s32 $0x31000, s7;
	s7 =	sadd.s32 $0x1E00, s31;
	s5 =	smax.u32 s8, $0x1  }
.LBB2_1:
0xa: {  	s8 =	sadd.s32 $0x0, s4  }
0xb: {  	p0 =	sgt.u32 s8, $0x1F3  }
0xc: {  	s8 =	simm.s32 @!p0 $0x0;
	s9 =	simm.s32 @!p0 $0x3  }
0xd: {  	[tilespmem:s8], [sflag:$0x3] =	stream.linear.gather @!p0 [hbm4b:s7+s8], $0x80, $0x38;
	[tilespmem:$0x4080] =	vst v63  }
0xe: {  	_ =	swait.ge @!p0 [sflag:s9], $0x80  }
0xf: {  	[sflag:s9] =	ssyncset.done @!p0 $0x0;
	p0 =	por p0, p0  }
0x10: {  	[sflag:s9] =	ssyncadd.s32 @!p0 $0xFFFFFF80;
	s10 =	simm.s32 @!p0 $0x80;
	s11 =	simm.s32 @!p0 $0x1  }
0x11: {  	[tilespmem:s10], [sflag:$0x1] =	stream.indirect.gather @!p0 [hbm4b:s3+s10], $0x80, s8, s10, $0xb8;
	[tilespmem:$0x4080] =	vst v63  }
0x12: {  	_ =	swait.ge @!p0 [sflag:s11], $0x4000  }
0x13: {  	[sflag:s11] =	ssyncset.done @!p0 $0x0  }
0x14: {  	s31 =	sadd.s32 $0x20, s4;
	[sflag:s11] =	ssyncadd.s32 @!p0 $0xFFFFC000;
	s11 =	simm.s32 @!p0 $0x2  }
0x15: {  	[hbm4b:s6+s8] =	stream.linear.scatter @!p0 [tilespmem:s10], [sflag:$0x2], $0x4000, $0x38;
	[tilespmem:$0x4080] =	vst v63  }
0x16: {  	p1 =	sgt.u32 s31, $0x1F3;
	s9 =	simm.s32 $0x40;
	_ =	swait.ge @!p0 [sflag:s11], $0x4000  }
0x17: {  	s10 =	sadd.s32 $0x200, s7;
	s8 =	sadd.s32 $0x10000, s6;
	[sflag:s11] =	ssyncset.done @!p0 $0x0  }
.LBB2_2:
0x18: {  	s12 =	simm.s32 @!p1 $0x0;
	s13 =	simm.s32 @!p1 $0x3;
	[sflag:s11] =	ssyncadd.s32 @!p0 $0xFFFFC000  }
0x19: {  	[tilespmem:s12], [sflag:$0x3] =	stream.linear.gather @!p1 [hbm4b:s10+s12], $0x80, $0x38;
	[tilespmem:$0x4080] =	vst v63  }
0x1a: {  	s14 =	smov.u32 s9;
	s9 =	sadd.s32 $0x20, s9;
	_ =	swait.ge @!p1 [sflag:s13], $0x80  }
0x1b: {  	p0 =	por p1, p1;
	p2 =	sne.s32 s9, $0x200;
	[sflag:s13] =	ssyncset.done @!p1 $0x0  }
0x1c: {  	s11 =	simm.s32 @!p0 $0x1;
	[sflag:s13] =	ssyncadd.s32 @!p0 $0xFFFFFF80;
	s13 =	simm.s32 @!p0 $0x80  }
0x1d: {  	[tilespmem:s13], [sflag:$0x1] =	stream.indirect.gather @!p0 [hbm4b:s3+s13], $0x80, s12, s13, $0xb8;
	[tilespmem:$0x4080] =	vst v63  }
0x1e: {  	_ =	swait.ge @!p0 [sflag:s11], $0x4000  }
.Ltmp0:
0x1f: {  	[sflag:s11] =	ssyncset.done @!p0 $0x0;
	(pc) =	sbr.rel @p2 .LBB2_2-.Ltmp0, $4  }
0x20: {  	[sflag:s11] =	ssyncadd.s32 @!p0 $0xFFFFC000;
	s11 =	simm.s32 @!p0 $0x2  }
0x21: {  	[hbm4b:s8+s12] =	stream.linear.scatter @!p0 [tilespmem:s13], [sflag:$0x2], $0x4000, $0x38;
	[tilespmem:$0x4080] =	vst v63  }
0x22: {  	s10 =	sadd.s32 $0x200, s10;
	s12 =	sadd.s32 s14, s4;
	_ =	swait.ge @!p0 [sflag:s11], $0x4000  }
0x23: {  	s8 =	sadd.s32 $0x10000, s8;
	p1 =	sgt.u32 s12, $0x1F3;
	[sflag:s11] =	ssyncset.done @!p0 $0x0  }
0x24: {  	s9 =	simm.s32 @!p1 $0x0;
	s12 =	simm.s32 @!p1 $0x3;
	[sflag:s11] =	ssyncadd.s32 @!p0 $0xFFFFC000  }
0x25: {  	[tilespmem:s9], [sflag:$0x3] =	stream.linear.gather @!p1 [hbm4b:s10+s9], $0x80, $0x38;
	[tilespmem:$0x4080] =	vst v63  }
0x26: {  	_ =	swait.ge @!p1 [sflag:s12], $0x80  }
0x27: {  	p0 =	por p1, p1;
	[sflag:s12] =	ssyncset.done @!p1 $0x0  }
0x28: {  	s10 =	simm.s32 @!p0 $0x80;
	s11 =	simm.s32 @!p0 $0x1;
	[sflag:s12] =	ssyncadd.s32 @!p0 $0xFFFFFF80  }
0x29: {  	[tilespmem:s10], [sflag:$0x1] =	stream.indirect.gather @!p0 [hbm4b:s3+s10], $0x80, s9, s10, $0xb8;
	[tilespmem:$0x4080] =	vst v63  }
0x2a: {  	s1 =	sadd.s32 $0x1, s1;
	_ =	swait.ge @!p0 [sflag:s11], $0x4000  }
0x2b: {  	p1 =	sne.s32 s1, s5;
	[sflag:s11] =	ssyncset.done @!p0 $0x0  }
.Ltmp1:
0x2c: {  	[sflag:s11] =	ssyncadd.s32 @!p0 $0xFFFFC000;
	s11 =	simm.s32 @!p0 $0x2;
	(pc) =	sbr.rel @p1 .LBB2_1-.Ltmp1, $4  }
0x2d: {  	[hbm4b:s8+s9] =	stream.linear.scatter @!p0 [tilespmem:s10], [sflag:$0x2], $0x4000, $0x38;
	[tilespmem:$0x4080] =	vst v63  }
0x2e: {  	_ =	swait.ge @!p0 [sflag:s11], $0x4000  }
0x2f: {  	[sflag:s11] =	ssyncset.done @!p0 $0x0  }
0x30: {  	[sflag:s11] =	ssyncadd.s32 @!p0 $0xFFFFC000  }
0x31: {  	_ =	sfence.sel $0x180000  }
0x32: {  	[bflag:$0x0] =	sbarrier.arrive $0xFFFF  }
0x33: {  	p0 =	sne.s32 s2, $0x0;
	_ =	strace $0x90000047  }
0x34: {  	s0 =	sadd.s32 @!p0 $0x100000, s0;
	[bflag:$0x2] =	sbarrier.arrive $0xFFFF  }
0x35: {  	[sflag:s0] =	ssyncadd.tile.s32 @!p0 $0x1;
	_ =	shalt  }
.Lfunc_end2:
_tile_overlayer_lowered:
.L_overlay_start_2:
0x36: {  	(tag) =	ssettag $0x2  }
0x37: {  	s0 =	rddreg [dreg:$0x0];
	s2 =	stileid.u32  }
0x38: {  	s1 =	rddreg [dreg:$0x1];
	p0 =	sne.s32 s2, $0x0  }
0x39: {  	s3 =	rddreg [dreg:$0x2];
	[bflag:$0x3] =	sbarrier.arrive $0xFFFF;
	s2 =	simm.s32 @!p0 $0x1C02  }
0x3a: {  	[timem:s3], [sflag:s2] =	dma.local @!p0 [hbm:s0], s1  }
0x3b: {  	s0 =	simm.s32 @!p0 $0x2  }
0x3c: {  	_ =	swait.ge @!p0 [sflag:s0], s1  }
0x3d: {  	s1 =	ssub.s32 @!p0 $0x0, s1;
	[sflag:s0] =	ssyncset.done @!p0 $0x0  }
0x3e: {  	[sflag:s0] =	ssyncadd.s32 @!p0 s1  }
0x3f: {  	[bflag:$0x3] =	sbarrier.arrive $0xFFFF  }
0x40: {  	_ =	shalt  }

// kernel: kernel.24.cloned.1.call-start
scs
__scs_entry_jumppad:
0x0: {  	(pc) =	sbr.rel $0x88, $3  }
0x1: {  	(tag) =	ssettag $0x0;
	lr =	simm.s32 $0x1  }
0x2: {  	[smem:$0x3F9B] =	sst lr;
	_ =	strace $0xD0000000  }
0x3: {  	_ = 	snop  }
0x4: {  	_ = 	snop  }
0x5: {  	_ = 	snop  }
0x6: {  	_ = 	snop  }
0x7: {  	_ = 	snop  }
__scs_overlays_trampoline_lowered:
0x8: {  	[smem:$0x3FAA] =	sst s0  }
0x9: {  	[smem:$0x3FAB] =	sst s1  }
0xa: {  	[smem:$0x3FAC] =	sst s2  }
0xb: {  	[smem:$0x3FAD] =	sst s3  }
0xc: {  	[smem:$0x3FAE] =	sst s4  }
0xd: {  	[smem:$0x3FAF] =	sst s5  }
0xe: {  	[smem:$0x3FB0] =	sst s6  }
0xf: {  	[smem:$0x3FB1] =	sst s7  }
0x10: {  	[smem:$0x3FB2] =	sst s8  }
0x11: {  	[smem:$0x3FB3] =	sst s9;
	s0 =	simm.s32 @!p0 $0x0  }
0x12: {  	s1 =	sld [smem:$0x3F99];
	s0 =	simm.s32 @p0 $0x1  }
0x13: {  	[smem:$0x3FB4] =	sst s0;
	s0 =	simm.s32 @!p1 $0x0  }
0x14: {  	s2 =	sld [smem:$0x3F98];
	s0 =	simm.s32 @p1 $0x1  }
0x15: {  	[smem:$0x3FB5] =	sst s0;
	s0 =	simm.s32 @!p2 $0x0  }
0x16: {  	s3 =	sld [smem:$0x3FDB];
	s0 =	simm.s32 @p2 $0x1  }
0x17: {  	s4 =	simm.s32 $0x1BF5;
	[smem:$0x3FB7] =	sst s0  }
0x18: {  	s0 =	sld [smem:$0x3F9A];
	_ =	swait.ge [sflag:s4], $0x0  }
0x19: {  	s7 =	sld [smem:$0x3F9B]  }
0x1a: {  	s8 =	sadd.s32 $0xFFFFE003, lr  }
0x1b: {  	s9 =	sadd.s32 $0xFFFFFEF7, lr;
	s5 =	simm.s32 $0xFFFFFFFF;
	p2 =	slt.u32 s8, $0xFFFFF086  }
0x1c: {  	p1 =	slt.u32 s9, $0xF7A;
	s5 =	simm.s32 @!p2 $0x0  }
0x1d: {  	s5 =	simm.s32 @p1 $0x1;
	p0 =	seq.s32 s7, s2  }
0x1e: {  	s7 =	smul.u32 @!p0 $0xF7A, s2;
	p2 =	seq.s32 @!p0 s5, $0x0  }
0x1f: {  	s9 =	smul.u32 $0xF7A, s1;
	s8 =	simm.s32 @!p0 $0x1BF5;
	p2 =	por !p2, p0  }
0x20: {  	[sflag:s8] =	ssyncset.s32 @!p0 $0xFFFFF086;
	s6 =	sadd.s32 @!p0 s3, s7;
	s7 =	simm.s32 @!p0 $0x108  }
0x21: {  	s3 =	sadd.s32 s3, s9;
	s6 =	sadd.s32 @!p0 $0x88, s6;
	s7 =	simm.s32 @p2 $0x1082  }
0x22: {  	[simem:s7], [sflag:s8] =	dma.local @!p0 [hbm:s6], $0xF7A  }
0x23: {  	s9 =	sor.u32 $0xD0000000, s2;
	s6 =	simm.s32 $0x108;
	_ =	swait.ge @!p0 [sflag:s8], $0x0  }
0x24: {  	s3 =	sadd.s32 $0x88, s3;
	s6 =	simm.s32 @!p1 $0x1082;
	[sflag:s4] =	ssyncset.s32 $0xFFFFF086  }
0x25: {  	[simem:s6], [sflag:s4] =	dma.local [hbm:s3], $0xF7A  }
0x26: {  	[smem:$0x3F9B] =	sst s1;
	(tag) =	ssettag s2;
	_ =	strace s9  }
0x27: {  	s1 =	sld [smem:$0x3FAB]  }
0x28: {  	s2 =	sld [smem:$0x3FAC]  }
0x29: {  	s4 =	sld [smem:$0x3FAE]  }
0x2a: {  	p0 =	seq.s32 s5, $0x0;
	s5 =	sld [smem:$0x3FAF]  }
0x2b: {  	s6 =	sld [smem:$0x3FB0]  }
0x2c: {  	s7 =	sld [smem:$0x3FB1]  }
0x2d: {  	s3 =	simm.s32 $0x108;
	s8 =	sld [smem:$0x3FB2]  }
0x2e: {  	s3 =	simm.s32 @!p0 $0x1082;
	s9 =	sld [smem:$0x3FB3]  }
0x2f: {  	lr =	sadd.s32 s0, s3;
	s0 =	sld [smem:$0x3FAA]  }
0x30: {  	s3 =	sld [smem:$0x3FAD]  }
0x31: {  	[smem:$0x3FB6] =	sst s10  }
0x32: {  	s10 =	sld [smem:$0x3FB4];
	_ =	sdelay $0x3  }
0x33: {  	p0 =	seq.s32 s10, $0x1;
	s10 =	sld [smem:$0x3FB6];
	_ =	sdelay $0x3  }
0x34: {  	[smem:$0x3FB6] =	sst s10  }
0x35: {  	s10 =	sld [smem:$0x3FB5];
	_ =	sdelay $0x3  }
0x36: {  	p1 =	seq.s32 s10, $0x1;
	s10 =	sld [smem:$0x3FB6];
	_ =	sdelay $0x3  }
0x37: {  	[smem:$0x3FB6] =	sst s10  }
0x38: {  	s10 =	sld [smem:$0x3FB7]  }
0x39: {  	_ = 	snop;
	(pc) =	sbr.ind lr, $3  }
0x3a: {  	_ = 	snop  }
0x3b: {  	_ = 	snop  }
0x3c: {  	p2 =	seq.s32 s10, $0x1;
	s10 =	sld [smem:$0x3FB6]  }
0x3d: {  	_ =	shalt  }
0x3e: {  	_ =	shalt  }
0x3f: {  	_ =	shalt  }
0x40: {  	_ =	shalt  }
0x41: {  	_ =	shalt  }
0x42: {  	_ =	shalt  }
0x43: {  	_ =	shalt  }
0x44: {  	_ =	shalt  }
0x45: {  	_ =	shalt  }
0x46: {  	_ =	shalt  }
0x47: {  	_ =	shalt  }
0x48: {  	_ =	shalt  }
0x49: {  	_ =	shalt  }
0x4a: {  	_ =	shalt  }
0x4b: {  	_ =	shalt  }
0x4c: {  	_ =	shalt  }
0x4d: {  	_ =	shalt  }
0x4e: {  	_ =	shalt  }
0x4f: {  	_ =	shalt  }
0x50: {  	_ =	shalt  }
0x51: {  	_ =	shalt  }
0x52: {  	_ =	shalt  }
0x53: {  	_ =	shalt  }
0x54: {  	_ =	shalt  }
0x55: {  	_ =	shalt  }
0x56: {  	_ =	shalt  }
0x57: {  	_ =	shalt  }
0x58: {  	_ =	shalt  }
0x59: {  	_ =	shalt  }
0x5a: {  	_ =	shalt  }
0x5b: {  	_ =	shalt  }
0x5c: {  	_ =	shalt  }
0x5d: {  	_ =	shalt  }
0x5e: {  	_ =	shalt  }
0x5f: {  	_ =	shalt  }
0x60: {  	_ =	shalt  }
0x61: {  	_ =	shalt  }
0x62: {  	_ =	shalt  }
0x63: {  	_ =	shalt  }
0x64: {  	_ =	shalt  }
0x65: {  	_ =	shalt  }
0x66: {  	_ =	shalt  }
0x67: {  	_ =	shalt  }
0x68: {  	_ =	shalt  }
0x69: {  	_ =	shalt  }
0x6a: {  	_ =	shalt  }
0x6b: {  	_ =	shalt  }
0x6c: {  	_ =	shalt  }
0x6d: {  	_ =	shalt  }
0x6e: {  	_ =	shalt  }
0x6f: {  	_ =	shalt  }
0x70: {  	_ =	shalt  }
0x71: {  	_ =	shalt  }
0x72: {  	_ =	shalt  }
0x73: {  	_ =	shalt  }
0x74: {  	_ =	shalt  }
0x75: {  	_ =	shalt  }
0x76: {  	_ =	shalt  }
0x77: {  	_ =	shalt  }
0x78: {  	_ =	shalt  }
0x79: {  	_ =	shalt  }
0x7a: {  	_ =	shalt  }
0x7b: {  	_ =	shalt  }
0x7c: {  	_ =	shalt  }
0x7d: {  	_ =	shalt  }
0x7e: {  	_ =	shalt  }
0x7f: {  	_ =	shalt  }
0x80: {  	_ =	shalt  }
0x81: {  	_ =	shalt  }
0x82: {  	_ =	shalt  }
0x83: {  	_ =	shalt  }
0x84: {  	_ =	shalt  }
0x85: {  	_ =	shalt  }
0x86: {  	_ =	shalt  }
0x87: {  	_ =	shalt  }
.Lfunc_end0:
.L_simem_size_0:
called_computation.4_lowered:
.L_overlay_start_0:
0x88: {  	s2 =	sld [smem:$0x3FD9]  }
0x89: {  	s3 =	sld [smem:$0x3FFE];
	_ =	sdelay $0x1  }
0x8a: {  	s1 =	srdreg.scid  }
0x8b: {  	s0 =	sand.u32 $0x1, s1  }
0x8c: {  	s17 =	sshll.u32 s0, $0xA;
	s2 =	sadd.s32 s3, s2  }
0x8d: {  	s2 =	sadd.s32 s2, s17  }
0x8e: {  	[smem:$0x3FC2] =	sst s2  }
0x8f: {  	_ = 	snop  }
0x90: {  	(tm) =	ssettm $0x1  }
0x91: {  	s18 =	sld [smem:$0x3FFB];
	_ =	sdelay $0x3  }
0x92: {  	_ =	strace s18  }
0x93: {  	s2 =	sld [smem:$0x3FFC];
	_ =	sdelay $0x3  }
0x94: {  	_ =	strace s2  }
0x95: {  	s2 =	sld [smem:$0x3FFD];
	_ =	sdelay $0x3  }
0x96: {  	_ =	strace s2  }
0x97: {  	_ =	strace $0x8FFFFFFF  }
0x98: {  	s19 =	sld [smem:$0x3FDB];
	_ =	sdelay $0x1  }
0x99: {  	s20 =	simm.s32 $_scs_section_size  }
0x9a: {  	s4 =	simm.s32 $_size__tile_overlayer_lowered;
	s5 =	simm.s32 $_tile_overlayer_lowered  }
0x9b: {  	s6 =	simm.s32 $0x1BFF;
	s21 =	sshll.u32 s5, $0x1;
	s3 =	sadd.s32 s20, s19  }
0x9c: {  	s22 =	simm.s32 $0x0;
	s4 =	sshll.u32 s4, $0x1;
	s5 =	sadd.s32 s21, s3  }
0x9d: {  	[timem:s22], [sflag:s6] =	dma.local [hbm:s5], s4  }
0x9e: {  	_ =	swait.ge [sflag:s6], s4  }
0x9f: {  	s4 =	ssub.s32 $0x0, s4;
	[sflag:s6] =	ssyncset.done $0x0  }
0xa0: {  	[sflag:s6] =	ssyncadd.s32 s4;
	_ =	sdelay $0x1  }
0xa1: {  	s23 =	simm.s32 $0x1B8B  }
0xa2: {  	_ =	swait.ge [sflag:s23], $0x1  }
0xa3: {  	[sflag:s23] =	ssyncset.done $0x0  }
0xa4: {  	[sflag:s23] =	ssyncadd.s32 $0xFFFFFFFF  }
0xa5: {  	s4 =	sld [smem:$0x0]  }
0xa6: {  	s5 =	sand.u32 $0xFFFFFFFE, s1  }
0xa7: {  	p0 =	sne.s32 s1, s5  }
0xa8: {  	s5 =	sshll.u32 @p0 s5, $0xE  }
0xa9: {  	s5 =	sadd.s32 @p0 $0x11B8D, s5;
	s6 =	sshll.u32 @p0 s4, $0x11  }
0xaa: {  	s5 =	sor.u32 @p0 s6, s5  }
0xab: {  	[sflag:s5] =	ssyncadd.remote.s32 @p0 $0x1;
	_ =	sdelay $0x1  }
0xac: {  	s5 =	simm.s32 @p0 $0x1B8D  }
0xad: {  	_ =	swait.eq @p0 [sflag:s5], $0x1  }
0xae: {  	[sflag:s5] =	ssyncadd.s32 @p0 $0xFFFFFFFF  }
0xaf: {  	s6 =	sshll.u32 @!p0 s1, $0xE  }
0xb0: {  	s6 =	sor.u32 @!p0 $0x4000, s6;
	s5 =	simm.s32 @!p0 $0x1B8D  }
0xb1: {  	s4 =	sshll.u32 @!p0 s4, $0x11;
	s6 =	sadd.s32 @!p0 $0x11B8D, s6;
	_ =	swait.eq @!p0 [sflag:s5], $0x1  }
0xb2: {  	s4 =	sor.u32 @!p0 s4, s6;
	[sflag:s5] =	ssyncadd.s32 @!p0 $0xFFFFFFFF  }
0xb3: {  	s25 =	simm.s32 $0x1B8E;
	s24 =	sld [smem:$0x3FFE];
	[sflag:s4] =	ssyncadd.remote.s32 @!p0 $0x1  }
0xb4: {  	s26 =	simm.s32 $execute0_lowered;
	[smem:$0x3FD2] =	sst s25  }
0xb5: {  	s5 =	sshll.u32 s26, $0x1;
	_ =	strace $0x80000052;
	[dreg:$0x1] =	wrdreg $0xFFFFFFFF  }
0xb6: {  	s28 =	simm.s32 $_size_execute0_lowered;
	s3 =	sadd.s32 s3, s5;
	[dreg:$0x0] =	wrdreg $0x0  }
0xb7: {  	s5 =	sshll.u32 s28, $0x1;
	[dreg:$0x2] =	wrdreg s3  }
0xb8: {  	[dreg:$0x3] =	wrdreg s5  }
0xb9: {  	[dreg:$0x4] =	wrdreg $0xC0  }
0xba: {  	_ =	task [dreg:s22], $0x5FFFF  }
0xbb: {  	[dreg:$0x1] =	wrdreg $0xFFFFFFFF  }
0xbc: {  	[dreg:$0x0] =	wrdreg $0x60  }
0xbd: {  	[dreg:$0x2] =	wrdreg s24  }
0xbe: {  	[dreg:$0x3] =	wrdreg $0xD  }
0xbf: {  	_ =	task.clear_ibuf [dreg:s22], $0x4FFFF;
	_ =	strace $0x90000052  }
0xc0: {  	s29 =	simm.s32 $0xD;
	_ =	strace $0x80000054  }
0xc1: {  	_ =	swait.ge [sflag:s29], $0x1  }
0xc2: {  	[sflag:s29] =	ssyncadd.s32 $0xFFFFFFFF  }
0xc3: {  	_ =	strace $0x90000054  }
0xc4: {  	_ =	sfence  }
0xc5: {  	s30 =	sld [smem:$0x0];
	_ =	sdelay $0x2  }
0xc6: {  	s31 =	sshll.u32 s1, $0xD;
	s1 =	sshrl.u32 s1, $0x2  }
0xc7: {  	s4 =	sand.u32 $0x4000, s31;
	s1 =	sadd.s32 s1, s30  }
0xc8: {  	s0 =	sor.u32 s4, s0;
	s1 =	sshll.u32 s1, $0x11  }
0xc9: {  	s0 =	sor.u32 s1, s0  }
0xca: {  	s0 =	sadd.s32 $0x8F2B, s0  }
0xcb: {  	[sflag:s0] =	ssyncadd.remote.s32 $0x1  }
0xcc: {  	_ =	sfence.sel $0xFFFF  }
0xcd: {  	[dreg:$0x0] =	wrdreg $0xFFFFFFFF;
	(pc) =	sbr.abs _section_cstart, $3  }
0xce: {  	[dreg:$0x1] =	wrdreg $0xFFFFFFFF  }
0xcf: {  	_ =	task.clear_ibuf [dreg:s22], $0x2FFFF;
	_ =	strace $0x9FFFFFFF  }
0xd0: {  	(tm) =	ssettm $0x7FFFFFFF  }
0xd1: {  	_ =	shalt  }
tec
execute0_lowered:
.L_overlay_start_1:
0x0: {  	(tag) =	ssettag $0x1  }
0x1: {  	s4 =	rddreg [dreg:$0x0]  }
0x2: {  	s0 =	rddreg [dreg:$0x1];
	s1 =	simm.s32 $0x0;
	s5 =	srdreg.scid  }
0x3: {  	s2 =	stileid.u32;
	[smem:$0x7FF] =	sst s1  }
0x4: {  	s3 =	sadd.s32 $0x9E00, s4;
	s5 =	sand.u32 $0x1, s5;
	s6 =	sshll.u32 s2, $0x5  }
0x5: {  	s7 =	sshll.u32 s2, $0xC;
	_ =	strace $0x80000053;
	s8 =	ssub.s32 $0x2, s5  }
0x6: {  	s6 =	sadd.s32 s6, s4;
	s7 =	sadd.s32 s7, s4;
	s9 =	sshll.u32 s5, $0xB  }
0x7: {  	s5 =	sshll.u32 s5, $0x4;
	s4 =	sshll.u32 s2, $0x1;
	s30 =	sshrl.u32 s8, $0x1  }
0x8: {  	s7 =	sadd.s32 s9, s7;
	s31 =	sadd.s32 s5, s6;
	s8 =	ssub.s32 s8, s30  }
0x9: {  	s6 =	sadd.s32 $0x419000, s7;
	s7 =	sadd.s32 $0x7E00, s31;
	s5 =	smax.u32 s8, $0x1  }
.LBB2_1:
0xa: {  	s8 =	sadd.s32 $0x0, s4  }
0xb: {  	p0 =	sgt.u32 s8, $0x1F3  }
0xc: {  	s8 =	simm.s32 @!p0 $0x0;
	s9 =	simm.s32 @!p0 $0x3  }
0xd: {  	[tilespmem:s8], [sflag:$0x3] =	stream.linear.gather @!p0 [hbm4b:s7+s8], $0x80, $0x38;
	[tilespmem:$0x4080] =	vst v63  }
0xe: {  	_ =	swait.ge @!p0 [sflag:s9], $0x80  }
0xf: {  	[sflag:s9] =	ssyncset.done @!p0 $0x0;
	p0 =	por p0, p0  }
0x10: {  	[sflag:s9] =	ssyncadd.s32 @!p0 $0xFFFFFF80;
	s10 =	simm.s32 @!p0 $0x80;
	s11 =	simm.s32 @!p0 $0x1  }
0x11: {  	[tilespmem:s10], [sflag:$0x1] =	stream.indirect.gather @!p0 [hbm4b:s3+s10], $0x80, s8, s10, $0xb8;
	[tilespmem:$0x4080] =	vst v63  }
0x12: {  	_ =	swait.ge @!p0 [sflag:s11], $0x4000  }
0x13: {  	[sflag:s11] =	ssyncset.done @!p0 $0x0  }
0x14: {  	s31 =	sadd.s32 $0x20, s4;
	[sflag:s11] =	ssyncadd.s32 @!p0 $0xFFFFC000;
	s11 =	simm.s32 @!p0 $0x2  }
0x15: {  	[hbm4b:s6+s8] =	stream.linear.scatter @!p0 [tilespmem:s10], [sflag:$0x2], $0x4000, $0x38;
	[tilespmem:$0x4080] =	vst v63  }
0x16: {  	p1 =	sgt.u32 s31, $0x1F3;
	s9 =	simm.s32 $0x40;
	_ =	swait.ge @!p0 [sflag:s11], $0x4000  }
0x17: {  	s10 =	sadd.s32 $0x200, s7;
	s8 =	sadd.s32 $0x10000, s6;
	[sflag:s11] =	ssyncset.done @!p0 $0x0  }
.LBB2_2:
0x18: {  	s12 =	simm.s32 @!p1 $0x0;
	s13 =	simm.s32 @!p1 $0x3;
	[sflag:s11] =	ssyncadd.s32 @!p0 $0xFFFFC000  }
0x19: {  	[tilespmem:s12], [sflag:$0x3] =	stream.linear.gather @!p1 [hbm4b:s10+s12], $0x80, $0x38;
	[tilespmem:$0x4080] =	vst v63  }
0x1a: {  	s14 =	smov.u32 s9;
	s9 =	sadd.s32 $0x20, s9;
	_ =	swait.ge @!p1 [sflag:s13], $0x80  }
0x1b: {  	p0 =	por p1, p1;
	p2 =	sne.s32 s9, $0x200;
	[sflag:s13] =	ssyncset.done @!p1 $0x0  }
0x1c: {  	s11 =	simm.s32 @!p0 $0x1;
	[sflag:s13] =	ssyncadd.s32 @!p0 $0xFFFFFF80;
	s13 =	simm.s32 @!p0 $0x80  }
0x1d: {  	[tilespmem:s13], [sflag:$0x1] =	stream.indirect.gather @!p0 [hbm4b:s3+s13], $0x80, s12, s13, $0xb8;
	[tilespmem:$0x4080] =	vst v63  }
0x1e: {  	_ =	swait.ge @!p0 [sflag:s11], $0x4000  }
.Ltmp0:
0x1f: {  	[sflag:s11] =	ssyncset.done @!p0 $0x0;
	(pc) =	sbr.rel @p2 .LBB2_2-.Ltmp0, $4  }
0x20: {  	[sflag:s11] =	ssyncadd.s32 @!p0 $0xFFFFC000;
	s11 =	simm.s32 @!p0 $0x2  }
0x21: {  	[hbm4b:s8+s12] =	stream.linear.scatter @!p0 [tilespmem:s13], [sflag:$0x2], $0x4000, $0x38;
	[tilespmem:$0x4080] =	vst v63  }
0x22: {  	s10 =	sadd.s32 $0x200, s10;
	s12 =	sadd.s32 s14, s4;
	_ =	swait.ge @!p0 [sflag:s11], $0x4000  }
0x23: {  	s8 =	sadd.s32 $0x10000, s8;
	p1 =	sgt.u32 s12, $0x1F3;
	[sflag:s11] =	ssyncset.done @!p0 $0x0  }
0x24: {  	s9 =	simm.s32 @!p1 $0x0;
	s12 =	simm.s32 @!p1 $0x3;
	[sflag:s11] =	ssyncadd.s32 @!p0 $0xFFFFC000  }
0x25: {  	[tilespmem:s9], [sflag:$0x3] =	stream.linear.gather @!p1 [hbm4b:s10+s9], $0x80, $0x38;
	[tilespmem:$0x4080] =	vst v63  }
0x26: {  	_ =	swait.ge @!p1 [sflag:s12], $0x80  }
0x27: {  	p0 =	por p1, p1;
	[sflag:s12] =	ssyncset.done @!p1 $0x0  }
0x28: {  	s10 =	simm.s32 @!p0 $0x80;
	s11 =	simm.s32 @!p0 $0x1;
	[sflag:s12] =	ssyncadd.s32 @!p0 $0xFFFFFF80  }
0x29: {  	[tilespmem:s10], [sflag:$0x1] =	stream.indirect.gather @!p0 [hbm4b:s3+s10], $0x80, s9, s10, $0xb8;
	[tilespmem:$0x4080] =	vst v63  }
0x2a: {  	s1 =	sadd.s32 $0x1, s1;
	_ =	swait.ge @!p0 [sflag:s11], $0x4000  }
0x2b: {  	p1 =	sne.s32 s1, s5;
	[sflag:s11] =	ssyncset.done @!p0 $0x0  }
.Ltmp1:
0x2c: {  	[sflag:s11] =	ssyncadd.s32 @!p0 $0xFFFFC000;
	s11 =	simm.s32 @!p0 $0x2;
	(pc) =	sbr.rel @p1 .LBB2_1-.Ltmp1, $4  }
0x2d: {  	[hbm4b:s8+s9] =	stream.linear.scatter @!p0 [tilespmem:s10], [sflag:$0x2], $0x4000, $0x38;
	[tilespmem:$0x4080] =	vst v63  }
0x2e: {  	_ =	swait.ge @!p0 [sflag:s11], $0x4000  }
0x2f: {  	[sflag:s11] =	ssyncset.done @!p0 $0x0  }
0x30: {  	[sflag:s11] =	ssyncadd.s32 @!p0 $0xFFFFC000  }
0x31: {  	_ =	sfence.sel $0x180000  }
0x32: {  	[bflag:$0x0] =	sbarrier.arrive $0xFFFF  }
0x33: {  	p0 =	sne.s32 s2, $0x0;
	_ =	strace $0x90000053  }
0x34: {  	s0 =	sadd.s32 @!p0 $0x100000, s0;
	[bflag:$0x2] =	sbarrier.arrive $0xFFFF  }
0x35: {  	[sflag:s0] =	ssyncadd.tile.s32 @!p0 $0x1;
	_ =	shalt  }
.Lfunc_end2:
_tile_overlayer_lowered:
.L_overlay_start_2:
0x36: {  	(tag) =	ssettag $0x2  }
0x37: {  	s0 =	rddreg [dreg:$0x0];
	s2 =	stileid.u32  }
0x38: {  	s1 =	rddreg [dreg:$0x1];
	p0 =	sne.s32 s2, $0x0  }
0x39: {  	s3 =	rddreg [dreg:$0x2];
	[bflag:$0x3] =	sbarrier.arrive $0xFFFF;
	s2 =	simm.s32 @!p0 $0x1C02  }
0x3a: {  	[timem:s3], [sflag:s2] =	dma.local @!p0 [hbm:s0], s1  }
0x3b: {  	s0 =	simm.s32 @!p0 $0x2  }
0x3c: {  	_ =	swait.ge @!p0 [sflag:s0], s1  }
0x3d: {  	s1 =	ssub.s32 @!p0 $0x0, s1;
	[sflag:s0] =	ssyncset.done @!p0 $0x0  }
0x3e: {  	[sflag:s0] =	ssyncadd.s32 @!p0 s1  }
0x3f: {  	[bflag:$0x3] =	sbarrier.arrive $0xFFFF  }
0x40: {  	_ =	shalt  }

</sc_bundles>
